<compile_context>
chip_gen: v7x
topology: tpu7x:2x2x1
jax: 0.10.2.dev20260603
libtpu: 0.0.44.dev20260713+nightly
codegen_flags: <defaults>
</compile_context>

<pallas_src>
import functools

import jax
import jax.numpy as jnp
from jax import lax
from jax.experimental import pallas as pl
from jax.experimental.pallas import tpu as pltpu
from jax.experimental.pallas import tpu_sc as plsc

NC = 2
NS = 16
NW = NC * NS
BZ = 256
L = 16


def _w_convert(WT, Wtail):
    D, V = WT.shape
    CW = 384
    n_full = V // CW
    rem = V - n_full * CW
    n_iter = (n_full + NW - 1) // NW

    mesh = plsc.VectorSubcoreMesh(
        core_axis_name="c", subcore_axis_name="s",
        num_cores=NC, num_subcores=NS,
    )

    @functools.partial(
        pl.kernel,
        out_type=jax.ShapeDtypeStruct((V // 2, 2 * D), jnp.float32),
        mesh=mesh,
        scratch_types=[
            [pltpu.VMEM((D, CW), jnp.float32)] * 2,
            [pltpu.VMEM((CW // 2, 2 * D), jnp.float32)] * 2,
            pltpu.VMEM((D, rem), jnp.float32),
            [pltpu.SemaphoreType.DMA] * 2,
            [pltpu.SemaphoreType.DMA] * 2,
        ],
        compiler_params=pltpu.CompilerParams(
            use_tc_tiling_on_sc=True, needs_layout_passes=False
        ),
    )
    def k(wt_hbm, wtail_hbm, out_hbm, inbs, outbs, intail, isems, osems):
        cid = lax.axis_index("c")
        sid = lax.axis_index("s")
        wid = sid * NC + cid

        ii = lax.iota(jnp.int32, L)
        perms = [lax.bitwise_and(ii + k_, L - 1) for k_ in range(L)]
        iihalf = lax.shift_right_logical(ii, 1)
        iipar = lax.shift_left(lax.bitwise_and(ii, 1), 6)

        def chunk_of(j):
            return wid + NW * j

        def issue_in(c, p):
            pltpu.async_copy(
                wt_hbm.at[:, pl.ds(pl.multiple_of(c * CW, CW), CW)],
                inbs[p],
                isems[p],
            )

        def wait_in(p):
            pltpu.make_async_copy(
                wt_hbm.at[:, pl.ds(0, CW)], inbs[p], isems[p]
            ).wait()

        def transpose(src, dst, w):
            @pl.loop(0, w, step=L)
            def _(rl0):
                pv = iihalf + lax.shift_right_logical(rl0, 1)
                rv = rl0 + ii
                for d0 in range(0, D, L):
                    xs = [
                        plsc.load_gather(src, [perms[k_] + d0, rv])
                        for k_ in range(L)
                    ]
                    for k_ in range(L):
                        plsc.store_scatter(
                            dst, [pv, iipar + perms[k_] + d0], xs[k_]
                        )

        def issue_out(c, p):
            pltpu.async_copy(
                outbs[p],
                out_hbm.at[pl.ds(pl.multiple_of(c * (CW // 2), CW // 2),
                                 CW // 2)],
                osems[p],
            )

        def wait_out(p):
            pltpu.make_async_copy(
                outbs[p], out_hbm.at[pl.ds(0, CW // 2)], osems[p]
            ).wait()

        def do_issue_in(j, p):
            c = chunk_of(j)

            @pl.when(c < n_full)
            def _():
                issue_in(c, p)

        do_issue_in(0, 0)
        do_issue_in(1, 1)

        @pl.loop(0, n_iter + (n_iter % 2), step=2)
        def _(o):
            for b in range(2):
                j = o + b
                p = b
                c = chunk_of(j)

                @pl.when(c < n_full)
                def _():
                    wait_in(p)

                    @pl.when(j >= 2)
                    def _():
                        wait_out(p)

                    transpose(inbs[p], outbs[p], CW)
                    issue_out(c, p)

                do_issue_in(j + 2, p)

        for b in range(2):
            wait_out(b)

        @pl.when(wid == NW - 1)
        def _():
            pltpu.sync_copy(wtail_hbm, intail)
            transpose(intail, outbs[0], rem)
            pltpu.sync_copy(
                outbs[0].at[pl.ds(0, rem // 2)],
                out_hbm.at[pl.ds(n_full * (CW // 2), rem // 2)],
            )

    return k(WT, Wtail)


@functools.partial(jax.jit, static_argnames=("B", "F", "D"))
def _emb_lookup(idxT_flat, W2, B, F, D):
    n_blk = B // BZ
    n_units = F * n_blk
    u_per_w = n_units // NW
    assert n_units % NW == 0 and u_per_w % 2 == 0

    mesh = plsc.VectorSubcoreMesh(
        core_axis_name="c", subcore_axis_name="s",
        num_cores=NC, num_subcores=NS,
    )

    @functools.partial(
        pl.kernel,
        out_type=jax.ShapeDtypeStruct((F, D, B), jnp.float32),
        mesh=mesh,
        scratch_types=[
            [pltpu.VMEM((BZ,), jnp.int32)] * 2,
            [pltpu.VMEM((BZ,), jnp.int32)] * 2,
            [pltpu.VMEM((BZ,), jnp.int32)] * 2,
            [pltpu.VMEM((BZ, 2 * D), jnp.float32)] * 2,
            [pltpu.VMEM((D, BZ), jnp.float32)] * 2,
            [pltpu.SemaphoreType.DMA] * 2,
            [pltpu.SemaphoreType.DMA] * 2,
            [pltpu.SemaphoreType.DMA] * 2,
        ],
        compiler_params=pltpu.CompilerParams(
            use_tc_tiling_on_sc=True, needs_layout_passes=False
        ),
    )
    def k(idx_hbm, table_hbm, out_hbm, idxr, idxh, parv, rows, bufTs,
          isems, gsems, osems):
        cid = lax.axis_index("c")
        sid = lax.axis_index("s")
        wid = sid * NC + cid
        u0 = wid * u_per_w

        def unit_fb(i):
            u = u0 + i
            f = lax.shift_right_logical(u, 6)
            b0 = pl.multiple_of(
                lax.shift_left(lax.bitwise_and(u, n_blk - 1), 8), BZ
            )
            return f, b0

        def issue_idx(i, p):
            f, b0 = unit_fb(i)
            pltpu.async_copy(
                idx_hbm.at[pl.ds(f * B + b0, BZ)], idxr[p], isems[p]
            )

        def wait_idx(p):
            pltpu.make_async_copy(
                idx_hbm.at[pl.ds(0, BZ)], idxr[p], isems[p]
            ).wait()

        def prep_idx(p):
            for t in range(BZ // L):
                v = idxr[p][pl.ds(t * L, L)]
                idxh[p][pl.ds(t * L, L)] = lax.shift_right_logical(v, 1)
                parv[p][pl.ds(t * L, L)] = lax.shift_left(
                    lax.bitwise_and(v, 1), 6
                )

        def issue_gather(p):
            for g in range(BZ // 128):
                pltpu.async_copy(
                    table_hbm.at[idxh[p].at[pl.ds(g * 128, 128)]],
                    rows[p].at[pl.ds(g * 128, 128)],
                    gsems[p],
                )

        def wait_gather(p):
            pltpu.make_async_copy(
                table_hbm.at[pl.ds(0, BZ)], rows[p], gsems[p]
            ).wait()

        def issue_out(i, p):
            f, b0 = unit_fb(i)
            pltpu.async_copy(
                bufTs[p], out_hbm.at[f, :, pl.ds(b0, BZ)], osems[p]
            )

        def wait_out(p):
            pltpu.make_async_copy(
                bufTs[p], out_hbm.at[0, :, pl.ds(0, BZ)], osems[p]
            ).wait()

        ii = lax.iota(jnp.int32, L)
        perms = [lax.bitwise_and(ii + k, L - 1) for k in range(L)]

        def transpose(p):
            @pl.loop(0, BZ, step=L)
            def _(r0):
                ridx = ii + r0
                par16 = parv[p][pl.ds(r0, L)]
                for d0 in range(0, D, L):
                    xs = [
                        plsc.load_gather(
                            rows[p], [ridx, perms[k] + d0 + par16]
                        )
                        for k in range(L)
                    ]
                    for k in range(L):
                        plsc.store_scatter(
                            bufTs[p], [perms[k] + d0, ridx], xs[k]
                        )

        issue_idx(0, 0)
        wait_idx(0)
        prep_idx(0)
        issue_gather(0)
        issue_idx(1, 1)

        @pl.loop(0, u_per_w, step=2)
        def _(o):
            for b in range(2):
                i = o + b
                p = b
                q = 1 - b

                @pl.when(i + 1 < u_per_w)
                def _():
                    wait_idx(q)
                    prep_idx(q)
                    issue_gather(q)

                wait_gather(p)

                @pl.when(i + 2 < u_per_w)
                def _():
                    issue_idx(i + 2, p)

                @pl.when(i >= 2)
                def _():
                    wait_out(p)

                transpose(p)
                issue_out(i, p)

        for p in range(2):
            wait_out(p)

    return k(idxT_flat, W2)


def kernel(input, W):
    B, F = input.shape
    D = W.shape[1]
    idxT_flat = input.T.reshape(-1)
    Wtail = W[(W.shape[0] // 128) * 128:, :].T
    W2 = _w_convert(W.T, Wtail)
    o = _emb_lookup(idxT_flat, W2, B, F, D)
    return jnp.transpose(o, (2, 0, 1))

# --- scband reference (transcript-rebuilt; emitter-appended) ---
"""Pipeline reference for scband-embedding-initializer-23811298689202 (READ-ONLY COPY).

The authoritative reference and input builder live on the scoring server;
editing this copy changes nothing except your own understanding.
"""

import jax, jax.numpy as jnp
import numpy as np

NUM_EMBEDDINGS = 1000000
EMB_DIM = 64
BATCH = 16384
FIELDS = 26

def setup_inputs(seed: int = 0) -> dict:
    key = jax.random.key(seed)
    k_idx, k_w = jax.random.split(key)
    input = jax.random.randint(k_idx, (BATCH, FIELDS), 0, NUM_EMBEDDINGS, dtype=jnp.int64 if jax.config.jax_enable_x64 else jnp.int32)
    # nn.Embedding default init: N(0,1), then clamped to [weight_clamp_min, weight_clamp_max]
    W = jnp.clip(jax.random.normal(k_w, (NUM_EMBEDDINGS, EMB_DIM), dtype=jnp.float32), -2.0, 2.0)
    return {"input": input, "W": W}

def reference(input, W):
    # Inference mode: dropout is identity; drop_whole_embeddings=False so no input masking.
    out = jnp.take(W, input, axis=0)
    return out

if __name__ == "__main__":
    import jax
    _d = setup_inputs()
    print(jax.jit(kernel)(*tuple(_d.values())))

</pallas_src>

<mosaic_0001>
#map = affine_map<(d0, d1) -> (0)>
#map1 = affine_map<(d0, d1) -> (0, 0)>
#map2 = affine_map<(d0, d1) -> (0, 0, 0)>
module attributes {stable_mosaic.version = 14 : i64} {
  func.func @k(%arg0: i32, %arg1: i32, %arg2: memref<425984xi32, #tpu.memory_space<hbm>>, %arg3: memref<500000x128xf32, #tpu.memory_space<hbm>>, %arg4: memref<26x64x16384xf32, #tpu.memory_space<hbm>>, %arg5: memref<256xi32, #tpu.memory_space<vmem>>, %arg6: memref<256xi32, #tpu.memory_space<vmem>>, %arg7: memref<256xi32, #tpu.memory_space<vmem>>, %arg8: memref<256xi32, #tpu.memory_space<vmem>>, %arg9: memref<256xi32, #tpu.memory_space<vmem>>, %arg10: memref<256xi32, #tpu.memory_space<vmem>>, %arg11: memref<256x128xf32, #tpu.memory_space<vmem>>, %arg12: memref<256x128xf32, #tpu.memory_space<vmem>>, %arg13: memref<64x256xf32, #tpu.memory_space<vmem>>, %arg14: memref<64x256xf32, #tpu.memory_space<vmem>>, %arg15: memref<!tpu.dma_semaphore, #tpu.memory_space<semaphore_mem>>, %arg16: memref<!tpu.dma_semaphore, #tpu.memory_space<semaphore_mem>>, %arg17: memref<!tpu.dma_semaphore, #tpu.memory_space<semaphore_mem>>, %arg18: memref<!tpu.dma_semaphore, #tpu.memory_space<semaphore_mem>>, %arg19: memref<!tpu.dma_semaphore, #tpu.memory_space<semaphore_mem>>, %arg20: memref<!tpu.dma_semaphore, #tpu.memory_space<semaphore_mem>>) attributes {dimension_semantics = [#tpu.dimension_semantics<core_parallel>, #tpu.dimension_semantics<subcore_parallel>], iteration_bounds = array<i64: 2, 16>, scalar_prefetch = 0 : i64, scratch_operands = 16 : i64, tpu.core_type = #tpu.core_type<sc_vector_subcore>, window_params = [{transform_indices = #map}, {transform_indices = #map1}, {transform_indices = #map2}]} {
    %mul3A = arith.constant 2 : i32
    %mul3A_0 = arith.muli %arg1, %mul3A : i32
    %add3A = arith.addi %mul3A_0, %arg0 : i32
    %mul3A_1 = arith.constant 52 : i32
    %mul3A_2 = arith.muli %add3A, %mul3A_1 : i32
    %iota3A = tpu.iota {dimensions = array<i32: 0>} : vector<16xi32>
    %add3A_3 = arith.constant 0 : i32
    %add3A_4 = vector.broadcast %add3A_3 : i32 to vector<16xi32>
    %add3A_5 = arith.addi %iota3A, %add3A_4 : vector<16xi32>
    %and3A = arith.constant 15 : i32
    %and3A_6 = vector.broadcast %and3A : i32 to vector<16xi32>
    %and3A_7 = arith.andi %add3A_5, %and3A_6 : vector<16xi32>
    %add3A_8 = arith.constant 1 : i32
    %add3A_9 = vector.broadcast %add3A_8 : i32 to vector<16xi32>
    %add3A_10 = arith.addi %iota3A, %add3A_9 : vector<16xi32>
    %and3A_11 = arith.constant 15 : i32
    %and3A_12 = vector.broadcast %and3A_11 : i32 to vector<16xi32>
    %and3A_13 = arith.andi %add3A_10, %and3A_12 : vector<16xi32>
    %add3A_14 = arith.constant 2 : i32
    %add3A_15 = vector.broadcast %add3A_14 : i32 to vector<16xi32>
    %add3A_16 = arith.addi %iota3A, %add3A_15 : vector<16xi32>
    %and3A_17 = arith.constant 15 : i32
    %and3A_18 = vector.broadcast %and3A_17 : i32 to vector<16xi32>
    %and3A_19 = arith.andi %add3A_16, %and3A_18 : vector<16xi32>
    %add3A_20 = arith.constant 3 : i32
    %add3A_21 = vector.broadcast %add3A_20 : i32 to vector<16xi32>
    %add3A_22 = arith.addi %iota3A, %add3A_21 : vector<16xi32>
    %and3A_23 = arith.constant 15 : i32
    %and3A_24 = vector.broadcast %and3A_23 : i32 to vector<16xi32>
    %and3A_25 = arith.andi %add3A_22, %and3A_24 : vector<16xi32>
    %add3A_26 = arith.constant 4 : i32
    %add3A_27 = vector.broadcast %add3A_26 : i32 to vector<16xi32>
    %add3A_28 = arith.addi %iota3A, %add3A_27 : vector<16xi32>
    %and3A_29 = arith.constant 15 : i32
    %and3A_30 = vector.broadcast %and3A_29 : i32 to vector<16xi32>
    %and3A_31 = arith.andi %add3A_28, %and3A_30 : vector<16xi32>
    %add3A_32 = arith.constant 5 : i32
    %add3A_33 = vector.broadcast %add3A_32 : i32 to vector<16xi32>
    %add3A_34 = arith.addi %iota3A, %add3A_33 : vector<16xi32>
    %and3A_35 = arith.constant 15 : i32
    %and3A_36 = vector.broadcast %and3A_35 : i32 to vector<16xi32>
    %and3A_37 = arith.andi %add3A_34, %and3A_36 : vector<16xi32>
    %add3A_38 = arith.constant 6 : i32
    %add3A_39 = vector.broadcast %add3A_38 : i32 to vector<16xi32>
    %add3A_40 = arith.addi %iota3A, %add3A_39 : vector<16xi32>
    %and3A_41 = arith.constant 15 : i32
    %and3A_42 = vector.broadcast %and3A_41 : i32 to vector<16xi32>
    %and3A_43 = arith.andi %add3A_40, %and3A_42 : vector<16xi32>
    %add3A_44 = arith.constant 7 : i32
    %add3A_45 = vector.broadcast %add3A_44 : i32 to vector<16xi32>
    %add3A_46 = arith.addi %iota3A, %add3A_45 : vector<16xi32>
    %and3A_47 = arith.constant 15 : i32
    %and3A_48 = vector.broadcast %and3A_47 : i32 to vector<16xi32>
    %and3A_49 = arith.andi %add3A_46, %and3A_48 : vector<16xi32>
    %add3A_50 = arith.constant 8 : i32
    %add3A_51 = vector.broadcast %add3A_50 : i32 to vector<16xi32>
    %add3A_52 = arith.addi %iota3A, %add3A_51 : vector<16xi32>
    %and3A_53 = arith.constant 15 : i32
    %and3A_54 = vector.broadcast %and3A_53 : i32 to vector<16xi32>
    %and3A_55 = arith.andi %add3A_52, %and3A_54 : vector<16xi32>
    %add3A_56 = arith.constant 9 : i32
    %add3A_57 = vector.broadcast %add3A_56 : i32 to vector<16xi32>
    %add3A_58 = arith.addi %iota3A, %add3A_57 : vector<16xi32>
    %and3A_59 = arith.constant 15 : i32
    %and3A_60 = vector.broadcast %and3A_59 : i32 to vector<16xi32>
    %and3A_61 = arith.andi %add3A_58, %and3A_60 : vector<16xi32>
    %add3A_62 = arith.constant 10 : i32
    %add3A_63 = vector.broadcast %add3A_62 : i32 to vector<16xi32>
    %add3A_64 = arith.addi %iota3A, %add3A_63 : vector<16xi32>
    %and3A_65 = arith.constant 15 : i32
    %and3A_66 = vector.broadcast %and3A_65 : i32 to vector<16xi32>
    %and3A_67 = arith.andi %add3A_64, %and3A_66 : vector<16xi32>
    %add3A_68 = arith.constant 11 : i32
    %add3A_69 = vector.broadcast %add3A_68 : i32 to vector<16xi32>
    %add3A_70 = arith.addi %iota3A, %add3A_69 : vector<16xi32>
    %and3A_71 = arith.constant 15 : i32
    %and3A_72 = vector.broadcast %and3A_71 : i32 to vector<16xi32>
    %and3A_73 = arith.andi %add3A_70, %and3A_72 : vector<16xi32>
    %add3A_74 = arith.constant 12 : i32
    %add3A_75 = vector.broadcast %add3A_74 : i32 to vector<16xi32>
    %add3A_76 = arith.addi %iota3A, %add3A_75 : vector<16xi32>
    %and3A_77 = arith.constant 15 : i32
    %and3A_78 = vector.broadcast %and3A_77 : i32 to vector<16xi32>
    %and3A_79 = arith.andi %add3A_76, %and3A_78 : vector<16xi32>
    %add3A_80 = arith.constant 13 : i32
    %add3A_81 = vector.broadcast %add3A_80 : i32 to vector<16xi32>
    %add3A_82 = arith.addi %iota3A, %add3A_81 : vector<16xi32>
    %and3A_83 = arith.constant 15 : i32
    %and3A_84 = vector.broadcast %and3A_83 : i32 to vector<16xi32>
    %and3A_85 = arith.andi %add3A_82, %and3A_84 : vector<16xi32>
    %add3A_86 = arith.constant 14 : i32
    %add3A_87 = vector.broadcast %add3A_86 : i32 to vector<16xi32>
    %add3A_88 = arith.addi %iota3A, %add3A_87 : vector<16xi32>
    %and3A_89 = arith.constant 15 : i32
    %and3A_90 = vector.broadcast %and3A_89 : i32 to vector<16xi32>
    %and3A_91 = arith.andi %add3A_88, %and3A_90 : vector<16xi32>
    %add3A_92 = arith.constant 15 : i32
    %add3A_93 = vector.broadcast %add3A_92 : i32 to vector<16xi32>
    %add3A_94 = arith.addi %iota3A, %add3A_93 : vector<16xi32>
    %and3A_95 = arith.constant 15 : i32
    %and3A_96 = vector.broadcast %and3A_95 : i32 to vector<16xi32>
    %and3A_97 = arith.andi %add3A_94, %and3A_96 : vector<16xi32>
    %add3A_98 = arith.constant 0 : i32
    %add3A_99 = arith.addi %mul3A_2, %add3A_98 : i32
    %shift_right_logical3A = arith.constant 6 : i32
    %shift_right_logical3A_100 = arith.shrui %add3A_99, %shift_right_logical3A : i32
    %and3A_101 = arith.constant 63 : i32
    %and3A_102 = arith.andi %add3A_99, %and3A_101 : i32
    %shift_left3A = arith.constant 8 : i32
    %shift_left3A_103 = arith.shli %and3A_102, %shift_left3A : i32
    %multiple_of3A = tpu.assume_multiple %shift_left3A_103, 256 : i32
    %mul3A_104 = arith.constant 16384 : i32
    %mul3A_105 = arith.muli %shift_right_logical3A_100, %mul3A_104 : i32
    %add3A_106 = arith.addi %mul3A_105, %multiple_of3A : i32
    %dma_start3A = tpu.memref_slice %arg2[%add3A_106] : memref<425984xi32, #tpu.memory_space<hbm>> -> memref<256xi32, #tpu.memory_space<hbm>>
    %dma_start3A_107 = tpu.memref_slice %arg2[%add3A_106] : memref<425984xi32, #tpu.memory_space<hbm>> -> memref<256xi32, #tpu.memory_space<hbm>>
    tpu.enqueue_dma source(%dma_start3A_107 : memref<256xi32, #tpu.memory_space<hbm>>) target(%arg5 : memref<256xi32, #tpu.memory_space<vmem>>) target_semaphore(%arg15 : memref<!tpu.dma_semaphore, #tpu.memory_space<semaphore_mem>>)
    %dma_wait3A = arith.constant 0 : i32
    %dma_wait3A_108 = tpu.memref_slice %arg2[%dma_wait3A] : memref<425984xi32, #tpu.memory_space<hbm>> -> memref<256xi32, #tpu.memory_space<hbm>>
    %dma_wait3A_109 = arith.constant 0 : i32
    %dma_wait3A_110 = tpu.memref_slice %arg2[%dma_wait3A_109] : memref<425984xi32, #tpu.memory_space<hbm>> -> memref<256xi32, #tpu.memory_space<hbm>>
    tpu.wait_dma2 semaphore(%arg15 : memref<!tpu.dma_semaphore, #tpu.memory_space<semaphore_mem>>) src(%dma_wait3A_110 : memref<256xi32, #tpu.memory_space<hbm>>) dst(%arg5 : memref<256xi32, #tpu.memory_space<vmem>>)
    %get3A = arith.constant 0 : index
    %get3A_111 = tpu.vector_load %arg5[%get3A] {strides = array<i32>} : memref<256xi32, #tpu.memory_space<vmem>>, vector<16xi32>,
    %shift_right_logical3A_112 = arith.constant 1 : i32
    %shift_right_logical3A_113 = vector.broadcast %shift_right_logical3A_112 : i32 to vector<16xi32>
    %shift_right_logical3A_114 = arith.shrui %get3A_111, %shift_right_logical3A_113 : vector<16xi32>
    %swap3A = arith.constant 0 : index
    %swap3A_115 = tpu.vector_load %arg7[%swap3A] {strides = array<i32>} : memref<256xi32, #tpu.memory_space<vmem>>, vector<16xi32>,
    tpu.vector_store %arg7[%swap3A], %shift_right_logical3A_114 {strides = array<i32>} : memref<256xi32, #tpu.memory_space<vmem>>, vector<16xi32>,
    %and3A_116 = arith.constant 1 : i32
    %and3A_117 = vector.broadcast %and3A_116 : i32 to vector<16xi32>
    %and3A_118 = arith.andi %get3A_111, %and3A_117 : vector<16xi32>
    %shift_left3A_119 = arith.constant 6 : i32
    %shift_left3A_120 = vector.broadcast %shift_left3A_119 : i32 to vector<16xi32>
    %shift_left3A_121 = arith.shli %and3A_118, %shift_left3A_120 : vector<16xi32>
    %swap3A_122 = arith.constant 0 : index
    %swap3A_123 = tpu.vector_load %arg9[%swap3A_122] {strides = array<i32>} : memref<256xi32, #tpu.memory_space<vmem>>, vector<16xi32>,
    tpu.vector_store %arg9[%swap3A_122], %shift_left3A_121 {strides = array<i32>} : memref<256xi32, #tpu.memory_space<vmem>>, vector<16xi32>,
    %get3A_124 = arith.constant 16 : index
    %get3A_125 = tpu.vector_load %arg5[%get3A_124] {strides = array<i32>} : memref<256xi32, #tpu.memory_space<vmem>>, vector<16xi32>,
    %shift_right_logical3A_126 = arith.constant 1 : i32
    %shift_right_logical3A_127 = vector.broadcast %shift_right_logical3A_126 : i32 to vector<16xi32>
    %shift_right_logical3A_128 = arith.shrui %get3A_125, %shift_right_logical3A_127 : vector<16xi32>
    %swap3A_129 = arith.constant 16 : index
    %swap3A_130 = tpu.vector_load %arg7[%swap3A_129] {strides = array<i32>} : memref<256xi32, #tpu.memory_space<vmem>>, vector<16xi32>,
    tpu.vector_store %arg7[%swap3A_129], %shift_right_logical3A_128 {strides = array<i32>} : memref<256xi32, #tpu.memory_space<vmem>>, vector<16xi32>,
    %and3A_131 = arith.constant 1 : i32
    %and3A_132 = vector.broadcast %and3A_131 : i32 to vector<16xi32>
    %and3A_133 = arith.andi %get3A_125, %and3A_132 : vector<16xi32>
    %shift_left3A_134 = arith.constant 6 : i32
    %shift_left3A_135 = vector.broadcast %shift_left3A_134 : i32 to vector<16xi32>
    %shift_left3A_136 = arith.shli %and3A_133, %shift_left3A_135 : vector<16xi32>
    %swap3A_137 = arith.constant 16 : index
    %swap3A_138 = tpu.vector_load %arg9[%swap3A_137] {strides = array<i32>} : memref<256xi32, #tpu.memory_space<vmem>>, vector<16xi32>,
    tpu.vector_store %arg9[%swap3A_137], %shift_left3A_136 {strides = array<i32>} : memref<256xi32, #tpu.memory_space<vmem>>, vector<16xi32>,
    %get3A_139 = arith.constant 32 : index
    %get3A_140 = tpu.vector_load %arg5[%get3A_139] {strides = array<i32>} : memref<256xi32, #tpu.memory_space<vmem>>, vector<16xi32>,
    %shift_right_logical3A_141 = arith.constant 1 : i32
    %shift_right_logical3A_142 = vector.broadcast %shift_right_logical3A_141 : i32 to vector<16xi32>
    %shift_right_logical3A_143 = arith.shrui %get3A_140, %shift_right_logical3A_142 : vector<16xi32>
    %swap3A_144 = arith.constant 32 : index
    %swap3A_145 = tpu.vector_load %arg7[%swap3A_144] {strides = array<i32>} : memref<256xi32, #tpu.memory_space<vmem>>, vector<16xi32>,
    tpu.vector_store %arg7[%swap3A_144], %shift_right_logical3A_143 {strides = array<i32>} : memref<256xi32, #tpu.memory_space<vmem>>, vector<16xi32>,
    %and3A_146 = arith.constant 1 : i32
    %and3A_147 = vector.broadcast %and3A_146 : i32 to vector<16xi32>
    %and3A_148 = arith.andi %get3A_140, %and3A_147 : vector<16xi32>
    %shift_left3A_149 = arith.constant 6 : i32
    %shift_left3A_150 = vector.broadcast %shift_left3A_149 : i32 to vector<16xi32>
    %shift_left3A_151 = arith.shli %and3A_148, %shift_left3A_150 : vector<16xi32>
    %swap3A_152 = arith.constant 32 : index
    %swap3A_153 = tpu.vector_load %arg9[%swap3A_152] {strides = array<i32>} : memref<256xi32, #tpu.memory_space<vmem>>, vector<16xi32>,
    tpu.vector_store %arg9[%swap3A_152], %shift_left3A_151 {strides = array<i32>} : memref<256xi32, #tpu.memory_space<vmem>>, vector<16xi32>,
    %get3A_154 = arith.constant 48 : index
    %get3A_155 = tpu.vector_load %arg5[%get3A_154] {strides = array<i32>} : memref<256xi32, #tpu.memory_space<vmem>>, vector<16xi32>,
    %shift_right_logical3A_156 = arith.constant 1 : i32
    %shift_right_logical3A_157 = vector.broadcast %shift_right_logical3A_156 : i32 to vector<16xi32>
    %shift_right_logical3A_158 = arith.shrui %get3A_155, %shift_right_logical3A_157 : vector<16xi32>
    %swap3A_159 = arith.constant 48 : index
    %swap3A_160 = tpu.vector_load %arg7[%swap3A_159] {strides = array<i32>} : memref<256xi32, #tpu.memory_space<vmem>>, vector<16xi32>,
    tpu.vector_store %arg7[%swap3A_159], %shift_right_logical3A_158 {strides = array<i32>} : memref<256xi32, #tpu.memory_space<vmem>>, vector<16xi32>,
    %and3A_161 = arith.constant 1 : i32
    %and3A_162 = vector.broadcast %and3A_161 : i32 to vector<16xi32>
    %and3A_163 = arith.andi %get3A_155, %and3A_162 : vector<16xi32>
    %shift_left3A_164 = arith.constant 6 : i32
    %shift_left3A_165 = vector.broadcast %shift_left3A_164 : i32 to vector<16xi32>
    %shift_left3A_166 = arith.shli %and3A_163, %shift_left3A_165 : vector<16xi32>
    %swap3A_167 = arith.constant 48 : index
    %swap3A_168 = tpu.vector_load %arg9[%swap3A_167] {strides = array<i32>} : memref<256xi32, #tpu.memory_space<vmem>>, vector<16xi32>,
    tpu.vector_store %arg9[%swap3A_167], %shift_left3A_166 {strides = array<i32>} : memref<256xi32, #tpu.memory_space<vmem>>, vector<16xi32>,
    %get3A_169 = arith.constant 64 : index
    %get3A_170 = tpu.vector_load %arg5[%get3A_169] {strides = array<i32>} : memref<256xi32, #tpu.memory_space<vmem>>, vector<16xi32>,
    %shift_right_logical3A_171 = arith.constant 1 : i32
    %shift_right_logical3A_172 = vector.broadcast %shift_right_logical3A_171 : i32 to vector<16xi32>
    %shift_right_logical3A_173 = arith.shrui %get3A_170, %shift_right_logical3A_172 : vector<16xi32>
    %swap3A_174 = arith.constant 64 : index
    %swap3A_175 = tpu.vector_load %arg7[%swap3A_174] {strides = array<i32>} : memref<256xi32, #tpu.memory_space<vmem>>, vector<16xi32>,
    tpu.vector_store %arg7[%swap3A_174], %shift_right_logical3A_173 {strides = array<i32>} : memref<256xi32, #tpu.memory_space<vmem>>, vector<16xi32>,
    %and3A_176 = arith.constant 1 : i32
    %and3A_177 = vector.broadcast %and3A_176 : i32 to vector<16xi32>
    %and3A_178 = arith.andi %get3A_170, %and3A_177 : vector<16xi32>
    %shift_left3A_179 = arith.constant 6 : i32
    %shift_left3A_180 = vector.broadcast %shift_left3A_179 : i32 to vector<16xi32>
    %shift_left3A_181 = arith.shli %and3A_178, %shift_left3A_180 : vector<16xi32>
    %swap3A_182 = arith.constant 64 : index
    %swap3A_183 = tpu.vector_load %arg9[%swap3A_182] {strides = array<i32>} : memref<256xi32, #tpu.memory_space<vmem>>, vector<16xi32>,
    tpu.vector_store %arg9[%swap3A_182], %shift_left3A_181 {strides = array<i32>} : memref<256xi32, #tpu.memory_space<vmem>>, vector<16xi32>,
    %get3A_184 = arith.constant 80 : index
    %get3A_185 = tpu.vector_load %arg5[%get3A_184] {strides = array<i32>} : memref<256xi32, #tpu.memory_space<vmem>>, vector<16xi32>,
    %shift_right_logical3A_186 = arith.constant 1 : i32
    %shift_right_logical3A_187 = vector.broadcast %shift_right_logical3A_186 : i32 to vector<16xi32>
    %shift_right_logical3A_188 = arith.shrui %get3A_185, %shift_right_logical3A_187 : vector<16xi32>
    %swap3A_189 = arith.constant 80 : index
    %swap3A_190 = tpu.vector_load %arg7[%swap3A_189] {strides = array<i32>} : memref<256xi32, #tpu.memory_space<vmem>>, vector<16xi32>,
    tpu.vector_store %arg7[%swap3A_189], %shift_right_logical3A_188 {strides = array<i32>} : memref<256xi32, #tpu.memory_space<vmem>>, vector<16xi32>,
    %and3A_191 = arith.constant 1 : i32
    %and3A_192 = vector.broadcast %and3A_191 : i32 to vector<16xi32>
    %and3A_193 = arith.andi %get3A_185, %and3A_192 : vector<16xi32>
    %shift_left3A_194 = arith.constant 6 : i32
    %shift_left3A_195 = vector.broadcast %shift_left3A_194 : i32 to vector<16xi32>
    %shift_left3A_196 = arith.shli %and3A_193, %shift_left3A_195 : vector<16xi32>
    %swap3A_197 = arith.constant 80 : index
    %swap3A_198 = tpu.vector_load %arg9[%swap3A_197] {strides = array<i32>} : memref<256xi32, #tpu.memory_space<vmem>>, vector<16xi32>,
    tpu.vector_store %arg9[%swap3A_197], %shift_left3A_196 {strides = array<i32>} : memref<256xi32, #tpu.memory_space<vmem>>, vector<16xi32>,
    %get3A_199 = arith.constant 96 : index
    %get3A_200 = tpu.vector_load %arg5[%get3A_199] {strides = array<i32>} : memref<256xi32, #tpu.memory_space<vmem>>, vector<16xi32>,
    %shift_right_logical3A_201 = arith.constant 1 : i32
    %shift_right_logical3A_202 = vector.broadcast %shift_right_logical3A_201 : i32 to vector<16xi32>
    %shift_right_logical3A_203 = arith.shrui %get3A_200, %shift_right_logical3A_202 : vector<16xi32>
    %swap3A_204 = arith.constant 96 : index
    %swap3A_205 = tpu.vector_load %arg7[%swap3A_204] {strides = array<i32>} : memref<256xi32, #tpu.memory_space<vmem>>, vector<16xi32>,
    tpu.vector_store %arg7[%swap3A_204], %shift_right_logical3A_203 {strides = array<i32>} : memref<256xi32, #tpu.memory_space<vmem>>, vector<16xi32>,
    %and3A_206 = arith.constant 1 : i32
    %and3A_207 = vector.broadcast %and3A_206 : i32 to vector<16xi32>
    %and3A_208 = arith.andi %get3A_200, %and3A_207 : vector<16xi32>
    %shift_left3A_209 = arith.constant 6 : i32
    %shift_left3A_210 = vector.broadcast %shift_left3A_209 : i32 to vector<16xi32>
    %shift_left3A_211 = arith.shli %and3A_208, %shift_left3A_210 : vector<16xi32>
    %swap3A_212 = arith.constant 96 : index
    %swap3A_213 = tpu.vector_load %arg9[%swap3A_212] {strides = array<i32>} : memref<256xi32, #tpu.memory_space<vmem>>, vector<16xi32>,
    tpu.vector_store %arg9[%swap3A_212], %shift_left3A_211 {strides = array<i32>} : memref<256xi32, #tpu.memory_space<vmem>>, vector<16xi32>,
    %get3A_214 = arith.constant 112 : index
    %get3A_215 = tpu.vector_load %arg5[%get3A_214] {strides = array<i32>} : memref<256xi32, #tpu.memory_space<vmem>>, vector<16xi32>,
    %shift_right_logical3A_216 = arith.constant 1 : i32
    %shift_right_logical3A_217 = vector.broadcast %shift_right_logical3A_216 : i32 to vector<16xi32>
    %shift_right_logical3A_218 = arith.shrui %get3A_215, %shift_right_logical3A_217 : vector<16xi32>
    %swap3A_219 = arith.constant 112 : index
    %swap3A_220 = tpu.vector_load %arg7[%swap3A_219] {strides = array<i32>} : memref<256xi32, #tpu.memory_space<vmem>>, vector<16xi32>,
    tpu.vector_store %arg7[%swap3A_219], %shift_right_logical3A_218 {strides = array<i32>} : memref<256xi32, #tpu.memory_space<vmem>>, vector<16xi32>,
    %and3A_221 = arith.constant 1 : i32
    %and3A_222 = vector.broadcast %and3A_221 : i32 to vector<16xi32>
    %and3A_223 = arith.andi %get3A_215, %and3A_222 : vector<16xi32>
    %shift_left3A_224 = arith.constant 6 : i32
    %shift_left3A_225 = vector.broadcast %shift_left3A_224 : i32 to vector<16xi32>
    %shift_left3A_226 = arith.shli %and3A_223, %shift_left3A_225 : vector<16xi32>
    %swap3A_227 = arith.constant 112 : index
    %swap3A_228 = tpu.vector_load %arg9[%swap3A_227] {strides = array<i32>} : memref<256xi32, #tpu.memory_space<vmem>>, vector<16xi32>,
    tpu.vector_store %arg9[%swap3A_227], %shift_left3A_226 {strides = array<i32>} : memref<256xi32, #tpu.memory_space<vmem>>, vector<16xi32>,
    %get3A_229 = arith.constant 128 : index
    %get3A_230 = tpu.vector_load %arg5[%get3A_229] {strides = array<i32>} : memref<256xi32, #tpu.memory_space<vmem>>, vector<16xi32>,
    %shift_right_logical3A_231 = arith.constant 1 : i32
    %shift_right_logical3A_232 = vector.broadcast %shift_right_logical3A_231 : i32 to vector<16xi32>
    %shift_right_logical3A_233 = arith.shrui %get3A_230, %shift_right_logical3A_232 : vector<16xi32>
    %swap3A_234 = arith.constant 128 : index
    %swap3A_235 = tpu.vector_load %arg7[%swap3A_234] {strides = array<i32>} : memref<256xi32, #tpu.memory_space<vmem>>, vector<16xi32>,
    tpu.vector_store %arg7[%swap3A_234], %shift_right_logical3A_233 {strides = array<i32>} : memref<256xi32, #tpu.memory_space<vmem>>, vector<16xi32>,
    %and3A_236 = arith.constant 1 : i32
    %and3A_237 = vector.broadcast %and3A_236 : i32 to vector<16xi32>
    %and3A_238 = arith.andi %get3A_230, %and3A_237 : vector<16xi32>
    %shift_left3A_239 = arith.constant 6 : i32
    %shift_left3A_240 = vector.broadcast %shift_left3A_239 : i32 to vector<16xi32>
    %shift_left3A_241 = arith.shli %and3A_238, %shift_left3A_240 : vector<16xi32>
    %swap3A_242 = arith.constant 128 : index
    %swap3A_243 = tpu.vector_load %arg9[%swap3A_242] {strides = array<i32>} : memref<256xi32, #tpu.memory_space<vmem>>, vector<16xi32>,
    tpu.vector_store %arg9[%swap3A_242], %shift_left3A_241 {strides = array<i32>} : memref<256xi32, #tpu.memory_space<vmem>>, vector<16xi32>,
    %get3A_244 = arith.constant 144 : index
    %get3A_245 = tpu.vector_load %arg5[%get3A_244] {strides = array<i32>} : memref<256xi32, #tpu.memory_space<vmem>>, vector<16xi32>,
    %shift_right_logical3A_246 = arith.constant 1 : i32
    %shift_right_logical3A_247 = vector.broadcast %shift_right_logical3A_246 : i32 to vector<16xi32>
    %shift_right_logical3A_248 = arith.shrui %get3A_245, %shift_right_logical3A_247 : vector<16xi32>
    %swap3A_249 = arith.constant 144 : index
    %swap3A_250 = tpu.vector_load %arg7[%swap3A_249] {strides = array<i32>} : memref<256xi32, #tpu.memory_space<vmem>>, vector<16xi32>,
    tpu.vector_store %arg7[%swap3A_249], %shift_right_logical3A_248 {strides = array<i32>} : memref<256xi32, #tpu.memory_space<vmem>>, vector<16xi32>,
    %and3A_251 = arith.constant 1 : i32
    %and3A_252 = vector.broadcast %and3A_251 : i32 to vector<16xi32>
    %and3A_253 = arith.andi %get3A_245, %and3A_252 : vector<16xi32>
    %shift_left3A_254 = arith.constant 6 : i32
    %shift_left3A_255 = vector.broadcast %shift_left3A_254 : i32 to vector<16xi32>
    %shift_left3A_256 = arith.shli %and3A_253, %shift_left3A_255 : vector<16xi32>
    %swap3A_257 = arith.constant 144 : index
    %swap3A_258 = tpu.vector_load %arg9[%swap3A_257] {strides = array<i32>} : memref<256xi32, #tpu.memory_space<vmem>>, vector<16xi32>,
    tpu.vector_store %arg9[%swap3A_257], %shift_left3A_256 {strides = array<i32>} : memref<256xi32, #tpu.memory_space<vmem>>, vector<16xi32>,
    %get3A_259 = arith.constant 160 : index
    %get3A_260 = tpu.vector_load %arg5[%get3A_259] {strides = array<i32>} : memref<256xi32, #tpu.memory_space<vmem>>, vector<16xi32>,
    %shift_right_logical3A_261 = arith.constant 1 : i32
    %shift_right_logical3A_262 = vector.broadcast %shift_right_logical3A_261 : i32 to vector<16xi32>
    %shift_right_logical3A_263 = arith.shrui %get3A_260, %shift_right_logical3A_262 : vector<16xi32>
    %swap3A_264 = arith.constant 160 : index
    %swap3A_265 = tpu.vector_load %arg7[%swap3A_264] {strides = array<i32>} : memref<256xi32, #tpu.memory_space<vmem>>, vector<16xi32>,
    tpu.vector_store %arg7[%swap3A_264], %shift_right_logical3A_263 {strides = array<i32>} : memref<256xi32, #tpu.memory_space<vmem>>, vector<16xi32>,
    %and3A_266 = arith.constant 1 : i32
    %and3A_267 = vector.broadcast %and3A_266 : i32 to vector<16xi32>
    %and3A_268 = arith.andi %get3A_260, %and3A_267 : vector<16xi32>
    %shift_left3A_269 = arith.constant 6 : i32
    %shift_left3A_270 = vector.broadcast %shift_left3A_269 : i32 to vector<16xi32>
    %shift_left3A_271 = arith.shli %and3A_268, %shift_left3A_270 : vector<16xi32>
    %swap3A_272 = arith.constant 160 : index
    %swap3A_273 = tpu.vector_load %arg9[%swap3A_272] {strides = array<i32>} : memref<256xi32, #tpu.memory_space<vmem>>, vector<16xi32>,
    tpu.vector_store %arg9[%swap3A_272], %shift_left3A_271 {strides = array<i32>} : memref<256xi32, #tpu.memory_space<vmem>>, vector<16xi32>,
    %get3A_274 = arith.constant 176 : index
    %get3A_275 = tpu.vector_load %arg5[%get3A_274] {strides = array<i32>} : memref<256xi32, #tpu.memory_space<vmem>>, vector<16xi32>,
    %shift_right_logical3A_276 = arith.constant 1 : i32
    %shift_right_logical3A_277 = vector.broadcast %shift_right_logical3A_276 : i32 to vector<16xi32>
    %shift_right_logical3A_278 = arith.shrui %get3A_275, %shift_right_logical3A_277 : vector<16xi32>
    %swap3A_279 = arith.constant 176 : index
    %swap3A_280 = tpu.vector_load %arg7[%swap3A_279] {strides = array<i32>} : memref<256xi32, #tpu.memory_space<vmem>>, vector<16xi32>,
    tpu.vector_store %arg7[%swap3A_279], %shift_right_logical3A_278 {strides = array<i32>} : memref<256xi32, #tpu.memory_space<vmem>>, vector<16xi32>,
    %and3A_281 = arith.constant 1 : i32
    %and3A_282 = vector.broadcast %and3A_281 : i32 to vector<16xi32>
    %and3A_283 = arith.andi %get3A_275, %and3A_282 : vector<16xi32>
    %shift_left3A_284 = arith.constant 6 : i32
    %shift_left3A_285 = vector.broadcast %shift_left3A_284 : i32 to vector<16xi32>
    %shift_left3A_286 = arith.shli %and3A_283, %shift_left3A_285 : vector<16xi32>
    %swap3A_287 = arith.constant 176 : index
    %swap3A_288 = tpu.vector_load %arg9[%swap3A_287] {strides = array<i32>} : memref<256xi32, #tpu.memory_space<vmem>>, vector<16xi32>,
    tpu.vector_store %arg9[%swap3A_287], %shift_left3A_286 {strides = array<i32>} : memref<256xi32, #tpu.memory_space<vmem>>, vector<16xi32>,
    %get3A_289 = arith.constant 192 : index
    %get3A_290 = tpu.vector_load %arg5[%get3A_289] {strides = array<i32>} : memref<256xi32, #tpu.memory_space<vmem>>, vector<16xi32>,
    %shift_right_logical3A_291 = arith.constant 1 : i32
    %shift_right_logical3A_292 = vector.broadcast %shift_right_logical3A_291 : i32 to vector<16xi32>
    %shift_right_logical3A_293 = arith.shrui %get3A_290, %shift_right_logical3A_292 : vector<16xi32>
    %swap3A_294 = arith.constant 192 : index
    %swap3A_295 = tpu.vector_load %arg7[%swap3A_294] {strides = array<i32>} : memref<256xi32, #tpu.memory_space<vmem>>, vector<16xi32>,
    tpu.vector_store %arg7[%swap3A_294], %shift_right_logical3A_293 {strides = array<i32>} : memref<256xi32, #tpu.memory_space<vmem>>, vector<16xi32>,
    %and3A_296 = arith.constant 1 : i32
    %and3A_297 = vector.broadcast %and3A_296 : i32 to vector<16xi32>
    %and3A_298 = arith.andi %get3A_290, %and3A_297 : vector<16xi32>
    %shift_left3A_299 = arith.constant 6 : i32
    %shift_left3A_300 = vector.broadcast %shift_left3A_299 : i32 to vector<16xi32>
    %shift_left3A_301 = arith.shli %and3A_298, %shift_left3A_300 : vector<16xi32>
    %swap3A_302 = arith.constant 192 : index
    %swap3A_303 = tpu.vector_load %arg9[%swap3A_302] {strides = array<i32>} : memref<256xi32, #tpu.memory_space<vmem>>, vector<16xi32>,
    tpu.vector_store %arg9[%swap3A_302], %shift_left3A_301 {strides = array<i32>} : memref<256xi32, #tpu.memory_space<vmem>>, vector<16xi32>,
    %get3A_304 = arith.constant 208 : index
    %get3A_305 = tpu.vector_load %arg5[%get3A_304] {strides = array<i32>} : memref<256xi32, #tpu.memory_space<vmem>>, vector<16xi32>,
    %shift_right_logical3A_306 = arith.constant 1 : i32
    %shift_right_logical3A_307 = vector.broadcast %shift_right_logical3A_306 : i32 to vector<16xi32>
    %shift_right_logical3A_308 = arith.shrui %get3A_305, %shift_right_logical3A_307 : vector<16xi32>
    %swap3A_309 = arith.constant 208 : index
    %swap3A_310 = tpu.vector_load %arg7[%swap3A_309] {strides = array<i32>} : memref<256xi32, #tpu.memory_space<vmem>>, vector<16xi32>,
    tpu.vector_store %arg7[%swap3A_309], %shift_right_logical3A_308 {strides = array<i32>} : memref<256xi32, #tpu.memory_space<vmem>>, vector<16xi32>,
    %and3A_311 = arith.constant 1 : i32
    %and3A_312 = vector.broadcast %and3A_311 : i32 to vector<16xi32>
    %and3A_313 = arith.andi %get3A_305, %and3A_312 : vector<16xi32>
    %shift_left3A_314 = arith.constant 6 : i32
    %shift_left3A_315 = vector.broadcast %shift_left3A_314 : i32 to vector<16xi32>
    %shift_left3A_316 = arith.shli %and3A_313, %shift_left3A_315 : vector<16xi32>
    %swap3A_317 = arith.constant 208 : index
    %swap3A_318 = tpu.vector_load %arg9[%swap3A_317] {strides = array<i32>} : memref<256xi32, #tpu.memory_space<vmem>>, vector<16xi32>,
    tpu.vector_store %arg9[%swap3A_317], %shift_left3A_316 {strides = array<i32>} : memref<256xi32, #tpu.memory_space<vmem>>, vector<16xi32>,
    %get3A_319 = arith.constant 224 : index
    %get3A_320 = tpu.vector_load %arg5[%get3A_319] {strides = array<i32>} : memref<256xi32, #tpu.memory_space<vmem>>, vector<16xi32>,
    %shift_right_logical3A_321 = arith.constant 1 : i32
    %shift_right_logical3A_322 = vector.broadcast %shift_right_logical3A_321 : i32 to vector<16xi32>
    %shift_right_logical3A_323 = arith.shrui %get3A_320, %shift_right_logical3A_322 : vector<16xi32>
    %swap3A_324 = arith.constant 224 : index
    %swap3A_325 = tpu.vector_load %arg7[%swap3A_324] {strides = array<i32>} : memref<256xi32, #tpu.memory_space<vmem>>, vector<16xi32>,
    tpu.vector_store %arg7[%swap3A_324], %shift_right_logical3A_323 {strides = array<i32>} : memref<256xi32, #tpu.memory_space<vmem>>, vector<16xi32>,
    %and3A_326 = arith.constant 1 : i32
    %and3A_327 = vector.broadcast %and3A_326 : i32 to vector<16xi32>
    %and3A_328 = arith.andi %get3A_320, %and3A_327 : vector<16xi32>
    %shift_left3A_329 = arith.constant 6 : i32
    %shift_left3A_330 = vector.broadcast %shift_left3A_329 : i32 to vector<16xi32>
    %shift_left3A_331 = arith.shli %and3A_328, %shift_left3A_330 : vector<16xi32>
    %swap3A_332 = arith.constant 224 : index
    %swap3A_333 = tpu.vector_load %arg9[%swap3A_332] {strides = array<i32>} : memref<256xi32, #tpu.memory_space<vmem>>, vector<16xi32>,
    tpu.vector_store %arg9[%swap3A_332], %shift_left3A_331 {strides = array<i32>} : memref<256xi32, #tpu.memory_space<vmem>>, vector<16xi32>,
    %get3A_334 = arith.constant 240 : index
    %get3A_335 = tpu.vector_load %arg5[%get3A_334] {strides = array<i32>} : memref<256xi32, #tpu.memory_space<vmem>>, vector<16xi32>,
    %shift_right_logical3A_336 = arith.constant 1 : i32
    %shift_right_logical3A_337 = vector.broadcast %shift_right_logical3A_336 : i32 to vector<16xi32>
    %shift_right_logical3A_338 = arith.shrui %get3A_335, %shift_right_logical3A_337 : vector<16xi32>
    %swap3A_339 = arith.constant 240 : index
    %swap3A_340 = tpu.vector_load %arg7[%swap3A_339] {strides = array<i32>} : memref<256xi32, #tpu.memory_space<vmem>>, vector<16xi32>,
    tpu.vector_store %arg7[%swap3A_339], %shift_right_logical3A_338 {strides = array<i32>} : memref<256xi32, #tpu.memory_space<vmem>>, vector<16xi32>,
    %and3A_341 = arith.constant 1 : i32
    %and3A_342 = vector.broadcast %and3A_341 : i32 to vector<16xi32>
    %and3A_343 = arith.andi %get3A_335, %and3A_342 : vector<16xi32>
    %shift_left3A_344 = arith.constant 6 : i32
    %shift_left3A_345 = vector.broadcast %shift_left3A_344 : i32 to vector<16xi32>
    %shift_left3A_346 = arith.shli %and3A_343, %shift_left3A_345 : vector<16xi32>
    %swap3A_347 = arith.constant 240 : index
    %swap3A_348 = tpu.vector_load %arg9[%swap3A_347] {strides = array<i32>} : memref<256xi32, #tpu.memory_space<vmem>>, vector<16xi32>,
    tpu.vector_store %arg9[%swap3A_347], %shift_left3A_346 {strides = array<i32>} : memref<256xi32, #tpu.memory_space<vmem>>, vector<16xi32>,
    %dma_start3A_349 = arith.constant 0 : i32
    %dma_start3A_350 = arith.constant 0 : i32
    %dma_start3A_351 = tpu.memref_slice %arg11[%dma_start3A_349, %dma_start3A_350] : memref<256x128xf32, #tpu.memory_space<vmem>> -> memref<128x128xf32, #tpu.memory_space<vmem>>
    %dma_start3A_352 = arith.constant 0 : i32
    %dma_start3A_353 = tpu.memref_slice %arg7[%dma_start3A_352] : memref<256xi32, #tpu.memory_space<vmem>> -> memref<128xi32, #tpu.memory_space<vmem>>
    %dma_start3A_354 = arith.constant 0 : i32
    %dma_start3A_355 = arith.constant 0 : i32
    %dma_start3A_356 = tpu.memref_slice %arg3[%dma_start3A_354, %dma_start3A_355] : memref<500000x128xf32, #tpu.memory_space<hbm>> -> memref<500000x128xf32, #tpu.memory_space<hbm>>
    tpu.enqueue_indirect_dma source(%dma_start3A_356 : memref<500000x128xf32, #tpu.memory_space<hbm>>) target(%dma_start3A_351 : memref<128x128xf32, #tpu.memory_space<vmem>>) offsets(%dma_start3A_353 : memref<128xi32, #tpu.memory_space<vmem>>) semaphore(%arg17 : memref<!tpu.dma_semaphore, #tpu.memory_space<semaphore_mem>>)
    %dma_start3A_357 = arith.constant 128 : i32
    %dma_start3A_358 = arith.constant 0 : i32
    %dma_start3A_359 = tpu.memref_slice %arg11[%dma_start3A_357, %dma_start3A_358] : memref<256x128xf32, #tpu.memory_space<vmem>> -> memref<128x128xf32, #tpu.memory_space<vmem>>
    %dma_start3A_360 = arith.constant 128 : i32
    %dma_start3A_361 = tpu.memref_slice %arg7[%dma_start3A_360] : memref<256xi32, #tpu.memory_space<vmem>> -> memref<128xi32, #tpu.memory_space<vmem>>
    %dma_start3A_362 = arith.constant 0 : i32
    %dma_start3A_363 = arith.constant 0 : i32
    %dma_start3A_364 = tpu.memref_slice %arg3[%dma_start3A_362, %dma_start3A_363] : memref<500000x128xf32, #tpu.memory_space<hbm>> -> memref<500000x128xf32, #tpu.memory_space<hbm>>
    tpu.enqueue_indirect_dma source(%dma_start3A_364 : memref<500000x128xf32, #tpu.memory_space<hbm>>) target(%dma_start3A_359 : memref<128x128xf32, #tpu.memory_space<vmem>>) offsets(%dma_start3A_361 : memref<128xi32, #tpu.memory_space<vmem>>) semaphore(%arg17 : memref<!tpu.dma_semaphore, #tpu.memory_space<semaphore_mem>>)
    %add3A_365 = arith.constant 1 : i32
    %add3A_366 = arith.addi %mul3A_2, %add3A_365 : i32
    %shift_right_logical3A_367 = arith.constant 6 : i32
    %shift_right_logical3A_368 = arith.shrui %add3A_366, %shift_right_logical3A_367 : i32
    %and3A_369 = arith.constant 63 : i32
    %and3A_370 = arith.andi %add3A_366, %and3A_369 : i32
    %shift_left3A_371 = arith.constant 8 : i32
    %shift_left3A_372 = arith.shli %and3A_370, %shift_left3A_371 : i32
    %multiple_of3A_373 = tpu.assume_multiple %shift_left3A_372, 256 : i32
    %mul3A_374 = arith.constant 16384 : i32
    %mul3A_375 = arith.muli %shift_right_logical3A_368, %mul3A_374 : i32
    %add3A_376 = arith.addi %mul3A_375, %multiple_of3A_373 : i32
    %dma_start3A_377 = tpu.memref_slice %arg2[%add3A_376] : memref<425984xi32, #tpu.memory_space<hbm>> -> memref<256xi32, #tpu.memory_space<hbm>>
    %dma_start3A_378 = tpu.memref_slice %arg2[%add3A_376] : memref<425984xi32, #tpu.memory_space<hbm>> -> memref<256xi32, #tpu.memory_space<hbm>>
    tpu.enqueue_dma source(%dma_start3A_378 : memref<256xi32, #tpu.memory_space<hbm>>) target(%arg6 : memref<256xi32, #tpu.memory_space<vmem>>) target_semaphore(%arg16 : memref<!tpu.dma_semaphore, #tpu.memory_space<semaphore_mem>>)
    %scan3A = arith.constant 0 : i32
    %scan3A_379 = arith.constant 26 : i32
    %scan3A_380 = arith.addi %scan3A, %scan3A_379 : i32
    %scan3A_381 = arith.constant 1 : i32
    scf.for %scan3A_401 = %scan3A to %scan3A_380 step %scan3A_381  : i32 {
      %mul3A_402 = arith.constant 2 : i32
      %mul3A_403 = arith.muli %scan3A_401, %mul3A_402 : i32
      %add3A_404 = arith.constant 0 : i32
      %add3A_405 = arith.addi %add3A_404, %mul3A_403 : i32
      %add3A_406 = arith.constant 0 : i32
      %add3A_407 = arith.addi %add3A_405, %add3A_406 : i32
      %add3A_408 = arith.constant 1 : i32
      %add3A_409 = arith.addi %add3A_407, %add3A_408 : i32
      %lt3A = arith.constant 52 : i32
      %lt3A_410 = arith.cmpi slt, %add3A_409, %lt3A : i32
      %convert_element_type3A = arith.extui %lt3A_410 : i1 to i32
      %cond3A = arith.constant 0 : i32
      %cond3A_411 = arith.cmpi ne, %convert_element_type3A, %cond3A : i32
      scf.if %cond3A_411 {
        %dma_wait3A_494 = arith.constant 0 : i32
        %dma_wait3A_495 = tpu.memref_slice %arg2[%dma_wait3A_494] : memref<425984xi32, #tpu.memory_space<hbm>> -> memref<256xi32, #tpu.memory_space<hbm>>
        %dma_wait3A_496 = arith.constant 0 : i32
        %dma_wait3A_497 = tpu.memref_slice %arg2[%dma_wait3A_496] : memref<425984xi32, #tpu.memory_space<hbm>> -> memref<256xi32, #tpu.memory_space<hbm>>
        tpu.wait_dma2 semaphore(%arg16 : memref<!tpu.dma_semaphore, #tpu.memory_space<semaphore_mem>>) src(%dma_wait3A_497 : memref<256xi32, #tpu.memory_space<hbm>>) dst(%arg6 : memref<256xi32, #tpu.memory_space<vmem>>)
        %get3A_498 = arith.constant 0 : index
        %get3A_499 = tpu.vector_load %arg6[%get3A_498] {strides = array<i32>} : memref<256xi32, #tpu.memory_space<vmem>>, vector<16xi32>,
        %shift_right_logical3A_500 = arith.constant 1 : i32
        %shift_right_logical3A_501 = vector.broadcast %shift_right_logical3A_500 : i32 to vector<16xi32>
        %shift_right_logical3A_502 = arith.shrui %get3A_499, %shift_right_logical3A_501 : vector<16xi32>
        %swap3A_503 = arith.constant 0 : index
        %swap3A_504 = tpu.vector_load %arg8[%swap3A_503] {strides = array<i32>} : memref<256xi32, #tpu.memory_space<vmem>>, vector<16xi32>,
        tpu.vector_store %arg8[%swap3A_503], %shift_right_logical3A_502 {strides = array<i32>} : memref<256xi32, #tpu.memory_space<vmem>>, vector<16xi32>,
        %and3A_505 = arith.constant 1 : i32
        %and3A_506 = vector.broadcast %and3A_505 : i32 to vector<16xi32>
        %and3A_507 = arith.andi %get3A_499, %and3A_506 : vector<16xi32>
        %shift_left3A_508 = arith.constant 6 : i32
        %shift_left3A_509 = vector.broadcast %shift_left3A_508 : i32 to vector<16xi32>
        %shift_left3A_510 = arith.shli %and3A_507, %shift_left3A_509 : vector<16xi32>
        %swap3A_511 = arith.constant 0 : index
        %swap3A_512 = tpu.vector_load %arg10[%swap3A_511] {strides = array<i32>} : memref<256xi32, #tpu.memory_space<vmem>>, vector<16xi32>,
        tpu.vector_store %arg10[%swap3A_511], %shift_left3A_510 {strides = array<i32>} : memref<256xi32, #tpu.memory_space<vmem>>, vector<16xi32>,
        %get3A_513 = arith.constant 16 : index
        %get3A_514 = tpu.vector_load %arg6[%get3A_513] {strides = array<i32>} : memref<256xi32, #tpu.memory_space<vmem>>, vector<16xi32>,
        %shift_right_logical3A_515 = arith.constant 1 : i32
        %shift_right_logical3A_516 = vector.broadcast %shift_right_logical3A_515 : i32 to vector<16xi32>
        %shift_right_logical3A_517 = arith.shrui %get3A_514, %shift_right_logical3A_516 : vector<16xi32>
        %swap3A_518 = arith.constant 16 : index
        %swap3A_519 = tpu.vector_load %arg8[%swap3A_518] {strides = array<i32>} : memref<256xi32, #tpu.memory_space<vmem>>, vector<16xi32>,
        tpu.vector_store %arg8[%swap3A_518], %shift_right_logical3A_517 {strides = array<i32>} : memref<256xi32, #tpu.memory_space<vmem>>, vector<16xi32>,
        %and3A_520 = arith.constant 1 : i32
        %and3A_521 = vector.broadcast %and3A_520 : i32 to vector<16xi32>
        %and3A_522 = arith.andi %get3A_514, %and3A_521 : vector<16xi32>
        %shift_left3A_523 = arith.constant 6 : i32
        %shift_left3A_524 = vector.broadcast %shift_left3A_523 : i32 to vector<16xi32>
        %shift_left3A_525 = arith.shli %and3A_522, %shift_left3A_524 : vector<16xi32>
        %swap3A_526 = arith.constant 16 : index
        %swap3A_527 = tpu.vector_load %arg10[%swap3A_526] {strides = array<i32>} : memref<256xi32, #tpu.memory_space<vmem>>, vector<16xi32>,
        tpu.vector_store %arg10[%swap3A_526], %shift_left3A_525 {strides = array<i32>} : memref<256xi32, #tpu.memory_space<vmem>>, vector<16xi32>,
        %get3A_528 = arith.constant 32 : index
        %get3A_529 = tpu.vector_load %arg6[%get3A_528] {strides = array<i32>} : memref<256xi32, #tpu.memory_space<vmem>>, vector<16xi32>,
        %shift_right_logical3A_530 = arith.constant 1 : i32
        %shift_right_logical3A_531 = vector.broadcast %shift_right_logical3A_530 : i32 to vector<16xi32>
        %shift_right_logical3A_532 = arith.shrui %get3A_529, %shift_right_logical3A_531 : vector<16xi32>
        %swap3A_533 = arith.constant 32 : index
        %swap3A_534 = tpu.vector_load %arg8[%swap3A_533] {strides = array<i32>} : memref<256xi32, #tpu.memory_space<vmem>>, vector<16xi32>,
        tpu.vector_store %arg8[%swap3A_533], %shift_right_logical3A_532 {strides = array<i32>} : memref<256xi32, #tpu.memory_space<vmem>>, vector<16xi32>,
        %and3A_535 = arith.constant 1 : i32
        %and3A_536 = vector.broadcast %and3A_535 : i32 to vector<16xi32>
        %and3A_537 = arith.andi %get3A_529, %and3A_536 : vector<16xi32>
        %shift_left3A_538 = arith.constant 6 : i32
        %shift_left3A_539 = vector.broadcast %shift_left3A_538 : i32 to vector<16xi32>
        %shift_left3A_540 = arith.shli %and3A_537, %shift_left3A_539 : vector<16xi32>
        %swap3A_541 = arith.constant 32 : index
        %swap3A_542 = tpu.vector_load %arg10[%swap3A_541] {strides = array<i32>} : memref<256xi32, #tpu.memory_space<vmem>>, vector<16xi32>,
        tpu.vector_store %arg10[%swap3A_541], %shift_left3A_540 {strides = array<i32>} : memref<256xi32, #tpu.memory_space<vmem>>, vector<16xi32>,
        %get3A_543 = arith.constant 48 : index
        %get3A_544 = tpu.vector_load %arg6[%get3A_543] {strides = array<i32>} : memref<256xi32, #tpu.memory_space<vmem>>, vector<16xi32>,
        %shift_right_logical3A_545 = arith.constant 1 : i32
        %shift_right_logical3A_546 = vector.broadcast %shift_right_logical3A_545 : i32 to vector<16xi32>
        %shift_right_logical3A_547 = arith.shrui %get3A_544, %shift_right_logical3A_546 : vector<16xi32>
        %swap3A_548 = arith.constant 48 : index
        %swap3A_549 = tpu.vector_load %arg8[%swap3A_548] {strides = array<i32>} : memref<256xi32, #tpu.memory_space<vmem>>, vector<16xi32>,
        tpu.vector_store %arg8[%swap3A_548], %shift_right_logical3A_547 {strides = array<i32>} : memref<256xi32, #tpu.memory_space<vmem>>, vector<16xi32>,
        %and3A_550 = arith.constant 1 : i32
        %and3A_551 = vector.broadcast %and3A_550 : i32 to vector<16xi32>
        %and3A_552 = arith.andi %get3A_544, %and3A_551 : vector<16xi32>
        %shift_left3A_553 = arith.constant 6 : i32
        %shift_left3A_554 = vector.broadcast %shift_left3A_553 : i32 to vector<16xi32>
        %shift_left3A_555 = arith.shli %and3A_552, %shift_left3A_554 : vector<16xi32>
        %swap3A_556 = arith.constant 48 : index
        %swap3A_557 = tpu.vector_load %arg10[%swap3A_556] {strides = array<i32>} : memref<256xi32, #tpu.memory_space<vmem>>, vector<16xi32>,
        tpu.vector_store %arg10[%swap3A_556], %shift_left3A_555 {strides = array<i32>} : memref<256xi32, #tpu.memory_space<vmem>>, vector<16xi32>,
        %get3A_558 = arith.constant 64 : index
        %get3A_559 = tpu.vector_load %arg6[%get3A_558] {strides = array<i32>} : memref<256xi32, #tpu.memory_space<vmem>>, vector<16xi32>,
        %shift_right_logical3A_560 = arith.constant 1 : i32
        %shift_right_logical3A_561 = vector.broadcast %shift_right_logical3A_560 : i32 to vector<16xi32>
        %shift_right_logical3A_562 = arith.shrui %get3A_559, %shift_right_logical3A_561 : vector<16xi32>
        %swap3A_563 = arith.constant 64 : index
        %swap3A_564 = tpu.vector_load %arg8[%swap3A_563] {strides = array<i32>} : memref<256xi32, #tpu.memory_space<vmem>>, vector<16xi32>,
        tpu.vector_store %arg8[%swap3A_563], %shift_right_logical3A_562 {strides = array<i32>} : memref<256xi32, #tpu.memory_space<vmem>>, vector<16xi32>,
        %and3A_565 = arith.constant 1 : i32
        %and3A_566 = vector.broadcast %and3A_565 : i32 to vector<16xi32>
        %and3A_567 = arith.andi %get3A_559, %and3A_566 : vector<16xi32>
        %shift_left3A_568 = arith.constant 6 : i32
        %shift_left3A_569 = vector.broadcast %shift_left3A_568 : i32 to vector<16xi32>
        %shift_left3A_570 = arith.shli %and3A_567, %shift_left3A_569 : vector<16xi32>
        %swap3A_571 = arith.constant 64 : index
        %swap3A_572 = tpu.vector_load %arg10[%swap3A_571] {strides = array<i32>} : memref<256xi32, #tpu.memory_space<vmem>>, vector<16xi32>,
        tpu.vector_store %arg10[%swap3A_571], %shift_left3A_570 {strides = array<i32>} : memref<256xi32, #tpu.memory_space<vmem>>, vector<16xi32>,
        %get3A_573 = arith.constant 80 : index
        %get3A_574 = tpu.vector_load %arg6[%get3A_573] {strides = array<i32>} : memref<256xi32, #tpu.memory_space<vmem>>, vector<16xi32>,
        %shift_right_logical3A_575 = arith.constant 1 : i32
        %shift_right_logical3A_576 = vector.broadcast %shift_right_logical3A_575 : i32 to vector<16xi32>
        %shift_right_logical3A_577 = arith.shrui %get3A_574, %shift_right_logical3A_576 : vector<16xi32>
        %swap3A_578 = arith.constant 80 : index
        %swap3A_579 = tpu.vector_load %arg8[%swap3A_578] {strides = array<i32>} : memref<256xi32, #tpu.memory_space<vmem>>, vector<16xi32>,
        tpu.vector_store %arg8[%swap3A_578], %shift_right_logical3A_577 {strides = array<i32>} : memref<256xi32, #tpu.memory_space<vmem>>, vector<16xi32>,
        %and3A_580 = arith.constant 1 : i32
        %and3A_581 = vector.broadcast %and3A_580 : i32 to vector<16xi32>
        %and3A_582 = arith.andi %get3A_574, %and3A_581 : vector<16xi32>
        %shift_left3A_583 = arith.constant 6 : i32
        %shift_left3A_584 = vector.broadcast %shift_left3A_583 : i32 to vector<16xi32>
        %shift_left3A_585 = arith.shli %and3A_582, %shift_left3A_584 : vector<16xi32>
        %swap3A_586 = arith.constant 80 : index
        %swap3A_587 = tpu.vector_load %arg10[%swap3A_586] {strides = array<i32>} : memref<256xi32, #tpu.memory_space<vmem>>, vector<16xi32>,
        tpu.vector_store %arg10[%swap3A_586], %shift_left3A_585 {strides = array<i32>} : memref<256xi32, #tpu.memory_space<vmem>>, vector<16xi32>,
        %get3A_588 = arith.constant 96 : index
        %get3A_589 = tpu.vector_load %arg6[%get3A_588] {strides = array<i32>} : memref<256xi32, #tpu.memory_space<vmem>>, vector<16xi32>,
        %shift_right_logical3A_590 = arith.constant 1 : i32
        %shift_right_logical3A_591 = vector.broadcast %shift_right_logical3A_590 : i32 to vector<16xi32>
        %shift_right_logical3A_592 = arith.shrui %get3A_589, %shift_right_logical3A_591 : vector<16xi32>
        %swap3A_593 = arith.constant 96 : index
        %swap3A_594 = tpu.vector_load %arg8[%swap3A_593] {strides = array<i32>} : memref<256xi32, #tpu.memory_space<vmem>>, vector<16xi32>,
        tpu.vector_store %arg8[%swap3A_593], %shift_right_logical3A_592 {strides = array<i32>} : memref<256xi32, #tpu.memory_space<vmem>>, vector<16xi32>,
        %and3A_595 = arith.constant 1 : i32
        %and3A_596 = vector.broadcast %and3A_595 : i32 to vector<16xi32>
        %and3A_597 = arith.andi %get3A_589, %and3A_596 : vector<16xi32>
        %shift_left3A_598 = arith.constant 6 : i32
        %shift_left3A_599 = vector.broadcast %shift_left3A_598 : i32 to vector<16xi32>
        %shift_left3A_600 = arith.shli %and3A_597, %shift_left3A_599 : vector<16xi32>
        %swap3A_601 = arith.constant 96 : index
        %swap3A_602 = tpu.vector_load %arg10[%swap3A_601] {strides = array<i32>} : memref<256xi32, #tpu.memory_space<vmem>>, vector<16xi32>,
        tpu.vector_store %arg10[%swap3A_601], %shift_left3A_600 {strides = array<i32>} : memref<256xi32, #tpu.memory_space<vmem>>, vector<16xi32>,
        %get3A_603 = arith.constant 112 : index
        %get3A_604 = tpu.vector_load %arg6[%get3A_603] {strides = array<i32>} : memref<256xi32, #tpu.memory_space<vmem>>, vector<16xi32>,
        %shift_right_logical3A_605 = arith.constant 1 : i32
        %shift_right_logical3A_606 = vector.broadcast %shift_right_logical3A_605 : i32 to vector<16xi32>
        %shift_right_logical3A_607 = arith.shrui %get3A_604, %shift_right_logical3A_606 : vector<16xi32>
        %swap3A_608 = arith.constant 112 : index
        %swap3A_609 = tpu.vector_load %arg8[%swap3A_608] {strides = array<i32>} : memref<256xi32, #tpu.memory_space<vmem>>, vector<16xi32>,
        tpu.vector_store %arg8[%swap3A_608], %shift_right_logical3A_607 {strides = array<i32>} : memref<256xi32, #tpu.memory_space<vmem>>, vector<16xi32>,
        %and3A_610 = arith.constant 1 : i32
        %and3A_611 = vector.broadcast %and3A_610 : i32 to vector<16xi32>
        %and3A_612 = arith.andi %get3A_604, %and3A_611 : vector<16xi32>
        %shift_left3A_613 = arith.constant 6 : i32
        %shift_left3A_614 = vector.broadcast %shift_left3A_613 : i32 to vector<16xi32>
        %shift_left3A_615 = arith.shli %and3A_612, %shift_left3A_614 : vector<16xi32>
        %swap3A_616 = arith.constant 112 : index
        %swap3A_617 = tpu.vector_load %arg10[%swap3A_616] {strides = array<i32>} : memref<256xi32, #tpu.memory_space<vmem>>, vector<16xi32>,
        tpu.vector_store %arg10[%swap3A_616], %shift_left3A_615 {strides = array<i32>} : memref<256xi32, #tpu.memory_space<vmem>>, vector<16xi32>,
        %get3A_618 = arith.constant 128 : index
        %get3A_619 = tpu.vector_load %arg6[%get3A_618] {strides = array<i32>} : memref<256xi32, #tpu.memory_space<vmem>>, vector<16xi32>,
        %shift_right_logical3A_620 = arith.constant 1 : i32
        %shift_right_logical3A_621 = vector.broadcast %shift_right_logical3A_620 : i32 to vector<16xi32>
        %shift_right_logical3A_622 = arith.shrui %get3A_619, %shift_right_logical3A_621 : vector<16xi32>
        %swap3A_623 = arith.constant 128 : index
        %swap3A_624 = tpu.vector_load %arg8[%swap3A_623] {strides = array<i32>} : memref<256xi32, #tpu.memory_space<vmem>>, vector<16xi32>,
        tpu.vector_store %arg8[%swap3A_623], %shift_right_logical3A_622 {strides = array<i32>} : memref<256xi32, #tpu.memory_space<vmem>>, vector<16xi32>,
        %and3A_625 = arith.constant 1 : i32
        %and3A_626 = vector.broadcast %and3A_625 : i32 to vector<16xi32>
        %and3A_627 = arith.andi %get3A_619, %and3A_626 : vector<16xi32>
        %shift_left3A_628 = arith.constant 6 : i32
        %shift_left3A_629 = vector.broadcast %shift_left3A_628 : i32 to vector<16xi32>
        %shift_left3A_630 = arith.shli %and3A_627, %shift_left3A_629 : vector<16xi32>
        %swap3A_631 = arith.constant 128 : index
        %swap3A_632 = tpu.vector_load %arg10[%swap3A_631] {strides = array<i32>} : memref<256xi32, #tpu.memory_space<vmem>>, vector<16xi32>,
        tpu.vector_store %arg10[%swap3A_631], %shift_left3A_630 {strides = array<i32>} : memref<256xi32, #tpu.memory_space<vmem>>, vector<16xi32>,
        %get3A_633 = arith.constant 144 : index
        %get3A_634 = tpu.vector_load %arg6[%get3A_633] {strides = array<i32>} : memref<256xi32, #tpu.memory_space<vmem>>, vector<16xi32>,
        %shift_right_logical3A_635 = arith.constant 1 : i32
        %shift_right_logical3A_636 = vector.broadcast %shift_right_logical3A_635 : i32 to vector<16xi32>
        %shift_right_logical3A_637 = arith.shrui %get3A_634, %shift_right_logical3A_636 : vector<16xi32>
        %swap3A_638 = arith.constant 144 : index
        %swap3A_639 = tpu.vector_load %arg8[%swap3A_638] {strides = array<i32>} : memref<256xi32, #tpu.memory_space<vmem>>, vector<16xi32>,
        tpu.vector_store %arg8[%swap3A_638], %shift_right_logical3A_637 {strides = array<i32>} : memref<256xi32, #tpu.memory_space<vmem>>, vector<16xi32>,
        %and3A_640 = arith.constant 1 : i32
        %and3A_641 = vector.broadcast %and3A_640 : i32 to vector<16xi32>
        %and3A_642 = arith.andi %get3A_634, %and3A_641 : vector<16xi32>
        %shift_left3A_643 = arith.constant 6 : i32
        %shift_left3A_644 = vector.broadcast %shift_left3A_643 : i32 to vector<16xi32>
        %shift_left3A_645 = arith.shli %and3A_642, %shift_left3A_644 : vector<16xi32>
        %swap3A_646 = arith.constant 144 : index
        %swap3A_647 = tpu.vector_load %arg10[%swap3A_646] {strides = array<i32>} : memref<256xi32, #tpu.memory_space<vmem>>, vector<16xi32>,
        tpu.vector_store %arg10[%swap3A_646], %shift_left3A_645 {strides = array<i32>} : memref<256xi32, #tpu.memory_space<vmem>>, vector<16xi32>,
        %get3A_648 = arith.constant 160 : index
        %get3A_649 = tpu.vector_load %arg6[%get3A_648] {strides = array<i32>} : memref<256xi32, #tpu.memory_space<vmem>>, vector<16xi32>,
        %shift_right_logical3A_650 = arith.constant 1 : i32
        %shift_right_logical3A_651 = vector.broadcast %shift_right_logical3A_650 : i32 to vector<16xi32>
        %shift_right_logical3A_652 = arith.shrui %get3A_649, %shift_right_logical3A_651 : vector<16xi32>
        %swap3A_653 = arith.constant 160 : index
        %swap3A_654 = tpu.vector_load %arg8[%swap3A_653] {strides = array<i32>} : memref<256xi32, #tpu.memory_space<vmem>>, vector<16xi32>,
        tpu.vector_store %arg8[%swap3A_653], %shift_right_logical3A_652 {strides = array<i32>} : memref<256xi32, #tpu.memory_space<vmem>>, vector<16xi32>,
        %and3A_655 = arith.constant 1 : i32
        %and3A_656 = vector.broadcast %and3A_655 : i32 to vector<16xi32>
        %and3A_657 = arith.andi %get3A_649, %and3A_656 : vector<16xi32>
        %shift_left3A_658 = arith.constant 6 : i32
        %shift_left3A_659 = vector.broadcast %shift_left3A_658 : i32 to vector<16xi32>
        %shift_left3A_660 = arith.shli %and3A_657, %shift_left3A_659 : vector<16xi32>
        %swap3A_661 = arith.constant 160 : index
        %swap3A_662 = tpu.vector_load %arg10[%swap3A_661] {strides = array<i32>} : memref<256xi32, #tpu.memory_space<vmem>>, vector<16xi32>,
        tpu.vector_store %arg10[%swap3A_661], %shift_left3A_660 {strides = array<i32>} : memref<256xi32, #tpu.memory_space<vmem>>, vector<16xi32>,
        %get3A_663 = arith.constant 176 : index
        %get3A_664 = tpu.vector_load %arg6[%get3A_663] {strides = array<i32>} : memref<256xi32, #tpu.memory_space<vmem>>, vector<16xi32>,
        %shift_right_logical3A_665 = arith.constant 1 : i32
        %shift_right_logical3A_666 = vector.broadcast %shift_right_logical3A_665 : i32 to vector<16xi32>
        %shift_right_logical3A_667 = arith.shrui %get3A_664, %shift_right_logical3A_666 : vector<16xi32>
        %swap3A_668 = arith.constant 176 : index
        %swap3A_669 = tpu.vector_load %arg8[%swap3A_668] {strides = array<i32>} : memref<256xi32, #tpu.memory_space<vmem>>, vector<16xi32>,
        tpu.vector_store %arg8[%swap3A_668], %shift_right_logical3A_667 {strides = array<i32>} : memref<256xi32, #tpu.memory_space<vmem>>, vector<16xi32>,
        %and3A_670 = arith.constant 1 : i32
        %and3A_671 = vector.broadcast %and3A_670 : i32 to vector<16xi32>
        %and3A_672 = arith.andi %get3A_664, %and3A_671 : vector<16xi32>
        %shift_left3A_673 = arith.constant 6 : i32
        %shift_left3A_674 = vector.broadcast %shift_left3A_673 : i32 to vector<16xi32>
        %shift_left3A_675 = arith.shli %and3A_672, %shift_left3A_674 : vector<16xi32>
        %swap3A_676 = arith.constant 176 : index
        %swap3A_677 = tpu.vector_load %arg10[%swap3A_676] {strides = array<i32>} : memref<256xi32, #tpu.memory_space<vmem>>, vector<16xi32>,
        tpu.vector_store %arg10[%swap3A_676], %shift_left3A_675 {strides = array<i32>} : memref<256xi32, #tpu.memory_space<vmem>>, vector<16xi32>,
        %get3A_678 = arith.constant 192 : index
        %get3A_679 = tpu.vector_load %arg6[%get3A_678] {strides = array<i32>} : memref<256xi32, #tpu.memory_space<vmem>>, vector<16xi32>,
        %shift_right_logical3A_680 = arith.constant 1 : i32
        %shift_right_logical3A_681 = vector.broadcast %shift_right_logical3A_680 : i32 to vector<16xi32>
        %shift_right_logical3A_682 = arith.shrui %get3A_679, %shift_right_logical3A_681 : vector<16xi32>
        %swap3A_683 = arith.constant 192 : index
        %swap3A_684 = tpu.vector_load %arg8[%swap3A_683] {strides = array<i32>} : memref<256xi32, #tpu.memory_space<vmem>>, vector<16xi32>,
        tpu.vector_store %arg8[%swap3A_683], %shift_right_logical3A_682 {strides = array<i32>} : memref<256xi32, #tpu.memory_space<vmem>>, vector<16xi32>,
        %and3A_685 = arith.constant 1 : i32
        %and3A_686 = vector.broadcast %and3A_685 : i32 to vector<16xi32>
        %and3A_687 = arith.andi %get3A_679, %and3A_686 : vector<16xi32>
        %shift_left3A_688 = arith.constant 6 : i32
        %shift_left3A_689 = vector.broadcast %shift_left3A_688 : i32 to vector<16xi32>
        %shift_left3A_690 = arith.shli %and3A_687, %shift_left3A_689 : vector<16xi32>
        %swap3A_691 = arith.constant 192 : index
        %swap3A_692 = tpu.vector_load %arg10[%swap3A_691] {strides = array<i32>} : memref<256xi32, #tpu.memory_space<vmem>>, vector<16xi32>,
        tpu.vector_store %arg10[%swap3A_691], %shift_left3A_690 {strides = array<i32>} : memref<256xi32, #tpu.memory_space<vmem>>, vector<16xi32>,
        %get3A_693 = arith.constant 208 : index
        %get3A_694 = tpu.vector_load %arg6[%get3A_693] {strides = array<i32>} : memref<256xi32, #tpu.memory_space<vmem>>, vector<16xi32>,
        %shift_right_logical3A_695 = arith.constant 1 : i32
        %shift_right_logical3A_696 = vector.broadcast %shift_right_logical3A_695 : i32 to vector<16xi32>
        %shift_right_logical3A_697 = arith.shrui %get3A_694, %shift_right_logical3A_696 : vector<16xi32>
        %swap3A_698 = arith.constant 208 : index
        %swap3A_699 = tpu.vector_load %arg8[%swap3A_698] {strides = array<i32>} : memref<256xi32, #tpu.memory_space<vmem>>, vector<16xi32>,
        tpu.vector_store %arg8[%swap3A_698], %shift_right_logical3A_697 {strides = array<i32>} : memref<256xi32, #tpu.memory_space<vmem>>, vector<16xi32>,
        %and3A_700 = arith.constant 1 : i32
        %and3A_701 = vector.broadcast %and3A_700 : i32 to vector<16xi32>
        %and3A_702 = arith.andi %get3A_694, %and3A_701 : vector<16xi32>
        %shift_left3A_703 = arith.constant 6 : i32
        %shift_left3A_704 = vector.broadcast %shift_left3A_703 : i32 to vector<16xi32>
        %shift_left3A_705 = arith.shli %and3A_702, %shift_left3A_704 : vector<16xi32>
        %swap3A_706 = arith.constant 208 : index
        %swap3A_707 = tpu.vector_load %arg10[%swap3A_706] {strides = array<i32>} : memref<256xi32, #tpu.memory_space<vmem>>, vector<16xi32>,
        tpu.vector_store %arg10[%swap3A_706], %shift_left3A_705 {strides = array<i32>} : memref<256xi32, #tpu.memory_space<vmem>>, vector<16xi32>,
        %get3A_708 = arith.constant 224 : index
        %get3A_709 = tpu.vector_load %arg6[%get3A_708] {strides = array<i32>} : memref<256xi32, #tpu.memory_space<vmem>>, vector<16xi32>,
        %shift_right_logical3A_710 = arith.constant 1 : i32
        %shift_right_logical3A_711 = vector.broadcast %shift_right_logical3A_710 : i32 to vector<16xi32>
        %shift_right_logical3A_712 = arith.shrui %get3A_709, %shift_right_logical3A_711 : vector<16xi32>
        %swap3A_713 = arith.constant 224 : index
        %swap3A_714 = tpu.vector_load %arg8[%swap3A_713] {strides = array<i32>} : memref<256xi32, #tpu.memory_space<vmem>>, vector<16xi32>,
        tpu.vector_store %arg8[%swap3A_713], %shift_right_logical3A_712 {strides = array<i32>} : memref<256xi32, #tpu.memory_space<vmem>>, vector<16xi32>,
        %and3A_715 = arith.constant 1 : i32
        %and3A_716 = vector.broadcast %and3A_715 : i32 to vector<16xi32>
        %and3A_717 = arith.andi %get3A_709, %and3A_716 : vector<16xi32>
        %shift_left3A_718 = arith.constant 6 : i32
        %shift_left3A_719 = vector.broadcast %shift_left3A_718 : i32 to vector<16xi32>
        %shift_left3A_720 = arith.shli %and3A_717, %shift_left3A_719 : vector<16xi32>
        %swap3A_721 = arith.constant 224 : index
        %swap3A_722 = tpu.vector_load %arg10[%swap3A_721] {strides = array<i32>} : memref<256xi32, #tpu.memory_space<vmem>>, vector<16xi32>,
        tpu.vector_store %arg10[%swap3A_721], %shift_left3A_720 {strides = array<i32>} : memref<256xi32, #tpu.memory_space<vmem>>, vector<16xi32>,
        %get3A_723 = arith.constant 240 : index
        %get3A_724 = tpu.vector_load %arg6[%get3A_723] {strides = array<i32>} : memref<256xi32, #tpu.memory_space<vmem>>, vector<16xi32>,
        %shift_right_logical3A_725 = arith.constant 1 : i32
        %shift_right_logical3A_726 = vector.broadcast %shift_right_logical3A_725 : i32 to vector<16xi32>
        %shift_right_logical3A_727 = arith.shrui %get3A_724, %shift_right_logical3A_726 : vector<16xi32>
        %swap3A_728 = arith.constant 240 : index
        %swap3A_729 = tpu.vector_load %arg8[%swap3A_728] {strides = array<i32>} : memref<256xi32, #tpu.memory_space<vmem>>, vector<16xi32>,
        tpu.vector_store %arg8[%swap3A_728], %shift_right_logical3A_727 {strides = array<i32>} : memref<256xi32, #tpu.memory_space<vmem>>, vector<16xi32>,
        %and3A_730 = arith.constant 1 : i32
        %and3A_731 = vector.broadcast %and3A_730 : i32 to vector<16xi32>
        %and3A_732 = arith.andi %get3A_724, %and3A_731 : vector<16xi32>
        %shift_left3A_733 = arith.constant 6 : i32
        %shift_left3A_734 = vector.broadcast %shift_left3A_733 : i32 to vector<16xi32>
        %shift_left3A_735 = arith.shli %and3A_732, %shift_left3A_734 : vector<16xi32>
        %swap3A_736 = arith.constant 240 : index
        %swap3A_737 = tpu.vector_load %arg10[%swap3A_736] {strides = array<i32>} : memref<256xi32, #tpu.memory_space<vmem>>, vector<16xi32>,
        tpu.vector_store %arg10[%swap3A_736], %shift_left3A_735 {strides = array<i32>} : memref<256xi32, #tpu.memory_space<vmem>>, vector<16xi32>,
        %dma_start3A_738 = arith.constant 0 : i32
        %dma_start3A_739 = arith.constant 0 : i32
        %dma_start3A_740 = tpu.memref_slice %arg12[%dma_start3A_738, %dma_start3A_739] : memref<256x128xf32, #tpu.memory_space<vmem>> -> memref<128x128xf32, #tpu.memory_space<vmem>>
        %dma_start3A_741 = arith.constant 0 : i32
        %dma_start3A_742 = tpu.memref_slice %arg8[%dma_start3A_741] : memref<256xi32, #tpu.memory_space<vmem>> -> memref<128xi32, #tpu.memory_space<vmem>>
        %dma_start3A_743 = arith.constant 0 : i32
        %dma_start3A_744 = arith.constant 0 : i32
        %dma_start3A_745 = tpu.memref_slice %arg3[%dma_start3A_743, %dma_start3A_744] : memref<500000x128xf32, #tpu.memory_space<hbm>> -> memref<500000x128xf32, #tpu.memory_space<hbm>>
        tpu.enqueue_indirect_dma source(%dma_start3A_745 : memref<500000x128xf32, #tpu.memory_space<hbm>>) target(%dma_start3A_740 : memref<128x128xf32, #tpu.memory_space<vmem>>) offsets(%dma_start3A_742 : memref<128xi32, #tpu.memory_space<vmem>>) semaphore(%arg18 : memref<!tpu.dma_semaphore, #tpu.memory_space<semaphore_mem>>)
        %dma_start3A_746 = arith.constant 128 : i32
        %dma_start3A_747 = arith.constant 0 : i32
        %dma_start3A_748 = tpu.memref_slice %arg12[%dma_start3A_746, %dma_start3A_747] : memref<256x128xf32, #tpu.memory_space<vmem>> -> memref<128x128xf32, #tpu.memory_space<vmem>>
        %dma_start3A_749 = arith.constant 128 : i32
        %dma_start3A_750 = tpu.memref_slice %arg8[%dma_start3A_749] : memref<256xi32, #tpu.memory_space<vmem>> -> memref<128xi32, #tpu.memory_space<vmem>>
        %dma_start3A_751 = arith.constant 0 : i32
        %dma_start3A_752 = arith.constant 0 : i32
        %dma_start3A_753 = tpu.memref_slice %arg3[%dma_start3A_751, %dma_start3A_752] : memref<500000x128xf32, #tpu.memory_space<hbm>> -> memref<500000x128xf32, #tpu.memory_space<hbm>>
        tpu.enqueue_indirect_dma source(%dma_start3A_753 : memref<500000x128xf32, #tpu.memory_space<hbm>>) target(%dma_start3A_748 : memref<128x128xf32, #tpu.memory_space<vmem>>) offsets(%dma_start3A_750 : memref<128xi32, #tpu.memory_space<vmem>>) semaphore(%arg18 : memref<!tpu.dma_semaphore, #tpu.memory_space<semaphore_mem>>)
      } else {
      }
      %dma_wait3A_412 = arith.constant 0 : i32
      %dma_wait3A_413 = arith.constant 0 : i32
      %dma_wait3A_414 = tpu.memref_slice %arg3[%dma_wait3A_412, %dma_wait3A_413] : memref<500000x128xf32, #tpu.memory_space<hbm>> -> memref<256x128xf32, #tpu.memory_space<hbm>>
      %dma_wait3A_415 = arith.constant 0 : i32
      %dma_wait3A_416 = arith.constant 0 : i32
      %dma_wait3A_417 = tpu.memref_slice %arg3[%dma_wait3A_415, %dma_wait3A_416] : memref<500000x128xf32, #tpu.memory_space<hbm>> -> memref<256x128xf32, #tpu.memory_space<hbm>>
      tpu.wait_dma2 semaphore(%arg17 : memref<!tpu.dma_semaphore, #tpu.memory_space<semaphore_mem>>) src(%dma_wait3A_417 : memref<256x128xf32, #tpu.memory_space<hbm>>) dst(%arg11 : memref<256x128xf32, #tpu.memory_space<vmem>>)
      %add3A_418 = arith.constant 2 : i32
      %add3A_419 = arith.addi %add3A_407, %add3A_418 : i32
      %lt3A_420 = arith.constant 52 : i32
      %lt3A_421 = arith.cmpi slt, %add3A_419, %lt3A_420 : i32
      %convert_element_type3A_422 = arith.extui %lt3A_421 : i1 to i32
      %cond3A_423 = arith.constant 0 : i32
      %cond3A_424 = arith.cmpi ne, %convert_element_type3A_422, %cond3A_423 : i32
      scf.if %cond3A_424 {
        %add3A_494 = arith.constant 2 : i32
        %add3A_495 = arith.addi %add3A_407, %add3A_494 : i32
        %add3A_496 = arith.addi %mul3A_2, %add3A_495 : i32
        %shift_right_logical3A_497 = arith.constant 6 : i32
        %shift_right_logical3A_498 = arith.shrui %add3A_496, %shift_right_logical3A_497 : i32
        %and3A_499 = arith.constant 63 : i32
        %and3A_500 = arith.andi %add3A_496, %and3A_499 : i32
        %shift_left3A_501 = arith.constant 8 : i32
        %shift_left3A_502 = arith.shli %and3A_500, %shift_left3A_501 : i32
        %multiple_of3A_503 = tpu.assume_multiple %shift_left3A_502, 256 : i32
        %mul3A_504 = arith.constant 16384 : i32
        %mul3A_505 = arith.muli %shift_right_logical3A_498, %mul3A_504 : i32
        %add3A_506 = arith.addi %mul3A_505, %multiple_of3A_503 : i32
        %dma_start3A_507 = tpu.memref_slice %arg2[%add3A_506] : memref<425984xi32, #tpu.memory_space<hbm>> -> memref<256xi32, #tpu.memory_space<hbm>>
        %dma_start3A_508 = tpu.memref_slice %arg2[%add3A_506] : memref<425984xi32, #tpu.memory_space<hbm>> -> memref<256xi32, #tpu.memory_space<hbm>>
        tpu.enqueue_dma source(%dma_start3A_508 : memref<256xi32, #tpu.memory_space<hbm>>) target(%arg5 : memref<256xi32, #tpu.memory_space<vmem>>) target_semaphore(%arg15 : memref<!tpu.dma_semaphore, #tpu.memory_space<semaphore_mem>>)
      } else {
      }
      %ge3A = arith.constant 2 : i32
      %ge3A_425 = arith.cmpi sge, %add3A_407, %ge3A : i32
      %convert_element_type3A_426 = arith.extui %ge3A_425 : i1 to i32
      %cond3A_427 = arith.constant 0 : i32
      %cond3A_428 = arith.cmpi ne, %convert_element_type3A_426, %cond3A_427 : i32
      scf.if %cond3A_428 {
        %dma_wait3A_494 = arith.constant 0 : i32
        %dma_wait3A_495 = arith.constant 0 : i32
        %dma_wait3A_496 = arith.constant 0 : i32
        %dma_wait3A_497 = tpu.memref_slice %arg4[%dma_wait3A_494, %dma_wait3A_495, %dma_wait3A_496] : memref<26x64x16384xf32, #tpu.memory_space<hbm>> -> memref<1x64x256xf32, #tpu.memory_space<hbm>>
        %dma_wait3A_498 = tpu.memref_squeeze %dma_wait3A_497 : memref<1x64x256xf32, #tpu.memory_space<hbm>> -> memref<64x256xf32, #tpu.memory_space<hbm>>
        %dma_wait3A_499 = arith.constant 0 : i32
        %dma_wait3A_500 = arith.constant 0 : i32
        %dma_wait3A_501 = tpu.memref_slice %arg4[%dma_wait3A_494, %dma_wait3A_499, %dma_wait3A_500] : memref<26x64x16384xf32, #tpu.memory_space<hbm>> -> memref<1x64x256xf32, #tpu.memory_space<hbm>>
        %dma_wait3A_502 = tpu.memref_squeeze %dma_wait3A_501 : memref<1x64x256xf32, #tpu.memory_space<hbm>> -> memref<64x256xf32, #tpu.memory_space<hbm>>
        tpu.wait_dma2 semaphore(%arg19 : memref<!tpu.dma_semaphore, #tpu.memory_space<semaphore_mem>>) src(%arg13 : memref<64x256xf32, #tpu.memory_space<vmem>>) dst(%dma_wait3A_502 : memref<64x256xf32, #tpu.memory_space<hbm>>)
      } else {
      }
      %scan3A_429 = arith.constant 0 : i32
      %scan3A_430 = arith.constant 16 : i32
      %scan3A_431 = arith.addi %scan3A_429, %scan3A_430 : i32
      %scan3A_432 = arith.constant 1 : i32
      scf.for %scan3A_494 = %scan3A_429 to %scan3A_431 step %scan3A_432  : i32 {
        %mul3A_495 = arith.constant 16 : i32
        %mul3A_496 = arith.muli %scan3A_494, %mul3A_495 : i32
        %add3A_497 = arith.constant 0 : i32
        %add3A_498 = arith.addi %add3A_497, %mul3A_496 : i32
        %add3A_499 = vector.broadcast %add3A_498 : i32 to vector<16xi32>
        %add3A_500 = arith.addi %iota3A, %add3A_499 : vector<16xi32>
        %get3A_501 = arith.index_cast %add3A_498 : i32 to index
        %get3A_502 = tpu.vector_load %arg9[%get3A_501] {strides = array<i32>} : memref<256xi32, #tpu.memory_space<vmem>>, vector<16xi32>,
        %add3A_503 = arith.constant 0 : i32
        %add3A_504 = vector.broadcast %add3A_503 : i32 to vector<16xi32>
        %add3A_505 = arith.addi %and3A_7, %add3A_504 : vector<16xi32>
        %add3A_506 = arith.addi %add3A_505, %get3A_502 : vector<16xi32>
        %gather3A = tpu.vector_load_idx %arg11[%add3A_500, %add3A_506] : memref<256x128xf32, #tpu.memory_space<vmem>>[vector<16xi32>, vector<16xi32>], vector<16xf32>,
        %add3A_507 = arith.constant 0 : i32
        %add3A_508 = vector.broadcast %add3A_507 : i32 to vector<16xi32>
        %add3A_509 = arith.addi %and3A_13, %add3A_508 : vector<16xi32>
        %add3A_510 = arith.addi %add3A_509, %get3A_502 : vector<16xi32>
        %gather3A_511 = tpu.vector_load_idx %arg11[%add3A_500, %add3A_510] : memref<256x128xf32, #tpu.memory_space<vmem>>[vector<16xi32>, vector<16xi32>], vector<16xf32>,
        %add3A_512 = arith.constant 0 : i32
        %add3A_513 = vector.broadcast %add3A_512 : i32 to vector<16xi32>
        %add3A_514 = arith.addi %and3A_19, %add3A_513 : vector<16xi32>
        %add3A_515 = arith.addi %add3A_514, %get3A_502 : vector<16xi32>
        %gather3A_516 = tpu.vector_load_idx %arg11[%add3A_500, %add3A_515] : memref<256x128xf32, #tpu.memory_space<vmem>>[vector<16xi32>, vector<16xi32>], vector<16xf32>,
        %add3A_517 = arith.constant 0 : i32
        %add3A_518 = vector.broadcast %add3A_517 : i32 to vector<16xi32>
        %add3A_519 = arith.addi %and3A_25, %add3A_518 : vector<16xi32>
        %add3A_520 = arith.addi %add3A_519, %get3A_502 : vector<16xi32>
        %gather3A_521 = tpu.vector_load_idx %arg11[%add3A_500, %add3A_520] : memref<256x128xf32, #tpu.memory_space<vmem>>[vector<16xi32>, vector<16xi32>], vector<16xf32>,
        %add3A_522 = arith.constant 0 : i32
        %add3A_523 = vector.broadcast %add3A_522 : i32 to vector<16xi32>
        %add3A_524 = arith.addi %and3A_31, %add3A_523 : vector<16xi32>
        %add3A_525 = arith.addi %add3A_524, %get3A_502 : vector<16xi32>
        %gather3A_526 = tpu.vector_load_idx %arg11[%add3A_500, %add3A_525] : memref<256x128xf32, #tpu.memory_space<vmem>>[vector<16xi32>, vector<16xi32>], vector<16xf32>,
        %add3A_527 = arith.constant 0 : i32
        %add3A_528 = vector.broadcast %add3A_527 : i32 to vector<16xi32>
        %add3A_529 = arith.addi %and3A_37, %add3A_528 : vector<16xi32>
        %add3A_530 = arith.addi %add3A_529, %get3A_502 : vector<16xi32>
        %gather3A_531 = tpu.vector_load_idx %arg11[%add3A_500, %add3A_530] : memref<256x128xf32, #tpu.memory_space<vmem>>[vector<16xi32>, vector<16xi32>], vector<16xf32>,
        %add3A_532 = arith.constant 0 : i32
        %add3A_533 = vector.broadcast %add3A_532 : i32 to vector<16xi32>
        %add3A_534 = arith.addi %and3A_43, %add3A_533 : vector<16xi32>
        %add3A_535 = arith.addi %add3A_534, %get3A_502 : vector<16xi32>
        %gather3A_536 = tpu.vector_load_idx %arg11[%add3A_500, %add3A_535] : memref<256x128xf32, #tpu.memory_space<vmem>>[vector<16xi32>, vector<16xi32>], vector<16xf32>,
        %add3A_537 = arith.constant 0 : i32
        %add3A_538 = vector.broadcast %add3A_537 : i32 to vector<16xi32>
        %add3A_539 = arith.addi %and3A_49, %add3A_538 : vector<16xi32>
        %add3A_540 = arith.addi %add3A_539, %get3A_502 : vector<16xi32>
        %gather3A_541 = tpu.vector_load_idx %arg11[%add3A_500, %add3A_540] : memref<256x128xf32, #tpu.memory_space<vmem>>[vector<16xi32>, vector<16xi32>], vector<16xf32>,
        %add3A_542 = arith.constant 0 : i32
        %add3A_543 = vector.broadcast %add3A_542 : i32 to vector<16xi32>
        %add3A_544 = arith.addi %and3A_55, %add3A_543 : vector<16xi32>
        %add3A_545 = arith.addi %add3A_544, %get3A_502 : vector<16xi32>
        %gather3A_546 = tpu.vector_load_idx %arg11[%add3A_500, %add3A_545] : memref<256x128xf32, #tpu.memory_space<vmem>>[vector<16xi32>, vector<16xi32>], vector<16xf32>,
        %add3A_547 = arith.constant 0 : i32
        %add3A_548 = vector.broadcast %add3A_547 : i32 to vector<16xi32>
        %add3A_549 = arith.addi %and3A_61, %add3A_548 : vector<16xi32>
        %add3A_550 = arith.addi %add3A_549, %get3A_502 : vector<16xi32>
        %gather3A_551 = tpu.vector_load_idx %arg11[%add3A_500, %add3A_550] : memref<256x128xf32, #tpu.memory_space<vmem>>[vector<16xi32>, vector<16xi32>], vector<16xf32>,
        %add3A_552 = arith.constant 0 : i32
        %add3A_553 = vector.broadcast %add3A_552 : i32 to vector<16xi32>
        %add3A_554 = arith.addi %and3A_67, %add3A_553 : vector<16xi32>
        %add3A_555 = arith.addi %add3A_554, %get3A_502 : vector<16xi32>
        %gather3A_556 = tpu.vector_load_idx %arg11[%add3A_500, %add3A_555] : memref<256x128xf32, #tpu.memory_space<vmem>>[vector<16xi32>, vector<16xi32>], vector<16xf32>,
        %add3A_557 = arith.constant 0 : i32
        %add3A_558 = vector.broadcast %add3A_557 : i32 to vector<16xi32>
        %add3A_559 = arith.addi %and3A_73, %add3A_558 : vector<16xi32>
        %add3A_560 = arith.addi %add3A_559, %get3A_502 : vector<16xi32>
        %gather3A_561 = tpu.vector_load_idx %arg11[%add3A_500, %add3A_560] : memref<256x128xf32, #tpu.memory_space<vmem>>[vector<16xi32>, vector<16xi32>], vector<16xf32>,
        %add3A_562 = arith.constant 0 : i32
        %add3A_563 = vector.broadcast %add3A_562 : i32 to vector<16xi32>
        %add3A_564 = arith.addi %and3A_79, %add3A_563 : vector<16xi32>
        %add3A_565 = arith.addi %add3A_564, %get3A_502 : vector<16xi32>
        %gather3A_566 = tpu.vector_load_idx %arg11[%add3A_500, %add3A_565] : memref<256x128xf32, #tpu.memory_space<vmem>>[vector<16xi32>, vector<16xi32>], vector<16xf32>,
        %add3A_567 = arith.constant 0 : i32
        %add3A_568 = vector.broadcast %add3A_567 : i32 to vector<16xi32>
        %add3A_569 = arith.addi %and3A_85, %add3A_568 : vector<16xi32>
        %add3A_570 = arith.addi %add3A_569, %get3A_502 : vector<16xi32>
        %gather3A_571 = tpu.vector_load_idx %arg11[%add3A_500, %add3A_570] : memref<256x128xf32, #tpu.memory_space<vmem>>[vector<16xi32>, vector<16xi32>], vector<16xf32>,
        %add3A_572 = arith.constant 0 : i32
        %add3A_573 = vector.broadcast %add3A_572 : i32 to vector<16xi32>
        %add3A_574 = arith.addi %and3A_91, %add3A_573 : vector<16xi32>
        %add3A_575 = arith.addi %add3A_574, %get3A_502 : vector<16xi32>
        %gather3A_576 = tpu.vector_load_idx %arg11[%add3A_500, %add3A_575] : memref<256x128xf32, #tpu.memory_space<vmem>>[vector<16xi32>, vector<16xi32>], vector<16xf32>,
        %add3A_577 = arith.constant 0 : i32
        %add3A_578 = vector.broadcast %add3A_577 : i32 to vector<16xi32>
        %add3A_579 = arith.addi %and3A_97, %add3A_578 : vector<16xi32>
        %add3A_580 = arith.addi %add3A_579, %get3A_502 : vector<16xi32>
        %gather3A_581 = tpu.vector_load_idx %arg11[%add3A_500, %add3A_580] : memref<256x128xf32, #tpu.memory_space<vmem>>[vector<16xi32>, vector<16xi32>], vector<16xf32>,
        %add3A_582 = arith.constant 0 : i32
        %add3A_583 = vector.broadcast %add3A_582 : i32 to vector<16xi32>
        %add3A_584 = arith.addi %and3A_7, %add3A_583 : vector<16xi32>
        tpu.vector_store_idx %arg13[%add3A_584, %add3A_500], %gather3A : memref<64x256xf32, #tpu.memory_space<vmem>>[vector<16xi32>, vector<16xi32>], vector<16xf32>,
        %add3A_585 = arith.constant 0 : i32
        %add3A_586 = vector.broadcast %add3A_585 : i32 to vector<16xi32>
        %add3A_587 = arith.addi %and3A_13, %add3A_586 : vector<16xi32>
        tpu.vector_store_idx %arg13[%add3A_587, %add3A_500], %gather3A_511 : memref<64x256xf32, #tpu.memory_space<vmem>>[vector<16xi32>, vector<16xi32>], vector<16xf32>,
        %add3A_588 = arith.constant 0 : i32
        %add3A_589 = vector.broadcast %add3A_588 : i32 to vector<16xi32>
        %add3A_590 = arith.addi %and3A_19, %add3A_589 : vector<16xi32>
        tpu.vector_store_idx %arg13[%add3A_590, %add3A_500], %gather3A_516 : memref<64x256xf32, #tpu.memory_space<vmem>>[vector<16xi32>, vector<16xi32>], vector<16xf32>,
        %add3A_591 = arith.constant 0 : i32
        %add3A_592 = vector.broadcast %add3A_591 : i32 to vector<16xi32>
        %add3A_593 = arith.addi %and3A_25, %add3A_592 : vector<16xi32>
        tpu.vector_store_idx %arg13[%add3A_593, %add3A_500], %gather3A_521 : memref<64x256xf32, #tpu.memory_space<vmem>>[vector<16xi32>, vector<16xi32>], vector<16xf32>,
        %add3A_594 = arith.constant 0 : i32
        %add3A_595 = vector.broadcast %add3A_594 : i32 to vector<16xi32>
        %add3A_596 = arith.addi %and3A_31, %add3A_595 : vector<16xi32>
        tpu.vector_store_idx %arg13[%add3A_596, %add3A_500], %gather3A_526 : memref<64x256xf32, #tpu.memory_space<vmem>>[vector<16xi32>, vector<16xi32>], vector<16xf32>,
        %add3A_597 = arith.constant 0 : i32
        %add3A_598 = vector.broadcast %add3A_597 : i32 to vector<16xi32>
        %add3A_599 = arith.addi %and3A_37, %add3A_598 : vector<16xi32>
        tpu.vector_store_idx %arg13[%add3A_599, %add3A_500], %gather3A_531 : memref<64x256xf32, #tpu.memory_space<vmem>>[vector<16xi32>, vector<16xi32>], vector<16xf32>,
        %add3A_600 = arith.constant 0 : i32
        %add3A_601 = vector.broadcast %add3A_600 : i32 to vector<16xi32>
        %add3A_602 = arith.addi %and3A_43, %add3A_601 : vector<16xi32>
        tpu.vector_store_idx %arg13[%add3A_602, %add3A_500], %gather3A_536 : memref<64x256xf32, #tpu.memory_space<vmem>>[vector<16xi32>, vector<16xi32>], vector<16xf32>,
        %add3A_603 = arith.constant 0 : i32
        %add3A_604 = vector.broadcast %add3A_603 : i32 to vector<16xi32>
        %add3A_605 = arith.addi %and3A_49, %add3A_604 : vector<16xi32>
        tpu.vector_store_idx %arg13[%add3A_605, %add3A_500], %gather3A_541 : memref<64x256xf32, #tpu.memory_space<vmem>>[vector<16xi32>, vector<16xi32>], vector<16xf32>,
        %add3A_606 = arith.constant 0 : i32
        %add3A_607 = vector.broadcast %add3A_606 : i32 to vector<16xi32>
        %add3A_608 = arith.addi %and3A_55, %add3A_607 : vector<16xi32>
        tpu.vector_store_idx %arg13[%add3A_608, %add3A_500], %gather3A_546 : memref<64x256xf32, #tpu.memory_space<vmem>>[vector<16xi32>, vector<16xi32>], vector<16xf32>,
        %add3A_609 = arith.constant 0 : i32
        %add3A_610 = vector.broadcast %add3A_609 : i32 to vector<16xi32>
        %add3A_611 = arith.addi %and3A_61, %add3A_610 : vector<16xi32>
        tpu.vector_store_idx %arg13[%add3A_611, %add3A_500], %gather3A_551 : memref<64x256xf32, #tpu.memory_space<vmem>>[vector<16xi32>, vector<16xi32>], vector<16xf32>,
        %add3A_612 = arith.constant 0 : i32
        %add3A_613 = vector.broadcast %add3A_612 : i32 to vector<16xi32>
        %add3A_614 = arith.addi %and3A_67, %add3A_613 : vector<16xi32>
        tpu.vector_store_idx %arg13[%add3A_614, %add3A_500], %gather3A_556 : memref<64x256xf32, #tpu.memory_space<vmem>>[vector<16xi32>, vector<16xi32>], vector<16xf32>,
        %add3A_615 = arith.constant 0 : i32
        %add3A_616 = vector.broadcast %add3A_615 : i32 to vector<16xi32>
        %add3A_617 = arith.addi %and3A_73, %add3A_616 : vector<16xi32>
        tpu.vector_store_idx %arg13[%add3A_617, %add3A_500], %gather3A_561 : memref<64x256xf32, #tpu.memory_space<vmem>>[vector<16xi32>, vector<16xi32>], vector<16xf32>,
        %add3A_618 = arith.constant 0 : i32
        %add3A_619 = vector.broadcast %add3A_618 : i32 to vector<16xi32>
        %add3A_620 = arith.addi %and3A_79, %add3A_619 : vector<16xi32>
        tpu.vector_store_idx %arg13[%add3A_620, %add3A_500], %gather3A_566 : memref<64x256xf32, #tpu.memory_space<vmem>>[vector<16xi32>, vector<16xi32>], vector<16xf32>,
        %add3A_621 = arith.constant 0 : i32
        %add3A_622 = vector.broadcast %add3A_621 : i32 to vector<16xi32>
        %add3A_623 = arith.addi %and3A_85, %add3A_622 : vector<16xi32>
        tpu.vector_store_idx %arg13[%add3A_623, %add3A_500], %gather3A_571 : memref<64x256xf32, #tpu.memory_space<vmem>>[vector<16xi32>, vector<16xi32>], vector<16xf32>,
        %add3A_624 = arith.constant 0 : i32
        %add3A_625 = vector.broadcast %add3A_624 : i32 to vector<16xi32>
        %add3A_626 = arith.addi %and3A_91, %add3A_625 : vector<16xi32>
        tpu.vector_store_idx %arg13[%add3A_626, %add3A_500], %gather3A_576 : memref<64x256xf32, #tpu.memory_space<vmem>>[vector<16xi32>, vector<16xi32>], vector<16xf32>,
        %add3A_627 = arith.constant 0 : i32
        %add3A_628 = vector.broadcast %add3A_627 : i32 to vector<16xi32>
        %add3A_629 = arith.addi %and3A_97, %add3A_628 : vector<16xi32>
        tpu.vector_store_idx %arg13[%add3A_629, %add3A_500], %gather3A_581 : memref<64x256xf32, #tpu.memory_space<vmem>>[vector<16xi32>, vector<16xi32>], vector<16xf32>,
        %add3A_630 = arith.constant 16 : i32
        %add3A_631 = vector.broadcast %add3A_630 : i32 to vector<16xi32>
        %add3A_632 = arith.addi %and3A_7, %add3A_631 : vector<16xi32>
        %add3A_633 = arith.addi %add3A_632, %get3A_502 : vector<16xi32>
        %gather3A_634 = tpu.vector_load_idx %arg11[%add3A_500, %add3A_633] : memref<256x128xf32, #tpu.memory_space<vmem>>[vector<16xi32>, vector<16xi32>], vector<16xf32>,
        %add3A_635 = arith.constant 16 : i32
        %add3A_636 = vector.broadcast %add3A_635 : i32 to vector<16xi32>
        %add3A_637 = arith.addi %and3A_13, %add3A_636 : vector<16xi32>
        %add3A_638 = arith.addi %add3A_637, %get3A_502 : vector<16xi32>
        %gather3A_639 = tpu.vector_load_idx %arg11[%add3A_500, %add3A_638] : memref<256x128xf32, #tpu.memory_space<vmem>>[vector<16xi32>, vector<16xi32>], vector<16xf32>,
        %add3A_640 = arith.constant 16 : i32
        %add3A_641 = vector.broadcast %add3A_640 : i32 to vector<16xi32>
        %add3A_642 = arith.addi %and3A_19, %add3A_641 : vector<16xi32>
        %add3A_643 = arith.addi %add3A_642, %get3A_502 : vector<16xi32>
        %gather3A_644 = tpu.vector_load_idx %arg11[%add3A_500, %add3A_643] : memref<256x128xf32, #tpu.memory_space<vmem>>[vector<16xi32>, vector<16xi32>], vector<16xf32>,
        %add3A_645 = arith.constant 16 : i32
        %add3A_646 = vector.broadcast %add3A_645 : i32 to vector<16xi32>
        %add3A_647 = arith.addi %and3A_25, %add3A_646 : vector<16xi32>
        %add3A_648 = arith.addi %add3A_647, %get3A_502 : vector<16xi32>
        %gather3A_649 = tpu.vector_load_idx %arg11[%add3A_500, %add3A_648] : memref<256x128xf32, #tpu.memory_space<vmem>>[vector<16xi32>, vector<16xi32>], vector<16xf32>,
        %add3A_650 = arith.constant 16 : i32
        %add3A_651 = vector.broadcast %add3A_650 : i32 to vector<16xi32>
        %add3A_652 = arith.addi %and3A_31, %add3A_651 : vector<16xi32>
        %add3A_653 = arith.addi %add3A_652, %get3A_502 : vector<16xi32>
        %gather3A_654 = tpu.vector_load_idx %arg11[%add3A_500, %add3A_653] : memref<256x128xf32, #tpu.memory_space<vmem>>[vector<16xi32>, vector<16xi32>], vector<16xf32>,
        %add3A_655 = arith.constant 16 : i32
        %add3A_656 = vector.broadcast %add3A_655 : i32 to vector<16xi32>
        %add3A_657 = arith.addi %and3A_37, %add3A_656 : vector<16xi32>
        %add3A_658 = arith.addi %add3A_657, %get3A_502 : vector<16xi32>
        %gather3A_659 = tpu.vector_load_idx %arg11[%add3A_500, %add3A_658] : memref<256x128xf32, #tpu.memory_space<vmem>>[vector<16xi32>, vector<16xi32>], vector<16xf32>,
        %add3A_660 = arith.constant 16 : i32
        %add3A_661 = vector.broadcast %add3A_660 : i32 to vector<16xi32>
        %add3A_662 = arith.addi %and3A_43, %add3A_661 : vector<16xi32>
        %add3A_663 = arith.addi %add3A_662, %get3A_502 : vector<16xi32>
        %gather3A_664 = tpu.vector_load_idx %arg11[%add3A_500, %add3A_663] : memref<256x128xf32, #tpu.memory_space<vmem>>[vector<16xi32>, vector<16xi32>], vector<16xf32>,
        %add3A_665 = arith.constant 16 : i32
        %add3A_666 = vector.broadcast %add3A_665 : i32 to vector<16xi32>
        %add3A_667 = arith.addi %and3A_49, %add3A_666 : vector<16xi32>
        %add3A_668 = arith.addi %add3A_667, %get3A_502 : vector<16xi32>
        %gather3A_669 = tpu.vector_load_idx %arg11[%add3A_500, %add3A_668] : memref<256x128xf32, #tpu.memory_space<vmem>>[vector<16xi32>, vector<16xi32>], vector<16xf32>,
        %add3A_670 = arith.constant 16 : i32
        %add3A_671 = vector.broadcast %add3A_670 : i32 to vector<16xi32>
        %add3A_672 = arith.addi %and3A_55, %add3A_671 : vector<16xi32>
        %add3A_673 = arith.addi %add3A_672, %get3A_502 : vector<16xi32>
        %gather3A_674 = tpu.vector_load_idx %arg11[%add3A_500, %add3A_673] : memref<256x128xf32, #tpu.memory_space<vmem>>[vector<16xi32>, vector<16xi32>], vector<16xf32>,
        %add3A_675 = arith.constant 16 : i32
        %add3A_676 = vector.broadcast %add3A_675 : i32 to vector<16xi32>
        %add3A_677 = arith.addi %and3A_61, %add3A_676 : vector<16xi32>
        %add3A_678 = arith.addi %add3A_677, %get3A_502 : vector<16xi32>
        %gather3A_679 = tpu.vector_load_idx %arg11[%add3A_500, %add3A_678] : memref<256x128xf32, #tpu.memory_space<vmem>>[vector<16xi32>, vector<16xi32>], vector<16xf32>,
        %add3A_680 = arith.constant 16 : i32
        %add3A_681 = vector.broadcast %add3A_680 : i32 to vector<16xi32>
        %add3A_682 = arith.addi %and3A_67, %add3A_681 : vector<16xi32>
        %add3A_683 = arith.addi %add3A_682, %get3A_502 : vector<16xi32>
        %gather3A_684 = tpu.vector_load_idx %arg11[%add3A_500, %add3A_683] : memref<256x128xf32, #tpu.memory_space<vmem>>[vector<16xi32>, vector<16xi32>], vector<16xf32>,
        %add3A_685 = arith.constant 16 : i32
        %add3A_686 = vector.broadcast %add3A_685 : i32 to vector<16xi32>
        %add3A_687 = arith.addi %and3A_73, %add3A_686 : vector<16xi32>
        %add3A_688 = arith.addi %add3A_687, %get3A_502 : vector<16xi32>
        %gather3A_689 = tpu.vector_load_idx %arg11[%add3A_500, %add3A_688] : memref<256x128xf32, #tpu.memory_space<vmem>>[vector<16xi32>, vector<16xi32>], vector<16xf32>,
        %add3A_690 = arith.constant 16 : i32
        %add3A_691 = vector.broadcast %add3A_690 : i32 to vector<16xi32>
        %add3A_692 = arith.addi %and3A_79, %add3A_691 : vector<16xi32>
        %add3A_693 = arith.addi %add3A_692, %get3A_502 : vector<16xi32>
        %gather3A_694 = tpu.vector_load_idx %arg11[%add3A_500, %add3A_693] : memref<256x128xf32, #tpu.memory_space<vmem>>[vector<16xi32>, vector<16xi32>], vector<16xf32>,
        %add3A_695 = arith.constant 16 : i32
        %add3A_696 = vector.broadcast %add3A_695 : i32 to vector<16xi32>
        %add3A_697 = arith.addi %and3A_85, %add3A_696 : vector<16xi32>
        %add3A_698 = arith.addi %add3A_697, %get3A_502 : vector<16xi32>
        %gather3A_699 = tpu.vector_load_idx %arg11[%add3A_500, %add3A_698] : memref<256x128xf32, #tpu.memory_space<vmem>>[vector<16xi32>, vector<16xi32>], vector<16xf32>,
        %add3A_700 = arith.constant 16 : i32
        %add3A_701 = vector.broadcast %add3A_700 : i32 to vector<16xi32>
        %add3A_702 = arith.addi %and3A_91, %add3A_701 : vector<16xi32>
        %add3A_703 = arith.addi %add3A_702, %get3A_502 : vector<16xi32>
        %gather3A_704 = tpu.vector_load_idx %arg11[%add3A_500, %add3A_703] : memref<256x128xf32, #tpu.memory_space<vmem>>[vector<16xi32>, vector<16xi32>], vector<16xf32>,
        %add3A_705 = arith.constant 16 : i32
        %add3A_706 = vector.broadcast %add3A_705 : i32 to vector<16xi32>
        %add3A_707 = arith.addi %and3A_97, %add3A_706 : vector<16xi32>
        %add3A_708 = arith.addi %add3A_707, %get3A_502 : vector<16xi32>
        %gather3A_709 = tpu.vector_load_idx %arg11[%add3A_500, %add3A_708] : memref<256x128xf32, #tpu.memory_space<vmem>>[vector<16xi32>, vector<16xi32>], vector<16xf32>,
        %add3A_710 = arith.constant 16 : i32
        %add3A_711 = vector.broadcast %add3A_710 : i32 to vector<16xi32>
        %add3A_712 = arith.addi %and3A_7, %add3A_711 : vector<16xi32>
        tpu.vector_store_idx %arg13[%add3A_712, %add3A_500], %gather3A_634 : memref<64x256xf32, #tpu.memory_space<vmem>>[vector<16xi32>, vector<16xi32>], vector<16xf32>,
        %add3A_713 = arith.constant 16 : i32
        %add3A_714 = vector.broadcast %add3A_713 : i32 to vector<16xi32>
        %add3A_715 = arith.addi %and3A_13, %add3A_714 : vector<16xi32>
        tpu.vector_store_idx %arg13[%add3A_715, %add3A_500], %gather3A_639 : memref<64x256xf32, #tpu.memory_space<vmem>>[vector<16xi32>, vector<16xi32>], vector<16xf32>,
        %add3A_716 = arith.constant 16 : i32
        %add3A_717 = vector.broadcast %add3A_716 : i32 to vector<16xi32>
        %add3A_718 = arith.addi %and3A_19, %add3A_717 : vector<16xi32>
        tpu.vector_store_idx %arg13[%add3A_718, %add3A_500], %gather3A_644 : memref<64x256xf32, #tpu.memory_space<vmem>>[vector<16xi32>, vector<16xi32>], vector<16xf32>,
        %add3A_719 = arith.constant 16 : i32
        %add3A_720 = vector.broadcast %add3A_719 : i32 to vector<16xi32>
        %add3A_721 = arith.addi %and3A_25, %add3A_720 : vector<16xi32>
        tpu.vector_store_idx %arg13[%add3A_721, %add3A_500], %gather3A_649 : memref<64x256xf32, #tpu.memory_space<vmem>>[vector<16xi32>, vector<16xi32>], vector<16xf32>,
        %add3A_722 = arith.constant 16 : i32
        %add3A_723 = vector.broadcast %add3A_722 : i32 to vector<16xi32>
        %add3A_724 = arith.addi %and3A_31, %add3A_723 : vector<16xi32>
        tpu.vector_store_idx %arg13[%add3A_724, %add3A_500], %gather3A_654 : memref<64x256xf32, #tpu.memory_space<vmem>>[vector<16xi32>, vector<16xi32>], vector<16xf32>,
        %add3A_725 = arith.constant 16 : i32
        %add3A_726 = vector.broadcast %add3A_725 : i32 to vector<16xi32>
        %add3A_727 = arith.addi %and3A_37, %add3A_726 : vector<16xi32>
        tpu.vector_store_idx %arg13[%add3A_727, %add3A_500], %gather3A_659 : memref<64x256xf32, #tpu.memory_space<vmem>>[vector<16xi32>, vector<16xi32>], vector<16xf32>,
        %add3A_728 = arith.constant 16 : i32
        %add3A_729 = vector.broadcast %add3A_728 : i32 to vector<16xi32>
        %add3A_730 = arith.addi %and3A_43, %add3A_729 : vector<16xi32>
        tpu.vector_store_idx %arg13[%add3A_730, %add3A_500], %gather3A_664 : memref<64x256xf32, #tpu.memory_space<vmem>>[vector<16xi32>, vector<16xi32>], vector<16xf32>,
        %add3A_731 = arith.constant 16 : i32
        %add3A_732 = vector.broadcast %add3A_731 : i32 to vector<16xi32>
        %add3A_733 = arith.addi %and3A_49, %add3A_732 : vector<16xi32>
        tpu.vector_store_idx %arg13[%add3A_733, %add3A_500], %gather3A_669 : memref<64x256xf32, #tpu.memory_space<vmem>>[vector<16xi32>, vector<16xi32>], vector<16xf32>,
        %add3A_734 = arith.constant 16 : i32
        %add3A_735 = vector.broadcast %add3A_734 : i32 to vector<16xi32>
        %add3A_736 = arith.addi %and3A_55, %add3A_735 : vector<16xi32>
        tpu.vector_store_idx %arg13[%add3A_736, %add3A_500], %gather3A_674 : memref<64x256xf32, #tpu.memory_space<vmem>>[vector<16xi32>, vector<16xi32>], vector<16xf32>,
        %add3A_737 = arith.constant 16 : i32
        %add3A_738 = vector.broadcast %add3A_737 : i32 to vector<16xi32>
        %add3A_739 = arith.addi %and3A_61, %add3A_738 : vector<16xi32>
        tpu.vector_store_idx %arg13[%add3A_739, %add3A_500], %gather3A_679 : memref<64x256xf32, #tpu.memory_space<vmem>>[vector<16xi32>, vector<16xi32>], vector<16xf32>,
        %add3A_740 = arith.constant 16 : i32
        %add3A_741 = vector.broadcast %add3A_740 : i32 to vector<16xi32>
        %add3A_742 = arith.addi %and3A_67, %add3A_741 : vector<16xi32>
        tpu.vector_store_idx %arg13[%add3A_742, %add3A_500], %gather3A_684 : memref<64x256xf32, #tpu.memory_space<vmem>>[vector<16xi32>, vector<16xi32>], vector<16xf32>,
        %add3A_743 = arith.constant 16 : i32
        %add3A_744 = vector.broadcast %add3A_743 : i32 to vector<16xi32>
        %add3A_745 = arith.addi %and3A_73, %add3A_744 : vector<16xi32>
        tpu.vector_store_idx %arg13[%add3A_745, %add3A_500], %gather3A_689 : memref<64x256xf32, #tpu.memory_space<vmem>>[vector<16xi32>, vector<16xi32>], vector<16xf32>,
        %add3A_746 = arith.constant 16 : i32
        %add3A_747 = vector.broadcast %add3A_746 : i32 to vector<16xi32>
        %add3A_748 = arith.addi %and3A_79, %add3A_747 : vector<16xi32>
        tpu.vector_store_idx %arg13[%add3A_748, %add3A_500], %gather3A_694 : memref<64x256xf32, #tpu.memory_space<vmem>>[vector<16xi32>, vector<16xi32>], vector<16xf32>,
        %add3A_749 = arith.constant 16 : i32
        %add3A_750 = vector.broadcast %add3A_749 : i32 to vector<16xi32>
        %add3A_751 = arith.addi %and3A_85, %add3A_750 : vector<16xi32>
        tpu.vector_store_idx %arg13[%add3A_751, %add3A_500], %gather3A_699 : memref<64x256xf32, #tpu.memory_space<vmem>>[vector<16xi32>, vector<16xi32>], vector<16xf32>,
        %add3A_752 = arith.constant 16 : i32
        %add3A_753 = vector.broadcast %add3A_752 : i32 to vector<16xi32>
        %add3A_754 = arith.addi %and3A_91, %add3A_753 : vector<16xi32>
        tpu.vector_store_idx %arg13[%add3A_754, %add3A_500], %gather3A_704 : memref<64x256xf32, #tpu.memory_space<vmem>>[vector<16xi32>, vector<16xi32>], vector<16xf32>,
        %add3A_755 = arith.constant 16 : i32
        %add3A_756 = vector.broadcast %add3A_755 : i32 to vector<16xi32>
        %add3A_757 = arith.addi %and3A_97, %add3A_756 : vector<16xi32>
        tpu.vector_store_idx %arg13[%add3A_757, %add3A_500], %gather3A_709 : memref<64x256xf32, #tpu.memory_space<vmem>>[vector<16xi32>, vector<16xi32>], vector<16xf32>,
        %add3A_758 = arith.constant 32 : i32
        %add3A_759 = vector.broadcast %add3A_758 : i32 to vector<16xi32>
        %add3A_760 = arith.addi %and3A_7, %add3A_759 : vector<16xi32>
        %add3A_761 = arith.addi %add3A_760, %get3A_502 : vector<16xi32>
        %gather3A_762 = tpu.vector_load_idx %arg11[%add3A_500, %add3A_761] : memref<256x128xf32, #tpu.memory_space<vmem>>[vector<16xi32>, vector<16xi32>], vector<16xf32>,
        %add3A_763 = arith.constant 32 : i32
        %add3A_764 = vector.broadcast %add3A_763 : i32 to vector<16xi32>
        %add3A_765 = arith.addi %and3A_13, %add3A_764 : vector<16xi32>
        %add3A_766 = arith.addi %add3A_765, %get3A_502 : vector<16xi32>
        %gather3A_767 = tpu.vector_load_idx %arg11[%add3A_500, %add3A_766] : memref<256x128xf32, #tpu.memory_space<vmem>>[vector<16xi32>, vector<16xi32>], vector<16xf32>,
        %add3A_768 = arith.constant 32 : i32
        %add3A_769 = vector.broadcast %add3A_768 : i32 to vector<16xi32>
        %add3A_770 = arith.addi %and3A_19, %add3A_769 : vector<16xi32>
        %add3A_771 = arith.addi %add3A_770, %get3A_502 : vector<16xi32>
        %gather3A_772 = tpu.vector_load_idx %arg11[%add3A_500, %add3A_771] : memref<256x128xf32, #tpu.memory_space<vmem>>[vector<16xi32>, vector<16xi32>], vector<16xf32>,
        %add3A_773 = arith.constant 32 : i32
        %add3A_774 = vector.broadcast %add3A_773 : i32 to vector<16xi32>
        %add3A_775 = arith.addi %and3A_25, %add3A_774 : vector<16xi32>
        %add3A_776 = arith.addi %add3A_775, %get3A_502 : vector<16xi32>
        %gather3A_777 = tpu.vector_load_idx %arg11[%add3A_500, %add3A_776] : memref<256x128xf32, #tpu.memory_space<vmem>>[vector<16xi32>, vector<16xi32>], vector<16xf32>,
        %add3A_778 = arith.constant 32 : i32
        %add3A_779 = vector.broadcast %add3A_778 : i32 to vector<16xi32>
        %add3A_780 = arith.addi %and3A_31, %add3A_779 : vector<16xi32>
        %add3A_781 = arith.addi %add3A_780, %get3A_502 : vector<16xi32>
        %gather3A_782 = tpu.vector_load_idx %arg11[%add3A_500, %add3A_781] : memref<256x128xf32, #tpu.memory_space<vmem>>[vector<16xi32>, vector<16xi32>], vector<16xf32>,
        %add3A_783 = arith.constant 32 : i32
        %add3A_784 = vector.broadcast %add3A_783 : i32 to vector<16xi32>
        %add3A_785 = arith.addi %and3A_37, %add3A_784 : vector<16xi32>
        %add3A_786 = arith.addi %add3A_785, %get3A_502 : vector<16xi32>
        %gather3A_787 = tpu.vector_load_idx %arg11[%add3A_500, %add3A_786] : memref<256x128xf32, #tpu.memory_space<vmem>>[vector<16xi32>, vector<16xi32>], vector<16xf32>,
        %add3A_788 = arith.constant 32 : i32
        %add3A_789 = vector.broadcast %add3A_788 : i32 to vector<16xi32>
        %add3A_790 = arith.addi %and3A_43, %add3A_789 : vector<16xi32>
        %add3A_791 = arith.addi %add3A_790, %get3A_502 : vector<16xi32>
        %gather3A_792 = tpu.vector_load_idx %arg11[%add3A_500, %add3A_791] : memref<256x128xf32, #tpu.memory_space<vmem>>[vector<16xi32>, vector<16xi32>], vector<16xf32>,
        %add3A_793 = arith.constant 32 : i32
        %add3A_794 = vector.broadcast %add3A_793 : i32 to vector<16xi32>
        %add3A_795 = arith.addi %and3A_49, %add3A_794 : vector<16xi32>
        %add3A_796 = arith.addi %add3A_795, %get3A_502 : vector<16xi32>
        %gather3A_797 = tpu.vector_load_idx %arg11[%add3A_500, %add3A_796] : memref<256x128xf32, #tpu.memory_space<vmem>>[vector<16xi32>, vector<16xi32>], vector<16xf32>,
        %add3A_798 = arith.constant 32 : i32
        %add3A_799 = vector.broadcast %add3A_798 : i32 to vector<16xi32>
        %add3A_800 = arith.addi %and3A_55, %add3A_799 : vector<16xi32>
        %add3A_801 = arith.addi %add3A_800, %get3A_502 : vector<16xi32>
        %gather3A_802 = tpu.vector_load_idx %arg11[%add3A_500, %add3A_801] : memref<256x128xf32, #tpu.memory_space<vmem>>[vector<16xi32>, vector<16xi32>], vector<16xf32>,
        %add3A_803 = arith.constant 32 : i32
        %add3A_804 = vector.broadcast %add3A_803 : i32 to vector<16xi32>
        %add3A_805 = arith.addi %and3A_61, %add3A_804 : vector<16xi32>
        %add3A_806 = arith.addi %add3A_805, %get3A_502 : vector<16xi32>
        %gather3A_807 = tpu.vector_load_idx %arg11[%add3A_500, %add3A_806] : memref<256x128xf32, #tpu.memory_space<vmem>>[vector<16xi32>, vector<16xi32>], vector<16xf32>,
        %add3A_808 = arith.constant 32 : i32
        %add3A_809 = vector.broadcast %add3A_808 : i32 to vector<16xi32>
        %add3A_810 = arith.addi %and3A_67, %add3A_809 : vector<16xi32>
        %add3A_811 = arith.addi %add3A_810, %get3A_502 : vector<16xi32>
        %gather3A_812 = tpu.vector_load_idx %arg11[%add3A_500, %add3A_811] : memref<256x128xf32, #tpu.memory_space<vmem>>[vector<16xi32>, vector<16xi32>], vector<16xf32>,
        %add3A_813 = arith.constant 32 : i32
        %add3A_814 = vector.broadcast %add3A_813 : i32 to vector<16xi32>
        %add3A_815 = arith.addi %and3A_73, %add3A_814 : vector<16xi32>
        %add3A_816 = arith.addi %add3A_815, %get3A_502 : vector<16xi32>
        %gather3A_817 = tpu.vector_load_idx %arg11[%add3A_500, %add3A_816] : memref<256x128xf32, #tpu.memory_space<vmem>>[vector<16xi32>, vector<16xi32>], vector<16xf32>,
        %add3A_818 = arith.constant 32 : i32
        %add3A_819 = vector.broadcast %add3A_818 : i32 to vector<16xi32>
        %add3A_820 = arith.addi %and3A_79, %add3A_819 : vector<16xi32>
        %add3A_821 = arith.addi %add3A_820, %get3A_502 : vector<16xi32>
        %gather3A_822 = tpu.vector_load_idx %arg11[%add3A_500, %add3A_821] : memref<256x128xf32, #tpu.memory_space<vmem>>[vector<16xi32>, vector<16xi32>], vector<16xf32>,
        %add3A_823 = arith.constant 32 : i32
        %add3A_824 = vector.broadcast %add3A_823 : i32 to vector<16xi32>
        %add3A_825 = arith.addi %and3A_85, %add3A_824 : vector<16xi32>
        %add3A_826 = arith.addi %add3A_825, %get3A_502 : vector<16xi32>
        %gather3A_827 = tpu.vector_load_idx %arg11[%add3A_500, %add3A_826] : memref<256x128xf32, #tpu.memory_space<vmem>>[vector<16xi32>, vector<16xi32>], vector<16xf32>,
        %add3A_828 = arith.constant 32 : i32
        %add3A_829 = vector.broadcast %add3A_828 : i32 to vector<16xi32>
        %add3A_830 = arith.addi %and3A_91, %add3A_829 : vector<16xi32>
        %add3A_831 = arith.addi %add3A_830, %get3A_502 : vector<16xi32>
        %gather3A_832 = tpu.vector_load_idx %arg11[%add3A_500, %add3A_831] : memref<256x128xf32, #tpu.memory_space<vmem>>[vector<16xi32>, vector<16xi32>], vector<16xf32>,
        %add3A_833 = arith.constant 32 : i32
        %add3A_834 = vector.broadcast %add3A_833 : i32 to vector<16xi32>
        %add3A_835 = arith.addi %and3A_97, %add3A_834 : vector<16xi32>
        %add3A_836 = arith.addi %add3A_835, %get3A_502 : vector<16xi32>
        %gather3A_837 = tpu.vector_load_idx %arg11[%add3A_500, %add3A_836] : memref<256x128xf32, #tpu.memory_space<vmem>>[vector<16xi32>, vector<16xi32>], vector<16xf32>,
        %add3A_838 = arith.constant 32 : i32
        %add3A_839 = vector.broadcast %add3A_838 : i32 to vector<16xi32>
        %add3A_840 = arith.addi %and3A_7, %add3A_839 : vector<16xi32>
        tpu.vector_store_idx %arg13[%add3A_840, %add3A_500], %gather3A_762 : memref<64x256xf32, #tpu.memory_space<vmem>>[vector<16xi32>, vector<16xi32>], vector<16xf32>,
        %add3A_841 = arith.constant 32 : i32
        %add3A_842 = vector.broadcast %add3A_841 : i32 to vector<16xi32>
        %add3A_843 = arith.addi %and3A_13, %add3A_842 : vector<16xi32>
        tpu.vector_store_idx %arg13[%add3A_843, %add3A_500], %gather3A_767 : memref<64x256xf32, #tpu.memory_space<vmem>>[vector<16xi32>, vector<16xi32>], vector<16xf32>,
        %add3A_844 = arith.constant 32 : i32
        %add3A_845 = vector.broadcast %add3A_844 : i32 to vector<16xi32>
        %add3A_846 = arith.addi %and3A_19, %add3A_845 : vector<16xi32>
        tpu.vector_store_idx %arg13[%add3A_846, %add3A_500], %gather3A_772 : memref<64x256xf32, #tpu.memory_space<vmem>>[vector<16xi32>, vector<16xi32>], vector<16xf32>,
        %add3A_847 = arith.constant 32 : i32
        %add3A_848 = vector.broadcast %add3A_847 : i32 to vector<16xi32>
        %add3A_849 = arith.addi %and3A_25, %add3A_848 : vector<16xi32>
        tpu.vector_store_idx %arg13[%add3A_849, %add3A_500], %gather3A_777 : memref<64x256xf32, #tpu.memory_space<vmem>>[vector<16xi32>, vector<16xi32>], vector<16xf32>,
        %add3A_850 = arith.constant 32 : i32
        %add3A_851 = vector.broadcast %add3A_850 : i32 to vector<16xi32>
        %add3A_852 = arith.addi %and3A_31, %add3A_851 : vector<16xi32>
        tpu.vector_store_idx %arg13[%add3A_852, %add3A_500], %gather3A_782 : memref<64x256xf32, #tpu.memory_space<vmem>>[vector<16xi32>, vector<16xi32>], vector<16xf32>,
        %add3A_853 = arith.constant 32 : i32
        %add3A_854 = vector.broadcast %add3A_853 : i32 to vector<16xi32>
        %add3A_855 = arith.addi %and3A_37, %add3A_854 : vector<16xi32>
        tpu.vector_store_idx %arg13[%add3A_855, %add3A_500], %gather3A_787 : memref<64x256xf32, #tpu.memory_space<vmem>>[vector<16xi32>, vector<16xi32>], vector<16xf32>,
        %add3A_856 = arith.constant 32 : i32
        %add3A_857 = vector.broadcast %add3A_856 : i32 to vector<16xi32>
        %add3A_858 = arith.addi %and3A_43, %add3A_857 : vector<16xi32>
        tpu.vector_store_idx %arg13[%add3A_858, %add3A_500], %gather3A_792 : memref<64x256xf32, #tpu.memory_space<vmem>>[vector<16xi32>, vector<16xi32>], vector<16xf32>,
        %add3A_859 = arith.constant 32 : i32
        %add3A_860 = vector.broadcast %add3A_859 : i32 to vector<16xi32>
        %add3A_861 = arith.addi %and3A_49, %add3A_860 : vector<16xi32>
        tpu.vector_store_idx %arg13[%add3A_861, %add3A_500], %gather3A_797 : memref<64x256xf32, #tpu.memory_space<vmem>>[vector<16xi32>, vector<16xi32>], vector<16xf32>,
        %add3A_862 = arith.constant 32 : i32
        %add3A_863 = vector.broadcast %add3A_862 : i32 to vector<16xi32>
        %add3A_864 = arith.addi %and3A_55, %add3A_863 : vector<16xi32>
        tpu.vector_store_idx %arg13[%add3A_864, %add3A_500], %gather3A_802 : memref<64x256xf32, #tpu.memory_space<vmem>>[vector<16xi32>, vector<16xi32>], vector<16xf32>,
        %add3A_865 = arith.constant 32 : i32
        %add3A_866 = vector.broadcast %add3A_865 : i32 to vector<16xi32>
        %add3A_867 = arith.addi %and3A_61, %add3A_866 : vector<16xi32>
        tpu.vector_store_idx %arg13[%add3A_867, %add3A_500], %gather3A_807 : memref<64x256xf32, #tpu.memory_space<vmem>>[vector<16xi32>, vector<16xi32>], vector<16xf32>,
        %add3A_868 = arith.constant 32 : i32
        %add3A_869 = vector.broadcast %add3A_868 : i32 to vector<16xi32>
        %add3A_870 = arith.addi %and3A_67, %add3A_869 : vector<16xi32>
        tpu.vector_store_idx %arg13[%add3A_870, %add3A_500], %gather3A_812 : memref<64x256xf32, #tpu.memory_space<vmem>>[vector<16xi32>, vector<16xi32>], vector<16xf32>,
        %add3A_871 = arith.constant 32 : i32
        %add3A_872 = vector.broadcast %add3A_871 : i32 to vector<16xi32>
        %add3A_873 = arith.addi %and3A_73, %add3A_872 : vector<16xi32>
        tpu.vector_store_idx %arg13[%add3A_873, %add3A_500], %gather3A_817 : memref<64x256xf32, #tpu.memory_space<vmem>>[vector<16xi32>, vector<16xi32>], vector<16xf32>,
        %add3A_874 = arith.constant 32 : i32
        %add3A_875 = vector.broadcast %add3A_874 : i32 to vector<16xi32>
        %add3A_876 = arith.addi %and3A_79, %add3A_875 : vector<16xi32>
        tpu.vector_store_idx %arg13[%add3A_876, %add3A_500], %gather3A_822 : memref<64x256xf32, #tpu.memory_space<vmem>>[vector<16xi32>, vector<16xi32>], vector<16xf32>,
        %add3A_877 = arith.constant 32 : i32
        %add3A_878 = vector.broadcast %add3A_877 : i32 to vector<16xi32>
        %add3A_879 = arith.addi %and3A_85, %add3A_878 : vector<16xi32>
        tpu.vector_store_idx %arg13[%add3A_879, %add3A_500], %gather3A_827 : memref<64x256xf32, #tpu.memory_space<vmem>>[vector<16xi32>, vector<16xi32>], vector<16xf32>,
        %add3A_880 = arith.constant 32 : i32
        %add3A_881 = vector.broadcast %add3A_880 : i32 to vector<16xi32>
        %add3A_882 = arith.addi %and3A_91, %add3A_881 : vector<16xi32>
        tpu.vector_store_idx %arg13[%add3A_882, %add3A_500], %gather3A_832 : memref<64x256xf32, #tpu.memory_space<vmem>>[vector<16xi32>, vector<16xi32>], vector<16xf32>,
        %add3A_883 = arith.constant 32 : i32
        %add3A_884 = vector.broadcast %add3A_883 : i32 to vector<16xi32>
        %add3A_885 = arith.addi %and3A_97, %add3A_884 : vector<16xi32>
        tpu.vector_store_idx %arg13[%add3A_885, %add3A_500], %gather3A_837 : memref<64x256xf32, #tpu.memory_space<vmem>>[vector<16xi32>, vector<16xi32>], vector<16xf32>,
        %add3A_886 = arith.constant 48 : i32
        %add3A_887 = vector.broadcast %add3A_886 : i32 to vector<16xi32>
        %add3A_888 = arith.addi %and3A_7, %add3A_887 : vector<16xi32>
        %add3A_889 = arith.addi %add3A_888, %get3A_502 : vector<16xi32>
        %gather3A_890 = tpu.vector_load_idx %arg11[%add3A_500, %add3A_889] : memref<256x128xf32, #tpu.memory_space<vmem>>[vector<16xi32>, vector<16xi32>], vector<16xf32>,
        %add3A_891 = arith.constant 48 : i32
        %add3A_892 = vector.broadcast %add3A_891 : i32 to vector<16xi32>
        %add3A_893 = arith.addi %and3A_13, %add3A_892 : vector<16xi32>
        %add3A_894 = arith.addi %add3A_893, %get3A_502 : vector<16xi32>
        %gather3A_895 = tpu.vector_load_idx %arg11[%add3A_500, %add3A_894] : memref<256x128xf32, #tpu.memory_space<vmem>>[vector<16xi32>, vector<16xi32>], vector<16xf32>,
        %add3A_896 = arith.constant 48 : i32
        %add3A_897 = vector.broadcast %add3A_896 : i32 to vector<16xi32>
        %add3A_898 = arith.addi %and3A_19, %add3A_897 : vector<16xi32>
        %add3A_899 = arith.addi %add3A_898, %get3A_502 : vector<16xi32>
        %gather3A_900 = tpu.vector_load_idx %arg11[%add3A_500, %add3A_899] : memref<256x128xf32, #tpu.memory_space<vmem>>[vector<16xi32>, vector<16xi32>], vector<16xf32>,
        %add3A_901 = arith.constant 48 : i32
        %add3A_902 = vector.broadcast %add3A_901 : i32 to vector<16xi32>
        %add3A_903 = arith.addi %and3A_25, %add3A_902 : vector<16xi32>
        %add3A_904 = arith.addi %add3A_903, %get3A_502 : vector<16xi32>
        %gather3A_905 = tpu.vector_load_idx %arg11[%add3A_500, %add3A_904] : memref<256x128xf32, #tpu.memory_space<vmem>>[vector<16xi32>, vector<16xi32>], vector<16xf32>,
        %add3A_906 = arith.constant 48 : i32
        %add3A_907 = vector.broadcast %add3A_906 : i32 to vector<16xi32>
        %add3A_908 = arith.addi %and3A_31, %add3A_907 : vector<16xi32>
        %add3A_909 = arith.addi %add3A_908, %get3A_502 : vector<16xi32>
        %gather3A_910 = tpu.vector_load_idx %arg11[%add3A_500, %add3A_909] : memref<256x128xf32, #tpu.memory_space<vmem>>[vector<16xi32>, vector<16xi32>], vector<16xf32>,
        %add3A_911 = arith.constant 48 : i32
        %add3A_912 = vector.broadcast %add3A_911 : i32 to vector<16xi32>
        %add3A_913 = arith.addi %and3A_37, %add3A_912 : vector<16xi32>
        %add3A_914 = arith.addi %add3A_913, %get3A_502 : vector<16xi32>
        %gather3A_915 = tpu.vector_load_idx %arg11[%add3A_500, %add3A_914] : memref<256x128xf32, #tpu.memory_space<vmem>>[vector<16xi32>, vector<16xi32>], vector<16xf32>,
        %add3A_916 = arith.constant 48 : i32
        %add3A_917 = vector.broadcast %add3A_916 : i32 to vector<16xi32>
        %add3A_918 = arith.addi %and3A_43, %add3A_917 : vector<16xi32>
        %add3A_919 = arith.addi %add3A_918, %get3A_502 : vector<16xi32>
        %gather3A_920 = tpu.vector_load_idx %arg11[%add3A_500, %add3A_919] : memref<256x128xf32, #tpu.memory_space<vmem>>[vector<16xi32>, vector<16xi32>], vector<16xf32>,
        %add3A_921 = arith.constant 48 : i32
        %add3A_922 = vector.broadcast %add3A_921 : i32 to vector<16xi32>
        %add3A_923 = arith.addi %and3A_49, %add3A_922 : vector<16xi32>
        %add3A_924 = arith.addi %add3A_923, %get3A_502 : vector<16xi32>
        %gather3A_925 = tpu.vector_load_idx %arg11[%add3A_500, %add3A_924] : memref<256x128xf32, #tpu.memory_space<vmem>>[vector<16xi32>, vector<16xi32>], vector<16xf32>,
        %add3A_926 = arith.constant 48 : i32
        %add3A_927 = vector.broadcast %add3A_926 : i32 to vector<16xi32>
        %add3A_928 = arith.addi %and3A_55, %add3A_927 : vector<16xi32>
        %add3A_929 = arith.addi %add3A_928, %get3A_502 : vector<16xi32>
        %gather3A_930 = tpu.vector_load_idx %arg11[%add3A_500, %add3A_929] : memref<256x128xf32, #tpu.memory_space<vmem>>[vector<16xi32>, vector<16xi32>], vector<16xf32>,
        %add3A_931 = arith.constant 48 : i32
        %add3A_932 = vector.broadcast %add3A_931 : i32 to vector<16xi32>
        %add3A_933 = arith.addi %and3A_61, %add3A_932 : vector<16xi32>
        %add3A_934 = arith.addi %add3A_933, %get3A_502 : vector<16xi32>
        %gather3A_935 = tpu.vector_load_idx %arg11[%add3A_500, %add3A_934] : memref<256x128xf32, #tpu.memory_space<vmem>>[vector<16xi32>, vector<16xi32>], vector<16xf32>,
        %add3A_936 = arith.constant 48 : i32
        %add3A_937 = vector.broadcast %add3A_936 : i32 to vector<16xi32>
        %add3A_938 = arith.addi %and3A_67, %add3A_937 : vector<16xi32>
        %add3A_939 = arith.addi %add3A_938, %get3A_502 : vector<16xi32>
        %gather3A_940 = tpu.vector_load_idx %arg11[%add3A_500, %add3A_939] : memref<256x128xf32, #tpu.memory_space<vmem>>[vector<16xi32>, vector<16xi32>], vector<16xf32>,
        %add3A_941 = arith.constant 48 : i32
        %add3A_942 = vector.broadcast %add3A_941 : i32 to vector<16xi32>
        %add3A_943 = arith.addi %and3A_73, %add3A_942 : vector<16xi32>
        %add3A_944 = arith.addi %add3A_943, %get3A_502 : vector<16xi32>
        %gather3A_945 = tpu.vector_load_idx %arg11[%add3A_500, %add3A_944] : memref<256x128xf32, #tpu.memory_space<vmem>>[vector<16xi32>, vector<16xi32>], vector<16xf32>,
        %add3A_946 = arith.constant 48 : i32
        %add3A_947 = vector.broadcast %add3A_946 : i32 to vector<16xi32>
        %add3A_948 = arith.addi %and3A_79, %add3A_947 : vector<16xi32>
        %add3A_949 = arith.addi %add3A_948, %get3A_502 : vector<16xi32>
        %gather3A_950 = tpu.vector_load_idx %arg11[%add3A_500, %add3A_949] : memref<256x128xf32, #tpu.memory_space<vmem>>[vector<16xi32>, vector<16xi32>], vector<16xf32>,
        %add3A_951 = arith.constant 48 : i32
        %add3A_952 = vector.broadcast %add3A_951 : i32 to vector<16xi32>
        %add3A_953 = arith.addi %and3A_85, %add3A_952 : vector<16xi32>
        %add3A_954 = arith.addi %add3A_953, %get3A_502 : vector<16xi32>
        %gather3A_955 = tpu.vector_load_idx %arg11[%add3A_500, %add3A_954] : memref<256x128xf32, #tpu.memory_space<vmem>>[vector<16xi32>, vector<16xi32>], vector<16xf32>,
        %add3A_956 = arith.constant 48 : i32
        %add3A_957 = vector.broadcast %add3A_956 : i32 to vector<16xi32>
        %add3A_958 = arith.addi %and3A_91, %add3A_957 : vector<16xi32>
        %add3A_959 = arith.addi %add3A_958, %get3A_502 : vector<16xi32>
        %gather3A_960 = tpu.vector_load_idx %arg11[%add3A_500, %add3A_959] : memref<256x128xf32, #tpu.memory_space<vmem>>[vector<16xi32>, vector<16xi32>], vector<16xf32>,
        %add3A_961 = arith.constant 48 : i32
        %add3A_962 = vector.broadcast %add3A_961 : i32 to vector<16xi32>
        %add3A_963 = arith.addi %and3A_97, %add3A_962 : vector<16xi32>
        %add3A_964 = arith.addi %add3A_963, %get3A_502 : vector<16xi32>
        %gather3A_965 = tpu.vector_load_idx %arg11[%add3A_500, %add3A_964] : memref<256x128xf32, #tpu.memory_space<vmem>>[vector<16xi32>, vector<16xi32>], vector<16xf32>,
        %add3A_966 = arith.constant 48 : i32
        %add3A_967 = vector.broadcast %add3A_966 : i32 to vector<16xi32>
        %add3A_968 = arith.addi %and3A_7, %add3A_967 : vector<16xi32>
        tpu.vector_store_idx %arg13[%add3A_968, %add3A_500], %gather3A_890 : memref<64x256xf32, #tpu.memory_space<vmem>>[vector<16xi32>, vector<16xi32>], vector<16xf32>,
        %add3A_969 = arith.constant 48 : i32
        %add3A_970 = vector.broadcast %add3A_969 : i32 to vector<16xi32>
        %add3A_971 = arith.addi %and3A_13, %add3A_970 : vector<16xi32>
        tpu.vector_store_idx %arg13[%add3A_971, %add3A_500], %gather3A_895 : memref<64x256xf32, #tpu.memory_space<vmem>>[vector<16xi32>, vector<16xi32>], vector<16xf32>,
        %add3A_972 = arith.constant 48 : i32
        %add3A_973 = vector.broadcast %add3A_972 : i32 to vector<16xi32>
        %add3A_974 = arith.addi %and3A_19, %add3A_973 : vector<16xi32>
        tpu.vector_store_idx %arg13[%add3A_974, %add3A_500], %gather3A_900 : memref<64x256xf32, #tpu.memory_space<vmem>>[vector<16xi32>, vector<16xi32>], vector<16xf32>,
        %add3A_975 = arith.constant 48 : i32
        %add3A_976 = vector.broadcast %add3A_975 : i32 to vector<16xi32>
        %add3A_977 = arith.addi %and3A_25, %add3A_976 : vector<16xi32>
        tpu.vector_store_idx %arg13[%add3A_977, %add3A_500], %gather3A_905 : memref<64x256xf32, #tpu.memory_space<vmem>>[vector<16xi32>, vector<16xi32>], vector<16xf32>,
        %add3A_978 = arith.constant 48 : i32
        %add3A_979 = vector.broadcast %add3A_978 : i32 to vector<16xi32>
        %add3A_980 = arith.addi %and3A_31, %add3A_979 : vector<16xi32>
        tpu.vector_store_idx %arg13[%add3A_980, %add3A_500], %gather3A_910 : memref<64x256xf32, #tpu.memory_space<vmem>>[vector<16xi32>, vector<16xi32>], vector<16xf32>,
        %add3A_981 = arith.constant 48 : i32
        %add3A_982 = vector.broadcast %add3A_981 : i32 to vector<16xi32>
        %add3A_983 = arith.addi %and3A_37, %add3A_982 : vector<16xi32>
        tpu.vector_store_idx %arg13[%add3A_983, %add3A_500], %gather3A_915 : memref<64x256xf32, #tpu.memory_space<vmem>>[vector<16xi32>, vector<16xi32>], vector<16xf32>,
        %add3A_984 = arith.constant 48 : i32
        %add3A_985 = vector.broadcast %add3A_984 : i32 to vector<16xi32>
        %add3A_986 = arith.addi %and3A_43, %add3A_985 : vector<16xi32>
        tpu.vector_store_idx %arg13[%add3A_986, %add3A_500], %gather3A_920 : memref<64x256xf32, #tpu.memory_space<vmem>>[vector<16xi32>, vector<16xi32>], vector<16xf32>,
        %add3A_987 = arith.constant 48 : i32
        %add3A_988 = vector.broadcast %add3A_987 : i32 to vector<16xi32>
        %add3A_989 = arith.addi %and3A_49, %add3A_988 : vector<16xi32>
        tpu.vector_store_idx %arg13[%add3A_989, %add3A_500], %gather3A_925 : memref<64x256xf32, #tpu.memory_space<vmem>>[vector<16xi32>, vector<16xi32>], vector<16xf32>,
        %add3A_990 = arith.constant 48 : i32
        %add3A_991 = vector.broadcast %add3A_990 : i32 to vector<16xi32>
        %add3A_992 = arith.addi %and3A_55, %add3A_991 : vector<16xi32>
        tpu.vector_store_idx %arg13[%add3A_992, %add3A_500], %gather3A_930 : memref<64x256xf32, #tpu.memory_space<vmem>>[vector<16xi32>, vector<16xi32>], vector<16xf32>,
        %add3A_993 = arith.constant 48 : i32
        %add3A_994 = vector.broadcast %add3A_993 : i32 to vector<16xi32>
        %add3A_995 = arith.addi %and3A_61, %add3A_994 : vector<16xi32>
        tpu.vector_store_idx %arg13[%add3A_995, %add3A_500], %gather3A_935 : memref<64x256xf32, #tpu.memory_space<vmem>>[vector<16xi32>, vector<16xi32>], vector<16xf32>,
        %add3A_996 = arith.constant 48 : i32
        %add3A_997 = vector.broadcast %add3A_996 : i32 to vector<16xi32>
        %add3A_998 = arith.addi %and3A_67, %add3A_997 : vector<16xi32>
        tpu.vector_store_idx %arg13[%add3A_998, %add3A_500], %gather3A_940 : memref<64x256xf32, #tpu.memory_space<vmem>>[vector<16xi32>, vector<16xi32>], vector<16xf32>,
        %add3A_999 = arith.constant 48 : i32
        %add3A_1000 = vector.broadcast %add3A_999 : i32 to vector<16xi32>
        %add3A_1001 = arith.addi %and3A_73, %add3A_1000 : vector<16xi32>
        tpu.vector_store_idx %arg13[%add3A_1001, %add3A_500], %gather3A_945 : memref<64x256xf32, #tpu.memory_space<vmem>>[vector<16xi32>, vector<16xi32>], vector<16xf32>,
        %add3A_1002 = arith.constant 48 : i32
        %add3A_1003 = vector.broadcast %add3A_1002 : i32 to vector<16xi32>
        %add3A_1004 = arith.addi %and3A_79, %add3A_1003 : vector<16xi32>
        tpu.vector_store_idx %arg13[%add3A_1004, %add3A_500], %gather3A_950 : memref<64x256xf32, #tpu.memory_space<vmem>>[vector<16xi32>, vector<16xi32>], vector<16xf32>,
        %add3A_1005 = arith.constant 48 : i32
        %add3A_1006 = vector.broadcast %add3A_1005 : i32 to vector<16xi32>
        %add3A_1007 = arith.addi %and3A_85, %add3A_1006 : vector<16xi32>
        tpu.vector_store_idx %arg13[%add3A_1007, %add3A_500], %gather3A_955 : memref<64x256xf32, #tpu.memory_space<vmem>>[vector<16xi32>, vector<16xi32>], vector<16xf32>,
        %add3A_1008 = arith.constant 48 : i32
        %add3A_1009 = vector.broadcast %add3A_1008 : i32 to vector<16xi32>
        %add3A_1010 = arith.addi %and3A_91, %add3A_1009 : vector<16xi32>
        tpu.vector_store_idx %arg13[%add3A_1010, %add3A_500], %gather3A_960 : memref<64x256xf32, #tpu.memory_space<vmem>>[vector<16xi32>, vector<16xi32>], vector<16xf32>,
        %add3A_1011 = arith.constant 48 : i32
        %add3A_1012 = vector.broadcast %add3A_1011 : i32 to vector<16xi32>
        %add3A_1013 = arith.addi %and3A_97, %add3A_1012 : vector<16xi32>
        tpu.vector_store_idx %arg13[%add3A_1013, %add3A_500], %gather3A_965 : memref<64x256xf32, #tpu.memory_space<vmem>>[vector<16xi32>, vector<16xi32>], vector<16xf32>,
      }
      %scan3A_433 = arith.constant 16 : i32
      %add3A_434 = arith.addi %mul3A_2, %add3A_407 : i32
      %shift_right_logical3A_435 = arith.constant 6 : i32
      %shift_right_logical3A_436 = arith.shrui %add3A_434, %shift_right_logical3A_435 : i32
      %and3A_437 = arith.constant 63 : i32
      %and3A_438 = arith.andi %add3A_434, %and3A_437 : i32
      %shift_left3A_439 = arith.constant 8 : i32
      %shift_left3A_440 = arith.shli %and3A_438, %shift_left3A_439 : i32
      %multiple_of3A_441 = tpu.assume_multiple %shift_left3A_440, 256 : i32
      %dma_start3A_442 = arith.constant 0 : i32
      %dma_start3A_443 = tpu.memref_slice %arg4[%shift_right_logical3A_436, %dma_start3A_442, %multiple_of3A_441] : memref<26x64x16384xf32, #tpu.memory_space<hbm>> -> memref<1x64x256xf32, #tpu.memory_space<hbm>>
      %dma_start3A_444 = tpu.memref_squeeze %dma_start3A_443 : memref<1x64x256xf32, #tpu.memory_space<hbm>> -> memref<64x256xf32, #tpu.memory_space<hbm>>
      %dma_start3A_445 = arith.constant 0 : i32
      %dma_start3A_446 = tpu.memref_slice %arg4[%shift_right_logical3A_436, %dma_start3A_445, %multiple_of3A_441] : memref<26x64x16384xf32, #tpu.memory_space<hbm>> -> memref<1x64x256xf32, #tpu.memory_space<hbm>>
      %dma_start3A_447 = tpu.memref_squeeze %dma_start3A_446 : memref<1x64x256xf32, #tpu.memory_space<hbm>> -> memref<64x256xf32, #tpu.memory_space<hbm>>
      tpu.enqueue_dma source(%arg13 : memref<64x256xf32, #tpu.memory_space<vmem>>) target(%dma_start3A_447 : memref<64x256xf32, #tpu.memory_space<hbm>>) target_semaphore(%arg19 : memref<!tpu.dma_semaphore, #tpu.memory_space<semaphore_mem>>)
      %add3A_448 = arith.constant 1 : i32
      %add3A_449 = arith.addi %add3A_405, %add3A_448 : i32
      %add3A_450 = arith.constant 1 : i32
      %add3A_451 = arith.addi %add3A_449, %add3A_450 : i32
      %lt3A_452 = arith.constant 52 : i32
      %lt3A_453 = arith.cmpi slt, %add3A_451, %lt3A_452 : i32
      %convert_element_type3A_454 = arith.extui %lt3A_453 : i1 to i32
      %cond3A_455 = arith.constant 0 : i32
      %cond3A_456 = arith.cmpi ne, %convert_element_type3A_454, %cond3A_455 : i32
      scf.if %cond3A_456 {
        %dma_wait3A_494 = arith.constant 0 : i32
        %dma_wait3A_495 = tpu.memref_slice %arg2[%dma_wait3A_494] : memref<425984xi32, #tpu.memory_space<hbm>> -> memref<256xi32, #tpu.memory_space<hbm>>
        %dma_wait3A_496 = arith.constant 0 : i32
        %dma_wait3A_497 = tpu.memref_slice %arg2[%dma_wait3A_496] : memref<425984xi32, #tpu.memory_space<hbm>> -> memref<256xi32, #tpu.memory_space<hbm>>
        tpu.wait_dma2 semaphore(%arg15 : memref<!tpu.dma_semaphore, #tpu.memory_space<semaphore_mem>>) src(%dma_wait3A_497 : memref<256xi32, #tpu.memory_space<hbm>>) dst(%arg5 : memref<256xi32, #tpu.memory_space<vmem>>)
        %get3A_498 = arith.constant 0 : index
        %get3A_499 = tpu.vector_load %arg5[%get3A_498] {strides = array<i32>} : memref<256xi32, #tpu.memory_space<vmem>>, vector<16xi32>,
        %shift_right_logical3A_500 = arith.constant 1 : i32
        %shift_right_logical3A_501 = vector.broadcast %shift_right_logical3A_500 : i32 to vector<16xi32>
        %shift_right_logical3A_502 = arith.shrui %get3A_499, %shift_right_logical3A_501 : vector<16xi32>
        %swap3A_503 = arith.constant 0 : index
        %swap3A_504 = tpu.vector_load %arg7[%swap3A_503] {strides = array<i32>} : memref<256xi32, #tpu.memory_space<vmem>>, vector<16xi32>,
        tpu.vector_store %arg7[%swap3A_503], %shift_right_logical3A_502 {strides = array<i32>} : memref<256xi32, #tpu.memory_space<vmem>>, vector<16xi32>,
        %and3A_505 = arith.constant 1 : i32
        %and3A_506 = vector.broadcast %and3A_505 : i32 to vector<16xi32>
        %and3A_507 = arith.andi %get3A_499, %and3A_506 : vector<16xi32>
        %shift_left3A_508 = arith.constant 6 : i32
        %shift_left3A_509 = vector.broadcast %shift_left3A_508 : i32 to vector<16xi32>
        %shift_left3A_510 = arith.shli %and3A_507, %shift_left3A_509 : vector<16xi32>
        %swap3A_511 = arith.constant 0 : index
        %swap3A_512 = tpu.vector_load %arg9[%swap3A_511] {strides = array<i32>} : memref<256xi32, #tpu.memory_space<vmem>>, vector<16xi32>,
        tpu.vector_store %arg9[%swap3A_511], %shift_left3A_510 {strides = array<i32>} : memref<256xi32, #tpu.memory_space<vmem>>, vector<16xi32>,
        %get3A_513 = arith.constant 16 : index
        %get3A_514 = tpu.vector_load %arg5[%get3A_513] {strides = array<i32>} : memref<256xi32, #tpu.memory_space<vmem>>, vector<16xi32>,
        %shift_right_logical3A_515 = arith.constant 1 : i32
        %shift_right_logical3A_516 = vector.broadcast %shift_right_logical3A_515 : i32 to vector<16xi32>
        %shift_right_logical3A_517 = arith.shrui %get3A_514, %shift_right_logical3A_516 : vector<16xi32>
        %swap3A_518 = arith.constant 16 : index
        %swap3A_519 = tpu.vector_load %arg7[%swap3A_518] {strides = array<i32>} : memref<256xi32, #tpu.memory_space<vmem>>, vector<16xi32>,
        tpu.vector_store %arg7[%swap3A_518], %shift_right_logical3A_517 {strides = array<i32>} : memref<256xi32, #tpu.memory_space<vmem>>, vector<16xi32>,
        %and3A_520 = arith.constant 1 : i32
        %and3A_521 = vector.broadcast %and3A_520 : i32 to vector<16xi32>
        %and3A_522 = arith.andi %get3A_514, %and3A_521 : vector<16xi32>
        %shift_left3A_523 = arith.constant 6 : i32
        %shift_left3A_524 = vector.broadcast %shift_left3A_523 : i32 to vector<16xi32>
        %shift_left3A_525 = arith.shli %and3A_522, %shift_left3A_524 : vector<16xi32>
        %swap3A_526 = arith.constant 16 : index
        %swap3A_527 = tpu.vector_load %arg9[%swap3A_526] {strides = array<i32>} : memref<256xi32, #tpu.memory_space<vmem>>, vector<16xi32>,
        tpu.vector_store %arg9[%swap3A_526], %shift_left3A_525 {strides = array<i32>} : memref<256xi32, #tpu.memory_space<vmem>>, vector<16xi32>,
        %get3A_528 = arith.constant 32 : index
        %get3A_529 = tpu.vector_load %arg5[%get3A_528] {strides = array<i32>} : memref<256xi32, #tpu.memory_space<vmem>>, vector<16xi32>,
        %shift_right_logical3A_530 = arith.constant 1 : i32
        %shift_right_logical3A_531 = vector.broadcast %shift_right_logical3A_530 : i32 to vector<16xi32>
        %shift_right_logical3A_532 = arith.shrui %get3A_529, %shift_right_logical3A_531 : vector<16xi32>
        %swap3A_533 = arith.constant 32 : index
        %swap3A_534 = tpu.vector_load %arg7[%swap3A_533] {strides = array<i32>} : memref<256xi32, #tpu.memory_space<vmem>>, vector<16xi32>,
        tpu.vector_store %arg7[%swap3A_533], %shift_right_logical3A_532 {strides = array<i32>} : memref<256xi32, #tpu.memory_space<vmem>>, vector<16xi32>,
        %and3A_535 = arith.constant 1 : i32
        %and3A_536 = vector.broadcast %and3A_535 : i32 to vector<16xi32>
        %and3A_537 = arith.andi %get3A_529, %and3A_536 : vector<16xi32>
        %shift_left3A_538 = arith.constant 6 : i32
        %shift_left3A_539 = vector.broadcast %shift_left3A_538 : i32 to vector<16xi32>
        %shift_left3A_540 = arith.shli %and3A_537, %shift_left3A_539 : vector<16xi32>
        %swap3A_541 = arith.constant 32 : index
        %swap3A_542 = tpu.vector_load %arg9[%swap3A_541] {strides = array<i32>} : memref<256xi32, #tpu.memory_space<vmem>>, vector<16xi32>,
        tpu.vector_store %arg9[%swap3A_541], %shift_left3A_540 {strides = array<i32>} : memref<256xi32, #tpu.memory_space<vmem>>, vector<16xi32>,
        %get3A_543 = arith.constant 48 : index
        %get3A_544 = tpu.vector_load %arg5[%get3A_543] {strides = array<i32>} : memref<256xi32, #tpu.memory_space<vmem>>, vector<16xi32>,
        %shift_right_logical3A_545 = arith.constant 1 : i32
        %shift_right_logical3A_546 = vector.broadcast %shift_right_logical3A_545 : i32 to vector<16xi32>
        %shift_right_logical3A_547 = arith.shrui %get3A_544, %shift_right_logical3A_546 : vector<16xi32>
        %swap3A_548 = arith.constant 48 : index
        %swap3A_549 = tpu.vector_load %arg7[%swap3A_548] {strides = array<i32>} : memref<256xi32, #tpu.memory_space<vmem>>, vector<16xi32>,
        tpu.vector_store %arg7[%swap3A_548], %shift_right_logical3A_547 {strides = array<i32>} : memref<256xi32, #tpu.memory_space<vmem>>, vector<16xi32>,
        %and3A_550 = arith.constant 1 : i32
        %and3A_551 = vector.broadcast %and3A_550 : i32 to vector<16xi32>
        %and3A_552 = arith.andi %get3A_544, %and3A_551 : vector<16xi32>
        %shift_left3A_553 = arith.constant 6 : i32
        %shift_left3A_554 = vector.broadcast %shift_left3A_553 : i32 to vector<16xi32>
        %shift_left3A_555 = arith.shli %and3A_552, %shift_left3A_554 : vector<16xi32>
        %swap3A_556 = arith.constant 48 : index
        %swap3A_557 = tpu.vector_load %arg9[%swap3A_556] {strides = array<i32>} : memref<256xi32, #tpu.memory_space<vmem>>, vector<16xi32>,
        tpu.vector_store %arg9[%swap3A_556], %shift_left3A_555 {strides = array<i32>} : memref<256xi32, #tpu.memory_space<vmem>>, vector<16xi32>,
        %get3A_558 = arith.constant 64 : index
        %get3A_559 = tpu.vector_load %arg5[%get3A_558] {strides = array<i32>} : memref<256xi32, #tpu.memory_space<vmem>>, vector<16xi32>,
        %shift_right_logical3A_560 = arith.constant 1 : i32
        %shift_right_logical3A_561 = vector.broadcast %shift_right_logical3A_560 : i32 to vector<16xi32>
        %shift_right_logical3A_562 = arith.shrui %get3A_559, %shift_right_logical3A_561 : vector<16xi32>
        %swap3A_563 = arith.constant 64 : index
        %swap3A_564 = tpu.vector_load %arg7[%swap3A_563] {strides = array<i32>} : memref<256xi32, #tpu.memory_space<vmem>>, vector<16xi32>,
        tpu.vector_store %arg7[%swap3A_563], %shift_right_logical3A_562 {strides = array<i32>} : memref<256xi32, #tpu.memory_space<vmem>>, vector<16xi32>,
        %and3A_565 = arith.constant 1 : i32
        %and3A_566 = vector.broadcast %and3A_565 : i32 to vector<16xi32>
        %and3A_567 = arith.andi %get3A_559, %and3A_566 : vector<16xi32>
        %shift_left3A_568 = arith.constant 6 : i32
        %shift_left3A_569 = vector.broadcast %shift_left3A_568 : i32 to vector<16xi32>
        %shift_left3A_570 = arith.shli %and3A_567, %shift_left3A_569 : vector<16xi32>
        %swap3A_571 = arith.constant 64 : index
        %swap3A_572 = tpu.vector_load %arg9[%swap3A_571] {strides = array<i32>} : memref<256xi32, #tpu.memory_space<vmem>>, vector<16xi32>,
        tpu.vector_store %arg9[%swap3A_571], %shift_left3A_570 {strides = array<i32>} : memref<256xi32, #tpu.memory_space<vmem>>, vector<16xi32>,
        %get3A_573 = arith.constant 80 : index
        %get3A_574 = tpu.vector_load %arg5[%get3A_573] {strides = array<i32>} : memref<256xi32, #tpu.memory_space<vmem>>, vector<16xi32>,
        %shift_right_logical3A_575 = arith.constant 1 : i32
        %shift_right_logical3A_576 = vector.broadcast %shift_right_logical3A_575 : i32 to vector<16xi32>
        %shift_right_logical3A_577 = arith.shrui %get3A_574, %shift_right_logical3A_576 : vector<16xi32>
        %swap3A_578 = arith.constant 80 : index
        %swap3A_579 = tpu.vector_load %arg7[%swap3A_578] {strides = array<i32>} : memref<256xi32, #tpu.memory_space<vmem>>, vector<16xi32>,
        tpu.vector_store %arg7[%swap3A_578], %shift_right_logical3A_577 {strides = array<i32>} : memref<256xi32, #tpu.memory_space<vmem>>, vector<16xi32>,
        %and3A_580 = arith.constant 1 : i32
        %and3A_581 = vector.broadcast %and3A_580 : i32 to vector<16xi32>
        %and3A_582 = arith.andi %get3A_574, %and3A_581 : vector<16xi32>
        %shift_left3A_583 = arith.constant 6 : i32
        %shift_left3A_584 = vector.broadcast %shift_left3A_583 : i32 to vector<16xi32>
        %shift_left3A_585 = arith.shli %and3A_582, %shift_left3A_584 : vector<16xi32>
        %swap3A_586 = arith.constant 80 : index
        %swap3A_587 = tpu.vector_load %arg9[%swap3A_586] {strides = array<i32>} : memref<256xi32, #tpu.memory_space<vmem>>, vector<16xi32>,
        tpu.vector_store %arg9[%swap3A_586], %shift_left3A_585 {strides = array<i32>} : memref<256xi32, #tpu.memory_space<vmem>>, vector<16xi32>,
        %get3A_588 = arith.constant 96 : index
        %get3A_589 = tpu.vector_load %arg5[%get3A_588] {strides = array<i32>} : memref<256xi32, #tpu.memory_space<vmem>>, vector<16xi32>,
        %shift_right_logical3A_590 = arith.constant 1 : i32
        %shift_right_logical3A_591 = vector.broadcast %shift_right_logical3A_590 : i32 to vector<16xi32>
        %shift_right_logical3A_592 = arith.shrui %get3A_589, %shift_right_logical3A_591 : vector<16xi32>
        %swap3A_593 = arith.constant 96 : index
        %swap3A_594 = tpu.vector_load %arg7[%swap3A_593] {strides = array<i32>} : memref<256xi32, #tpu.memory_space<vmem>>, vector<16xi32>,
        tpu.vector_store %arg7[%swap3A_593], %shift_right_logical3A_592 {strides = array<i32>} : memref<256xi32, #tpu.memory_space<vmem>>, vector<16xi32>,
        %and3A_595 = arith.constant 1 : i32
        %and3A_596 = vector.broadcast %and3A_595 : i32 to vector<16xi32>
        %and3A_597 = arith.andi %get3A_589, %and3A_596 : vector<16xi32>
        %shift_left3A_598 = arith.constant 6 : i32
        %shift_left3A_599 = vector.broadcast %shift_left3A_598 : i32 to vector<16xi32>
        %shift_left3A_600 = arith.shli %and3A_597, %shift_left3A_599 : vector<16xi32>
        %swap3A_601 = arith.constant 96 : index
        %swap3A_602 = tpu.vector_load %arg9[%swap3A_601] {strides = array<i32>} : memref<256xi32, #tpu.memory_space<vmem>>, vector<16xi32>,
        tpu.vector_store %arg9[%swap3A_601], %shift_left3A_600 {strides = array<i32>} : memref<256xi32, #tpu.memory_space<vmem>>, vector<16xi32>,
        %get3A_603 = arith.constant 112 : index
        %get3A_604 = tpu.vector_load %arg5[%get3A_603] {strides = array<i32>} : memref<256xi32, #tpu.memory_space<vmem>>, vector<16xi32>,
        %shift_right_logical3A_605 = arith.constant 1 : i32
        %shift_right_logical3A_606 = vector.broadcast %shift_right_logical3A_605 : i32 to vector<16xi32>
        %shift_right_logical3A_607 = arith.shrui %get3A_604, %shift_right_logical3A_606 : vector<16xi32>
        %swap3A_608 = arith.constant 112 : index
        %swap3A_609 = tpu.vector_load %arg7[%swap3A_608] {strides = array<i32>} : memref<256xi32, #tpu.memory_space<vmem>>, vector<16xi32>,
        tpu.vector_store %arg7[%swap3A_608], %shift_right_logical3A_607 {strides = array<i32>} : memref<256xi32, #tpu.memory_space<vmem>>, vector<16xi32>,
        %and3A_610 = arith.constant 1 : i32
        %and3A_611 = vector.broadcast %and3A_610 : i32 to vector<16xi32>
        %and3A_612 = arith.andi %get3A_604, %and3A_611 : vector<16xi32>
        %shift_left3A_613 = arith.constant 6 : i32
        %shift_left3A_614 = vector.broadcast %shift_left3A_613 : i32 to vector<16xi32>
        %shift_left3A_615 = arith.shli %and3A_612, %shift_left3A_614 : vector<16xi32>
        %swap3A_616 = arith.constant 112 : index
        %swap3A_617 = tpu.vector_load %arg9[%swap3A_616] {strides = array<i32>} : memref<256xi32, #tpu.memory_space<vmem>>, vector<16xi32>,
        tpu.vector_store %arg9[%swap3A_616], %shift_left3A_615 {strides = array<i32>} : memref<256xi32, #tpu.memory_space<vmem>>, vector<16xi32>,
        %get3A_618 = arith.constant 128 : index
        %get3A_619 = tpu.vector_load %arg5[%get3A_618] {strides = array<i32>} : memref<256xi32, #tpu.memory_space<vmem>>, vector<16xi32>,
        %shift_right_logical3A_620 = arith.constant 1 : i32
        %shift_right_logical3A_621 = vector.broadcast %shift_right_logical3A_620 : i32 to vector<16xi32>
        %shift_right_logical3A_622 = arith.shrui %get3A_619, %shift_right_logical3A_621 : vector<16xi32>
        %swap3A_623 = arith.constant 128 : index
        %swap3A_624 = tpu.vector_load %arg7[%swap3A_623] {strides = array<i32>} : memref<256xi32, #tpu.memory_space<vmem>>, vector<16xi32>,
        tpu.vector_store %arg7[%swap3A_623], %shift_right_logical3A_622 {strides = array<i32>} : memref<256xi32, #tpu.memory_space<vmem>>, vector<16xi32>,
        %and3A_625 = arith.constant 1 : i32
        %and3A_626 = vector.broadcast %and3A_625 : i32 to vector<16xi32>
        %and3A_627 = arith.andi %get3A_619, %and3A_626 : vector<16xi32>
        %shift_left3A_628 = arith.constant 6 : i32
        %shift_left3A_629 = vector.broadcast %shift_left3A_628 : i32 to vector<16xi32>
        %shift_left3A_630 = arith.shli %and3A_627, %shift_left3A_629 : vector<16xi32>
        %swap3A_631 = arith.constant 128 : index
        %swap3A_632 = tpu.vector_load %arg9[%swap3A_631] {strides = array<i32>} : memref<256xi32, #tpu.memory_space<vmem>>, vector<16xi32>,
        tpu.vector_store %arg9[%swap3A_631], %shift_left3A_630 {strides = array<i32>} : memref<256xi32, #tpu.memory_space<vmem>>, vector<16xi32>,
        %get3A_633 = arith.constant 144 : index
        %get3A_634 = tpu.vector_load %arg5[%get3A_633] {strides = array<i32>} : memref<256xi32, #tpu.memory_space<vmem>>, vector<16xi32>,
        %shift_right_logical3A_635 = arith.constant 1 : i32
        %shift_right_logical3A_636 = vector.broadcast %shift_right_logical3A_635 : i32 to vector<16xi32>
        %shift_right_logical3A_637 = arith.shrui %get3A_634, %shift_right_logical3A_636 : vector<16xi32>
        %swap3A_638 = arith.constant 144 : index
        %swap3A_639 = tpu.vector_load %arg7[%swap3A_638] {strides = array<i32>} : memref<256xi32, #tpu.memory_space<vmem>>, vector<16xi32>,
        tpu.vector_store %arg7[%swap3A_638], %shift_right_logical3A_637 {strides = array<i32>} : memref<256xi32, #tpu.memory_space<vmem>>, vector<16xi32>,
        %and3A_640 = arith.constant 1 : i32
        %and3A_641 = vector.broadcast %and3A_640 : i32 to vector<16xi32>
        %and3A_642 = arith.andi %get3A_634, %and3A_641 : vector<16xi32>
        %shift_left3A_643 = arith.constant 6 : i32
        %shift_left3A_644 = vector.broadcast %shift_left3A_643 : i32 to vector<16xi32>
        %shift_left3A_645 = arith.shli %and3A_642, %shift_left3A_644 : vector<16xi32>
        %swap3A_646 = arith.constant 144 : index
        %swap3A_647 = tpu.vector_load %arg9[%swap3A_646] {strides = array<i32>} : memref<256xi32, #tpu.memory_space<vmem>>, vector<16xi32>,
        tpu.vector_store %arg9[%swap3A_646], %shift_left3A_645 {strides = array<i32>} : memref<256xi32, #tpu.memory_space<vmem>>, vector<16xi32>,
        %get3A_648 = arith.constant 160 : index
        %get3A_649 = tpu.vector_load %arg5[%get3A_648] {strides = array<i32>} : memref<256xi32, #tpu.memory_space<vmem>>, vector<16xi32>,
        %shift_right_logical3A_650 = arith.constant 1 : i32
        %shift_right_logical3A_651 = vector.broadcast %shift_right_logical3A_650 : i32 to vector<16xi32>
        %shift_right_logical3A_652 = arith.shrui %get3A_649, %shift_right_logical3A_651 : vector<16xi32>
        %swap3A_653 = arith.constant 160 : index
        %swap3A_654 = tpu.vector_load %arg7[%swap3A_653] {strides = array<i32>} : memref<256xi32, #tpu.memory_space<vmem>>, vector<16xi32>,
        tpu.vector_store %arg7[%swap3A_653], %shift_right_logical3A_652 {strides = array<i32>} : memref<256xi32, #tpu.memory_space<vmem>>, vector<16xi32>,
        %and3A_655 = arith.constant 1 : i32
        %and3A_656 = vector.broadcast %and3A_655 : i32 to vector<16xi32>
        %and3A_657 = arith.andi %get3A_649, %and3A_656 : vector<16xi32>
        %shift_left3A_658 = arith.constant 6 : i32
        %shift_left3A_659 = vector.broadcast %shift_left3A_658 : i32 to vector<16xi32>
        %shift_left3A_660 = arith.shli %and3A_657, %shift_left3A_659 : vector<16xi32>
        %swap3A_661 = arith.constant 160 : index
        %swap3A_662 = tpu.vector_load %arg9[%swap3A_661] {strides = array<i32>} : memref<256xi32, #tpu.memory_space<vmem>>, vector<16xi32>,
        tpu.vector_store %arg9[%swap3A_661], %shift_left3A_660 {strides = array<i32>} : memref<256xi32, #tpu.memory_space<vmem>>, vector<16xi32>,
        %get3A_663 = arith.constant 176 : index
        %get3A_664 = tpu.vector_load %arg5[%get3A_663] {strides = array<i32>} : memref<256xi32, #tpu.memory_space<vmem>>, vector<16xi32>,
        %shift_right_logical3A_665 = arith.constant 1 : i32
        %shift_right_logical3A_666 = vector.broadcast %shift_right_logical3A_665 : i32 to vector<16xi32>
        %shift_right_logical3A_667 = arith.shrui %get3A_664, %shift_right_logical3A_666 : vector<16xi32>
        %swap3A_668 = arith.constant 176 : index
        %swap3A_669 = tpu.vector_load %arg7[%swap3A_668] {strides = array<i32>} : memref<256xi32, #tpu.memory_space<vmem>>, vector<16xi32>,
        tpu.vector_store %arg7[%swap3A_668], %shift_right_logical3A_667 {strides = array<i32>} : memref<256xi32, #tpu.memory_space<vmem>>, vector<16xi32>,
        %and3A_670 = arith.constant 1 : i32
        %and3A_671 = vector.broadcast %and3A_670 : i32 to vector<16xi32>
        %and3A_672 = arith.andi %get3A_664, %and3A_671 : vector<16xi32>
        %shift_left3A_673 = arith.constant 6 : i32
        %shift_left3A_674 = vector.broadcast %shift_left3A_673 : i32 to vector<16xi32>
        %shift_left3A_675 = arith.shli %and3A_672, %shift_left3A_674 : vector<16xi32>
        %swap3A_676 = arith.constant 176 : index
        %swap3A_677 = tpu.vector_load %arg9[%swap3A_676] {strides = array<i32>} : memref<256xi32, #tpu.memory_space<vmem>>, vector<16xi32>,
        tpu.vector_store %arg9[%swap3A_676], %shift_left3A_675 {strides = array<i32>} : memref<256xi32, #tpu.memory_space<vmem>>, vector<16xi32>,
        %get3A_678 = arith.constant 192 : index
        %get3A_679 = tpu.vector_load %arg5[%get3A_678] {strides = array<i32>} : memref<256xi32, #tpu.memory_space<vmem>>, vector<16xi32>,
        %shift_right_logical3A_680 = arith.constant 1 : i32
        %shift_right_logical3A_681 = vector.broadcast %shift_right_logical3A_680 : i32 to vector<16xi32>
        %shift_right_logical3A_682 = arith.shrui %get3A_679, %shift_right_logical3A_681 : vector<16xi32>
        %swap3A_683 = arith.constant 192 : index
        %swap3A_684 = tpu.vector_load %arg7[%swap3A_683] {strides = array<i32>} : memref<256xi32, #tpu.memory_space<vmem>>, vector<16xi32>,
        tpu.vector_store %arg7[%swap3A_683], %shift_right_logical3A_682 {strides = array<i32>} : memref<256xi32, #tpu.memory_space<vmem>>, vector<16xi32>,
        %and3A_685 = arith.constant 1 : i32
        %and3A_686 = vector.broadcast %and3A_685 : i32 to vector<16xi32>
        %and3A_687 = arith.andi %get3A_679, %and3A_686 : vector<16xi32>
        %shift_left3A_688 = arith.constant 6 : i32
        %shift_left3A_689 = vector.broadcast %shift_left3A_688 : i32 to vector<16xi32>
        %shift_left3A_690 = arith.shli %and3A_687, %shift_left3A_689 : vector<16xi32>
        %swap3A_691 = arith.constant 192 : index
        %swap3A_692 = tpu.vector_load %arg9[%swap3A_691] {strides = array<i32>} : memref<256xi32, #tpu.memory_space<vmem>>, vector<16xi32>,
        tpu.vector_store %arg9[%swap3A_691], %shift_left3A_690 {strides = array<i32>} : memref<256xi32, #tpu.memory_space<vmem>>, vector<16xi32>,
        %get3A_693 = arith.constant 208 : index
        %get3A_694 = tpu.vector_load %arg5[%get3A_693] {strides = array<i32>} : memref<256xi32, #tpu.memory_space<vmem>>, vector<16xi32>,
        %shift_right_logical3A_695 = arith.constant 1 : i32
        %shift_right_logical3A_696 = vector.broadcast %shift_right_logical3A_695 : i32 to vector<16xi32>
        %shift_right_logical3A_697 = arith.shrui %get3A_694, %shift_right_logical3A_696 : vector<16xi32>
        %swap3A_698 = arith.constant 208 : index
        %swap3A_699 = tpu.vector_load %arg7[%swap3A_698] {strides = array<i32>} : memref<256xi32, #tpu.memory_space<vmem>>, vector<16xi32>,
        tpu.vector_store %arg7[%swap3A_698], %shift_right_logical3A_697 {strides = array<i32>} : memref<256xi32, #tpu.memory_space<vmem>>, vector<16xi32>,
        %and3A_700 = arith.constant 1 : i32
        %and3A_701 = vector.broadcast %and3A_700 : i32 to vector<16xi32>
        %and3A_702 = arith.andi %get3A_694, %and3A_701 : vector<16xi32>
        %shift_left3A_703 = arith.constant 6 : i32
        %shift_left3A_704 = vector.broadcast %shift_left3A_703 : i32 to vector<16xi32>
        %shift_left3A_705 = arith.shli %and3A_702, %shift_left3A_704 : vector<16xi32>
        %swap3A_706 = arith.constant 208 : index
        %swap3A_707 = tpu.vector_load %arg9[%swap3A_706] {strides = array<i32>} : memref<256xi32, #tpu.memory_space<vmem>>, vector<16xi32>,
        tpu.vector_store %arg9[%swap3A_706], %shift_left3A_705 {strides = array<i32>} : memref<256xi32, #tpu.memory_space<vmem>>, vector<16xi32>,
        %get3A_708 = arith.constant 224 : index
        %get3A_709 = tpu.vector_load %arg5[%get3A_708] {strides = array<i32>} : memref<256xi32, #tpu.memory_space<vmem>>, vector<16xi32>,
        %shift_right_logical3A_710 = arith.constant 1 : i32
        %shift_right_logical3A_711 = vector.broadcast %shift_right_logical3A_710 : i32 to vector<16xi32>
        %shift_right_logical3A_712 = arith.shrui %get3A_709, %shift_right_logical3A_711 : vector<16xi32>
        %swap3A_713 = arith.constant 224 : index
        %swap3A_714 = tpu.vector_load %arg7[%swap3A_713] {strides = array<i32>} : memref<256xi32, #tpu.memory_space<vmem>>, vector<16xi32>,
        tpu.vector_store %arg7[%swap3A_713], %shift_right_logical3A_712 {strides = array<i32>} : memref<256xi32, #tpu.memory_space<vmem>>, vector<16xi32>,
        %and3A_715 = arith.constant 1 : i32
        %and3A_716 = vector.broadcast %and3A_715 : i32 to vector<16xi32>
        %and3A_717 = arith.andi %get3A_709, %and3A_716 : vector<16xi32>
        %shift_left3A_718 = arith.constant 6 : i32
        %shift_left3A_719 = vector.broadcast %shift_left3A_718 : i32 to vector<16xi32>
        %shift_left3A_720 = arith.shli %and3A_717, %shift_left3A_719 : vector<16xi32>
        %swap3A_721 = arith.constant 224 : index
        %swap3A_722 = tpu.vector_load %arg9[%swap3A_721] {strides = array<i32>} : memref<256xi32, #tpu.memory_space<vmem>>, vector<16xi32>,
        tpu.vector_store %arg9[%swap3A_721], %shift_left3A_720 {strides = array<i32>} : memref<256xi32, #tpu.memory_space<vmem>>, vector<16xi32>,
        %get3A_723 = arith.constant 240 : index
        %get3A_724 = tpu.vector_load %arg5[%get3A_723] {strides = array<i32>} : memref<256xi32, #tpu.memory_space<vmem>>, vector<16xi32>,
        %shift_right_logical3A_725 = arith.constant 1 : i32
        %shift_right_logical3A_726 = vector.broadcast %shift_right_logical3A_725 : i32 to vector<16xi32>
        %shift_right_logical3A_727 = arith.shrui %get3A_724, %shift_right_logical3A_726 : vector<16xi32>
        %swap3A_728 = arith.constant 240 : index
        %swap3A_729 = tpu.vector_load %arg7[%swap3A_728] {strides = array<i32>} : memref<256xi32, #tpu.memory_space<vmem>>, vector<16xi32>,
        tpu.vector_store %arg7[%swap3A_728], %shift_right_logical3A_727 {strides = array<i32>} : memref<256xi32, #tpu.memory_space<vmem>>, vector<16xi32>,
        %and3A_730 = arith.constant 1 : i32
        %and3A_731 = vector.broadcast %and3A_730 : i32 to vector<16xi32>
        %and3A_732 = arith.andi %get3A_724, %and3A_731 : vector<16xi32>
        %shift_left3A_733 = arith.constant 6 : i32
        %shift_left3A_734 = vector.broadcast %shift_left3A_733 : i32 to vector<16xi32>
        %shift_left3A_735 = arith.shli %and3A_732, %shift_left3A_734 : vector<16xi32>
        %swap3A_736 = arith.constant 240 : index
        %swap3A_737 = tpu.vector_load %arg9[%swap3A_736] {strides = array<i32>} : memref<256xi32, #tpu.memory_space<vmem>>, vector<16xi32>,
        tpu.vector_store %arg9[%swap3A_736], %shift_left3A_735 {strides = array<i32>} : memref<256xi32, #tpu.memory_space<vmem>>, vector<16xi32>,
        %dma_start3A_738 = arith.constant 0 : i32
        %dma_start3A_739 = arith.constant 0 : i32
        %dma_start3A_740 = tpu.memref_slice %arg11[%dma_start3A_738, %dma_start3A_739] : memref<256x128xf32, #tpu.memory_space<vmem>> -> memref<128x128xf32, #tpu.memory_space<vmem>>
        %dma_start3A_741 = arith.constant 0 : i32
        %dma_start3A_742 = tpu.memref_slice %arg7[%dma_start3A_741] : memref<256xi32, #tpu.memory_space<vmem>> -> memref<128xi32, #tpu.memory_space<vmem>>
        %dma_start3A_743 = arith.constant 0 : i32
        %dma_start3A_744 = arith.constant 0 : i32
        %dma_start3A_745 = tpu.memref_slice %arg3[%dma_start3A_743, %dma_start3A_744] : memref<500000x128xf32, #tpu.memory_space<hbm>> -> memref<500000x128xf32, #tpu.memory_space<hbm>>
        tpu.enqueue_indirect_dma source(%dma_start3A_745 : memref<500000x128xf32, #tpu.memory_space<hbm>>) target(%dma_start3A_740 : memref<128x128xf32, #tpu.memory_space<vmem>>) offsets(%dma_start3A_742 : memref<128xi32, #tpu.memory_space<vmem>>) semaphore(%arg17 : memref<!tpu.dma_semaphore, #tpu.memory_space<semaphore_mem>>)
        %dma_start3A_746 = arith.constant 128 : i32
        %dma_start3A_747 = arith.constant 0 : i32
        %dma_start3A_748 = tpu.memref_slice %arg11[%dma_start3A_746, %dma_start3A_747] : memref<256x128xf32, #tpu.memory_space<vmem>> -> memref<128x128xf32, #tpu.memory_space<vmem>>
        %dma_start3A_749 = arith.constant 128 : i32
        %dma_start3A_750 = tpu.memref_slice %arg7[%dma_start3A_749] : memref<256xi32, #tpu.memory_space<vmem>> -> memref<128xi32, #tpu.memory_space<vmem>>
        %dma_start3A_751 = arith.constant 0 : i32
        %dma_start3A_752 = arith.constant 0 : i32
        %dma_start3A_753 = tpu.memref_slice %arg3[%dma_start3A_751, %dma_start3A_752] : memref<500000x128xf32, #tpu.memory_space<hbm>> -> memref<500000x128xf32, #tpu.memory_space<hbm>>
        tpu.enqueue_indirect_dma source(%dma_start3A_753 : memref<500000x128xf32, #tpu.memory_space<hbm>>) target(%dma_start3A_748 : memref<128x128xf32, #tpu.memory_space<vmem>>) offsets(%dma_start3A_750 : memref<128xi32, #tpu.memory_space<vmem>>) semaphore(%arg17 : memref<!tpu.dma_semaphore, #tpu.memory_space<semaphore_mem>>)
      } else {
      }
      %dma_wait3A_457 = arith.constant 0 : i32
      %dma_wait3A_458 = arith.constant 0 : i32
      %dma_wait3A_459 = tpu.memref_slice %arg3[%dma_wait3A_457, %dma_wait3A_458] : memref<500000x128xf32, #tpu.memory_space<hbm>> -> memref<256x128xf32, #tpu.memory_space<hbm>>
      %dma_wait3A_460 = arith.constant 0 : i32
      %dma_wait3A_461 = arith.constant 0 : i32
      %dma_wait3A_462 = tpu.memref_slice %arg3[%dma_wait3A_460, %dma_wait3A_461] : memref<500000x128xf32, #tpu.memory_space<hbm>> -> memref<256x128xf32, #tpu.memory_space<hbm>>
      tpu.wait_dma2 semaphore(%arg18 : memref<!tpu.dma_semaphore, #tpu.memory_space<semaphore_mem>>) src(%dma_wait3A_462 : memref<256x128xf32, #tpu.memory_space<hbm>>) dst(%arg12 : memref<256x128xf32, #tpu.memory_space<vmem>>)
      %add3A_463 = arith.constant 2 : i32
      %add3A_464 = arith.addi %add3A_449, %add3A_463 : i32
      %lt3A_465 = arith.constant 52 : i32
      %lt3A_466 = arith.cmpi slt, %add3A_464, %lt3A_465 : i32
      %convert_element_type3A_467 = arith.extui %lt3A_466 : i1 to i32
      %cond3A_468 = arith.constant 0 : i32
      %cond3A_469 = arith.cmpi ne, %convert_element_type3A_467, %cond3A_468 : i32
      scf.if %cond3A_469 {
        %add3A_494 = arith.constant 2 : i32
        %add3A_495 = arith.addi %add3A_449, %add3A_494 : i32
        %add3A_496 = arith.addi %mul3A_2, %add3A_495 : i32
        %shift_right_logical3A_497 = arith.constant 6 : i32
        %shift_right_logical3A_498 = arith.shrui %add3A_496, %shift_right_logical3A_497 : i32
        %and3A_499 = arith.constant 63 : i32
        %and3A_500 = arith.andi %add3A_496, %and3A_499 : i32
        %shift_left3A_501 = arith.constant 8 : i32
        %shift_left3A_502 = arith.shli %and3A_500, %shift_left3A_501 : i32
        %multiple_of3A_503 = tpu.assume_multiple %shift_left3A_502, 256 : i32
        %mul3A_504 = arith.constant 16384 : i32
        %mul3A_505 = arith.muli %shift_right_logical3A_498, %mul3A_504 : i32
        %add3A_506 = arith.addi %mul3A_505, %multiple_of3A_503 : i32
        %dma_start3A_507 = tpu.memref_slice %arg2[%add3A_506] : memref<425984xi32, #tpu.memory_space<hbm>> -> memref<256xi32, #tpu.memory_space<hbm>>
        %dma_start3A_508 = tpu.memref_slice %arg2[%add3A_506] : memref<425984xi32, #tpu.memory_space<hbm>> -> memref<256xi32, #tpu.memory_space<hbm>>
        tpu.enqueue_dma source(%dma_start3A_508 : memref<256xi32, #tpu.memory_space<hbm>>) target(%arg6 : memref<256xi32, #tpu.memory_space<vmem>>) target_semaphore(%arg16 : memref<!tpu.dma_semaphore, #tpu.memory_space<semaphore_mem>>)
      } else {
      }
      %ge3A_470 = arith.constant 2 : i32
      %ge3A_471 = arith.cmpi sge, %add3A_449, %ge3A_470 : i32
      %convert_element_type3A_472 = arith.extui %ge3A_471 : i1 to i32
      %cond3A_473 = arith.constant 0 : i32
      %cond3A_474 = arith.cmpi ne, %convert_element_type3A_472, %cond3A_473 : i32
      scf.if %cond3A_474 {
        %dma_wait3A_494 = arith.constant 0 : i32
        %dma_wait3A_495 = arith.constant 0 : i32
        %dma_wait3A_496 = arith.constant 0 : i32
        %dma_wait3A_497 = tpu.memref_slice %arg4[%dma_wait3A_494, %dma_wait3A_495, %dma_wait3A_496] : memref<26x64x16384xf32, #tpu.memory_space<hbm>> -> memref<1x64x256xf32, #tpu.memory_space<hbm>>
        %dma_wait3A_498 = tpu.memref_squeeze %dma_wait3A_497 : memref<1x64x256xf32, #tpu.memory_space<hbm>> -> memref<64x256xf32, #tpu.memory_space<hbm>>
        %dma_wait3A_499 = arith.constant 0 : i32
        %dma_wait3A_500 = arith.constant 0 : i32
        %dma_wait3A_501 = tpu.memref_slice %arg4[%dma_wait3A_494, %dma_wait3A_499, %dma_wait3A_500] : memref<26x64x16384xf32, #tpu.memory_space<hbm>> -> memref<1x64x256xf32, #tpu.memory_space<hbm>>
        %dma_wait3A_502 = tpu.memref_squeeze %dma_wait3A_501 : memref<1x64x256xf32, #tpu.memory_space<hbm>> -> memref<64x256xf32, #tpu.memory_space<hbm>>
        tpu.wait_dma2 semaphore(%arg20 : memref<!tpu.dma_semaphore, #tpu.memory_space<semaphore_mem>>) src(%arg14 : memref<64x256xf32, #tpu.memory_space<vmem>>) dst(%dma_wait3A_502 : memref<64x256xf32, #tpu.memory_space<hbm>>)
      } else {
      }
      %scan3A_475 = arith.constant 0 : i32
      %scan3A_476 = arith.constant 16 : i32
      %scan3A_477 = arith.addi %scan3A_475, %scan3A_476 : i32
      %scan3A_478 = arith.constant 1 : i32
      scf.for %scan3A_494 = %scan3A_475 to %scan3A_477 step %scan3A_478  : i32 {
        %mul3A_495 = arith.constant 16 : i32
        %mul3A_496 = arith.muli %scan3A_494, %mul3A_495 : i32
        %add3A_497 = arith.constant 0 : i32
        %add3A_498 = arith.addi %add3A_497, %mul3A_496 : i32
        %add3A_499 = vector.broadcast %add3A_498 : i32 to vector<16xi32>
        %add3A_500 = arith.addi %iota3A, %add3A_499 : vector<16xi32>
        %get3A_501 = arith.index_cast %add3A_498 : i32 to index
        %get3A_502 = tpu.vector_load %arg10[%get3A_501] {strides = array<i32>} : memref<256xi32, #tpu.memory_space<vmem>>, vector<16xi32>,
        %add3A_503 = arith.constant 0 : i32
        %add3A_504 = vector.broadcast %add3A_503 : i32 to vector<16xi32>
        %add3A_505 = arith.addi %and3A_7, %add3A_504 : vector<16xi32>
        %add3A_506 = arith.addi %add3A_505, %get3A_502 : vector<16xi32>
        %gather3A = tpu.vector_load_idx %arg12[%add3A_500, %add3A_506] : memref<256x128xf32, #tpu.memory_space<vmem>>[vector<16xi32>, vector<16xi32>], vector<16xf32>,
        %add3A_507 = arith.constant 0 : i32
        %add3A_508 = vector.broadcast %add3A_507 : i32 to vector<16xi32>
        %add3A_509 = arith.addi %and3A_13, %add3A_508 : vector<16xi32>
        %add3A_510 = arith.addi %add3A_509, %get3A_502 : vector<16xi32>
        %gather3A_511 = tpu.vector_load_idx %arg12[%add3A_500, %add3A_510] : memref<256x128xf32, #tpu.memory_space<vmem>>[vector<16xi32>, vector<16xi32>], vector<16xf32>,
        %add3A_512 = arith.constant 0 : i32
        %add3A_513 = vector.broadcast %add3A_512 : i32 to vector<16xi32>
        %add3A_514 = arith.addi %and3A_19, %add3A_513 : vector<16xi32>
        %add3A_515 = arith.addi %add3A_514, %get3A_502 : vector<16xi32>
        %gather3A_516 = tpu.vector_load_idx %arg12[%add3A_500, %add3A_515] : memref<256x128xf32, #tpu.memory_space<vmem>>[vector<16xi32>, vector<16xi32>], vector<16xf32>,
        %add3A_517 = arith.constant 0 : i32
        %add3A_518 = vector.broadcast %add3A_517 : i32 to vector<16xi32>
        %add3A_519 = arith.addi %and3A_25, %add3A_518 : vector<16xi32>
        %add3A_520 = arith.addi %add3A_519, %get3A_502 : vector<16xi32>
        %gather3A_521 = tpu.vector_load_idx %arg12[%add3A_500, %add3A_520] : memref<256x128xf32, #tpu.memory_space<vmem>>[vector<16xi32>, vector<16xi32>], vector<16xf32>,
        %add3A_522 = arith.constant 0 : i32
        %add3A_523 = vector.broadcast %add3A_522 : i32 to vector<16xi32>
        %add3A_524 = arith.addi %and3A_31, %add3A_523 : vector<16xi32>
        %add3A_525 = arith.addi %add3A_524, %get3A_502 : vector<16xi32>
        %gather3A_526 = tpu.vector_load_idx %arg12[%add3A_500, %add3A_525] : memref<256x128xf32, #tpu.memory_space<vmem>>[vector<16xi32>, vector<16xi32>], vector<16xf32>,
        %add3A_527 = arith.constant 0 : i32
        %add3A_528 = vector.broadcast %add3A_527 : i32 to vector<16xi32>
        %add3A_529 = arith.addi %and3A_37, %add3A_528 : vector<16xi32>
        %add3A_530 = arith.addi %add3A_529, %get3A_502 : vector<16xi32>
        %gather3A_531 = tpu.vector_load_idx %arg12[%add3A_500, %add3A_530] : memref<256x128xf32, #tpu.memory_space<vmem>>[vector<16xi32>, vector<16xi32>], vector<16xf32>,
        %add3A_532 = arith.constant 0 : i32
        %add3A_533 = vector.broadcast %add3A_532 : i32 to vector<16xi32>
        %add3A_534 = arith.addi %and3A_43, %add3A_533 : vector<16xi32>
        %add3A_535 = arith.addi %add3A_534, %get3A_502 : vector<16xi32>
        %gather3A_536 = tpu.vector_load_idx %arg12[%add3A_500, %add3A_535] : memref<256x128xf32, #tpu.memory_space<vmem>>[vector<16xi32>, vector<16xi32>], vector<16xf32>,
        %add3A_537 = arith.constant 0 : i32
        %add3A_538 = vector.broadcast %add3A_537 : i32 to vector<16xi32>
        %add3A_539 = arith.addi %and3A_49, %add3A_538 : vector<16xi32>
        %add3A_540 = arith.addi %add3A_539, %get3A_502 : vector<16xi32>
        %gather3A_541 = tpu.vector_load_idx %arg12[%add3A_500, %add3A_540] : memref<256x128xf32, #tpu.memory_space<vmem>>[vector<16xi32>, vector<16xi32>], vector<16xf32>,
        %add3A_542 = arith.constant 0 : i32
        %add3A_543 = vector.broadcast %add3A_542 : i32 to vector<16xi32>
        %add3A_544 = arith.addi %and3A_55, %add3A_543 : vector<16xi32>
        %add3A_545 = arith.addi %add3A_544, %get3A_502 : vector<16xi32>
        %gather3A_546 = tpu.vector_load_idx %arg12[%add3A_500, %add3A_545] : memref<256x128xf32, #tpu.memory_space<vmem>>[vector<16xi32>, vector<16xi32>], vector<16xf32>,
        %add3A_547 = arith.constant 0 : i32
        %add3A_548 = vector.broadcast %add3A_547 : i32 to vector<16xi32>
        %add3A_549 = arith.addi %and3A_61, %add3A_548 : vector<16xi32>
        %add3A_550 = arith.addi %add3A_549, %get3A_502 : vector<16xi32>
        %gather3A_551 = tpu.vector_load_idx %arg12[%add3A_500, %add3A_550] : memref<256x128xf32, #tpu.memory_space<vmem>>[vector<16xi32>, vector<16xi32>], vector<16xf32>,
        %add3A_552 = arith.constant 0 : i32
        %add3A_553 = vector.broadcast %add3A_552 : i32 to vector<16xi32>
        %add3A_554 = arith.addi %and3A_67, %add3A_553 : vector<16xi32>
        %add3A_555 = arith.addi %add3A_554, %get3A_502 : vector<16xi32>
        %gather3A_556 = tpu.vector_load_idx %arg12[%add3A_500, %add3A_555] : memref<256x128xf32, #tpu.memory_space<vmem>>[vector<16xi32>, vector<16xi32>], vector<16xf32>,
        %add3A_557 = arith.constant 0 : i32
        %add3A_558 = vector.broadcast %add3A_557 : i32 to vector<16xi32>
        %add3A_559 = arith.addi %and3A_73, %add3A_558 : vector<16xi32>
        %add3A_560 = arith.addi %add3A_559, %get3A_502 : vector<16xi32>
        %gather3A_561 = tpu.vector_load_idx %arg12[%add3A_500, %add3A_560] : memref<256x128xf32, #tpu.memory_space<vmem>>[vector<16xi32>, vector<16xi32>], vector<16xf32>,
        %add3A_562 = arith.constant 0 : i32
        %add3A_563 = vector.broadcast %add3A_562 : i32 to vector<16xi32>
        %add3A_564 = arith.addi %and3A_79, %add3A_563 : vector<16xi32>
        %add3A_565 = arith.addi %add3A_564, %get3A_502 : vector<16xi32>
        %gather3A_566 = tpu.vector_load_idx %arg12[%add3A_500, %add3A_565] : memref<256x128xf32, #tpu.memory_space<vmem>>[vector<16xi32>, vector<16xi32>], vector<16xf32>,
        %add3A_567 = arith.constant 0 : i32
        %add3A_568 = vector.broadcast %add3A_567 : i32 to vector<16xi32>
        %add3A_569 = arith.addi %and3A_85, %add3A_568 : vector<16xi32>
        %add3A_570 = arith.addi %add3A_569, %get3A_502 : vector<16xi32>
        %gather3A_571 = tpu.vector_load_idx %arg12[%add3A_500, %add3A_570] : memref<256x128xf32, #tpu.memory_space<vmem>>[vector<16xi32>, vector<16xi32>], vector<16xf32>,
        %add3A_572 = arith.constant 0 : i32
        %add3A_573 = vector.broadcast %add3A_572 : i32 to vector<16xi32>
        %add3A_574 = arith.addi %and3A_91, %add3A_573 : vector<16xi32>
        %add3A_575 = arith.addi %add3A_574, %get3A_502 : vector<16xi32>
        %gather3A_576 = tpu.vector_load_idx %arg12[%add3A_500, %add3A_575] : memref<256x128xf32, #tpu.memory_space<vmem>>[vector<16xi32>, vector<16xi32>], vector<16xf32>,
        %add3A_577 = arith.constant 0 : i32
        %add3A_578 = vector.broadcast %add3A_577 : i32 to vector<16xi32>
        %add3A_579 = arith.addi %and3A_97, %add3A_578 : vector<16xi32>
        %add3A_580 = arith.addi %add3A_579, %get3A_502 : vector<16xi32>
        %gather3A_581 = tpu.vector_load_idx %arg12[%add3A_500, %add3A_580] : memref<256x128xf32, #tpu.memory_space<vmem>>[vector<16xi32>, vector<16xi32>], vector<16xf32>,
        %add3A_582 = arith.constant 0 : i32
        %add3A_583 = vector.broadcast %add3A_582 : i32 to vector<16xi32>
        %add3A_584 = arith.addi %and3A_7, %add3A_583 : vector<16xi32>
        tpu.vector_store_idx %arg14[%add3A_584, %add3A_500], %gather3A : memref<64x256xf32, #tpu.memory_space<vmem>>[vector<16xi32>, vector<16xi32>], vector<16xf32>,
        %add3A_585 = arith.constant 0 : i32
        %add3A_586 = vector.broadcast %add3A_585 : i32 to vector<16xi32>
        %add3A_587 = arith.addi %and3A_13, %add3A_586 : vector<16xi32>
        tpu.vector_store_idx %arg14[%add3A_587, %add3A_500], %gather3A_511 : memref<64x256xf32, #tpu.memory_space<vmem>>[vector<16xi32>, vector<16xi32>], vector<16xf32>,
        %add3A_588 = arith.constant 0 : i32
        %add3A_589 = vector.broadcast %add3A_588 : i32 to vector<16xi32>
        %add3A_590 = arith.addi %and3A_19, %add3A_589 : vector<16xi32>
        tpu.vector_store_idx %arg14[%add3A_590, %add3A_500], %gather3A_516 : memref<64x256xf32, #tpu.memory_space<vmem>>[vector<16xi32>, vector<16xi32>], vector<16xf32>,
        %add3A_591 = arith.constant 0 : i32
        %add3A_592 = vector.broadcast %add3A_591 : i32 to vector<16xi32>
        %add3A_593 = arith.addi %and3A_25, %add3A_592 : vector<16xi32>
        tpu.vector_store_idx %arg14[%add3A_593, %add3A_500], %gather3A_521 : memref<64x256xf32, #tpu.memory_space<vmem>>[vector<16xi32>, vector<16xi32>], vector<16xf32>,
        %add3A_594 = arith.constant 0 : i32
        %add3A_595 = vector.broadcast %add3A_594 : i32 to vector<16xi32>
        %add3A_596 = arith.addi %and3A_31, %add3A_595 : vector<16xi32>
        tpu.vector_store_idx %arg14[%add3A_596, %add3A_500], %gather3A_526 : memref<64x256xf32, #tpu.memory_space<vmem>>[vector<16xi32>, vector<16xi32>], vector<16xf32>,
        %add3A_597 = arith.constant 0 : i32
        %add3A_598 = vector.broadcast %add3A_597 : i32 to vector<16xi32>
        %add3A_599 = arith.addi %and3A_37, %add3A_598 : vector<16xi32>
        tpu.vector_store_idx %arg14[%add3A_599, %add3A_500], %gather3A_531 : memref<64x256xf32, #tpu.memory_space<vmem>>[vector<16xi32>, vector<16xi32>], vector<16xf32>,
        %add3A_600 = arith.constant 0 : i32
        %add3A_601 = vector.broadcast %add3A_600 : i32 to vector<16xi32>
        %add3A_602 = arith.addi %and3A_43, %add3A_601 : vector<16xi32>
        tpu.vector_store_idx %arg14[%add3A_602, %add3A_500], %gather3A_536 : memref<64x256xf32, #tpu.memory_space<vmem>>[vector<16xi32>, vector<16xi32>], vector<16xf32>,
        %add3A_603 = arith.constant 0 : i32
        %add3A_604 = vector.broadcast %add3A_603 : i32 to vector<16xi32>
        %add3A_605 = arith.addi %and3A_49, %add3A_604 : vector<16xi32>
        tpu.vector_store_idx %arg14[%add3A_605, %add3A_500], %gather3A_541 : memref<64x256xf32, #tpu.memory_space<vmem>>[vector<16xi32>, vector<16xi32>], vector<16xf32>,
        %add3A_606 = arith.constant 0 : i32
        %add3A_607 = vector.broadcast %add3A_606 : i32 to vector<16xi32>
        %add3A_608 = arith.addi %and3A_55, %add3A_607 : vector<16xi32>
        tpu.vector_store_idx %arg14[%add3A_608, %add3A_500], %gather3A_546 : memref<64x256xf32, #tpu.memory_space<vmem>>[vector<16xi32>, vector<16xi32>], vector<16xf32>,
        %add3A_609 = arith.constant 0 : i32
        %add3A_610 = vector.broadcast %add3A_609 : i32 to vector<16xi32>
        %add3A_611 = arith.addi %and3A_61, %add3A_610 : vector<16xi32>
        tpu.vector_store_idx %arg14[%add3A_611, %add3A_500], %gather3A_551 : memref<64x256xf32, #tpu.memory_space<vmem>>[vector<16xi32>, vector<16xi32>], vector<16xf32>,
        %add3A_612 = arith.constant 0 : i32
        %add3A_613 = vector.broadcast %add3A_612 : i32 to vector<16xi32>
        %add3A_614 = arith.addi %and3A_67, %add3A_613 : vector<16xi32>
        tpu.vector_store_idx %arg14[%add3A_614, %add3A_500], %gather3A_556 : memref<64x256xf32, #tpu.memory_space<vmem>>[vector<16xi32>, vector<16xi32>], vector<16xf32>,
        %add3A_615 = arith.constant 0 : i32
        %add3A_616 = vector.broadcast %add3A_615 : i32 to vector<16xi32>
        %add3A_617 = arith.addi %and3A_73, %add3A_616 : vector<16xi32>
        tpu.vector_store_idx %arg14[%add3A_617, %add3A_500], %gather3A_561 : memref<64x256xf32, #tpu.memory_space<vmem>>[vector<16xi32>, vector<16xi32>], vector<16xf32>,
        %add3A_618 = arith.constant 0 : i32
        %add3A_619 = vector.broadcast %add3A_618 : i32 to vector<16xi32>
        %add3A_620 = arith.addi %and3A_79, %add3A_619 : vector<16xi32>
        tpu.vector_store_idx %arg14[%add3A_620, %add3A_500], %gather3A_566 : memref<64x256xf32, #tpu.memory_space<vmem>>[vector<16xi32>, vector<16xi32>], vector<16xf32>,
        %add3A_621 = arith.constant 0 : i32
        %add3A_622 = vector.broadcast %add3A_621 : i32 to vector<16xi32>
        %add3A_623 = arith.addi %and3A_85, %add3A_622 : vector<16xi32>
        tpu.vector_store_idx %arg14[%add3A_623, %add3A_500], %gather3A_571 : memref<64x256xf32, #tpu.memory_space<vmem>>[vector<16xi32>, vector<16xi32>], vector<16xf32>,
        %add3A_624 = arith.constant 0 : i32
        %add3A_625 = vector.broadcast %add3A_624 : i32 to vector<16xi32>
        %add3A_626 = arith.addi %and3A_91, %add3A_625 : vector<16xi32>
        tpu.vector_store_idx %arg14[%add3A_626, %add3A_500], %gather3A_576 : memref<64x256xf32, #tpu.memory_space<vmem>>[vector<16xi32>, vector<16xi32>], vector<16xf32>,
        %add3A_627 = arith.constant 0 : i32
        %add3A_628 = vector.broadcast %add3A_627 : i32 to vector<16xi32>
        %add3A_629 = arith.addi %and3A_97, %add3A_628 : vector<16xi32>
        tpu.vector_store_idx %arg14[%add3A_629, %add3A_500], %gather3A_581 : memref<64x256xf32, #tpu.memory_space<vmem>>[vector<16xi32>, vector<16xi32>], vector<16xf32>,
        %add3A_630 = arith.constant 16 : i32
        %add3A_631 = vector.broadcast %add3A_630 : i32 to vector<16xi32>
        %add3A_632 = arith.addi %and3A_7, %add3A_631 : vector<16xi32>
        %add3A_633 = arith.addi %add3A_632, %get3A_502 : vector<16xi32>
        %gather3A_634 = tpu.vector_load_idx %arg12[%add3A_500, %add3A_633] : memref<256x128xf32, #tpu.memory_space<vmem>>[vector<16xi32>, vector<16xi32>], vector<16xf32>,
        %add3A_635 = arith.constant 16 : i32
        %add3A_636 = vector.broadcast %add3A_635 : i32 to vector<16xi32>
        %add3A_637 = arith.addi %and3A_13, %add3A_636 : vector<16xi32>
        %add3A_638 = arith.addi %add3A_637, %get3A_502 : vector<16xi32>
        %gather3A_639 = tpu.vector_load_idx %arg12[%add3A_500, %add3A_638] : memref<256x128xf32, #tpu.memory_space<vmem>>[vector<16xi32>, vector<16xi32>], vector<16xf32>,
        %add3A_640 = arith.constant 16 : i32
        %add3A_641 = vector.broadcast %add3A_640 : i32 to vector<16xi32>
        %add3A_642 = arith.addi %and3A_19, %add3A_641 : vector<16xi32>
        %add3A_643 = arith.addi %add3A_642, %get3A_502 : vector<16xi32>
        %gather3A_644 = tpu.vector_load_idx %arg12[%add3A_500, %add3A_643] : memref<256x128xf32, #tpu.memory_space<vmem>>[vector<16xi32>, vector<16xi32>], vector<16xf32>,
        %add3A_645 = arith.constant 16 : i32
        %add3A_646 = vector.broadcast %add3A_645 : i32 to vector<16xi32>
        %add3A_647 = arith.addi %and3A_25, %add3A_646 : vector<16xi32>
        %add3A_648 = arith.addi %add3A_647, %get3A_502 : vector<16xi32>
        %gather3A_649 = tpu.vector_load_idx %arg12[%add3A_500, %add3A_648] : memref<256x128xf32, #tpu.memory_space<vmem>>[vector<16xi32>, vector<16xi32>], vector<16xf32>,
        %add3A_650 = arith.constant 16 : i32
        %add3A_651 = vector.broadcast %add3A_650 : i32 to vector<16xi32>
        %add3A_652 = arith.addi %and3A_31, %add3A_651 : vector<16xi32>
        %add3A_653 = arith.addi %add3A_652, %get3A_502 : vector<16xi32>
        %gather3A_654 = tpu.vector_load_idx %arg12[%add3A_500, %add3A_653] : memref<256x128xf32, #tpu.memory_space<vmem>>[vector<16xi32>, vector<16xi32>], vector<16xf32>,
        %add3A_655 = arith.constant 16 : i32
        %add3A_656 = vector.broadcast %add3A_655 : i32 to vector<16xi32>
        %add3A_657 = arith.addi %and3A_37, %add3A_656 : vector<16xi32>
        %add3A_658 = arith.addi %add3A_657, %get3A_502 : vector<16xi32>
        %gather3A_659 = tpu.vector_load_idx %arg12[%add3A_500, %add3A_658] : memref<256x128xf32, #tpu.memory_space<vmem>>[vector<16xi32>, vector<16xi32>], vector<16xf32>,
        %add3A_660 = arith.constant 16 : i32
        %add3A_661 = vector.broadcast %add3A_660 : i32 to vector<16xi32>
        %add3A_662 = arith.addi %and3A_43, %add3A_661 : vector<16xi32>
        %add3A_663 = arith.addi %add3A_662, %get3A_502 : vector<16xi32>
        %gather3A_664 = tpu.vector_load_idx %arg12[%add3A_500, %add3A_663] : memref<256x128xf32, #tpu.memory_space<vmem>>[vector<16xi32>, vector<16xi32>], vector<16xf32>,
        %add3A_665 = arith.constant 16 : i32
        %add3A_666 = vector.broadcast %add3A_665 : i32 to vector<16xi32>
        %add3A_667 = arith.addi %and3A_49, %add3A_666 : vector<16xi32>
        %add3A_668 = arith.addi %add3A_667, %get3A_502 : vector<16xi32>
        %gather3A_669 = tpu.vector_load_idx %arg12[%add3A_500, %add3A_668] : memref<256x128xf32, #tpu.memory_space<vmem>>[vector<16xi32>, vector<16xi32>], vector<16xf32>,
        %add3A_670 = arith.constant 16 : i32
        %add3A_671 = vector.broadcast %add3A_670 : i32 to vector<16xi32>
        %add3A_672 = arith.addi %and3A_55, %add3A_671 : vector<16xi32>
        %add3A_673 = arith.addi %add3A_672, %get3A_502 : vector<16xi32>
        %gather3A_674 = tpu.vector_load_idx %arg12[%add3A_500, %add3A_673] : memref<256x128xf32, #tpu.memory_space<vmem>>[vector<16xi32>, vector<16xi32>], vector<16xf32>,
        %add3A_675 = arith.constant 16 : i32
        %add3A_676 = vector.broadcast %add3A_675 : i32 to vector<16xi32>
        %add3A_677 = arith.addi %and3A_61, %add3A_676 : vector<16xi32>
        %add3A_678 = arith.addi %add3A_677, %get3A_502 : vector<16xi32>
        %gather3A_679 = tpu.vector_load_idx %arg12[%add3A_500, %add3A_678] : memref<256x128xf32, #tpu.memory_space<vmem>>[vector<16xi32>, vector<16xi32>], vector<16xf32>,
        %add3A_680 = arith.constant 16 : i32
        %add3A_681 = vector.broadcast %add3A_680 : i32 to vector<16xi32>
        %add3A_682 = arith.addi %and3A_67, %add3A_681 : vector<16xi32>
        %add3A_683 = arith.addi %add3A_682, %get3A_502 : vector<16xi32>
        %gather3A_684 = tpu.vector_load_idx %arg12[%add3A_500, %add3A_683] : memref<256x128xf32, #tpu.memory_space<vmem>>[vector<16xi32>, vector<16xi32>], vector<16xf32>,
        %add3A_685 = arith.constant 16 : i32
        %add3A_686 = vector.broadcast %add3A_685 : i32 to vector<16xi32>
        %add3A_687 = arith.addi %and3A_73, %add3A_686 : vector<16xi32>
        %add3A_688 = arith.addi %add3A_687, %get3A_502 : vector<16xi32>
        %gather3A_689 = tpu.vector_load_idx %arg12[%add3A_500, %add3A_688] : memref<256x128xf32, #tpu.memory_space<vmem>>[vector<16xi32>, vector<16xi32>], vector<16xf32>,
        %add3A_690 = arith.constant 16 : i32
        %add3A_691 = vector.broadcast %add3A_690 : i32 to vector<16xi32>
        %add3A_692 = arith.addi %and3A_79, %add3A_691 : vector<16xi32>
        %add3A_693 = arith.addi %add3A_692, %get3A_502 : vector<16xi32>
        %gather3A_694 = tpu.vector_load_idx %arg12[%add3A_500, %add3A_693] : memref<256x128xf32, #tpu.memory_space<vmem>>[vector<16xi32>, vector<16xi32>], vector<16xf32>,
        %add3A_695 = arith.constant 16 : i32
        %add3A_696 = vector.broadcast %add3A_695 : i32 to vector<16xi32>
        %add3A_697 = arith.addi %and3A_85, %add3A_696 : vector<16xi32>
        %add3A_698 = arith.addi %add3A_697, %get3A_502 : vector<16xi32>
        %gather3A_699 = tpu.vector_load_idx %arg12[%add3A_500, %add3A_698] : memref<256x128xf32, #tpu.memory_space<vmem>>[vector<16xi32>, vector<16xi32>], vector<16xf32>,
        %add3A_700 = arith.constant 16 : i32
        %add3A_701 = vector.broadcast %add3A_700 : i32 to vector<16xi32>
        %add3A_702 = arith.addi %and3A_91, %add3A_701 : vector<16xi32>
        %add3A_703 = arith.addi %add3A_702, %get3A_502 : vector<16xi32>
        %gather3A_704 = tpu.vector_load_idx %arg12[%add3A_500, %add3A_703] : memref<256x128xf32, #tpu.memory_space<vmem>>[vector<16xi32>, vector<16xi32>], vector<16xf32>,
        %add3A_705 = arith.constant 16 : i32
        %add3A_706 = vector.broadcast %add3A_705 : i32 to vector<16xi32>
        %add3A_707 = arith.addi %and3A_97, %add3A_706 : vector<16xi32>
        %add3A_708 = arith.addi %add3A_707, %get3A_502 : vector<16xi32>
        %gather3A_709 = tpu.vector_load_idx %arg12[%add3A_500, %add3A_708] : memref<256x128xf32, #tpu.memory_space<vmem>>[vector<16xi32>, vector<16xi32>], vector<16xf32>,
        %add3A_710 = arith.constant 16 : i32
        %add3A_711 = vector.broadcast %add3A_710 : i32 to vector<16xi32>
        %add3A_712 = arith.addi %and3A_7, %add3A_711 : vector<16xi32>
        tpu.vector_store_idx %arg14[%add3A_712, %add3A_500], %gather3A_634 : memref<64x256xf32, #tpu.memory_space<vmem>>[vector<16xi32>, vector<16xi32>], vector<16xf32>,
        %add3A_713 = arith.constant 16 : i32
        %add3A_714 = vector.broadcast %add3A_713 : i32 to vector<16xi32>
        %add3A_715 = arith.addi %and3A_13, %add3A_714 : vector<16xi32>
        tpu.vector_store_idx %arg14[%add3A_715, %add3A_500], %gather3A_639 : memref<64x256xf32, #tpu.memory_space<vmem>>[vector<16xi32>, vector<16xi32>], vector<16xf32>,
        %add3A_716 = arith.constant 16 : i32
        %add3A_717 = vector.broadcast %add3A_716 : i32 to vector<16xi32>
        %add3A_718 = arith.addi %and3A_19, %add3A_717 : vector<16xi32>
        tpu.vector_store_idx %arg14[%add3A_718, %add3A_500], %gather3A_644 : memref<64x256xf32, #tpu.memory_space<vmem>>[vector<16xi32>, vector<16xi32>], vector<16xf32>,
        %add3A_719 = arith.constant 16 : i32
        %add3A_720 = vector.broadcast %add3A_719 : i32 to vector<16xi32>
        %add3A_721 = arith.addi %and3A_25, %add3A_720 : vector<16xi32>
        tpu.vector_store_idx %arg14[%add3A_721, %add3A_500], %gather3A_649 : memref<64x256xf32, #tpu.memory_space<vmem>>[vector<16xi32>, vector<16xi32>], vector<16xf32>,
        %add3A_722 = arith.constant 16 : i32
        %add3A_723 = vector.broadcast %add3A_722 : i32 to vector<16xi32>
        %add3A_724 = arith.addi %and3A_31, %add3A_723 : vector<16xi32>
        tpu.vector_store_idx %arg14[%add3A_724, %add3A_500], %gather3A_654 : memref<64x256xf32, #tpu.memory_space<vmem>>[vector<16xi32>, vector<16xi32>], vector<16xf32>,
        %add3A_725 = arith.constant 16 : i32
        %add3A_726 = vector.broadcast %add3A_725 : i32 to vector<16xi32>
        %add3A_727 = arith.addi %and3A_37, %add3A_726 : vector<16xi32>
        tpu.vector_store_idx %arg14[%add3A_727, %add3A_500], %gather3A_659 : memref<64x256xf32, #tpu.memory_space<vmem>>[vector<16xi32>, vector<16xi32>], vector<16xf32>,
        %add3A_728 = arith.constant 16 : i32
        %add3A_729 = vector.broadcast %add3A_728 : i32 to vector<16xi32>
        %add3A_730 = arith.addi %and3A_43, %add3A_729 : vector<16xi32>
        tpu.vector_store_idx %arg14[%add3A_730, %add3A_500], %gather3A_664 : memref<64x256xf32, #tpu.memory_space<vmem>>[vector<16xi32>, vector<16xi32>], vector<16xf32>,
        %add3A_731 = arith.constant 16 : i32
        %add3A_732 = vector.broadcast %add3A_731 : i32 to vector<16xi32>
        %add3A_733 = arith.addi %and3A_49, %add3A_732 : vector<16xi32>
        tpu.vector_store_idx %arg14[%add3A_733, %add3A_500], %gather3A_669 : memref<64x256xf32, #tpu.memory_space<vmem>>[vector<16xi32>, vector<16xi32>], vector<16xf32>,
        %add3A_734 = arith.constant 16 : i32
        %add3A_735 = vector.broadcast %add3A_734 : i32 to vector<16xi32>
        %add3A_736 = arith.addi %and3A_55, %add3A_735 : vector<16xi32>
        tpu.vector_store_idx %arg14[%add3A_736, %add3A_500], %gather3A_674 : memref<64x256xf32, #tpu.memory_space<vmem>>[vector<16xi32>, vector<16xi32>], vector<16xf32>,
        %add3A_737 = arith.constant 16 : i32
        %add3A_738 = vector.broadcast %add3A_737 : i32 to vector<16xi32>
        %add3A_739 = arith.addi %and3A_61, %add3A_738 : vector<16xi32>
        tpu.vector_store_idx %arg14[%add3A_739, %add3A_500], %gather3A_679 : memref<64x256xf32, #tpu.memory_space<vmem>>[vector<16xi32>, vector<16xi32>], vector<16xf32>,
        %add3A_740 = arith.constant 16 : i32
        %add3A_741 = vector.broadcast %add3A_740 : i32 to vector<16xi32>
        %add3A_742 = arith.addi %and3A_67, %add3A_741 : vector<16xi32>
        tpu.vector_store_idx %arg14[%add3A_742, %add3A_500], %gather3A_684 : memref<64x256xf32, #tpu.memory_space<vmem>>[vector<16xi32>, vector<16xi32>], vector<16xf32>,
        %add3A_743 = arith.constant 16 : i32
        %add3A_744 = vector.broadcast %add3A_743 : i32 to vector<16xi32>
        %add3A_745 = arith.addi %and3A_73, %add3A_744 : vector<16xi32>
        tpu.vector_store_idx %arg14[%add3A_745, %add3A_500], %gather3A_689 : memref<64x256xf32, #tpu.memory_space<vmem>>[vector<16xi32>, vector<16xi32>], vector<16xf32>,
        %add3A_746 = arith.constant 16 : i32
        %add3A_747 = vector.broadcast %add3A_746 : i32 to vector<16xi32>
        %add3A_748 = arith.addi %and3A_79, %add3A_747 : vector<16xi32>
        tpu.vector_store_idx %arg14[%add3A_748, %add3A_500], %gather3A_694 : memref<64x256xf32, #tpu.memory_space<vmem>>[vector<16xi32>, vector<16xi32>], vector<16xf32>,
        %add3A_749 = arith.constant 16 : i32
        %add3A_750 = vector.broadcast %add3A_749 : i32 to vector<16xi32>
        %add3A_751 = arith.addi %and3A_85, %add3A_750 : vector<16xi32>
        tpu.vector_store_idx %arg14[%add3A_751, %add3A_500], %gather3A_699 : memref<64x256xf32, #tpu.memory_space<vmem>>[vector<16xi32>, vector<16xi32>], vector<16xf32>,
        %add3A_752 = arith.constant 16 : i32
        %add3A_753 = vector.broadcast %add3A_752 : i32 to vector<16xi32>
        %add3A_754 = arith.addi %and3A_91, %add3A_753 : vector<16xi32>
        tpu.vector_store_idx %arg14[%add3A_754, %add3A_500], %gather3A_704 : memref<64x256xf32, #tpu.memory_space<vmem>>[vector<16xi32>, vector<16xi32>], vector<16xf32>,
        %add3A_755 = arith.constant 16 : i32
        %add3A_756 = vector.broadcast %add3A_755 : i32 to vector<16xi32>
        %add3A_757 = arith.addi %and3A_97, %add3A_756 : vector<16xi32>
        tpu.vector_store_idx %arg14[%add3A_757, %add3A_500], %gather3A_709 : memref<64x256xf32, #tpu.memory_space<vmem>>[vector<16xi32>, vector<16xi32>], vector<16xf32>,
        %add3A_758 = arith.constant 32 : i32
        %add3A_759 = vector.broadcast %add3A_758 : i32 to vector<16xi32>
        %add3A_760 = arith.addi %and3A_7, %add3A_759 : vector<16xi32>
        %add3A_761 = arith.addi %add3A_760, %get3A_502 : vector<16xi32>
        %gather3A_762 = tpu.vector_load_idx %arg12[%add3A_500, %add3A_761] : memref<256x128xf32, #tpu.memory_space<vmem>>[vector<16xi32>, vector<16xi32>], vector<16xf32>,
        %add3A_763 = arith.constant 32 : i32
        %add3A_764 = vector.broadcast %add3A_763 : i32 to vector<16xi32>
        %add3A_765 = arith.addi %and3A_13, %add3A_764 : vector<16xi32>
        %add3A_766 = arith.addi %add3A_765, %get3A_502 : vector<16xi32>
        %gather3A_767 = tpu.vector_load_idx %arg12[%add3A_500, %add3A_766] : memref<256x128xf32, #tpu.memory_space<vmem>>[vector<16xi32>, vector<16xi32>], vector<16xf32>,
        %add3A_768 = arith.constant 32 : i32
        %add3A_769 = vector.broadcast %add3A_768 : i32 to vector<16xi32>
        %add3A_770 = arith.addi %and3A_19, %add3A_769 : vector<16xi32>
        %add3A_771 = arith.addi %add3A_770, %get3A_502 : vector<16xi32>
        %gather3A_772 = tpu.vector_load_idx %arg12[%add3A_500, %add3A_771] : memref<256x128xf32, #tpu.memory_space<vmem>>[vector<16xi32>, vector<16xi32>], vector<16xf32>,
        %add3A_773 = arith.constant 32 : i32
        %add3A_774 = vector.broadcast %add3A_773 : i32 to vector<16xi32>
        %add3A_775 = arith.addi %and3A_25, %add3A_774 : vector<16xi32>
        %add3A_776 = arith.addi %add3A_775, %get3A_502 : vector<16xi32>
        %gather3A_777 = tpu.vector_load_idx %arg12[%add3A_500, %add3A_776] : memref<256x128xf32, #tpu.memory_space<vmem>>[vector<16xi32>, vector<16xi32>], vector<16xf32>,
        %add3A_778 = arith.constant 32 : i32
        %add3A_779 = vector.broadcast %add3A_778 : i32 to vector<16xi32>
        %add3A_780 = arith.addi %and3A_31, %add3A_779 : vector<16xi32>
        %add3A_781 = arith.addi %add3A_780, %get3A_502 : vector<16xi32>
        %gather3A_782 = tpu.vector_load_idx %arg12[%add3A_500, %add3A_781] : memref<256x128xf32, #tpu.memory_space<vmem>>[vector<16xi32>, vector<16xi32>], vector<16xf32>,
        %add3A_783 = arith.constant 32 : i32
        %add3A_784 = vector.broadcast %add3A_783 : i32 to vector<16xi32>
        %add3A_785 = arith.addi %and3A_37, %add3A_784 : vector<16xi32>
        %add3A_786 = arith.addi %add3A_785, %get3A_502 : vector<16xi32>
        %gather3A_787 = tpu.vector_load_idx %arg12[%add3A_500, %add3A_786] : memref<256x128xf32, #tpu.memory_space<vmem>>[vector<16xi32>, vector<16xi32>], vector<16xf32>,
        %add3A_788 = arith.constant 32 : i32
        %add3A_789 = vector.broadcast %add3A_788 : i32 to vector<16xi32>
        %add3A_790 = arith.addi %and3A_43, %add3A_789 : vector<16xi32>
        %add3A_791 = arith.addi %add3A_790, %get3A_502 : vector<16xi32>
        %gather3A_792 = tpu.vector_load_idx %arg12[%add3A_500, %add3A_791] : memref<256x128xf32, #tpu.memory_space<vmem>>[vector<16xi32>, vector<16xi32>], vector<16xf32>,
        %add3A_793 = arith.constant 32 : i32
        %add3A_794 = vector.broadcast %add3A_793 : i32 to vector<16xi32>
        %add3A_795 = arith.addi %and3A_49, %add3A_794 : vector<16xi32>
        %add3A_796 = arith.addi %add3A_795, %get3A_502 : vector<16xi32>
        %gather3A_797 = tpu.vector_load_idx %arg12[%add3A_500, %add3A_796] : memref<256x128xf32, #tpu.memory_space<vmem>>[vector<16xi32>, vector<16xi32>], vector<16xf32>,
        %add3A_798 = arith.constant 32 : i32
        %add3A_799 = vector.broadcast %add3A_798 : i32 to vector<16xi32>
        %add3A_800 = arith.addi %and3A_55, %add3A_799 : vector<16xi32>
        %add3A_801 = arith.addi %add3A_800, %get3A_502 : vector<16xi32>
        %gather3A_802 = tpu.vector_load_idx %arg12[%add3A_500, %add3A_801] : memref<256x128xf32, #tpu.memory_space<vmem>>[vector<16xi32>, vector<16xi32>], vector<16xf32>,
        %add3A_803 = arith.constant 32 : i32
        %add3A_804 = vector.broadcast %add3A_803 : i32 to vector<16xi32>
        %add3A_805 = arith.addi %and3A_61, %add3A_804 : vector<16xi32>
        %add3A_806 = arith.addi %add3A_805, %get3A_502 : vector<16xi32>
        %gather3A_807 = tpu.vector_load_idx %arg12[%add3A_500, %add3A_806] : memref<256x128xf32, #tpu.memory_space<vmem>>[vector<16xi32>, vector<16xi32>], vector<16xf32>,
        %add3A_808 = arith.constant 32 : i32
        %add3A_809 = vector.broadcast %add3A_808 : i32 to vector<16xi32>
        %add3A_810 = arith.addi %and3A_67, %add3A_809 : vector<16xi32>
        %add3A_811 = arith.addi %add3A_810, %get3A_502 : vector<16xi32>
        %gather3A_812 = tpu.vector_load_idx %arg12[%add3A_500, %add3A_811] : memref<256x128xf32, #tpu.memory_space<vmem>>[vector<16xi32>, vector<16xi32>], vector<16xf32>,
        %add3A_813 = arith.constant 32 : i32
        %add3A_814 = vector.broadcast %add3A_813 : i32 to vector<16xi32>
        %add3A_815 = arith.addi %and3A_73, %add3A_814 : vector<16xi32>
        %add3A_816 = arith.addi %add3A_815, %get3A_502 : vector<16xi32>
        %gather3A_817 = tpu.vector_load_idx %arg12[%add3A_500, %add3A_816] : memref<256x128xf32, #tpu.memory_space<vmem>>[vector<16xi32>, vector<16xi32>], vector<16xf32>,
        %add3A_818 = arith.constant 32 : i32
        %add3A_819 = vector.broadcast %add3A_818 : i32 to vector<16xi32>
        %add3A_820 = arith.addi %and3A_79, %add3A_819 : vector<16xi32>
        %add3A_821 = arith.addi %add3A_820, %get3A_502 : vector<16xi32>
        %gather3A_822 = tpu.vector_load_idx %arg12[%add3A_500, %add3A_821] : memref<256x128xf32, #tpu.memory_space<vmem>>[vector<16xi32>, vector<16xi32>], vector<16xf32>,
        %add3A_823 = arith.constant 32 : i32
        %add3A_824 = vector.broadcast %add3A_823 : i32 to vector<16xi32>
        %add3A_825 = arith.addi %and3A_85, %add3A_824 : vector<16xi32>
        %add3A_826 = arith.addi %add3A_825, %get3A_502 : vector<16xi32>
        %gather3A_827 = tpu.vector_load_idx %arg12[%add3A_500, %add3A_826] : memref<256x128xf32, #tpu.memory_space<vmem>>[vector<16xi32>, vector<16xi32>], vector<16xf32>,
        %add3A_828 = arith.constant 32 : i32
        %add3A_829 = vector.broadcast %add3A_828 : i32 to vector<16xi32>
        %add3A_830 = arith.addi %and3A_91, %add3A_829 : vector<16xi32>
        %add3A_831 = arith.addi %add3A_830, %get3A_502 : vector<16xi32>
        %gather3A_832 = tpu.vector_load_idx %arg12[%add3A_500, %add3A_831] : memref<256x128xf32, #tpu.memory_space<vmem>>[vector<16xi32>, vector<16xi32>], vector<16xf32>,
        %add3A_833 = arith.constant 32 : i32
        %add3A_834 = vector.broadcast %add3A_833 : i32 to vector<16xi32>
        %add3A_835 = arith.addi %and3A_97, %add3A_834 : vector<16xi32>
        %add3A_836 = arith.addi %add3A_835, %get3A_502 : vector<16xi32>
        %gather3A_837 = tpu.vector_load_idx %arg12[%add3A_500, %add3A_836] : memref<256x128xf32, #tpu.memory_space<vmem>>[vector<16xi32>, vector<16xi32>], vector<16xf32>,
        %add3A_838 = arith.constant 32 : i32
        %add3A_839 = vector.broadcast %add3A_838 : i32 to vector<16xi32>
        %add3A_840 = arith.addi %and3A_7, %add3A_839 : vector<16xi32>
        tpu.vector_store_idx %arg14[%add3A_840, %add3A_500], %gather3A_762 : memref<64x256xf32, #tpu.memory_space<vmem>>[vector<16xi32>, vector<16xi32>], vector<16xf32>,
        %add3A_841 = arith.constant 32 : i32
        %add3A_842 = vector.broadcast %add3A_841 : i32 to vector<16xi32>
        %add3A_843 = arith.addi %and3A_13, %add3A_842 : vector<16xi32>
        tpu.vector_store_idx %arg14[%add3A_843, %add3A_500], %gather3A_767 : memref<64x256xf32, #tpu.memory_space<vmem>>[vector<16xi32>, vector<16xi32>], vector<16xf32>,
        %add3A_844 = arith.constant 32 : i32
        %add3A_845 = vector.broadcast %add3A_844 : i32 to vector<16xi32>
        %add3A_846 = arith.addi %and3A_19, %add3A_845 : vector<16xi32>
        tpu.vector_store_idx %arg14[%add3A_846, %add3A_500], %gather3A_772 : memref<64x256xf32, #tpu.memory_space<vmem>>[vector<16xi32>, vector<16xi32>], vector<16xf32>,
        %add3A_847 = arith.constant 32 : i32
        %add3A_848 = vector.broadcast %add3A_847 : i32 to vector<16xi32>
        %add3A_849 = arith.addi %and3A_25, %add3A_848 : vector<16xi32>
        tpu.vector_store_idx %arg14[%add3A_849, %add3A_500], %gather3A_777 : memref<64x256xf32, #tpu.memory_space<vmem>>[vector<16xi32>, vector<16xi32>], vector<16xf32>,
        %add3A_850 = arith.constant 32 : i32
        %add3A_851 = vector.broadcast %add3A_850 : i32 to vector<16xi32>
        %add3A_852 = arith.addi %and3A_31, %add3A_851 : vector<16xi32>
        tpu.vector_store_idx %arg14[%add3A_852, %add3A_500], %gather3A_782 : memref<64x256xf32, #tpu.memory_space<vmem>>[vector<16xi32>, vector<16xi32>], vector<16xf32>,
        %add3A_853 = arith.constant 32 : i32
        %add3A_854 = vector.broadcast %add3A_853 : i32 to vector<16xi32>
        %add3A_855 = arith.addi %and3A_37, %add3A_854 : vector<16xi32>
        tpu.vector_store_idx %arg14[%add3A_855, %add3A_500], %gather3A_787 : memref<64x256xf32, #tpu.memory_space<vmem>>[vector<16xi32>, vector<16xi32>], vector<16xf32>,
        %add3A_856 = arith.constant 32 : i32
        %add3A_857 = vector.broadcast %add3A_856 : i32 to vector<16xi32>
        %add3A_858 = arith.addi %and3A_43, %add3A_857 : vector<16xi32>
        tpu.vector_store_idx %arg14[%add3A_858, %add3A_500], %gather3A_792 : memref<64x256xf32, #tpu.memory_space<vmem>>[vector<16xi32>, vector<16xi32>], vector<16xf32>,
        %add3A_859 = arith.constant 32 : i32
        %add3A_860 = vector.broadcast %add3A_859 : i32 to vector<16xi32>
        %add3A_861 = arith.addi %and3A_49, %add3A_860 : vector<16xi32>
        tpu.vector_store_idx %arg14[%add3A_861, %add3A_500], %gather3A_797 : memref<64x256xf32, #tpu.memory_space<vmem>>[vector<16xi32>, vector<16xi32>], vector<16xf32>,
        %add3A_862 = arith.constant 32 : i32
        %add3A_863 = vector.broadcast %add3A_862 : i32 to vector<16xi32>
        %add3A_864 = arith.addi %and3A_55, %add3A_863 : vector<16xi32>
        tpu.vector_store_idx %arg14[%add3A_864, %add3A_500], %gather3A_802 : memref<64x256xf32, #tpu.memory_space<vmem>>[vector<16xi32>, vector<16xi32>], vector<16xf32>,
        %add3A_865 = arith.constant 32 : i32
        %add3A_866 = vector.broadcast %add3A_865 : i32 to vector<16xi32>
        %add3A_867 = arith.addi %and3A_61, %add3A_866 : vector<16xi32>
        tpu.vector_store_idx %arg14[%add3A_867, %add3A_500], %gather3A_807 : memref<64x256xf32, #tpu.memory_space<vmem>>[vector<16xi32>, vector<16xi32>], vector<16xf32>,
        %add3A_868 = arith.constant 32 : i32
        %add3A_869 = vector.broadcast %add3A_868 : i32 to vector<16xi32>
        %add3A_870 = arith.addi %and3A_67, %add3A_869 : vector<16xi32>
        tpu.vector_store_idx %arg14[%add3A_870, %add3A_500], %gather3A_812 : memref<64x256xf32, #tpu.memory_space<vmem>>[vector<16xi32>, vector<16xi32>], vector<16xf32>,
        %add3A_871 = arith.constant 32 : i32
        %add3A_872 = vector.broadcast %add3A_871 : i32 to vector<16xi32>
        %add3A_873 = arith.addi %and3A_73, %add3A_872 : vector<16xi32>
        tpu.vector_store_idx %arg14[%add3A_873, %add3A_500], %gather3A_817 : memref<64x256xf32, #tpu.memory_space<vmem>>[vector<16xi32>, vector<16xi32>], vector<16xf32>,
        %add3A_874 = arith.constant 32 : i32
        %add3A_875 = vector.broadcast %add3A_874 : i32 to vector<16xi32>
        %add3A_876 = arith.addi %and3A_79, %add3A_875 : vector<16xi32>
        tpu.vector_store_idx %arg14[%add3A_876, %add3A_500], %gather3A_822 : memref<64x256xf32, #tpu.memory_space<vmem>>[vector<16xi32>, vector<16xi32>], vector<16xf32>,
        %add3A_877 = arith.constant 32 : i32
        %add3A_878 = vector.broadcast %add3A_877 : i32 to vector<16xi32>
        %add3A_879 = arith.addi %and3A_85, %add3A_878 : vector<16xi32>
        tpu.vector_store_idx %arg14[%add3A_879, %add3A_500], %gather3A_827 : memref<64x256xf32, #tpu.memory_space<vmem>>[vector<16xi32>, vector<16xi32>], vector<16xf32>,
        %add3A_880 = arith.constant 32 : i32
        %add3A_881 = vector.broadcast %add3A_880 : i32 to vector<16xi32>
        %add3A_882 = arith.addi %and3A_91, %add3A_881 : vector<16xi32>
        tpu.vector_store_idx %arg14[%add3A_882, %add3A_500], %gather3A_832 : memref<64x256xf32, #tpu.memory_space<vmem>>[vector<16xi32>, vector<16xi32>], vector<16xf32>,
        %add3A_883 = arith.constant 32 : i32
        %add3A_884 = vector.broadcast %add3A_883 : i32 to vector<16xi32>
        %add3A_885 = arith.addi %and3A_97, %add3A_884 : vector<16xi32>
        tpu.vector_store_idx %arg14[%add3A_885, %add3A_500], %gather3A_837 : memref<64x256xf32, #tpu.memory_space<vmem>>[vector<16xi32>, vector<16xi32>], vector<16xf32>,
        %add3A_886 = arith.constant 48 : i32
        %add3A_887 = vector.broadcast %add3A_886 : i32 to vector<16xi32>
        %add3A_888 = arith.addi %and3A_7, %add3A_887 : vector<16xi32>
        %add3A_889 = arith.addi %add3A_888, %get3A_502 : vector<16xi32>
        %gather3A_890 = tpu.vector_load_idx %arg12[%add3A_500, %add3A_889] : memref<256x128xf32, #tpu.memory_space<vmem>>[vector<16xi32>, vector<16xi32>], vector<16xf32>,
        %add3A_891 = arith.constant 48 : i32
        %add3A_892 = vector.broadcast %add3A_891 : i32 to vector<16xi32>
        %add3A_893 = arith.addi %and3A_13, %add3A_892 : vector<16xi32>
        %add3A_894 = arith.addi %add3A_893, %get3A_502 : vector<16xi32>
        %gather3A_895 = tpu.vector_load_idx %arg12[%add3A_500, %add3A_894] : memref<256x128xf32, #tpu.memory_space<vmem>>[vector<16xi32>, vector<16xi32>], vector<16xf32>,
        %add3A_896 = arith.constant 48 : i32
        %add3A_897 = vector.broadcast %add3A_896 : i32 to vector<16xi32>
        %add3A_898 = arith.addi %and3A_19, %add3A_897 : vector<16xi32>
        %add3A_899 = arith.addi %add3A_898, %get3A_502 : vector<16xi32>
        %gather3A_900 = tpu.vector_load_idx %arg12[%add3A_500, %add3A_899] : memref<256x128xf32, #tpu.memory_space<vmem>>[vector<16xi32>, vector<16xi32>], vector<16xf32>,
        %add3A_901 = arith.constant 48 : i32
        %add3A_902 = vector.broadcast %add3A_901 : i32 to vector<16xi32>
        %add3A_903 = arith.addi %and3A_25, %add3A_902 : vector<16xi32>
        %add3A_904 = arith.addi %add3A_903, %get3A_502 : vector<16xi32>
        %gather3A_905 = tpu.vector_load_idx %arg12[%add3A_500, %add3A_904] : memref<256x128xf32, #tpu.memory_space<vmem>>[vector<16xi32>, vector<16xi32>], vector<16xf32>,
        %add3A_906 = arith.constant 48 : i32
        %add3A_907 = vector.broadcast %add3A_906 : i32 to vector<16xi32>
        %add3A_908 = arith.addi %and3A_31, %add3A_907 : vector<16xi32>
        %add3A_909 = arith.addi %add3A_908, %get3A_502 : vector<16xi32>
        %gather3A_910 = tpu.vector_load_idx %arg12[%add3A_500, %add3A_909] : memref<256x128xf32, #tpu.memory_space<vmem>>[vector<16xi32>, vector<16xi32>], vector<16xf32>,
        %add3A_911 = arith.constant 48 : i32
        %add3A_912 = vector.broadcast %add3A_911 : i32 to vector<16xi32>
        %add3A_913 = arith.addi %and3A_37, %add3A_912 : vector<16xi32>
        %add3A_914 = arith.addi %add3A_913, %get3A_502 : vector<16xi32>
        %gather3A_915 = tpu.vector_load_idx %arg12[%add3A_500, %add3A_914] : memref<256x128xf32, #tpu.memory_space<vmem>>[vector<16xi32>, vector<16xi32>], vector<16xf32>,
        %add3A_916 = arith.constant 48 : i32
        %add3A_917 = vector.broadcast %add3A_916 : i32 to vector<16xi32>
        %add3A_918 = arith.addi %and3A_43, %add3A_917 : vector<16xi32>
        %add3A_919 = arith.addi %add3A_918, %get3A_502 : vector<16xi32>
        %gather3A_920 = tpu.vector_load_idx %arg12[%add3A_500, %add3A_919] : memref<256x128xf32, #tpu.memory_space<vmem>>[vector<16xi32>, vector<16xi32>], vector<16xf32>,
        %add3A_921 = arith.constant 48 : i32
        %add3A_922 = vector.broadcast %add3A_921 : i32 to vector<16xi32>
        %add3A_923 = arith.addi %and3A_49, %add3A_922 : vector<16xi32>
        %add3A_924 = arith.addi %add3A_923, %get3A_502 : vector<16xi32>
        %gather3A_925 = tpu.vector_load_idx %arg12[%add3A_500, %add3A_924] : memref<256x128xf32, #tpu.memory_space<vmem>>[vector<16xi32>, vector<16xi32>], vector<16xf32>,
        %add3A_926 = arith.constant 48 : i32
        %add3A_927 = vector.broadcast %add3A_926 : i32 to vector<16xi32>
        %add3A_928 = arith.addi %and3A_55, %add3A_927 : vector<16xi32>
        %add3A_929 = arith.addi %add3A_928, %get3A_502 : vector<16xi32>
        %gather3A_930 = tpu.vector_load_idx %arg12[%add3A_500, %add3A_929] : memref<256x128xf32, #tpu.memory_space<vmem>>[vector<16xi32>, vector<16xi32>], vector<16xf32>,
        %add3A_931 = arith.constant 48 : i32
        %add3A_932 = vector.broadcast %add3A_931 : i32 to vector<16xi32>
        %add3A_933 = arith.addi %and3A_61, %add3A_932 : vector<16xi32>
        %add3A_934 = arith.addi %add3A_933, %get3A_502 : vector<16xi32>
        %gather3A_935 = tpu.vector_load_idx %arg12[%add3A_500, %add3A_934] : memref<256x128xf32, #tpu.memory_space<vmem>>[vector<16xi32>, vector<16xi32>], vector<16xf32>,
        %add3A_936 = arith.constant 48 : i32
        %add3A_937 = vector.broadcast %add3A_936 : i32 to vector<16xi32>
        %add3A_938 = arith.addi %and3A_67, %add3A_937 : vector<16xi32>
        %add3A_939 = arith.addi %add3A_938, %get3A_502 : vector<16xi32>
        %gather3A_940 = tpu.vector_load_idx %arg12[%add3A_500, %add3A_939] : memref<256x128xf32, #tpu.memory_space<vmem>>[vector<16xi32>, vector<16xi32>], vector<16xf32>,
        %add3A_941 = arith.constant 48 : i32
        %add3A_942 = vector.broadcast %add3A_941 : i32 to vector<16xi32>
        %add3A_943 = arith.addi %and3A_73, %add3A_942 : vector<16xi32>
        %add3A_944 = arith.addi %add3A_943, %get3A_502 : vector<16xi32>
        %gather3A_945 = tpu.vector_load_idx %arg12[%add3A_500, %add3A_944] : memref<256x128xf32, #tpu.memory_space<vmem>>[vector<16xi32>, vector<16xi32>], vector<16xf32>,
        %add3A_946 = arith.constant 48 : i32
        %add3A_947 = vector.broadcast %add3A_946 : i32 to vector<16xi32>
        %add3A_948 = arith.addi %and3A_79, %add3A_947 : vector<16xi32>
        %add3A_949 = arith.addi %add3A_948, %get3A_502 : vector<16xi32>
        %gather3A_950 = tpu.vector_load_idx %arg12[%add3A_500, %add3A_949] : memref<256x128xf32, #tpu.memory_space<vmem>>[vector<16xi32>, vector<16xi32>], vector<16xf32>,
        %add3A_951 = arith.constant 48 : i32
        %add3A_952 = vector.broadcast %add3A_951 : i32 to vector<16xi32>
        %add3A_953 = arith.addi %and3A_85, %add3A_952 : vector<16xi32>
        %add3A_954 = arith.addi %add3A_953, %get3A_502 : vector<16xi32>
        %gather3A_955 = tpu.vector_load_idx %arg12[%add3A_500, %add3A_954] : memref<256x128xf32, #tpu.memory_space<vmem>>[vector<16xi32>, vector<16xi32>], vector<16xf32>,
        %add3A_956 = arith.constant 48 : i32
        %add3A_957 = vector.broadcast %add3A_956 : i32 to vector<16xi32>
        %add3A_958 = arith.addi %and3A_91, %add3A_957 : vector<16xi32>
        %add3A_959 = arith.addi %add3A_958, %get3A_502 : vector<16xi32>
        %gather3A_960 = tpu.vector_load_idx %arg12[%add3A_500, %add3A_959] : memref<256x128xf32, #tpu.memory_space<vmem>>[vector<16xi32>, vector<16xi32>], vector<16xf32>,
        %add3A_961 = arith.constant 48 : i32
        %add3A_962 = vector.broadcast %add3A_961 : i32 to vector<16xi32>
        %add3A_963 = arith.addi %and3A_97, %add3A_962 : vector<16xi32>
        %add3A_964 = arith.addi %add3A_963, %get3A_502 : vector<16xi32>
        %gather3A_965 = tpu.vector_load_idx %arg12[%add3A_500, %add3A_964] : memref<256x128xf32, #tpu.memory_space<vmem>>[vector<16xi32>, vector<16xi32>], vector<16xf32>,
        %add3A_966 = arith.constant 48 : i32
        %add3A_967 = vector.broadcast %add3A_966 : i32 to vector<16xi32>
        %add3A_968 = arith.addi %and3A_7, %add3A_967 : vector<16xi32>
        tpu.vector_store_idx %arg14[%add3A_968, %add3A_500], %gather3A_890 : memref<64x256xf32, #tpu.memory_space<vmem>>[vector<16xi32>, vector<16xi32>], vector<16xf32>,
        %add3A_969 = arith.constant 48 : i32
        %add3A_970 = vector.broadcast %add3A_969 : i32 to vector<16xi32>
        %add3A_971 = arith.addi %and3A_13, %add3A_970 : vector<16xi32>
        tpu.vector_store_idx %arg14[%add3A_971, %add3A_500], %gather3A_895 : memref<64x256xf32, #tpu.memory_space<vmem>>[vector<16xi32>, vector<16xi32>], vector<16xf32>,
        %add3A_972 = arith.constant 48 : i32
        %add3A_973 = vector.broadcast %add3A_972 : i32 to vector<16xi32>
        %add3A_974 = arith.addi %and3A_19, %add3A_973 : vector<16xi32>
        tpu.vector_store_idx %arg14[%add3A_974, %add3A_500], %gather3A_900 : memref<64x256xf32, #tpu.memory_space<vmem>>[vector<16xi32>, vector<16xi32>], vector<16xf32>,
        %add3A_975 = arith.constant 48 : i32
        %add3A_976 = vector.broadcast %add3A_975 : i32 to vector<16xi32>
        %add3A_977 = arith.addi %and3A_25, %add3A_976 : vector<16xi32>
        tpu.vector_store_idx %arg14[%add3A_977, %add3A_500], %gather3A_905 : memref<64x256xf32, #tpu.memory_space<vmem>>[vector<16xi32>, vector<16xi32>], vector<16xf32>,
        %add3A_978 = arith.constant 48 : i32
        %add3A_979 = vector.broadcast %add3A_978 : i32 to vector<16xi32>
        %add3A_980 = arith.addi %and3A_31, %add3A_979 : vector<16xi32>
        tpu.vector_store_idx %arg14[%add3A_980, %add3A_500], %gather3A_910 : memref<64x256xf32, #tpu.memory_space<vmem>>[vector<16xi32>, vector<16xi32>], vector<16xf32>,
        %add3A_981 = arith.constant 48 : i32
        %add3A_982 = vector.broadcast %add3A_981 : i32 to vector<16xi32>
        %add3A_983 = arith.addi %and3A_37, %add3A_982 : vector<16xi32>
        tpu.vector_store_idx %arg14[%add3A_983, %add3A_500], %gather3A_915 : memref<64x256xf32, #tpu.memory_space<vmem>>[vector<16xi32>, vector<16xi32>], vector<16xf32>,
        %add3A_984 = arith.constant 48 : i32
        %add3A_985 = vector.broadcast %add3A_984 : i32 to vector<16xi32>
        %add3A_986 = arith.addi %and3A_43, %add3A_985 : vector<16xi32>
        tpu.vector_store_idx %arg14[%add3A_986, %add3A_500], %gather3A_920 : memref<64x256xf32, #tpu.memory_space<vmem>>[vector<16xi32>, vector<16xi32>], vector<16xf32>,
        %add3A_987 = arith.constant 48 : i32
        %add3A_988 = vector.broadcast %add3A_987 : i32 to vector<16xi32>
        %add3A_989 = arith.addi %and3A_49, %add3A_988 : vector<16xi32>
        tpu.vector_store_idx %arg14[%add3A_989, %add3A_500], %gather3A_925 : memref<64x256xf32, #tpu.memory_space<vmem>>[vector<16xi32>, vector<16xi32>], vector<16xf32>,
        %add3A_990 = arith.constant 48 : i32
        %add3A_991 = vector.broadcast %add3A_990 : i32 to vector<16xi32>
        %add3A_992 = arith.addi %and3A_55, %add3A_991 : vector<16xi32>
        tpu.vector_store_idx %arg14[%add3A_992, %add3A_500], %gather3A_930 : memref<64x256xf32, #tpu.memory_space<vmem>>[vector<16xi32>, vector<16xi32>], vector<16xf32>,
        %add3A_993 = arith.constant 48 : i32
        %add3A_994 = vector.broadcast %add3A_993 : i32 to vector<16xi32>
        %add3A_995 = arith.addi %and3A_61, %add3A_994 : vector<16xi32>
        tpu.vector_store_idx %arg14[%add3A_995, %add3A_500], %gather3A_935 : memref<64x256xf32, #tpu.memory_space<vmem>>[vector<16xi32>, vector<16xi32>], vector<16xf32>,
        %add3A_996 = arith.constant 48 : i32
        %add3A_997 = vector.broadcast %add3A_996 : i32 to vector<16xi32>
        %add3A_998 = arith.addi %and3A_67, %add3A_997 : vector<16xi32>
        tpu.vector_store_idx %arg14[%add3A_998, %add3A_500], %gather3A_940 : memref<64x256xf32, #tpu.memory_space<vmem>>[vector<16xi32>, vector<16xi32>], vector<16xf32>,
        %add3A_999 = arith.constant 48 : i32
        %add3A_1000 = vector.broadcast %add3A_999 : i32 to vector<16xi32>
        %add3A_1001 = arith.addi %and3A_73, %add3A_1000 : vector<16xi32>
        tpu.vector_store_idx %arg14[%add3A_1001, %add3A_500], %gather3A_945 : memref<64x256xf32, #tpu.memory_space<vmem>>[vector<16xi32>, vector<16xi32>], vector<16xf32>,
        %add3A_1002 = arith.constant 48 : i32
        %add3A_1003 = vector.broadcast %add3A_1002 : i32 to vector<16xi32>
        %add3A_1004 = arith.addi %and3A_79, %add3A_1003 : vector<16xi32>
        tpu.vector_store_idx %arg14[%add3A_1004, %add3A_500], %gather3A_950 : memref<64x256xf32, #tpu.memory_space<vmem>>[vector<16xi32>, vector<16xi32>], vector<16xf32>,
        %add3A_1005 = arith.constant 48 : i32
        %add3A_1006 = vector.broadcast %add3A_1005 : i32 to vector<16xi32>
        %add3A_1007 = arith.addi %and3A_85, %add3A_1006 : vector<16xi32>
        tpu.vector_store_idx %arg14[%add3A_1007, %add3A_500], %gather3A_955 : memref<64x256xf32, #tpu.memory_space<vmem>>[vector<16xi32>, vector<16xi32>], vector<16xf32>,
        %add3A_1008 = arith.constant 48 : i32
        %add3A_1009 = vector.broadcast %add3A_1008 : i32 to vector<16xi32>
        %add3A_1010 = arith.addi %and3A_91, %add3A_1009 : vector<16xi32>
        tpu.vector_store_idx %arg14[%add3A_1010, %add3A_500], %gather3A_960 : memref<64x256xf32, #tpu.memory_space<vmem>>[vector<16xi32>, vector<16xi32>], vector<16xf32>,
        %add3A_1011 = arith.constant 48 : i32
        %add3A_1012 = vector.broadcast %add3A_1011 : i32 to vector<16xi32>
        %add3A_1013 = arith.addi %and3A_97, %add3A_1012 : vector<16xi32>
        tpu.vector_store_idx %arg14[%add3A_1013, %add3A_500], %gather3A_965 : memref<64x256xf32, #tpu.memory_space<vmem>>[vector<16xi32>, vector<16xi32>], vector<16xf32>,
      }
      %scan3A_479 = arith.constant 16 : i32
      %add3A_480 = arith.addi %mul3A_2, %add3A_449 : i32
      %shift_right_logical3A_481 = arith.constant 6 : i32
      %shift_right_logical3A_482 = arith.shrui %add3A_480, %shift_right_logical3A_481 : i32
      %and3A_483 = arith.constant 63 : i32
      %and3A_484 = arith.andi %add3A_480, %and3A_483 : i32
      %shift_left3A_485 = arith.constant 8 : i32
      %shift_left3A_486 = arith.shli %and3A_484, %shift_left3A_485 : i32
      %multiple_of3A_487 = tpu.assume_multiple %shift_left3A_486, 256 : i32
      %dma_start3A_488 = arith.constant 0 : i32
      %dma_start3A_489 = tpu.memref_slice %arg4[%shift_right_logical3A_482, %dma_start3A_488, %multiple_of3A_487] : memref<26x64x16384xf32, #tpu.memory_space<hbm>> -> memref<1x64x256xf32, #tpu.memory_space<hbm>>
      %dma_start3A_490 = tpu.memref_squeeze %dma_start3A_489 : memref<1x64x256xf32, #tpu.memory_space<hbm>> -> memref<64x256xf32, #tpu.memory_space<hbm>>
      %dma_start3A_491 = arith.constant 0 : i32
      %dma_start3A_492 = tpu.memref_slice %arg4[%shift_right_logical3A_482, %dma_start3A_491, %multiple_of3A_487] : memref<26x64x16384xf32, #tpu.memory_space<hbm>> -> memref<1x64x256xf32, #tpu.memory_space<hbm>>
      %dma_start3A_493 = tpu.memref_squeeze %dma_start3A_492 : memref<1x64x256xf32, #tpu.memory_space<hbm>> -> memref<64x256xf32, #tpu.memory_space<hbm>>
      tpu.enqueue_dma source(%arg14 : memref<64x256xf32, #tpu.memory_space<vmem>>) target(%dma_start3A_493 : memref<64x256xf32, #tpu.memory_space<hbm>>) target_semaphore(%arg20 : memref<!tpu.dma_semaphore, #tpu.memory_space<semaphore_mem>>)
    }
    %scan3A_382 = arith.constant 26 : i32
    %dma_wait3A_383 = arith.constant 0 : i32
    %dma_wait3A_384 = arith.constant 0 : i32
    %dma_wait3A_385 = arith.constant 0 : i32
    %dma_wait3A_386 = tpu.memref_slice %arg4[%dma_wait3A_383, %dma_wait3A_384, %dma_wait3A_385] : memref<26x64x16384xf32, #tpu.memory_space<hbm>> -> memref<1x64x256xf32, #tpu.memory_space<hbm>>
    %dma_wait3A_387 = tpu.memref_squeeze %dma_wait3A_386 : memref<1x64x256xf32, #tpu.memory_space<hbm>> -> memref<64x256xf32, #tpu.memory_space<hbm>>
    %dma_wait3A_388 = arith.constant 0 : i32
    %dma_wait3A_389 = arith.constant 0 : i32
    %dma_wait3A_390 = tpu.memref_slice %arg4[%dma_wait3A_383, %dma_wait3A_388, %dma_wait3A_389] : memref<26x64x16384xf32, #tpu.memory_space<hbm>> -> memref<1x64x256xf32, #tpu.memory_space<hbm>>
    %dma_wait3A_391 = tpu.memref_squeeze %dma_wait3A_390 : memref<1x64x256xf32, #tpu.memory_space<hbm>> -> memref<64x256xf32, #tpu.memory_space<hbm>>
    tpu.wait_dma2 semaphore(%arg19 : memref<!tpu.dma_semaphore, #tpu.memory_space<semaphore_mem>>) src(%arg13 : memref<64x256xf32, #tpu.memory_space<vmem>>) dst(%dma_wait3A_391 : memref<64x256xf32, #tpu.memory_space<hbm>>)
    %dma_wait3A_392 = arith.constant 0 : i32
    %dma_wait3A_393 = arith.constant 0 : i32
    %dma_wait3A_394 = arith.constant 0 : i32
    %dma_wait3A_395 = tpu.memref_slice %arg4[%dma_wait3A_392, %dma_wait3A_393, %dma_wait3A_394] : memref<26x64x16384xf32, #tpu.memory_space<hbm>> -> memref<1x64x256xf32, #tpu.memory_space<hbm>>
    %dma_wait3A_396 = tpu.memref_squeeze %dma_wait3A_395 : memref<1x64x256xf32, #tpu.memory_space<hbm>> -> memref<64x256xf32, #tpu.memory_space<hbm>>
    %dma_wait3A_397 = arith.constant 0 : i32
    %dma_wait3A_398 = arith.constant 0 : i32
    %dma_wait3A_399 = tpu.memref_slice %arg4[%dma_wait3A_392, %dma_wait3A_397, %dma_wait3A_398] : memref<26x64x16384xf32, #tpu.memory_space<hbm>> -> memref<1x64x256xf32, #tpu.memory_space<hbm>>
    %dma_wait3A_400 = tpu.memref_squeeze %dma_wait3A_399 : memref<1x64x256xf32, #tpu.memory_space<hbm>> -> memref<64x256xf32, #tpu.memory_space<hbm>>
    tpu.wait_dma2 semaphore(%arg20 : memref<!tpu.dma_semaphore, #tpu.memory_space<semaphore_mem>>) src(%arg14 : memref<64x256xf32, #tpu.memory_space<vmem>>) dst(%dma_wait3A_400 : memref<64x256xf32, #tpu.memory_space<hbm>>)
    return
  }
}

</mosaic_0001>

<sc_bundles>
// kernel: _emb_lookup.3.cloned.1.call-start
scs
__scs_entry_jumppad:
0x0: {  	(pc) =	sbr.rel $0x88, $3  }
0x1: {  	(tag) =	ssettag $0x0;
	lr =	simm.s32 $0x1  }
0x2: {  	[smem:$0x3F9F] =	sst lr;
	_ =	strace $0xD0000000  }
0x3: {  	_ = 	snop  }
0x4: {  	_ = 	snop  }
0x5: {  	_ = 	snop  }
0x6: {  	_ = 	snop  }
0x7: {  	_ = 	snop  }
__scs_overlays_trampoline_lowered:
0x8: {  	[smem:$0x3FAE] =	sst s0  }
0x9: {  	[smem:$0x3FAF] =	sst s1  }
0xa: {  	[smem:$0x3FB0] =	sst s2  }
0xb: {  	[smem:$0x3FB1] =	sst s3  }
0xc: {  	[smem:$0x3FB2] =	sst s4  }
0xd: {  	[smem:$0x3FB3] =	sst s5  }
0xe: {  	[smem:$0x3FB4] =	sst s6  }
0xf: {  	[smem:$0x3FB5] =	sst s7  }
0x10: {  	[smem:$0x3FB6] =	sst s8  }
0x11: {  	[smem:$0x3FB7] =	sst s9;
	s0 =	simm.s32 @!p0 $0x0  }
0x12: {  	s1 =	sld [smem:$0x3F9D];
	s0 =	simm.s32 @p0 $0x1  }
0x13: {  	[smem:$0x3FB8] =	sst s0;
	s0 =	simm.s32 @!p1 $0x0  }
0x14: {  	s2 =	sld [smem:$0x3F9C];
	s0 =	simm.s32 @p1 $0x1  }
0x15: {  	[smem:$0x3FB9] =	sst s0;
	s0 =	simm.s32 @!p2 $0x0  }
0x16: {  	s3 =	sld [smem:$0x3FDB];
	s0 =	simm.s32 @p2 $0x1  }
0x17: {  	s4 =	simm.s32 $0x1BF5;
	[smem:$0x3FBB] =	sst s0  }
0x18: {  	s0 =	sld [smem:$0x3F9E];
	_ =	swait.ge [sflag:s4], $0x0  }
0x19: {  	s7 =	sld [smem:$0x3F9F]  }
0x1a: {  	s8 =	sadd.s32 $0xFFFFE003, lr  }
0x1b: {  	s9 =	sadd.s32 $0xFFFFFEF7, lr;
	s5 =	simm.s32 $0xFFFFFFFF;
	p2 =	slt.u32 s8, $0xFFFFF086  }
0x1c: {  	p1 =	slt.u32 s9, $0xF7A;
	s5 =	simm.s32 @!p2 $0x0  }
0x1d: {  	s5 =	simm.s32 @p1 $0x1;
	p0 =	seq.s32 s7, s2  }
0x1e: {  	s7 =	smul.u32 @!p0 $0xF7A, s2;
	p2 =	seq.s32 @!p0 s5, $0x0  }
0x1f: {  	s9 =	smul.u32 $0xF7A, s1;
	s8 =	simm.s32 @!p0 $0x1BF5;
	p2 =	por !p2, p0  }
0x20: {  	[sflag:s8] =	ssyncset.s32 @!p0 $0xFFFFF086;
	s6 =	sadd.s32 @!p0 s3, s7;
	s7 =	simm.s32 @!p0 $0x108  }
0x21: {  	s3 =	sadd.s32 s3, s9;
	s6 =	sadd.s32 @!p0 $0x88, s6;
	s7 =	simm.s32 @p2 $0x1082  }
0x22: {  	[simem:s7], [sflag:s8] =	dma.local @!p0 [hbm:s6], $0xF7A  }
0x23: {  	s9 =	sor.u32 $0xD0000000, s2;
	s6 =	simm.s32 $0x108;
	_ =	swait.ge @!p0 [sflag:s8], $0x0  }
0x24: {  	s3 =	sadd.s32 $0x88, s3;
	s6 =	simm.s32 @!p1 $0x1082;
	[sflag:s4] =	ssyncset.s32 $0xFFFFF086  }
0x25: {  	[simem:s6], [sflag:s4] =	dma.local [hbm:s3], $0xF7A  }
0x26: {  	[smem:$0x3F9F] =	sst s1;
	(tag) =	ssettag s2;
	_ =	strace s9  }
0x27: {  	s1 =	sld [smem:$0x3FAF]  }
0x28: {  	s2 =	sld [smem:$0x3FB0]  }
0x29: {  	s4 =	sld [smem:$0x3FB2]  }
0x2a: {  	p0 =	seq.s32 s5, $0x0;
	s5 =	sld [smem:$0x3FB3]  }
0x2b: {  	s6 =	sld [smem:$0x3FB4]  }
0x2c: {  	s7 =	sld [smem:$0x3FB5]  }
0x2d: {  	s3 =	simm.s32 $0x108;
	s8 =	sld [smem:$0x3FB6]  }
0x2e: {  	s3 =	simm.s32 @!p0 $0x1082;
	s9 =	sld [smem:$0x3FB7]  }
0x2f: {  	lr =	sadd.s32 s0, s3;
	s0 =	sld [smem:$0x3FAE]  }
0x30: {  	s3 =	sld [smem:$0x3FB1]  }
0x31: {  	[smem:$0x3FBA] =	sst s10  }
0x32: {  	s10 =	sld [smem:$0x3FB8];
	_ =	sdelay $0x3  }
0x33: {  	p0 =	seq.s32 s10, $0x1;
	s10 =	sld [smem:$0x3FBA];
	_ =	sdelay $0x3  }
0x34: {  	[smem:$0x3FBA] =	sst s10  }
0x35: {  	s10 =	sld [smem:$0x3FB9];
	_ =	sdelay $0x3  }
0x36: {  	p1 =	seq.s32 s10, $0x1;
	s10 =	sld [smem:$0x3FBA];
	_ =	sdelay $0x3  }
0x37: {  	[smem:$0x3FBA] =	sst s10  }
0x38: {  	s10 =	sld [smem:$0x3FBB]  }
0x39: {  	_ = 	snop;
	(pc) =	sbr.ind lr, $3  }
0x3a: {  	_ = 	snop  }
0x3b: {  	_ = 	snop  }
0x3c: {  	p2 =	seq.s32 s10, $0x1;
	s10 =	sld [smem:$0x3FBA]  }
0x3d: {  	_ =	shalt  }
0x3e: {  	_ =	shalt  }
0x3f: {  	_ =	shalt  }
0x40: {  	_ =	shalt  }
0x41: {  	_ =	shalt  }
0x42: {  	_ =	shalt  }
0x43: {  	_ =	shalt  }
0x44: {  	_ =	shalt  }
0x45: {  	_ =	shalt  }
0x46: {  	_ =	shalt  }
0x47: {  	_ =	shalt  }
0x48: {  	_ =	shalt  }
0x49: {  	_ =	shalt  }
0x4a: {  	_ =	shalt  }
0x4b: {  	_ =	shalt  }
0x4c: {  	_ =	shalt  }
0x4d: {  	_ =	shalt  }
0x4e: {  	_ =	shalt  }
0x4f: {  	_ =	shalt  }
0x50: {  	_ =	shalt  }
0x51: {  	_ =	shalt  }
0x52: {  	_ =	shalt  }
0x53: {  	_ =	shalt  }
0x54: {  	_ =	shalt  }
0x55: {  	_ =	shalt  }
0x56: {  	_ =	shalt  }
0x57: {  	_ =	shalt  }
0x58: {  	_ =	shalt  }
0x59: {  	_ =	shalt  }
0x5a: {  	_ =	shalt  }
0x5b: {  	_ =	shalt  }
0x5c: {  	_ =	shalt  }
0x5d: {  	_ =	shalt  }
0x5e: {  	_ =	shalt  }
0x5f: {  	_ =	shalt  }
0x60: {  	_ =	shalt  }
0x61: {  	_ =	shalt  }
0x62: {  	_ =	shalt  }
0x63: {  	_ =	shalt  }
0x64: {  	_ =	shalt  }
0x65: {  	_ =	shalt  }
0x66: {  	_ =	shalt  }
0x67: {  	_ =	shalt  }
0x68: {  	_ =	shalt  }
0x69: {  	_ =	shalt  }
0x6a: {  	_ =	shalt  }
0x6b: {  	_ =	shalt  }
0x6c: {  	_ =	shalt  }
0x6d: {  	_ =	shalt  }
0x6e: {  	_ =	shalt  }
0x6f: {  	_ =	shalt  }
0x70: {  	_ =	shalt  }
0x71: {  	_ =	shalt  }
0x72: {  	_ =	shalt  }
0x73: {  	_ =	shalt  }
0x74: {  	_ =	shalt  }
0x75: {  	_ =	shalt  }
0x76: {  	_ =	shalt  }
0x77: {  	_ =	shalt  }
0x78: {  	_ =	shalt  }
0x79: {  	_ =	shalt  }
0x7a: {  	_ =	shalt  }
0x7b: {  	_ =	shalt  }
0x7c: {  	_ =	shalt  }
0x7d: {  	_ =	shalt  }
0x7e: {  	_ =	shalt  }
0x7f: {  	_ =	shalt  }
0x80: {  	_ =	shalt  }
0x81: {  	_ =	shalt  }
0x82: {  	_ =	shalt  }
0x83: {  	_ =	shalt  }
0x84: {  	_ =	shalt  }
0x85: {  	_ =	shalt  }
0x86: {  	_ =	shalt  }
0x87: {  	_ =	shalt  }
.Lfunc_end0:
.L_simem_size_0:
called_computation_lowered:
.L_overlay_start_0:
0x88: {  	s2 =	sld [smem:$0x3FD9]  }
0x89: {  	s3 =	sld [smem:$0x3FFE];
	_ =	sdelay $0x1  }
0x8a: {  	s1 =	srdreg.scid  }
0x8b: {  	s0 =	sand.u32 $0x1, s1  }
0x8c: {  	s18 =	sshll.u32 s0, $0xA;
	s2 =	sadd.s32 s3, s2  }
0x8d: {  	s2 =	sadd.s32 s2, s18  }
0x8e: {  	[smem:$0x3FC6] =	sst s2  }
0x8f: {  	_ = 	snop  }
0x90: {  	s2 =	sld [smem:$0x3FC9]  }
0x91: {  	s19 =	sld [smem:$0x3FC8]  }
0x92: {  	s4 =	sld [smem:$0x3FD0];
	(tm) =	ssettm $0x1  }
0x93: {  	s5 =	sld [smem:$0x3FFB];
	_ =	sdelay $0x3  }
0x94: {  	_ =	strace s5  }
0x95: {  	s5 =	sld [smem:$0x3FFC];
	_ =	sdelay $0x3  }
0x96: {  	_ =	strace s5  }
0x97: {  	s5 =	sld [smem:$0x3FFD];
	_ =	sdelay $0x3  }
0x98: {  	_ =	strace s5  }
0x99: {  	_ =	strace $0x8FFFFFFF  }
0x9a: {  	s20 =	sld [smem:$0x3FDB];
	_ =	sdelay $0x1  }
0x9b: {  	s6 =	simm.s32 $_scs_section_size  }
0x9c: {  	s7 =	simm.s32 $_size__tile_overlayer_lowered;
	s8 =	simm.s32 $_tile_overlayer_lowered  }
0x9d: {  	s23 =	simm.s32 $0x1BFF;
	s22 =	sshll.u32 s8, $0x1;
	s5 =	sadd.s32 s6, s20  }
0x9e: {  	s9 =	simm.s32 $0x0;
	s21 =	sshll.u32 s7, $0x1;
	s7 =	sadd.s32 s22, s5  }
0x9f: {  	[timem:s9], [sflag:s23] =	dma.local [hbm:s7], s21  }
0xa0: {  	_ =	swait.ge [sflag:s23], s21  }
0xa1: {  	s6 =	ssub.s32 $0x0, s21;
	[sflag:s23] =	ssyncset.done $0x0  }
0xa2: {  	[sflag:s23] =	ssyncadd.s32 s6;
	_ =	sdelay $0x1  }
0xa3: {  	s24 =	simm.s32 $0x1B8B  }
0xa4: {  	_ =	swait.ge [sflag:s24], $0x1  }
0xa5: {  	[sflag:s24] =	ssyncset.done $0x0  }
0xa6: {  	s25 =	simm.s32 $0x1B8E;
	[sflag:s24] =	ssyncadd.s32 $0xFFFFFFFF  }
0xa7: {  	s26 =	simm.s32 $execute0_lowered;
	[smem:$0x3FD2] =	sst s25  }
0xa8: {  	s6 =	sshll.u32 s26, $0x1;
	_ =	strace $0x80000046;
	[dreg:$0x1] =	wrdreg $0xFFFFFFFF  }
0xa9: {  	s28 =	simm.s32 $_size_execute0_lowered;
	s5 =	sadd.s32 s5, s6;
	[dreg:$0x0] =	wrdreg $0x0  }
0xaa: {  	s6 =	sshll.u32 s28, $0x1;
	[dreg:$0x2] =	wrdreg s5  }
0xab: {  	[dreg:$0x3] =	wrdreg s6  }
0xac: {  	[dreg:$0x4] =	wrdreg $0xC0  }
0xad: {  	_ =	task [dreg:s9], $0x5FFFF  }
0xae: {  	[dreg:$0x1] =	wrdreg $0xFFFFFFFF  }
0xaf: {  	[dreg:$0x0] =	wrdreg $0x60  }
0xb0: {  	[dreg:$0x2] =	wrdreg s2  }
0xb1: {  	[dreg:$0x3] =	wrdreg s19  }
0xb2: {  	[dreg:$0x4] =	wrdreg s4  }
0xb3: {  	[dreg:$0x5] =	wrdreg $0x9  }
0xb4: {  	_ =	task.clear_ibuf [dreg:s9], $0x6FFFF;
	_ =	strace $0x90000046  }
0xb5: {  	s29 =	simm.s32 $0x9;
	_ =	strace $0x80000048  }
0xb6: {  	_ =	swait.ge [sflag:s29], $0x1  }
0xb7: {  	[sflag:s29] =	ssyncadd.s32 $0xFFFFFFFF  }
0xb8: {  	_ =	strace $0x90000048  }
0xb9: {  	_ =	sfence  }
0xba: {  	s30 =	sld [smem:$0x0];
	_ =	sdelay $0x2  }
0xbb: {  	s31 =	sshll.u32 s1, $0xD;
	s1 =	sshrl.u32 s1, $0x2  }
0xbc: {  	s3 =	sand.u32 $0x4000, s31;
	s1 =	sadd.s32 s1, s30  }
0xbd: {  	s0 =	sor.u32 s3, s0;
	s1 =	sshll.u32 s1, $0x11  }
0xbe: {  	s0 =	sor.u32 s1, s0  }
0xbf: {  	s0 =	sadd.s32 $0x8F2B, s0  }
0xc0: {  	[sflag:s0] =	ssyncadd.remote.s32 $0x1  }
0xc1: {  	_ =	sfence.sel $0xFFFF  }
0xc2: {  	[dreg:$0x0] =	wrdreg $0xFFFFFFFF;
	(pc) =	sbr.abs _section_cstart, $3  }
0xc3: {  	[dreg:$0x1] =	wrdreg $0xFFFFFFFF  }
0xc4: {  	_ =	task.clear_ibuf [dreg:s9], $0x2FFFF;
	_ =	strace $0x9FFFFFFF  }
0xc5: {  	(tm) =	ssettm $0x7FFFFFFF  }
tec
execute0_lowered:
.L_overlay_start_1:
0x0: {  	(tag) =	ssettag $0x1  }
0x1: {  	v0 =	vimm.s32 $0xFEDCBA9;
	v1 =	vimm.s32 $0x87654321  }
0x2: {  	v2 =	vimm.s32 $0x10FEDCBA;
	v3 =	vimm.s32 $0x98765432;
	v4 =	vimm.s32 $0x210FEDCB  }
0x3: {  	v5 =	vimm.s32 $0xA9876543;
	v6 =	vimm.s32 $0x3210FEDC;
	v7 =	vimm.s32 $0xBA987654  }
0x4: {  	v11 =	vimm.s32 $0x43210FED;
	v37 =	vimm.s32 $0xCBA98765;
	v38 =	vimm.s32 $0x543210FE  }
0x5: {  	v12 =	vimm.s32 $0xDCBA9876;
	v13 =	vimm.s32 $0x6543210F;
	v14 =	vimm.s32 $0xEDCBA987  }
0x6: {  	v15 =	vimm.s32 $0xFEDCBA98;
	v18 =	vimm.s32 $0x76543210;
	vm14 =	vcmask $0x300  }
0x7: {  	v40 =	vimm.s32 $0xB80;
	vm12 =	vcmask $0x704;
	vm13 =	vcmask $0xB08  }
0x8: {  	vm11 =	vcmask $0xF0C;
	vm9 =	vcmask $0x1310;
	vm10 =	vcmask $0x1714  }
0x9: {  	vm8 =	vcmask $0x1B18;
	vm6 =	vcmask $0x1F1C;
	vm7 =	vcmask $0x2320  }
0xa: {  	vm5 =	vcmask $0x2724;
	vm3 =	vcmask $0x2B28;
	vm4 =	vcmask $0x2F2C  }
0xb: {  	vm2 =	vcmask $0x3330;
	vm0 =	vcmask $0x3734;
	vm1 =	vcmask $0x3B38  }
0xc: {  	v49 =	vimm.s32 $0x0;
	v59 =	vimm.s32 $0x80;
	v22 =	vimm.s32 $0xA00  }
0xd: {  	v23 =	vimm.s32 $0xA80;
	v24 =	vimm.s32 $0xB00;
	v27 =	vimm.s32 $0x1C1B1A19  }
0xe: {  	v28 =	vimm.s32 $0x101F1E1D;
	v30 =	vimm.s32 $0x1B80;
	v31 =	vimm.s32 $0x1000  }
0xf: {  	v32 =	vimm.s32 $0x1080;
	v33 =	vimm.s32 $0x1100;
	v34 =	vimm.s32 $0x1180  }
0x10: {  	v0 =	vunpack.c.l.s4.s8 v0;
	v1 =	vunpack.c.l.s4.s8 v1;
	v2 =	vunpack.c.l.s4.s8 v2  }
0x11: {  	v3 =	vunpack.c.l.s4.s8 v3;
	v4 =	vunpack.c.l.s4.s8 v4;
	v5 =	vunpack.c.l.s4.s8 v5  }
0x12: {  	v6 =	vunpack.c.l.s4.s8 v6;
	v7 =	vunpack.c.l.s4.s8 v7;
	v35 =	vunpack.c.l.s4.s8 v11  }
0x13: {  	v11 =	vunpack.c.l.s4.s8 v38;
	v12 =	vunpack.c.l.s4.s8 v12;
	v13 =	vunpack.c.l.s4.s8 v13  }
0x14: {  	v14 =	vunpack.c.l.s4.s8 v14;
	v15 =	vunpack.c.l.s4.s8 v15;
	v18 =	vunpack.c.l.s4.s8 v18  }
0x15: {  	v29 =	vunpack.c.0.s8.s32 v28;
	v38 =	vimm.s32 $0x1380;
	v28 =	vimm.s32 $0x2980  }
0x16: {  	v28 =	vsel vm14, $0x2A00, v28;
	v0 =	vunpack.c.0.s8.s32 v0;
	v1 =	vunpack.c.0.s8.s32 v1  }
0x17: {  	v2 =	vunpack.c.0.s8.s32 v2;
	v3 =	vunpack.c.0.s8.s32 v3;
	v4 =	vunpack.c.0.s8.s32 v4  }
0x18: {  	v5 =	vunpack.c.0.s8.s32 v5;
	v6 =	vunpack.c.0.s8.s32 v6;
	v7 =	vunpack.c.0.s8.s32 v7  }
0x19: {  	v11 =	vunpack.c.0.s8.s32 v11;
	v12 =	vunpack.c.0.s8.s32 v12;
	v13 =	vunpack.c.0.s8.s32 v13  }
0x1a: {  	v14 =	vunpack.c.0.s8.s32 v14;
	v15 =	vunpack.c.0.s8.s32 v15;
	v39 =	vunpack.c.0.s8.s32 v18  }
0x1b: {  	v18 =	vimm.s32 $0x900;
	[tilespmem:$0x1F940] =	vst v29;
	v29 =	vimm.s32 $0x2A00;
	v8 =	vcombine.low v1, v0  }
0x1c: {  	v28 =	vsel vm12, $0x2A80, v28;
	v9 =	vcombine.low v3, v2;
	v10 =	vcombine.low v5, v4  }
0x1d: {  	v29 =	vsel vm14, $0x2A80, v29;
	v36 =	vcombine.low v7, v6;
	v17 =	vcombine.low v12, v11  }
0x1e: {  	v28 =	vsel vm13, $0x2B00, v28;
	v19 =	vcombine.low v14, v13;
	v0 =	vcombine.low v0, v1  }
0x1f: {  	v15 =	vand.u32 $0xF, v15;
	v42 =	vcombine.low v2, v3;
	v43 =	vcombine.low v4, v5  }
0x20: {  	v1 =	vsel vm14, $0x0, v40;
	v44 =	vcombine.low v6, v7;
	v46 =	vcombine.low v11, v12  }
0x21: {  	v47 =	vcombine.low v13, v14;
	v4 =	vimm.s32 $0x100;
	v7 =	vimm.s32 $0x180  }
0x22: {  	v12 =	vimm.s32 $0x300;
	v13 =	vimm.s32 $0x380;
	v14 =	vimm.s32 $0x800  }
0x23: {  	v3 =	vsel vm14, $0x1180, v33;
	v40 =	vimm.s32 $0x1880;
	v33 =	vimm.s32 $0x3000  }
0x24: {  	v29 =	vsel vm12, $0x2B00, v29;
	v28 =	vsel vm11, $0x2B80, v28;
	v57 =	vcombine.low v15, v39  }
0x25: {  	v41 =	vsel vm12, $0x80, v1;
	v2 =	vsel vm14, $0x180, v4;
	v4 =	vsel vm14, $0x1200, v34  }
0x26: {  	v39 =	vimm.s32 $0x1800;
	v33 =	vsel vm14, $0x3080, v33;
	v34 =	vimm.s32 $0x3080  }
0x27: {  	v3 =	vsel vm12, $0x1200, v3;
	v29 =	vsel vm13, $0x2B80, v29;
	v28 =	vsel vm9, $0x2000, v28  }
0x28: {  	v50 =	vand.u32 $0xF, v8;
	v51 =	vand.u32 $0xF, v9;
	v52 =	vand.u32 $0xF, v10  }
0x29: {  	v8 =	vunpack.c.0.s8.s32 v35;
	v10 =	vunpack.c.l.s4.s8 v37;
	v53 =	vand.u32 $0xF, v36  }
0x2a: {  	v55 =	vand.u32 $0xF, v17;
	v56 =	vand.u32 $0xF, v19;
	v58 =	vand.u32 $0xF, v0  }
0x2b: {  	v0 =	vsel vm13, $0x100, v41;
	v63 =	vand.u32 $0xF, v42;
	v60 =	vand.u32 $0xF, v43  }
0x2c: {  	v61 =	vand.u32 $0xF, v44;
	v1 =	vand.u32 $0xF, v46;
	v48 =	vand.u32 $0xF, v47  }
0x2d: {  	v2 =	vsel vm12, $0x200, v2;
	v9 =	vimm.s32 $0x280;
	v17 =	vimm.s32 $0x880  }
0x2e: {  	v19 =	vimm.s32 $0x980;
	v35 =	vimm.s32 $0x1200;
	v36 =	vimm.s32 $0x1280  }
0x2f: {  	v37 =	vimm.s32 $0x1300;
	v41 =	vimm.s32 $0x1900;
	v42 =	vimm.s32 $0x1980  }
0x30: {  	v43 =	vimm.s32 $0x1A00;
	v44 =	vimm.s32 $0x1A80;
	v46 =	vimm.s32 $0x2B80  }
0x31: {  	v47 =	vimm.s32 $0x2000;
	v34 =	vsel vm14, $0x3100, v34;
	v4 =	vsel vm12, $0x1280, v4  }
0x32: {  	v3 =	vsel vm13, $0x1280, v3;
	v33 =	vsel vm12, $0x3100, v33;
	v29 =	vsel vm11, $0x2000, v29  }
0x33: {  	v28 =	vsel vm10, $0x2080, v28;
	v0 =	vsel vm11, $0x180, v0;
	[tilespmem:$0x1F810] =	vst v1;
	v1 =	vsel vm14, $0x100, v59  }
0x34: {  	[tilespmem:$0x1F820] =	vst v48;
	v2 =	vsel vm13, $0x280, v2;
	v48 =	vimm.s32 $0x2080;
	v4 =	vsel vm13, $0x1300, v4  }
0x35: {  	v34 =	vsel vm12, $0x3180, v34;
	v33 =	vsel vm13, $0x3180, v33;
	v59 =	vimm.s32 $0x18171615  }
0x36: {  	v3 =	vsel vm11, $0x1300, v3;
	v29 =	vsel vm9, $0x2080, v29;
	v28 =	vsel vm8, $0x2100, v28  }
0x37: {  	v10 =	vunpack.c.0.s8.s32 v10;
	v0 =	vsel vm9, $0x200, v0;
	v1 =	vsel vm12, $0x180, v1  }
0x38: {  	v2 =	vsel vm11, $0x300, v2;
	v34 =	vsel vm13, $0x3200, v34;
	v4 =	vsel vm11, $0x1380, v4  }
0x39: {  	v33 =	vsel vm11, $0x3200, v33;
	v3 =	vsel vm9, $0x1380, v3;
	v29 =	vsel vm10, $0x2100, v29  }
0x3a: {  	v28 =	vsel vm6, $0x2180, v28;
	v0 =	vsel vm10, $0x280, v0;
	v1 =	vsel vm13, $0x200, v1  }
0x3b: {  	v2 =	vsel vm9, $0x380, v2;
	v34 =	vsel vm11, $0x3280, v34;
	v4 =	vsel vm9, $0x1800, v4  }
0x3c: {  	v3 =	vsel vm10, $0x1800, v3;
	v33 =	vsel vm9, $0x3280, v33;
	v29 =	vsel vm8, $0x2180, v29  }
0x3d: {  	v28 =	vsel vm7, $0x2200, v28;
	v16 =	vcombine.low v10, v8;
	v0 =	vsel vm8, $0x300, v0  }
0x3e: {  	v45 =	vcombine.low v8, v10;
	v1 =	vsel vm11, $0x280, v1;
	v2 =	vsel vm10, $0x800, v2  }
0x3f: {  	v8 =	vimm.s32 $0x200;
	v4 =	vsel vm10, $0x1880, v4;
	v34 =	vsel vm9, $0x3300, v34  }
0x40: {  	v33 =	vsel vm10, $0x3300, v33;
	v3 =	vsel vm8, $0x1880, v3;
	v29 =	vsel vm6, $0x2200, v29  }
0x41: {  	v28 =	vsel vm5, $0x2280, v28;
	v0 =	vsel vm6, $0x380, v0;
	v1 =	vsel vm9, $0x300, v1  }
0x42: {  	v2 =	vsel vm8, $0x880, v2;
	v34 =	vsel vm10, $0x3380, v34;
	v4 =	vsel vm8, $0x1900, v4  }
0x43: {  	v33 =	vsel vm8, $0x3380, v33;
	v3 =	vsel vm6, $0x1900, v3;
	v29 =	vsel vm7, $0x2280, v29  }
0x44: {  	v28 =	vsel vm3, $0x2300, v28;
	v54 =	vand.u32 $0xF, v16;
	v0 =	vsel vm7, $0x800, v0  }
0x45: {  	v62 =	vand.u32 $0xF, v45;
	v1 =	vsel vm10, $0x380, v1;
	v2 =	vsel vm6, $0x900, v2  }
0x46: {  	v45 =	vimm.s32 $0x1B00;
	v34 =	vsel vm8, $0x3800, v34;
	v4 =	vsel vm6, $0x1980, v4  }
0x47: {  	v3 =	vsel vm7, $0x1980, v3;
	v33 =	vsel vm6, $0x3800, v33;
	v29 =	vsel vm5, $0x2300, v29  }
0x48: {  	v28 =	vsel vm4, $0x2380, v28;
	v0 =	vsel vm5, $0x880, v0;
	v1 =	vsel vm8, $0x800, v1  }
0x49: {  	v2 =	vsel vm7, $0x980, v2;
	v4 =	vsel vm7, $0x1A00, v4;
	v34 =	vsel vm6, $0x3880, v34  }
0x4a: {  	v33 =	vsel vm7, $0x3880, v33;
	v3 =	vsel vm5, $0x1A00, v3;
	v29 =	vsel vm3, $0x2380, v29  }
0x4b: {  	v28 =	vsel vm2, $0x2800, v28;
	v0 =	vsel vm3, $0x900, v0;
	v1 =	vsel vm6, $0x880, v1  }
0x4c: {  	v2 =	vsel vm5, $0xA00, v2;
	v34 =	vsel vm7, $0x3900, v34;
	v4 =	vsel vm5, $0x1A80, v4  }
0x4d: {  	v33 =	vsel vm5, $0x3900, v33;
	v3 =	vsel vm3, $0x1A80, v3;
	v29 =	vsel vm4, $0x2800, v29  }
0x4e: {  	v0 =	vsel vm4, $0x980, v0;
	v1 =	vsel vm7, $0x900, v1;
	v2 =	vsel vm3, $0xA80, v2  }
0x4f: {  	v34 =	vsel vm5, $0x3980, v34;
	v4 =	vsel vm3, $0x1B00, v4;
	v3 =	vsel vm4, $0x1B00, v3  }
0x50: {  	v33 =	vsel vm3, $0x3980, v33;
	v29 =	vsel vm2, $0x2880, v29;
	v0 =	vsel vm2, $0xA00, v0  }
0x51: {  	v1 =	vsel vm5, $0x980, v1;
	v2 =	vsel vm4, $0xB00, v2;
	v4 =	vsel vm4, $0x1B80, v4  }
0x52: {  	v34 =	vsel vm3, $0x3A00, v34;
	v33 =	vsel vm4, $0x3A00, v33;
	v3 =	vsel vm2, $0x1B80, v3  }
0x53: {  	v0 =	vsel vm0, $0xA80, v0;
	v1 =	vsel vm3, $0xA00, v1;
	v2 =	vsel vm2, $0xB80, v2  }
0x54: {  	v34 =	vsel vm4, $0x3A80, v34;
	v4 =	vsel vm2, $0x1000, v4;
	v33 =	vsel vm2, $0x3A80, v33  }
0x55: {  	v0 =	vsel vm1, $0xB00, v0;
	v1 =	vsel vm4, $0xA80, v1;
	v6 =	vsel vm0, $0x0, v2  }
0x56: {  	v2 =	vsel vm14, $0x300, v9;
	v9 =	vsel vm14, $0x1880, v39;
	v39 =	vimm.s32 $0x3300  }
0x57: {  	v34 =	vsel vm2, $0x3B00, v34;
	[tilespmem:$0x1F830] =	vst v0;
	v0 =	vsel vm14, $0x80, v49;
	v1 =	vsel vm2, $0xB00, v1  }
0x58: {  	v2 =	vsel vm12, $0x380, v2;
	v49 =	vimm.s32 $0x2100;
	v39 =	vsel vm14, $0x3380, v39  }
0x59: {  	v9 =	vsel vm12, $0x1900, v9;
	v0 =	vsel vm12, $0x100, v0;
	v1 =	vsel vm0, $0xB80, v1  }
0x5a: {  	v2 =	vsel vm13, $0x800, v2;
	v9 =	vsel vm13, $0x1980, v9;
	v39 =	vsel vm12, $0x3800, v39  }
0x5b: {  	v0 =	vsel vm13, $0x180, v0;
	v5 =	vsel vm1, $0x0, v1;
	v1 =	vsel vm14, $0x280, v8  }
0x5c: {  	v2 =	vsel vm11, $0x880, v2;
	v8 =	vsel vm14, $0x1800, v38;
	v38 =	vimm.s32 $0x3280  }
0x5d: {  	v39 =	vsel vm13, $0x3880, v39;
	v9 =	vsel vm11, $0x1A00, v9;
	v0 =	vsel vm11, $0x200, v0  }
0x5e: {  	[tilespmem:$0x1F850] =	vst v5;
	v1 =	vsel vm12, $0x300, v1;
	v2 =	vsel vm9, $0x900, v2;
	v5 =	vsel vm14, $0x1280, v35  }
0x5f: {  	v35 =	vimm.s32 $0x3100;
	v38 =	vsel vm14, $0x3300, v38;
	v8 =	vsel vm12, $0x1880, v8  }
0x60: {  	v39 =	vsel vm11, $0x3900, v39;
	v9 =	vsel vm9, $0x1A80, v9;
	v0 =	vsel vm9, $0x280, v0  }
0x61: {  	v1 =	vsel vm13, $0x380, v1;
	v2 =	vsel vm10, $0x980, v2;
	v35 =	vsel vm14, $0x3180, v35  }
0x62: {  	v5 =	vsel vm12, $0x1300, v5;
	v8 =	vsel vm13, $0x1900, v8;
	v38 =	vsel vm12, $0x3380, v38  }
0x63: {  	v9 =	vsel vm10, $0x1B00, v9;
	v39 =	vsel vm9, $0x3980, v39;
	v0 =	vsel vm10, $0x300, v0  }
0x64: {  	v1 =	vsel vm11, $0x800, v1;
	v2 =	vsel vm8, $0xA00, v2;
	v5 =	vsel vm13, $0x1380, v5  }
0x65: {  	v35 =	vsel vm12, $0x3200, v35;
	v38 =	vsel vm13, $0x3800, v38;
	v8 =	vsel vm11, $0x1980, v8  }
0x66: {  	v39 =	vsel vm10, $0x3A00, v39;
	v9 =	vsel vm8, $0x1B80, v9;
	v0 =	vsel vm8, $0x380, v0  }
0x67: {  	v1 =	vsel vm9, $0x880, v1;
	v2 =	vsel vm6, $0xA80, v2;
	v35 =	vsel vm13, $0x3280, v35  }
0x68: {  	v5 =	vsel vm11, $0x1800, v5;
	v38 =	vsel vm11, $0x3880, v38;
	v8 =	vsel vm9, $0x1A00, v8  }
0x69: {  	v39 =	vsel vm8, $0x3A80, v39;
	v9 =	vsel vm6, $0x1000, v9;
	v0 =	vsel vm6, $0x800, v0  }
0x6a: {  	v1 =	vsel vm10, $0x900, v1;
	v2 =	vsel vm7, $0xB00, v2;
	v35 =	vsel vm11, $0x3300, v35  }
0x6b: {  	v5 =	vsel vm9, $0x1880, v5;
	v8 =	vsel vm10, $0x1A80, v8;
	v38 =	vsel vm9, $0x3900, v38  }
0x6c: {  	v9 =	vsel vm7, $0x1080, v9;
	v39 =	vsel vm6, $0x3B00, v39;
	v0 =	vsel vm7, $0x880, v0  }
0x6d: {  	v1 =	vsel vm8, $0x980, v1;
	v2 =	vsel vm5, $0xB80, v2;
	v5 =	vsel vm10, $0x1900, v5  }
0x6e: {  	v35 =	vsel vm9, $0x3380, v35;
	v38 =	vsel vm10, $0x3980, v38;
	v8 =	vsel vm8, $0x1B00, v8  }
0x6f: {  	v39 =	vsel vm7, $0x3B80, v39;
	v9 =	vsel vm5, $0x1100, v9;
	v0 =	vsel vm5, $0x900, v0  }
0x70: {  	v1 =	vsel vm6, $0xA00, v1;
	v2 =	vsel vm3, $0x0, v2;
	v35 =	vsel vm10, $0x3800, v35  }
0x71: {  	v5 =	vsel vm8, $0x1980, v5;
	v38 =	vsel vm8, $0x3A00, v38;
	v8 =	vsel vm6, $0x1B80, v8  }
0x72: {  	v39 =	vsel vm5, $0x3000, v39;
	v9 =	vsel vm3, $0x1180, v9;
	v0 =	vsel vm3, $0x980, v0  }
0x73: {  	v1 =	vsel vm7, $0xA80, v1;
	v2 =	vsel vm4, $0x80, v2;
	v35 =	vsel vm8, $0x3880, v35  }
0x74: {  	v5 =	vsel vm6, $0x1A00, v5;
	v8 =	vsel vm7, $0x1000, v8;
	v38 =	vsel vm6, $0x3A80, v38  }
0x75: {  	v9 =	vsel vm4, $0x1200, v9;
	v39 =	vsel vm3, $0x3080, v39;
	v0 =	vsel vm4, $0xA00, v0  }
0x76: {  	v1 =	vsel vm5, $0xB00, v1;
	v2 =	vsel vm2, $0x100, v2;
	v5 =	vsel vm7, $0x1A80, v5  }
0x77: {  	v35 =	vsel vm6, $0x3900, v35;
	v38 =	vsel vm7, $0x3B00, v38;
	v8 =	vsel vm5, $0x1080, v8  }
0x78: {  	v39 =	vsel vm4, $0x3100, v39;
	v9 =	vsel vm2, $0x1280, v9;
	v0 =	vsel vm2, $0xA80, v0  }
0x79: {  	v1 =	vsel vm3, $0xB80, v1;
	v11 =	vsel vm0, $0x180, v2;
	v2 =	vsel vm14, $0x880, v14  }
0x7a: {  	v14 =	vsel vm14, $0x1B00, v44;
	v44 =	vimm.s32 $0x3980;
	v35 =	vsel vm7, $0x3980, v35  }
0x7b: {  	v5 =	vsel vm5, $0x1B00, v5;
	v38 =	vsel vm5, $0x3B80, v38;
	v8 =	vsel vm3, $0x1100, v8  }
0x7c: {  	v39 =	vsel vm2, $0x3180, v39;
	v0 =	vsel vm0, $0xB00, v0;
	v1 =	vsel vm4, $0x0, v1  }
0x7d: {  	v2 =	vsel vm12, $0x900, v2;
	v44 =	vsel vm14, $0x3A00, v44;
	v14 =	vsel vm12, $0x1B80, v14  }
0x7e: {  	v35 =	vsel vm5, $0x3A00, v35;
	v5 =	vsel vm3, $0x1B80, v5;
	v8 =	vsel vm4, $0x1180, v8  }
0x7f: {  	v38 =	vsel vm3, $0x3000, v38;
	v0 =	vsel vm1, $0xB80, v0;
	v1 =	vsel vm2, $0x80, v1  }
0x80: {  	v2 =	vsel vm13, $0x980, v2;
	v14 =	vsel vm13, $0x1000, v14;
	v44 =	vsel vm12, $0x3A80, v44  }
0x81: {  	v5 =	vsel vm4, $0x1000, v5;
	v35 =	vsel vm3, $0x3A80, v35;
	v38 =	vsel vm4, $0x3080, v38  }
0x82: {  	v8 =	vsel vm2, $0x1200, v8;
	[tilespmem:$0x1F840] =	vst v0;
	v0 =	vsel vm1, $0x80, v6;
	v1 =	vsel vm0, $0x100, v1  }
0x83: {  	v2 =	vsel vm11, $0xA00, v2;
	v6 =	vsel vm14, $0x1300, v36;
	v36 =	vimm.s32 $0x3180  }
0x84: {  	v44 =	vsel vm13, $0x3B00, v44;
	v14 =	vsel vm11, $0x1080, v14;
	v35 =	vsel vm4, $0x3B00, v35  }
0x85: {  	v5 =	vsel vm2, $0x1080, v5;
	v38 =	vsel vm2, $0x3100, v38;
	[tilespmem:$0x1F860] =	vst v0;
	v0 =	vsel vm14, $0x200, v7  }
0x86: {  	v10 =	vsel vm1, $0x180, v1;
	v1 =	vsel vm14, $0x800, v13;
	v2 =	vsel vm9, $0xA80, v2  }
0x87: {  	v7 =	vsel vm14, $0x1380, v37;
	v13 =	vsel vm14, $0x1A80, v43;
	v36 =	vsel vm14, $0x3200, v36  }
0x88: {  	v37 =	vimm.s32 $0x3200;
	v43 =	vimm.s32 $0x3900;
	v6 =	vsel vm12, $0x1380, v6  }
0x89: {  	v44 =	vsel vm11, $0x3B80, v44;
	v14 =	vsel vm9, $0x1100, v14;
	v35 =	vsel vm2, $0x3B80, v35  }
0x8a: {  	v0 =	vsel vm12, $0x280, v0;
	v1 =	vsel vm12, $0x880, v1;
	v2 =	vsel vm10, $0xB00, v2  }
0x8b: {  	[tilespmem:$0x1F880] =	vst v10;
	v10 =	vsel vm14, $0x1900, v40;
	v37 =	vsel vm14, $0x3280, v37;
	v40 =	vimm.s32 $0x3380  }
0x8c: {  	v43 =	vsel vm14, $0x3980, v43;
	v7 =	vsel vm12, $0x1800, v7;
	v6 =	vsel vm13, $0x1800, v6  }
0x8d: {  	v13 =	vsel vm12, $0x1B00, v13;
	v36 =	vsel vm12, $0x3280, v36;
	v14 =	vsel vm10, $0x1180, v14  }
0x8e: {  	v44 =	vsel vm9, $0x3000, v44;
	v0 =	vsel vm13, $0x300, v0;
	v1 =	vsel vm13, $0x900, v1  }
0x8f: {  	v2 =	vsel vm8, $0xB80, v2;
	v40 =	vsel vm14, $0x3800, v40;
	v7 =	vsel vm13, $0x1880, v7  }
0x90: {  	v10 =	vsel vm12, $0x1980, v10;
	v13 =	vsel vm13, $0x1B80, v13;
	v37 =	vsel vm12, $0x3300, v37  }
0x91: {  	v36 =	vsel vm13, $0x3300, v36;
	v43 =	vsel vm12, $0x3A00, v43;
	v6 =	vsel vm11, $0x1880, v6  }
0x92: {  	v44 =	vsel vm10, $0x3080, v44;
	v14 =	vsel vm8, $0x1200, v14;
	v0 =	vsel vm11, $0x380, v0  }
0x93: {  	v1 =	vsel vm11, $0x980, v1;
	v2 =	vsel vm6, $0x0, v2;
	v10 =	vsel vm13, $0x1A00, v10  }
0x94: {  	v37 =	vsel vm13, $0x3380, v37;
	v40 =	vsel vm12, $0x3880, v40;
	v43 =	vsel vm13, $0x3A80, v43  }
0x95: {  	v7 =	vsel vm11, $0x1900, v7;
	v13 =	vsel vm11, $0x1000, v13;
	v36 =	vsel vm11, $0x3380, v36  }
0x96: {  	v6 =	vsel vm9, $0x1900, v6;
	v44 =	vsel vm8, $0x3100, v44;
	v14 =	vsel vm6, $0x1280, v14  }
0x97: {  	v0 =	vsel vm9, $0x800, v0;
	v1 =	vsel vm9, $0xA00, v1;
	v2 =	vsel vm7, $0x80, v2  }
0x98: {  	v40 =	vsel vm13, $0x3900, v40;
	v10 =	vsel vm11, $0x1A80, v10;
	v37 =	vsel vm11, $0x3800, v37  }
0x99: {  	v43 =	vsel vm11, $0x3B00, v43;
	v7 =	vsel vm9, $0x1980, v7;
	v6 =	vsel vm10, $0x1980, v6  }
0x9a: {  	v13 =	vsel vm9, $0x1080, v13;
	v36 =	vsel vm9, $0x3800, v36;
	v14 =	vsel vm7, $0x1300, v14  }
0x9b: {  	v44 =	vsel vm6, $0x3180, v44;
	v0 =	vsel vm10, $0x880, v0;
	v1 =	vsel vm10, $0xA80, v1  }
0x9c: {  	v2 =	vsel vm5, $0x100, v2;
	v40 =	vsel vm11, $0x3980, v40;
	v7 =	vsel vm10, $0x1A00, v7  }
0x9d: {  	v10 =	vsel vm9, $0x1B00, v10;
	v13 =	vsel vm10, $0x1100, v13;
	v37 =	vsel vm9, $0x3880, v37  }
0x9e: {  	v36 =	vsel vm10, $0x3880, v36;
	v43 =	vsel vm9, $0x3B80, v43;
	v6 =	vsel vm8, $0x1A00, v6  }
0x9f: {  	v44 =	vsel vm7, $0x3200, v44;
	v14 =	vsel vm5, $0x1380, v14;
	v0 =	vsel vm8, $0x900, v0  }
0xa0: {  	v1 =	vsel vm8, $0xB00, v1;
	v2 =	vsel vm3, $0x180, v2;
	v10 =	vsel vm10, $0x1B80, v10  }
0xa1: {  	v37 =	vsel vm10, $0x3900, v37;
	v40 =	vsel vm9, $0x3A00, v40;
	v43 =	vsel vm10, $0x3000, v43  }
0xa2: {  	v7 =	vsel vm8, $0x1A80, v7;
	v13 =	vsel vm8, $0x1180, v13;
	v36 =	vsel vm8, $0x3900, v36  }
0xa3: {  	v6 =	vsel vm6, $0x1A80, v6;
	v44 =	vsel vm5, $0x3280, v44;
	v14 =	vsel vm3, $0x1800, v14  }
0xa4: {  	v0 =	vsel vm6, $0x980, v0;
	v1 =	vsel vm6, $0xB80, v1;
	v2 =	vsel vm4, $0x200, v2  }
0xa5: {  	v40 =	vsel vm10, $0x3A80, v40;
	v10 =	vsel vm8, $0x1000, v10;
	v37 =	vsel vm8, $0x3980, v37  }
0xa6: {  	v43 =	vsel vm8, $0x3080, v43;
	v7 =	vsel vm6, $0x1B00, v7;
	v6 =	vsel vm7, $0x1B00, v6  }
0xa7: {  	v13 =	vsel vm6, $0x1200, v13;
	v36 =	vsel vm6, $0x3980, v36;
	v14 =	vsel vm4, $0x1880, v14  }
0xa8: {  	v44 =	vsel vm3, $0x3300, v44;
	v0 =	vsel vm7, $0xA00, v0;
	v1 =	vsel vm7, $0x0, v1  }
0xa9: {  	v2 =	vsel vm2, $0x280, v2;
	v40 =	vsel vm8, $0x3B00, v40;
	v7 =	vsel vm7, $0x1B80, v7  }
0xaa: {  	v10 =	vsel vm6, $0x1080, v10;
	v13 =	vsel vm7, $0x1280, v13;
	v37 =	vsel vm6, $0x3A00, v37  }
0xab: {  	v36 =	vsel vm7, $0x3A00, v36;
	v43 =	vsel vm6, $0x3100, v43;
	v6 =	vsel vm5, $0x1B80, v6  }
0xac: {  	v44 =	vsel vm4, $0x3380, v44;
	v14 =	vsel vm2, $0x1900, v14;
	v0 =	vsel vm5, $0xA80, v0  }
0xad: {  	v1 =	vsel vm5, $0x80, v1;
	v16 =	vsel vm0, $0x300, v2;
	v2 =	vsel vm14, $0xA00, v19  }
0xae: {  	v19 =	vsel vm14, $0x2180, v49;
	v49 =	vimm.s32 $0x1D1C1B1A;
	v10 =	vsel vm7, $0x1100, v10  }
0xaf: {  	v37 =	vsel vm7, $0x3A80, v37;
	v40 =	vsel vm6, $0x3B80, v40;
	v43 =	vsel vm7, $0x3180, v43  }
0xb0: {  	v7 =	vsel vm5, $0x1000, v7;
	v13 =	vsel vm5, $0x1300, v13;
	v36 =	vsel vm5, $0x3A80, v36  }
0xb1: {  	v6 =	vsel vm3, $0x1000, v6;
	v44 =	vsel vm2, $0x3800, v44;
	v0 =	vsel vm3, $0xB00, v0  }
0xb2: {  	v1 =	vsel vm3, $0x100, v1;
	v2 =	vsel vm12, $0xA80, v2;
	v19 =	vsel vm12, $0x2200, v19  }
0xb3: {  	v40 =	vsel vm7, $0x3000, v40;
	v10 =	vsel vm5, $0x1180, v10;
	v37 =	vsel vm5, $0x3B00, v37  }
0xb4: {  	v43 =	vsel vm5, $0x3200, v43;
	v7 =	vsel vm3, $0x1080, v7;
	v6 =	vsel vm4, $0x1080, v6  }
0xb5: {  	v13 =	vsel vm3, $0x1380, v13;
	v36 =	vsel vm3, $0x3B00, v36;
	v0 =	vsel vm4, $0xB80, v0  }
0xb6: {  	v1 =	vsel vm4, $0x180, v1;
	v2 =	vsel vm13, $0xB00, v2;
	v19 =	vsel vm13, $0x2280, v19  }
0xb7: {  	v40 =	vsel vm5, $0x3080, v40;
	v7 =	vsel vm4, $0x1100, v7;
	v10 =	vsel vm3, $0x1200, v10  }
0xb8: {  	v13 =	vsel vm4, $0x1800, v13;
	v37 =	vsel vm3, $0x3B80, v37;
	v36 =	vsel vm4, $0x3B80, v36  }
0xb9: {  	v43 =	vsel vm3, $0x3280, v43;
	v6 =	vsel vm2, $0x1100, v6;
	v0 =	vsel vm2, $0x0, v0  }
0xba: {  	v1 =	vsel vm2, $0x200, v1;
	v2 =	vsel vm11, $0xB80, v2;
	v19 =	vsel vm11, $0x2300, v19  }
0xbb: {  	v10 =	vsel vm4, $0x1280, v10;
	v37 =	vsel vm4, $0x3000, v37;
	v40 =	vsel vm3, $0x3100, v40  }
0xbc: {  	v43 =	vsel vm4, $0x3300, v43;
	v7 =	vsel vm2, $0x1180, v7;
	v13 =	vsel vm2, $0x1880, v13  }
0xbd: {  	v36 =	vsel vm2, $0x3000, v36;
	v0 =	vsel vm0, $0x80, v0;
	v1 =	vsel vm0, $0x280, v1  }
0xbe: {  	v2 =	vsel vm9, $0x0, v2;
	v19 =	vsel vm9, $0x2380, v19;
	v40 =	vsel vm4, $0x3180, v40  }
0xbf: {  	v10 =	vsel vm2, $0x1300, v10;
	v37 =	vsel vm2, $0x3080, v37;
	v43 =	vsel vm2, $0x3380, v43  }
0xc0: {  	v0 =	vsel vm1, $0x100, v0;
	v15 =	vsel vm1, $0x300, v1;
	v1 =	vsel vm14, $0x980, v18  }
0xc1: {  	v2 =	vsel vm10, $0x80, v2;
	v18 =	vsel vm14, $0x2100, v48;
	v48 =	vimm.s32 $0x14131211  }
0xc2: {  	v19 =	vsel vm10, $0x2800, v19;
	v40 =	vsel vm2, $0x3200, v40;
	[tilespmem:$0x1F870] =	vst v0;
	v0 =	vsel vm1, $0x200, v11  }
0xc3: {  	v1 =	vsel vm12, $0xA00, v1;
	v2 =	vsel vm8, $0x100, v2;
	v11 =	vsel vm14, $0x1980, v41  }
0xc4: {  	[tilespmem:$0x1F8B0] =	vst v15;
	v15 =	vsel vm14, $0x1B80, v45;
	v41 =	vimm.s32 $0x3800;
	v45 =	vimm.s32 $0x3A00  }
0xc5: {  	v48 =	vunpack.c.0.s8.s32 v48;
	v18 =	vsel vm12, $0x2180, v18;
	v19 =	vsel vm8, $0x2880, v19  }
0xc6: {  	[tilespmem:$0x1F890] =	vst v0;
	v0 =	vsel vm14, $0x380, v12;
	v1 =	vsel vm13, $0xA80, v1;
	v2 =	vsel vm6, $0x180, v2  }
0xc7: {  	v12 =	vsel vm14, $0x1A00, v42;
	v41 =	vsel vm14, $0x3880, v41;
	v42 =	vimm.s32 $0x3880  }
0xc8: {  	v45 =	vsel vm14, $0x3A80, v45;
	v11 =	vsel vm12, $0x1A00, v11;
	v15 =	vsel vm12, $0x1000, v15  }
0xc9: {  	v18 =	vsel vm13, $0x2200, v18;
	v19 =	vsel vm6, $0x2900, v19;
	v0 =	vsel vm12, $0x800, v0  }
0xca: {  	v1 =	vsel vm11, $0xB00, v1;
	v2 =	vsel vm7, $0x200, v2;
	v42 =	vsel vm14, $0x3900, v42  }
0xcb: {  	v11 =	vsel vm13, $0x1A80, v11;
	v12 =	vsel vm12, $0x1A80, v12;
	v15 =	vsel vm13, $0x1080, v15  }
0xcc: {  	[tilespmem:$0x1F950] =	vst v48;
	v41 =	vsel vm12, $0x3900, v41;
	v45 =	vsel vm12, $0x3B00, v45;
	v48 =	vunpack.c.0.s8.s32 v59  }
0xcd: {  	v59 =	vunpack.c.0.s8.s32 v49;
	v18 =	vsel vm11, $0x2280, v18;
	v19 =	vsel vm7, $0x2980, v19  }
0xce: {  	v0 =	vsel vm13, $0x880, v0;
	v1 =	vsel vm9, $0xB80, v1;
	v2 =	vsel vm5, $0x280, v2  }
0xcf: {  	v12 =	vsel vm13, $0x1B00, v12;
	v41 =	vsel vm13, $0x3980, v41;
	v42 =	vsel vm12, $0x3980, v42  }
0xd0: {  	v45 =	vsel vm13, $0x3B80, v45;
	v11 =	vsel vm11, $0x1B00, v11;
	v15 =	vsel vm11, $0x1100, v15  }
0xd1: {  	v18 =	vsel vm9, $0x2300, v18;
	v19 =	vsel vm5, $0x2A00, v19;
	v0 =	vsel vm11, $0x900, v0  }
0xd2: {  	v1 =	vsel vm10, $0x0, v1;
	v2 =	vsel vm3, $0x300, v2;
	v42 =	vsel vm13, $0x3A00, v42  }
0xd3: {  	v12 =	vsel vm11, $0x1B80, v12;
	v41 =	vsel vm11, $0x3A00, v41;
	v45 =	vsel vm11, $0x3000, v45  }
0xd4: {  	[tilespmem:$0x1F970] =	vst v59;
	v59 =	vimm.s32 $0x11101F1E;
	v11 =	vsel vm9, $0x1B80, v11;
	v15 =	vsel vm9, $0x1180, v15  }
0xd5: {  	v18 =	vsel vm10, $0x2380, v18;
	v19 =	vsel vm3, $0x2A80, v19;
	v0 =	vsel vm9, $0x980, v0  }
0xd6: {  	v1 =	vsel vm8, $0x80, v1;
	v2 =	vsel vm4, $0x380, v2;
	v42 =	vsel vm11, $0x3A80, v42  }
0xd7: {  	[tilespmem:$0x1F960] =	vst v48;
	v48 =	vunpack.c.0.s8.s32 v59;
	v11 =	vsel vm10, $0x1000, v11;
	v12 =	vsel vm9, $0x1000, v12  }
0xd8: {  	v15 =	vsel vm10, $0x1200, v15;
	v41 =	vsel vm9, $0x3A80, v41;
	v45 =	vsel vm9, $0x3080, v45  }
0xd9: {  	v59 =	vimm.s32 $0x19181716;
	v18 =	vsel vm8, $0x2800, v18;
	v19 =	vsel vm4, $0x2B00, v19  }
0xda: {  	v0 =	vsel vm10, $0xA00, v0;
	v1 =	vsel vm6, $0x100, v1;
	v2 =	vsel vm2, $0x800, v2  }
0xdb: {  	v12 =	vsel vm10, $0x1080, v12;
	v41 =	vsel vm10, $0x3B00, v41;
	v42 =	vsel vm9, $0x3B00, v42  }
0xdc: {  	v45 =	vsel vm10, $0x3100, v45;
	v59 =	vunpack.c.0.s8.s32 v59;
	v11 =	vsel vm8, $0x1080, v11  }
0xdd: {  	v15 =	vsel vm8, $0x1280, v15;
	v18 =	vsel vm6, $0x2880, v18;
	v19 =	vsel vm2, $0x2B80, v19  }
0xde: {  	v0 =	vsel vm8, $0xA80, v0;
	v1 =	vsel vm7, $0x180, v1;
	v21 =	vsel vm0, $0x880, v2  }
0xdf: {  	v2 =	vsel vm14, $0xB80, v24;
	v24 =	vimm.s32 $0x2380;
	v42 =	vsel vm10, $0x3B80, v42  }
0xe0: {  	[tilespmem:$0x1F980] =	vst v48;
	v48 =	vimm.s32 $0x15141312;
	v12 =	vsel vm8, $0x1100, v12;
	v41 =	vsel vm8, $0x3B80, v41  }
0xe1: {  	v45 =	vsel vm8, $0x3180, v45;
	v11 =	vsel vm6, $0x1100, v11;
	v15 =	vsel vm6, $0x1300, v15  }
0xe2: {  	v18 =	vsel vm7, $0x2900, v18;
	v0 =	vsel vm6, $0xB00, v0;
	v1 =	vsel vm5, $0x200, v1  }
0xe3: {  	v2 =	vsel vm12, $0x0, v2;
	v24 =	vsel vm14, $0x2800, v24;
	v48 =	vunpack.c.0.s8.s32 v48  }
0xe4: {  	[tilespmem:$0x1F9A0] =	vst v59;
	v42 =	vsel vm8, $0x3000, v42;
	v59 =	vimm.s32 $0x1E1D1C1B;
	v11 =	vsel vm7, $0x1180, v11  }
0xe5: {  	v12 =	vsel vm6, $0x1180, v12;
	v15 =	vsel vm7, $0x1380, v15;
	v41 =	vsel vm6, $0x3000, v41  }
0xe6: {  	v45 =	vsel vm6, $0x3200, v45;
	v18 =	vsel vm5, $0x2980, v18;
	v0 =	vsel vm7, $0xB80, v0  }
0xe7: {  	v1 =	vsel vm3, $0x280, v1;
	v2 =	vsel vm13, $0x80, v2;
	v24 =	vsel vm12, $0x2880, v24  }
0xe8: {  	v12 =	vsel vm7, $0x1200, v12;
	v41 =	vsel vm7, $0x3080, v41;
	v42 =	vsel vm6, $0x3080, v42  }
0xe9: {  	v45 =	vsel vm7, $0x3280, v45;
	v11 =	vsel vm5, $0x1200, v11;
	v15 =	vsel vm5, $0x1800, v15  }
0xea: {  	v18 =	vsel vm3, $0x2A00, v18;
	v0 =	vsel vm5, $0x0, v0;
	v1 =	vsel vm4, $0x300, v1  }
0xeb: {  	v2 =	vsel vm11, $0x100, v2;
	v24 =	vsel vm13, $0x2900, v24;
	[tilespmem:$0x1F990] =	vst v48;
	v48 =	vunpack.c.0.s8.s32 v59  }
0xec: {  	v42 =	vsel vm7, $0x3100, v42;
	v59 =	vimm.s32 $0x16151413;
	v12 =	vsel vm5, $0x1280, v12  }
0xed: {  	v41 =	vsel vm5, $0x3100, v41;
	v45 =	vsel vm5, $0x3300, v45;
	v11 =	vsel vm3, $0x1280, v11  }
0xee: {  	v15 =	vsel vm3, $0x1880, v15;
	v18 =	vsel vm4, $0x2A80, v18;
	v0 =	vsel vm3, $0x80, v0  }
0xef: {  	v1 =	vsel vm2, $0x380, v1;
	v2 =	vsel vm9, $0x180, v2;
	v24 =	vsel vm11, $0x2980, v24  }
0xf0: {  	v59 =	vunpack.c.0.s8.s32 v59;
	v42 =	vsel vm5, $0x3180, v42;
	v11 =	vsel vm4, $0x1300, v11  }
0xf1: {  	v12 =	vsel vm3, $0x1300, v12;
	v15 =	vsel vm4, $0x1900, v15;
	v41 =	vsel vm3, $0x3180, v41  }
0xf2: {  	v45 =	vsel vm3, $0x3380, v45;
	v18 =	vsel vm2, $0x2B00, v18;
	v0 =	vsel vm4, $0x100, v0  }
0xf3: {  	v1 =	vsel vm0, $0x800, v1;
	v2 =	vsel vm10, $0x200, v2;
	v24 =	vsel vm9, $0x2A00, v24  }
0xf4: {  	[tilespmem:$0x1F9B0] =	vst v48;
	v48 =	vimm.s32 $0x1211101F;
	v12 =	vsel vm4, $0x1380, v12;
	v41 =	vsel vm4, $0x3200, v41  }
0xf5: {  	v42 =	vsel vm3, $0x3200, v42;
	v45 =	vsel vm4, $0x3800, v45;
	v11 =	vsel vm2, $0x1380, v11  }
0xf6: {  	v15 =	vsel vm2, $0x1980, v15;
	v0 =	vsel vm2, $0x180, v0;
	v20 =	vsel vm1, $0x880, v1  }
0xf7: {  	v1 =	vsel vm14, $0xB00, v23;
	v2 =	vsel vm8, $0x280, v2;
	v23 =	vimm.s32 $0x2300  }
0xf8: {  	v24 =	vsel vm10, $0x2A80, v24;
	v48 =	vunpack.c.0.s8.s32 v48;
	[tilespmem:$0x1F9D0] =	vst v59;
	v59 =	vimm.s32 $0x1A191817  }
0xf9: {  	v42 =	vsel vm4, $0x3280, v42;
	v12 =	vsel vm2, $0x1800, v12;
	v41 =	vsel vm2, $0x3280, v41  }
0xfa: {  	v45 =	vsel vm2, $0x3880, v45;
	v11 =	vsel vm0, $0x1800, v11;
	v0 =	vsel vm0, $0x200, v0  }
0xfb: {  	[tilespmem:$0x1F8E0] =	vst v20;
	v1 =	vsel vm12, $0xB80, v1;
	v2 =	vsel vm6, $0x300, v2;
	v20 =	vimm.s32 $0x2180  }
0xfc: {  	v23 =	vsel vm14, $0x2380, v23;
	v24 =	vsel vm8, $0x2B00, v24;
	v42 =	vsel vm2, $0x3300, v42  }
0xfd: {  	v0 =	vsel vm1, $0x280, v0;
	v1 =	vsel vm13, $0x0, v1;
	v2 =	vsel vm7, $0x380, v2  }
0xfe: {  	v20 =	vsel vm14, $0x2200, v20;
	v23 =	vsel vm12, $0x2800, v23;
	v24 =	vsel vm6, $0x2B80, v24;
	[tilespmem:$0x1F9C0] =	vst v48  }
0xff: {  	v48 =	vunpack.c.0.s8.s32 v59;
	v59 =	vimm.s32 $0x13121110;
	[tilespmem:$0x1F8A0] =	vst v0;
	v0 =	vsel vm1, $0x380, v16  }
0x100: {  	v1 =	vsel vm11, $0x80, v1;
	v2 =	vsel vm5, $0x800, v2;
	v16 =	vsel vm14, $0x2000, v46  }
0x101: {  	v46 =	vimm.s32 $0x3A80;
	v20 =	vsel vm12, $0x2280, v20;
	v23 =	vsel vm13, $0x2880, v23  }
0x102: {  	v24 =	vsel vm7, $0x2000, v24;
	v59 =	vunpack.c.0.s8.s32 v59;
	[tilespmem:$0x1F8C0] =	vst v0;
	v0 =	vsel vm14, $0x900, v17  }
0x103: {  	v1 =	vsel vm9, $0x100, v1;
	v2 =	vsel vm3, $0x880, v2;
	v17 =	vsel vm14, $0x2080, v47  }
0x104: {  	v47 =	vimm.s32 $0x3B00;
	v46 =	vsel vm14, $0x3B00, v46;
	v16 =	vsel vm12, $0x2080, v16  }
0x105: {  	v20 =	vsel vm13, $0x2300, v20;
	v23 =	vsel vm11, $0x2900, v23;
	v24 =	vsel vm5, $0x2080, v24  }
0x106: {  	[tilespmem:$0x1F9E0] =	vst v48;
	v48 =	vimm.s32 $0x1F1E1D1C;
	v0 =	vsel vm12, $0x980, v0;
	v1 =	vsel vm10, $0x180, v1  }
0x107: {  	v2 =	vsel vm4, $0x900, v2;
	v47 =	vsel vm14, $0x3B80, v47;
	v16 =	vsel vm13, $0x2100, v16  }
0x108: {  	v17 =	vsel vm12, $0x2100, v17;
	v46 =	vsel vm12, $0x3B80, v46;
	v20 =	vsel vm11, $0x2380, v20  }
0x109: {  	v23 =	vsel vm9, $0x2980, v23;
	v24 =	vsel vm3, $0x2100, v24;
	v48 =	vunpack.c.0.s8.s32 v48  }
0x10a: {  	[tilespmem:$0x1FA00] =	vst v59;
	v59 =	vimm.s32 $0x17161514;
	v0 =	vsel vm13, $0xA00, v0;
	v1 =	vsel vm8, $0x200, v1  }
0x10b: {  	v2 =	vsel vm2, $0x980, v2;
	v17 =	vsel vm13, $0x2180, v17;
	v46 =	vsel vm13, $0x3000, v46  }
0x10c: {  	v47 =	vsel vm12, $0x3000, v47;
	v16 =	vsel vm11, $0x2180, v16;
	v20 =	vsel vm9, $0x2800, v20  }
0x10d: {  	v23 =	vsel vm10, $0x2A00, v23;
	v24 =	vsel vm4, $0x2180, v24;
	v0 =	vsel vm11, $0xA80, v0  }
0x10e: {  	v1 =	vsel vm6, $0x280, v1;
	v26 =	vsel vm0, $0xA00, v2;
	v2 =	vsel vm14, $0x1100, v32  }
0x10f: {  	v32 =	vimm.s32 $0x3B80;
	v47 =	vsel vm13, $0x3080, v47;
	v17 =	vsel vm11, $0x2200, v17  }
0x110: {  	v46 =	vsel vm11, $0x3080, v46;
	v16 =	vsel vm9, $0x2200, v16;
	v20 =	vsel vm10, $0x2880, v20  }
0x111: {  	v23 =	vsel vm8, $0x2A80, v23;
	[tilespmem:$0x1F9F0] =	vst v48;
	v24 =	vsel vm2, $0x2200, v24;
	v48 =	vunpack.c.0.s8.s32 v59  }
0x112: {  	v59 =	vsel vm0, $0x1000, v3;
	v0 =	vsel vm9, $0xB00, v0;
	v1 =	vsel vm7, $0x300, v1  }
0x113: {  	v32 =	vsel vm14, $0x3000, v32;
	v2 =	vsel vm12, $0x1180, v2;
	v16 =	vsel vm10, $0x2280, v16  }
0x114: {  	v17 =	vsel vm9, $0x2280, v17;
	v46 =	vsel vm9, $0x3100, v46;
	v20 =	vsel vm8, $0x2900, v20  }
0x115: {  	v23 =	vsel vm6, $0x2B00, v23;
	v0 =	vsel vm10, $0xB80, v0;
	v1 =	vsel vm5, $0x380, v1  }
0x116: {  	v2 =	vsel vm13, $0x1200, v2;
	v32 =	vsel vm12, $0x3080, v32;
	v17 =	vsel vm10, $0x2300, v17  }
0x117: {  	v46 =	vsel vm10, $0x3180, v46;
	v16 =	vsel vm8, $0x2300, v16;
	v20 =	vsel vm6, $0x2980, v20  }
0x118: {  	v23 =	vsel vm7, $0x2B80, v23;
	v0 =	vsel vm8, $0x0, v0;
	v1 =	vsel vm3, $0x800, v1  }
0x119: {  	v32 =	vsel vm13, $0x3100, v32;
	v2 =	vsel vm11, $0x1280, v2;
	v17 =	vsel vm8, $0x2380, v17  }
0x11a: {  	v46 =	vsel vm8, $0x3200, v46;
	v16 =	vsel vm6, $0x2380, v16;
	v20 =	vsel vm7, $0x2A00, v20  }
0x11b: {  	v23 =	vsel vm5, $0x2000, v23;
	v0 =	vsel vm6, $0x80, v0;
	v1 =	vsel vm4, $0x880, v1  }
0x11c: {  	v32 =	vsel vm11, $0x3180, v32;
	v2 =	vsel vm9, $0x1300, v2;
	v16 =	vsel vm7, $0x2800, v16  }
0x11d: {  	v17 =	vsel vm6, $0x2800, v17;
	v46 =	vsel vm6, $0x3280, v46;
	v20 =	vsel vm5, $0x2A80, v20  }
0x11e: {  	v23 =	vsel vm3, $0x2080, v23;
	v0 =	vsel vm7, $0x100, v0;
	v1 =	vsel vm2, $0x900, v1  }
0x11f: {  	v2 =	vsel vm10, $0x1380, v2;
	v32 =	vsel vm9, $0x3200, v32;
	v17 =	vsel vm7, $0x2880, v17  }
0x120: {  	v46 =	vsel vm7, $0x3300, v46;
	v16 =	vsel vm5, $0x2880, v16;
	v20 =	vsel vm3, $0x2B00, v20  }
0x121: {  	v23 =	vsel vm4, $0x2100, v23;
	v0 =	vsel vm5, $0x180, v0;
	v1 =	vsel vm0, $0x980, v1  }
0x122: {  	v32 =	vsel vm10, $0x3280, v32;
	v2 =	vsel vm8, $0x1800, v2;
	v17 =	vsel vm5, $0x2900, v17  }
0x123: {  	v46 =	vsel vm5, $0x3380, v46;
	v16 =	vsel vm3, $0x2900, v16;
	v20 =	vsel vm4, $0x2B80, v20  }
0x124: {  	v23 =	vsel vm2, $0x2180, v23;
	v0 =	vsel vm3, $0x200, v0;
	v25 =	vsel vm1, $0xA00, v1  }
0x125: {  	v1 =	vsel vm14, $0x1080, v31;
	v31 =	vimm.s32 $0x2B00;
	v32 =	vsel vm8, $0x3300, v32  }
0x126: {  	v2 =	vsel vm6, $0x1880, v2;
	v16 =	vsel vm4, $0x2980, v16;
	v17 =	vsel vm3, $0x2980, v17  }
0x127: {  	v46 =	vsel vm3, $0x3800, v46;
	v20 =	vsel vm2, $0x2000, v20;
	v0 =	vsel vm4, $0x280, v0  }
0x128: {  	[tilespmem:$0x1F910] =	vst v25;
	v25 =	vimm.s32 $0x2800;
	v31 =	vsel vm14, $0x2B80, v31;
	v1 =	vsel vm12, $0x1100, v1  }
0x129: {  	v2 =	vsel vm7, $0x1900, v2;
	v32 =	vsel vm6, $0x3380, v32;
	v17 =	vsel vm4, $0x2A00, v17  }
0x12a: {  	v46 =	vsel vm4, $0x3880, v46;
	v16 =	vsel vm2, $0x2A00, v16;
	v0 =	vsel vm2, $0x300, v0  }
0x12b: {  	v25 =	vsel vm14, $0x2880, v25;
	v1 =	vsel vm13, $0x1180, v1;
	v31 =	vsel vm12, $0x2000, v31  }
0x12c: {  	v32 =	vsel vm7, $0x3800, v32;
	v2 =	vsel vm5, $0x1980, v2;
	v17 =	vsel vm2, $0x2A80, v17  }
0x12d: {  	v46 =	vsel vm2, $0x3900, v46;
	v0 =	vsel vm0, $0x380, v0;
	v25 =	vsel vm12, $0x2900, v25  }
0x12e: {  	v31 =	vsel vm13, $0x2080, v31;
	v1 =	vsel vm11, $0x1200, v1;
	v32 =	vsel vm5, $0x3880, v32  }
0x12f: {  	v2 =	vsel vm3, $0x1A00, v2;
	v0 =	vsel vm1, $0x800, v0;
	v25 =	vsel vm13, $0x2980, v25  }
0x130: {  	v31 =	vsel vm11, $0x2100, v31;
	v1 =	vsel vm9, $0x1280, v1;
	v2 =	vsel vm4, $0x1A80, v2  }
0x131: {  	v32 =	vsel vm3, $0x3900, v32;
	[tilespmem:$0x1F8D0] =	vst v0;
	v0 =	vsel vm1, $0x900, v21;
	v21 =	vimm.s32 $0x2200  }
0x132: {  	v25 =	vsel vm11, $0x2A00, v25;
	v1 =	vsel vm10, $0x1300, v1;
	v31 =	vsel vm9, $0x2180, v31  }
0x133: {  	v32 =	vsel vm4, $0x3980, v32;
	v2 =	vsel vm2, $0x1B00, v2;
	[tilespmem:$0x1F8F0] =	vst v0;
	v0 =	vsel vm14, $0xA80, v22  }
0x134: {  	v21 =	vsel vm14, $0x2280, v21;
	v22 =	vimm.s32 $0x2280;
	v25 =	vsel vm9, $0x2A80, v25  }
0x135: {  	v31 =	vsel vm10, $0x2200, v31;
	v1 =	vsel vm8, $0x1380, v1;
	v32 =	vsel vm2, $0x3A00, v32  }
0x136: {  	v49 =	vsel vm0, $0x1B80, v2;
	v0 =	vsel vm12, $0xB00, v0;
	v22 =	vsel vm14, $0x2300, v22  }
0x137: {  	v21 =	vsel vm12, $0x2300, v21;
	v25 =	vsel vm10, $0x2B00, v25;
	v31 =	vsel vm8, $0x2280, v31  }
0x138: {  	v1 =	vsel vm6, $0x1800, v1;
	v0 =	vsel vm13, $0xB80, v0;
	v22 =	vsel vm12, $0x2380, v22  }
0x139: {  	v21 =	vsel vm13, $0x2380, v21;
	v25 =	vsel vm8, $0x2B80, v25;
	v0 =	vsel vm11, $0x0, v0  }
0x13a: {  	v1 =	vsel vm7, $0x1880, v1;
	v31 =	vsel vm6, $0x2300, v31;
	v0 =	vsel vm9, $0x80, v0  }
0x13b: {  	v22 =	vsel vm13, $0x2800, v22;
	v21 =	vsel vm11, $0x2800, v21;
	v0 =	vsel vm10, $0x100, v0  }
0x13c: {  	v25 =	vsel vm6, $0x2000, v25;
	v31 =	vsel vm7, $0x2380, v31;
	v0 =	vsel vm8, $0x180, v0  }
0x13d: {  	v1 =	vsel vm5, $0x1900, v1;
	v22 =	vsel vm11, $0x2880, v22;
	v0 =	vsel vm6, $0x200, v0  }
0x13e: {  	v21 =	vsel vm9, $0x2880, v21;
	v25 =	vsel vm7, $0x2080, v25;
	v0 =	vsel vm7, $0x280, v0  }
0x13f: {  	v31 =	vsel vm5, $0x2800, v31;
	v1 =	vsel vm3, $0x1980, v1;
	v0 =	vsel vm5, $0x300, v0  }
0x140: {  	v21 =	vsel vm10, $0x2900, v21;
	v25 =	vsel vm5, $0x2100, v25;
	v0 =	vsel vm3, $0x380, v0  }
0x141: {  	v1 =	vsel vm4, $0x1A00, v1;
	v31 =	vsel vm3, $0x2880, v31;
	v0 =	vsel vm4, $0x800, v0  }
0x142: {  	v21 =	vsel vm8, $0x2980, v21;
	v25 =	vsel vm3, $0x2180, v25;
	v0 =	vsel vm2, $0x880, v0  }
0x143: {  	v31 =	vsel vm4, $0x2900, v31;
	v21 =	vsel vm6, $0x2A00, v21;
	v0 =	vsel vm0, $0x900, v0  }
0x144: {  	[tilespmem:$0x1FA10] =	vst v48;
	v1 =	vsel vm2, $0x1A80, v1;
	v21 =	vsel vm7, $0x2A80, v21;
	v0 =	vsel vm1, $0x980, v0  }
0x145: {  	v1 =	vsel vm0, $0x1B00, v1;
	v21 =	vsel vm5, $0x2B00, v21;
	[tilespmem:$0x1F900] =	vst v0;
	v0 =	vsel vm1, $0xA80, v26  }
0x146: {  	v48 =	vsel vm1, $0x1B80, v1;
	v21 =	vsel vm3, $0x2B80, v21;
	[tilespmem:$0x1F920] =	vst v0;
	v0 =	vunpack.c.0.s8.s32 v27  }
0x147: {  	v31 =	vsel vm2, $0x2980, v31;
	[tilespmem:$0x1FA30] =	vst v48;
	v48 =	vsel vm0, $0x1080, v4;
	v21 =	vsel vm4, $0x2000, v21  }
0x148: {  	v4 =	vsel vm0, $0x1180, v6;
	v21 =	vsel vm2, $0x2080, v21;
	[tilespmem:$0x1F930] =	vst v0;
	v0 =	vsel vm14, $0x1000, v30  }
0x149: {  	v26 =	vimm.s32 $0x2880;
	v27 =	vimm.s32 $0x2900;
	v0 =	vsel vm12, $0x1080, v0  }
0x14a: {  	v26 =	vsel vm14, $0x2900, v26;
	v27 =	vsel vm14, $0x2980, v27;
	v0 =	vsel vm13, $0x1100, v0  }
0x14b: {  	v26 =	vsel vm12, $0x2980, v26;
	v27 =	vsel vm12, $0x2A00, v27;
	v0 =	vsel vm11, $0x1180, v0  }
0x14c: {  	v26 =	vsel vm13, $0x2A00, v26;
	v27 =	vsel vm13, $0x2A80, v27;
	v0 =	vsel vm9, $0x1200, v0  }
0x14d: {  	v26 =	vsel vm11, $0x2A80, v26;
	v27 =	vsel vm11, $0x2B00, v27;
	v0 =	vsel vm10, $0x1280, v0  }
0x14e: {  	v26 =	vsel vm9, $0x2B00, v26;
	v27 =	vsel vm9, $0x2B80, v27;
	v0 =	vsel vm8, $0x1300, v0  }
0x14f: {  	v26 =	vsel vm10, $0x2B80, v26;
	v27 =	vsel vm10, $0x2000, v27;
	v0 =	vsel vm6, $0x1380, v0  }
0x150: {  	v26 =	vsel vm8, $0x2000, v26;
	v27 =	vsel vm8, $0x2080, v27;
	v0 =	vsel vm7, $0x1800, v0  }
0x151: {  	v26 =	vsel vm6, $0x2080, v26;
	v27 =	vsel vm6, $0x2100, v27;
	v0 =	vsel vm5, $0x1880, v0  }
0x152: {  	v26 =	vsel vm7, $0x2100, v26;
	v27 =	vsel vm7, $0x2180, v27;
	v0 =	vsel vm3, $0x1900, v0  }
0x153: {  	v26 =	vsel vm5, $0x2180, v26;
	v27 =	vsel vm5, $0x2200, v27;
	v0 =	vsel vm4, $0x1980, v0  }
0x154: {  	v26 =	vsel vm3, $0x2200, v26;
	v27 =	vsel vm3, $0x2280, v27;
	v0 =	vsel vm2, $0x1A00, v0  }
0x155: {  	v26 =	vsel vm4, $0x2280, v26;
	v27 =	vsel vm4, $0x2300, v27;
	v0 =	vsel vm0, $0x1A80, v0  }
0x156: {  	v26 =	vsel vm2, $0x2300, v26;
	v27 =	vsel vm2, $0x2380, v27;
	v0 =	vsel vm1, $0x1B00, v0  }
0x157: {  	[tilespmem:$0x1FA20] =	vst v0;
	v0 =	vsel vm1, $0x1000, v49;
	v49 =	vsel vm1, $0x1100, v48;
	v48 =	vsel vm0, $0x1880, v12  }
0x158: {  	v12 =	vsel vm0, $0x2080, v20;
	v20 =	vsel vm0, $0x2380, v26;
	v26 =	vsel vm0, $0x2A00, v31;
	[tilespmem:$0x1FA40] =	vst v0  }
0x159: {  	v0 =	vsel vm1, $0x1080, v59;
	[tilespmem:$0x1FA60] =	vst v49;
	v59 =	vsel vm0, $0x1100, v5;
	v49 =	vsel vm0, $0x1900, v13  }
0x15a: {  	v13 =	vsel vm0, $0x2100, v21;
	v21 =	vsel vm0, $0x2800, v27;
	v27 =	vsel vm1, $0x2A80, v26;
	[tilespmem:$0x1FA50] =	vst v0  }
0x15b: {  	v5 =	vsel vm0, $0x1200, v7;
	v7 =	vsel vm0, $0x1280, v8;
	v0 =	vsel vm1, $0x1180, v59;
	[tilespmem:$0x1FC10] =	vst v27  }
0x15c: {  	v8 =	vsel vm0, $0x1300, v9;
	v9 =	vsel vm0, $0x1380, v10;
	v6 =	vsel vm1, $0x1280, v5;
	[tilespmem:$0x1FA70] =	vst v0  }
0x15d: {  	v22 =	vsel vm9, $0x2900, v22;
	v25 =	vsel vm4, $0x2200, v25;
	v10 =	vsel vm1, $0x1800, v9;
	[tilespmem:$0x1FA90] =	vst v6  }
0x15e: {  	v25 =	vsel vm2, $0x2280, v25;
	v30 =	vimm.s32 $0x2A80;
	v59 =	vsel vm1, $0x1980, v49;
	[tilespmem:$0x1FAC0] =	vst v10  }
0x15f: {  	v9 =	vsel vm0, $0x2B80, v18;
	v18 =	vsel vm0, $0x2300, v25;
	v0 =	vsel vm1, $0x1200, v4;
	[tilespmem:$0x1FAF0] =	vst v59  }
0x160: {  	v30 =	vsel vm14, $0x2B00, v30;
	v10 =	vsel vm0, $0x2000, v19;
	v19 =	vsel vm1, $0x2380, v18;
	[tilespmem:$0x1FA80] =	vst v0  }
0x161: {  	v22 =	vsel vm10, $0x2980, v22;
	v30 =	vsel vm12, $0x2B80, v30;
	v0 =	vsel vm1, $0x1300, v7;
	[tilespmem:$0x1FBB0] =	vst v19  }
0x162: {  	v22 =	vsel vm8, $0x2A00, v22;
	v30 =	vsel vm13, $0x2000, v30;
	[tilespmem:$0x1FAA0] =	vst v0;
	v0 =	vsel vm1, $0x1380, v8  }
0x163: {  	v22 =	vsel vm6, $0x2A80, v22;
	v30 =	vsel vm11, $0x2080, v30;
	[tilespmem:$0x1FAB0] =	vst v0;
	v0 =	vsel vm1, $0x1880, v11  }
0x164: {  	v30 =	vsel vm9, $0x2100, v30;
	v4 =	vsel vm0, $0x1980, v14;
	[tilespmem:$0x1FAD0] =	vst v0;
	v0 =	vsel vm1, $0x1900, v48  }
0x165: {  	v30 =	vsel vm10, $0x2180, v30;
	v5 =	vsel vm0, $0x1A00, v15;
	[tilespmem:$0x1FAE0] =	vst v0;
	v0 =	vsel vm1, $0x1A00, v4  }
0x166: {  	v30 =	vsel vm8, $0x2200, v30;
	v8 =	vsel vm0, $0x2B00, v17;
	[tilespmem:$0x1FB00] =	vst v0;
	v0 =	vsel vm1, $0x1A80, v5  }
0x167: {  	v22 =	vsel vm7, $0x2B00, v22;
	v30 =	vsel vm6, $0x2280, v30;
	[tilespmem:$0x1FB10] =	vst v0;
	v0 =	vsel vm1, $0x2B80, v8  }
0x168: {  	v22 =	vsel vm5, $0x2B80, v22;
	v30 =	vsel vm7, $0x2300, v30;
	[tilespmem:$0x1FB30] =	vst v0;
	v0 =	vsel vm1, $0x2000, v9  }
0x169: {  	v22 =	vsel vm3, $0x2000, v22;
	v30 =	vsel vm5, $0x2380, v30;
	[tilespmem:$0x1FB40] =	vst v0;
	v0 =	vsel vm1, $0x2100, v12  }
0x16a: {  	v6 =	vsel vm0, $0x2A80, v16;
	v16 =	vsel vm0, $0x2200, v23;
	[tilespmem:$0x1FB60] =	vst v0;
	v0 =	vsel vm1, $0x2180, v13  }
0x16b: {  	v30 =	vsel vm3, $0x2800, v30;
	v17 =	vsel vm0, $0x2280, v24;
	[tilespmem:$0x1FB70] =	vst v0;
	v0 =	vsel vm1, $0x2280, v16  }
0x16c: {  	v22 =	vsel vm4, $0x2080, v22;
	v30 =	vsel vm4, $0x2880, v30;
	[tilespmem:$0x1FB90] =	vst v0;
	v0 =	vsel vm1, $0x2300, v17  }
0x16d: {  	v22 =	vsel vm2, $0x2100, v22;
	v30 =	vsel vm2, $0x2900, v30;
	[tilespmem:$0x1FBA0] =	vst v0;
	v0 =	vsel vm1, $0x2800, v20  }
0x16e: {  	v25 =	vsel vm0, $0x2980, v30;
	v24 =	vsel vm0, $0x2900, v29;
	[tilespmem:$0x1FBC0] =	vst v0;
	v0 =	vsel vm1, $0x2880, v21  }
0x16f: {  	v30 =	vsel vm0, $0x3B80, v34;
	v14 =	vsel vm0, $0x2180, v22;
	[tilespmem:$0x1FBD0] =	vst v0;
	v0 =	vsel vm1, $0x2980, v24  }
0x170: {  	v22 =	vsel vm0, $0x2880, v28;
	v28 =	vsel vm0, $0x3A80, v32;
	[tilespmem:$0x1FBF0] =	vst v0;
	v0 =	vsel vm1, $0x2A00, v25  }
0x171: {  	v34 =	vsel vm0, $0x3100, v37;
	v29 =	vsel vm0, $0x3B00, v33;
	[tilespmem:$0x1FC00] =	vst v0;
	v0 =	vsel vm1, $0x3B00, v28  }
0x172: {  	v37 =	vsel vm0, $0x3280, v40;
	v32 =	vsel vm0, $0x3000, v35;
	[tilespmem:$0x1FC20] =	vst v0;
	v0 =	vsel vm1, $0x3B80, v29  }
0x173: {  	v35 =	vsel vm0, $0x3180, v38;
	v33 =	vsel vm0, $0x3080, v36;
	[tilespmem:$0x1FC30] =	vst v0;
	v0 =	vsel vm1, $0x3080, v32  }
0x174: {  	v38 =	vsel vm0, $0x3300, v41;
	v36 =	vsel vm0, $0x3200, v39;
	[tilespmem:$0x1FC50] =	vst v0;
	v0 =	vsel vm1, $0x3100, v33  }
0x175: {  	v39 =	vsel vm0, $0x3380, v42;
	v42 =	vsel vm0, $0x3880, v44;
	[tilespmem:$0x1FC60] =	vst v0;
	v0 =	vsel vm1, $0x3380, v38  }
0x176: {  	v40 =	vsel vm0, $0x3800, v43;
	v43 =	vsel vm0, $0x3900, v45;
	[tilespmem:$0x1FC70] =	vst v0;
	v0 =	vsel vm1, $0x3900, v42  }
0x177: {  	v44 =	vsel vm0, $0x3980, v46;
	v46 =	vimm.s32 $0x1B1A1918;
	[tilespmem:$0x1FC90] =	vst v0;
	v0 =	vsel vm1, $0x3980, v43  }
0x178: {  	v47 =	vsel vm11, $0x3100, v47;
	v31 =	vsel vm1, $0x3000, v30;
	[tilespmem:$0x1FCA0] =	vst v0;
	v0 =	vunpack.c.0.s8.s32 v46  }
0x179: {  	v47 =	vsel vm9, $0x3180, v47;
	v59 =	vimm.s32 $0x202F2E2D;
	[tilespmem:$0x1FC40] =	vst v31  }
0x17a: {  	v47 =	vsel vm10, $0x3200, v47;
	v41 =	vsel vm1, $0x3880, v40;
	[tilespmem:$0x1FCB0] =	vst v0;
	v0 =	vunpack.c.0.s8.s32 v59  }
0x17b: {  	v47 =	vsel vm8, $0x3280, v47;
	[tilespmem:$0x1FC80] =	vst v41;
	v4 =	vimm.s32 $0x24232221  }
0x17c: {  	v47 =	vsel vm6, $0x3300, v47;
	v7 =	vsel vm1, $0x2B00, v6;
	[tilespmem:$0x1FCD0] =	vst v0;
	v0 =	vunpack.c.0.s8.s32 v4  }
0x17d: {  	v47 =	vsel vm7, $0x3380, v47;
	[tilespmem:$0x1FB20] =	vst v7;
	v9 =	vimm.s32 $0x2D2C2B2A  }
0x17e: {  	v47 =	vsel vm5, $0x3800, v47;
	v15 =	vsel vm1, $0x2200, v14;
	[tilespmem:$0x1FCE0] =	vst v0;
	v0 =	vunpack.c.0.s8.s32 v9  }
0x17f: {  	v47 =	vsel vm3, $0x3880, v47;
	[tilespmem:$0x1FB80] =	vst v15;
	v11 =	vsel vm1, $0x2080, v10;
	v10 =	vimm.s32 $0x21202F2E  }
0x180: {  	v47 =	vsel vm4, $0x3900, v47;
	v23 =	vsel vm1, $0x2900, v22;
	[tilespmem:$0x1FD00] =	vst v0;
	v0 =	vunpack.c.0.s8.s32 v10  }
0x181: {  	v47 =	vsel vm2, $0x3980, v47;
	[tilespmem:$0x1FBE0] =	vst v23;
	v13 =	vimm.s32 $0x29282726  }
0x182: {  	v45 =	vsel vm0, $0x3A00, v47;
	v47 =	vimm.s32 $0x2C2B2A29;
	[tilespmem:$0x1FD10] =	vst v0;
	v0 =	vunpack.c.0.s8.s32 v13  }
0x183: {  	v14 =	vimm.s32 $0x2E2D2C2B;
	[tilespmem:$0x1FB50] =	vst v11;
	v48 =	vunpack.c.0.s8.s32 v47  }
0x184: {  	v5 =	vimm.s32 $0x28272625;
	[tilespmem:$0x1FD30] =	vst v0;
	v0 =	vunpack.c.0.s8.s32 v14  }
0x185: {  	[tilespmem:$0x1FCC0] =	vst v48;
	v7 =	vunpack.c.0.s8.s32 v5;
	v21 =	vimm.s32 $0x26252423  }
0x186: {  	v11 =	vimm.s32 $0x25242322;
	[tilespmem:$0x1FD40] =	vst v0;
	v0 =	vunpack.c.0.s8.s32 v21  }
0x187: {  	v22 =	vimm.s32 $0x2A292827;
	[tilespmem:$0x1FCF0] =	vst v7;
	v12 =	vunpack.c.0.s8.s32 v11  }
0x188: {  	v15 =	vimm.s32 $0x2221202F;
	[tilespmem:$0x1FD60] =	vst v0;
	v0 =	vunpack.c.0.s8.s32 v22  }
0x189: {  	[tilespmem:$0x1FD20] =	vst v12;
	v20 =	vunpack.c.0.s8.s32 v15;
	v25 =	vimm.s32 $0x23222120  }
0x18a: {  	v23 =	vimm.s32 $0x2F2E2D2C;
	[tilespmem:$0x1FD70] =	vst v0;
	v0 =	vunpack.c.0.s8.s32 v25  }
0x18b: {  	v26 =	vimm.s32 $0x27262524;
	[tilespmem:$0x1FD50] =	vst v20;
	v24 =	vunpack.c.0.s8.s32 v23  }
0x18c: {  	v27 =	vimm.s32 $0x2B2A2928;
	[tilespmem:$0x1FD90] =	vst v0;
	v0 =	vunpack.c.0.s8.s32 v26  }
0x18d: {  	[tilespmem:$0x1FD80] =	vst v24;
	v28 =	vunpack.c.0.s8.s32 v27;
	v29 =	vimm.s32 $0x3C3B3A39  }
0x18e: {  	v31 =	vimm.s32 $0x34333231;
	[tilespmem:$0x1FDA0] =	vst v0;
	v0 =	vunpack.c.0.s8.s32 v29  }
0x18f: {  	v30 =	vimm.s32 $0x303F3E3D;
	v18 =	vsel vm1, $0x3280, v36;
	[tilespmem:$0x1FDB0] =	vst v28;
	v32 =	vunpack.c.0.s8.s32 v31  }
0x190: {  	s0 =	rddreg [dreg:$0x0];
	v17 =	vsel vm1, $0x3200, v35;
	v35 =	vimm.s32 $0x31303F3E;
	[tilespmem:$0x1FDC0] =	vst v0;
	v0 =	vunpack.c.0.s8.s32 v30  }
0x191: {  	s2 =	rddreg [dreg:$0x1];
	s5 =	simm.s32 $0x0;
	v49 =	vsel vm1, $0x3800, v39;
	v39 =	vimm.s32 $0x3E3D3C3B;
	v36 =	vunpack.c.0.s8.s32 v35;
	[tilespmem:$0x1FDE0] =	vst v32  }
0x192: {  	[smem:$0x7FF] =	sst s5;
	v40 =	vunpack.c.0.s8.s32 v39;
	v43 =	vimm.s32 $0x3A393837;
	[tilespmem:$0x1FDD0] =	vst v0  }
0x193: {  	s4 =	rddreg [dreg:$0x2];
	v47 =	vimm.s32 $0x37363534;
	v8 =	vsel vm1, $0x3A00, v44;
	v44 =	vunpack.c.0.s8.s32 v43;
	_ =	strace $0x80000047;
	[tilespmem:$0x1FE10] =	vst v36  }
0x194: {  	v48 =	vunpack.c.0.s8.s32 v47;
	[tilespmem:$0x1FE40] =	vst v40  }
0x195: {  	[tilespmem:$0x1FE70] =	vst v44  }
0x196: {  	[tilespmem:$0x1FEA0] =	vst v48  }
0x197: {  	[tilespmem:$0x1FEC0] =	vst v50  }
0x198: {  	[tilespmem:$0x1FED0] =	vst v51  }
0x199: {  	[tilespmem:$0x1FEE0] =	vst v52  }
0x19a: {  	[tilespmem:$0x1FEF0] =	vst v53  }
0x19b: {  	[tilespmem:$0x1FF00] =	vst v54  }
0x19c: {  	[tilespmem:$0x1FF10] =	vst v55  }
0x19d: {  	[tilespmem:$0x1FF20] =	vst v56  }
0x19e: {  	[tilespmem:$0x1FF30] =	vst v57  }
0x19f: {  	[tilespmem:$0x1FF40] =	vst v58  }
0x1a0: {  	v33 =	vimm.s32 $0x38373635;
	[tilespmem:$0x1FF50] =	vst v63  }
0x1a1: {  	v16 =	vsel vm1, $0x3180, v34;
	v0 =	vunpack.c.0.s8.s32 v33;
	[tilespmem:$0x1FF60] =	vst v60  }
0x1a2: {  	v34 =	vimm.s32 $0x3D3C3B3A;
	[tilespmem:$0x1FF70] =	vst v16  }
0x1a3: {  	[tilespmem:$0x1FDF0] =	vst v0;
	v0 =	vunpack.c.0.s8.s32 v34  }
0x1a4: {  	v19 =	vsel vm1, $0x3300, v37;
	v37 =	vimm.s32 $0x35343332;
	[tilespmem:$0x1FF80] =	vst v17  }
0x1a5: {  	[tilespmem:$0x1FE00] =	vst v0;
	v0 =	vunpack.c.0.s8.s32 v37  }
0x1a6: {  	v38 =	vimm.s32 $0x39383736;
	[tilespmem:$0x1FF90] =	vst v18  }
0x1a7: {  	s1 =	srdreg.scid;
	s3 =	stileid.u32;
	[tilespmem:$0x1FE20] =	vst v0;
	v0 =	vunpack.c.0.s8.s32 v38  }
0x1a8: {  	s12 =	simm.s32 $0x1;
	s13 =	simm.s32 $0x80;
	s15 =	simm.s32 $0x600;
	v41 =	vimm.s32 $0x3231303F;
	[tilespmem:$0x1FFA0] =	vst v19  }
0x1a9: {  	s16 =	simm.s32 $0x280;
	s17 =	simm.s32 $0x4600;
	s18 =	simm.s32 $0x100;
	[tilespmem:$0x1FE30] =	vst v0;
	v0 =	vunpack.c.0.s8.s32 v41  }
0x1aa: {  	s19 =	simm.s32 $0x2;
	s20 =	simm.s32 $0x300;
	s21 =	simm.s32 $0x8600;
	v42 =	vimm.s32 $0x36353433;
	[tilespmem:$0x1FFB0] =	vst v49  }
0x1ab: {  	s22 =	simm.s32 $0x380;
	s1 =	sand.u32 $0x1, s1;
	s3 =	sshll.u32 s3, $0x1;
	[tilespmem:$0x1FE50] =	vst v0;
	v0 =	vunpack.c.0.s8.s32 v42  }
0x1ac: {  	s23 =	simm.s32 $0xC600;
	s24 =	simm.s32 $0x3;
	s3 =	sor.u32 s1, s3;
	v6 =	vsel vm1, $0x3A80, v45;
	v45 =	vimm.s32 $0x3F3E3D3C;
	[tilespmem:$0x1FFC0] =	vst v8  }
0x1ad: {  	s25 =	simm.s32 $0x10600;
	s28 =	simm.s32 $0x20000;
	s7 =	smul.u32 $0x680, s3;
	[tilespmem:$0x1FE60] =	vst v0;
	v0 =	vunpack.c.0.s8.s32 v45  }
0x1ae: {  	s29 =	simm.s32 $0x4;
	s1 =	ssub.s32 $0x2, s1;
	s6 =	smul.u32 $0x34, s3;
	v46 =	vimm.s32 $0x33323130;
	[tilespmem:$0x1FFD0] =	vst v6  }
0x1af: {  	s30 =	simm.s32 $0x6;
	s31 =	simm.s32 $0x14600;
	s8 =	sshrl.u32 s1, $0x1;
	[tilespmem:$0x1FE80] =	vst v0;
	v0 =	vunpack.c.0.s8.s32 v46  }
0x1b0: {  	s1 =	ssub.s32 s1, s8;
	s26 =	sadd.s32 s0, s7;
	s9 =	sor.u32 $0x2, s6;
	v59 =	vimm.s32 $0x3B3A3938;
	[tilespmem:$0x1FFE0] =	vst v61  }
0x1b1: {  	s10 =	sor.u32 $0x3, s6;
	s3 =	sadd.s32 $0x20, s26;
	[dreg:$0x4] =	wrdreg s26;
	[tilespmem:$0x1FE90] =	vst v0;
	v0 =	vunpack.c.0.s8.s32 v59  }
0x1b2: {  	s1 =	smax.u32 s1, $0x1;
	s7 =	simm.s32 $0x0;
	[dreg:$0x5] =	wrdreg s3;
	[tilespmem:$0x1FFF0] =	vst v62  }
0x1b3: {  	vm0 =	vcmask $0x1F10;
	[dreg:$0x6] =	wrdreg s1;
	s26 =	simm.s32 $0x800;
	s3 =	simm.s32 $0x5;
	[tilespmem:$0x1FEB0] =	vst v0  }
.LBB2_1:
0x1b4: {  	[dreg:$0x7] =	wrdreg s7  }
0x1b5: {  	s1 =	rddreg [dreg:$0x4]  }
0x1b6: {  	[tilespmem:s5], [sflag:$0x1] =	stream.linear.gather [hbm4b:s1+s5], $0x100, $0x38;
	[tilespmem:$0x18600] =	vst v63  }
0x1b7: {  	_ =	swait.ge [sflag:s12], $0x100  }
0x1b8: {  	[sflag:s12] =	ssyncset.done $0x0  }
0x1b9: {  	[sflag:s12] =	ssyncadd.s32 $0xFFFFFF00  }
0x1ba: {  	v0 =	vld [tilespmem:$0x0]  }
0x1bb: {  	v1 =	vld [tilespmem:$0x10]  }
0x1bc: {  	v2 =	vld [tilespmem:$0x20]  }
0x1bd: {  	v6 =	vld [tilespmem:$0x30]  }
0x1be: {  	v9 =	vld [tilespmem:$0x40]  }
0x1bf: {  	v12 =	vld [tilespmem:$0x50];
	v3 =	vshrl.u32 v0, $0x1  }
0x1c0: {  	v15 =	vld [tilespmem:$0x60];
	v7 =	vshrl.u32 v1, $0x1;
	[tilespmem:$0x200] =	vst v3  }
0x1c1: {  	v18 =	vld [tilespmem:$0x70];
	v10 =	vshrl.u32 v2, $0x1;
	[tilespmem:$0x210] =	vst v7  }
0x1c2: {  	v21 =	vld [tilespmem:$0x80];
	v13 =	vshrl.u32 v6, $0x1;
	[tilespmem:$0x220] =	vst v10  }
0x1c3: {  	v24 =	vld [tilespmem:$0x90];
	v16 =	vshrl.u32 v9, $0x1;
	[tilespmem:$0x230] =	vst v13  }
0x1c4: {  	v27 =	vld [tilespmem:$0xA0];
	v19 =	vshrl.u32 v12, $0x1;
	[tilespmem:$0x240] =	vst v16  }
0x1c5: {  	v30 =	vld [tilespmem:$0xB0];
	v22 =	vshrl.u32 v15, $0x1;
	[tilespmem:$0x250] =	vst v19  }
0x1c6: {  	v33 =	vld [tilespmem:$0xC0];
	v25 =	vshrl.u32 v18, $0x1;
	[tilespmem:$0x260] =	vst v22  }
0x1c7: {  	v36 =	vld [tilespmem:$0xD0];
	v28 =	vshrl.u32 v21, $0x1;
	[tilespmem:$0x270] =	vst v25  }
0x1c8: {  	v39 =	vld [tilespmem:$0xE0];
	v31 =	vshrl.u32 v24, $0x1;
	[tilespmem:$0x280] =	vst v28  }
0x1c9: {  	v42 =	vld [tilespmem:$0xF0];
	v34 =	vshrl.u32 v27, $0x1;
	[tilespmem:$0x290] =	vst v31  }
0x1ca: {  	v37 =	vshrl.u32 v30, $0x1;
	[tilespmem:$0x2A0] =	vst v34  }
0x1cb: {  	v40 =	vshrl.u32 v33, $0x1;
	[tilespmem:$0x2B0] =	vst v37  }
0x1cc: {  	v43 =	vshrl.u32 v36, $0x1;
	[tilespmem:$0x2C0] =	vst v40  }
0x1cd: {  	v45 =	vshrl.u32 v39, $0x1;
	[tilespmem:$0x2D0] =	vst v43  }
0x1ce: {  	v0 =	vshll.u32 v0, $0x6;
	v48 =	vshrl.u32 v42, $0x1;
	[tilespmem:$0x2E0] =	vst v45  }
0x1cf: {  	v1 =	vshll.u32 v1, $0x6;
	v0 =	vand.u32 $0x40, v0;
	[tilespmem:$0x2F0] =	vst v48  }
0x1d0: {  	v2 =	vshll.u32 v2, $0x6;
	v8 =	vand.u32 $0x40, v1;
	[tilespmem:$0x400] =	vst v0  }
0x1d1: {  	v46 =	vshll.u32 v39, $0x6;
	v11 =	vand.u32 $0x40, v2;
	[tilespmem:$0x410] =	vst v8  }
0x1d2: {  	v49 =	vshll.u32 v42, $0x6;
	v47 =	vand.u32 $0x40, v46;
	[tilespmem:$0x420] =	vst v11  }
0x1d3: {  	v3 =	vshll.u32 v6, $0x6;
	v59 =	vand.u32 $0x40, v49;
	[tilespmem:$0x4E0] =	vst v47  }
0x1d4: {  	v1 =	vshll.u32 v9, $0x6;
	v14 =	vand.u32 $0x40, v3;
	[tilespmem:$0x4F0] =	vst v59  }
0x1d5: {  	v2 =	vshll.u32 v12, $0x6;
	v17 =	vand.u32 $0x40, v1;
	[tilespmem:$0x430] =	vst v14  }
0x1d6: {  	v20 =	vand.u32 $0x40, v2;
	v3 =	vshll.u32 v15, $0x6;
	[tilespmem:$0x440] =	vst v17  }
0x1d7: {  	v1 =	vshll.u32 v18, $0x6;
	[tilespmem:$0x450] =	vst v20;
	v23 =	vand.u32 $0x40, v3  }
0x1d8: {  	v2 =	vshll.u32 v21, $0x6;
	v26 =	vand.u32 $0x40, v1;
	[tilespmem:$0x460] =	vst v23  }
0x1d9: {  	v29 =	vand.u32 $0x40, v2;
	v3 =	vshll.u32 v24, $0x6;
	[tilespmem:$0x470] =	vst v26  }
0x1da: {  	v1 =	vshll.u32 v27, $0x6;
	[tilespmem:$0x480] =	vst v29;
	v32 =	vand.u32 $0x40, v3  }
0x1db: {  	v2 =	vshll.u32 v30, $0x6;
	v35 =	vand.u32 $0x40, v1;
	[tilespmem:$0x490] =	vst v32  }
0x1dc: {  	v38 =	vand.u32 $0x40, v2;
	v3 =	vshll.u32 v33, $0x6;
	[tilespmem:$0x4A0] =	vst v35  }
0x1dd: {  	v1 =	vshll.u32 v36, $0x6;
	[tilespmem:$0x4B0] =	vst v38;
	v41 =	vand.u32 $0x40, v3  }
0x1de: {  	v44 =	vand.u32 $0x40, v1;
	[tilespmem:$0x4C0] =	vst v41  }
0x1df: {  	s11 =	simm.s32 $0x200;
	[tilespmem:$0x4D0] =	vst v44  }
0x1e0: {  	[tilespmem:s15], [sflag:$0x3] =	stream.indirect.gather [hbm4b:s2+s13], $0x80, s11, s13, $0xb8;
	[tilespmem:$0x18600] =	vst v63  }
0x1e1: {  	_ = 	snop  }
0x1e2: {  	[tilespmem:s17], [sflag:$0x3] =	stream.indirect.gather [hbm4b:s2+s13], $0x80, s16, s13, $0xb8;
	[tilespmem:$0x18600] =	vst v63  }
0x1e3: {  	s8 =	simm.s32 $0x0;
	s14 =	rddreg [dreg:$0x5]  }
0x1e4: {  	[tilespmem:s18], [sflag:$0x2] =	stream.linear.gather [hbm4b:s14+s5], $0x100, $0x38;
	[tilespmem:$0x18600] =	vst v63  }
.LBB2_2:
0x1e5: {  	_ =	swait.ge [sflag:s19], $0x100  }
0x1e6: {  	[sflag:s19] =	ssyncset.done $0x0  }
0x1e7: {  	[sflag:s19] =	ssyncadd.s32 $0xFFFFFF00  }
0x1e8: {  	v0 =	vld [tilespmem:$0x100]  }
0x1e9: {  	v1 =	vld [tilespmem:$0x110]  }
0x1ea: {  	v2 =	vld [tilespmem:$0x120]  }
0x1eb: {  	v6 =	vld [tilespmem:$0x130]  }
0x1ec: {  	v9 =	vld [tilespmem:$0x140]  }
0x1ed: {  	v12 =	vld [tilespmem:$0x150];
	v3 =	vshrl.u32 v0, $0x1  }
0x1ee: {  	v15 =	vld [tilespmem:$0x160];
	v7 =	vshrl.u32 v1, $0x1;
	[tilespmem:$0x300] =	vst v3  }
0x1ef: {  	v18 =	vld [tilespmem:$0x170];
	v10 =	vshrl.u32 v2, $0x1;
	[tilespmem:$0x310] =	vst v7  }
0x1f0: {  	v21 =	vld [tilespmem:$0x180];
	v13 =	vshrl.u32 v6, $0x1;
	[tilespmem:$0x320] =	vst v10  }
0x1f1: {  	v24 =	vld [tilespmem:$0x190];
	v16 =	vshrl.u32 v9, $0x1;
	[tilespmem:$0x330] =	vst v13  }
0x1f2: {  	v27 =	vld [tilespmem:$0x1A0];
	v19 =	vshrl.u32 v12, $0x1;
	[tilespmem:$0x340] =	vst v16  }
0x1f3: {  	v30 =	vld [tilespmem:$0x1B0];
	v22 =	vshrl.u32 v15, $0x1;
	[tilespmem:$0x350] =	vst v19  }
0x1f4: {  	v33 =	vld [tilespmem:$0x1C0];
	v25 =	vshrl.u32 v18, $0x1;
	[tilespmem:$0x360] =	vst v22  }
0x1f5: {  	v36 =	vld [tilespmem:$0x1D0];
	v28 =	vshrl.u32 v21, $0x1;
	[tilespmem:$0x370] =	vst v25  }
0x1f6: {  	v39 =	vld [tilespmem:$0x1E0];
	v31 =	vshrl.u32 v24, $0x1;
	[tilespmem:$0x380] =	vst v28  }
0x1f7: {  	v42 =	vld [tilespmem:$0x1F0];
	v34 =	vshrl.u32 v27, $0x1;
	[tilespmem:$0x390] =	vst v31  }
0x1f8: {  	v37 =	vshrl.u32 v30, $0x1;
	[tilespmem:$0x3A0] =	vst v34  }
0x1f9: {  	v40 =	vshrl.u32 v33, $0x1;
	[tilespmem:$0x3B0] =	vst v37  }
0x1fa: {  	v43 =	vshrl.u32 v36, $0x1;
	[tilespmem:$0x3C0] =	vst v40  }
0x1fb: {  	v45 =	vshrl.u32 v39, $0x1;
	[tilespmem:$0x3D0] =	vst v43  }
0x1fc: {  	v0 =	vshll.u32 v0, $0x6;
	v48 =	vshrl.u32 v42, $0x1;
	[tilespmem:$0x3E0] =	vst v45  }
0x1fd: {  	v1 =	vshll.u32 v1, $0x6;
	v0 =	vand.u32 $0x40, v0;
	[tilespmem:$0x3F0] =	vst v48  }
0x1fe: {  	v2 =	vshll.u32 v2, $0x6;
	v8 =	vand.u32 $0x40, v1;
	[tilespmem:$0x500] =	vst v0  }
0x1ff: {  	v46 =	vshll.u32 v39, $0x6;
	v11 =	vand.u32 $0x40, v2;
	[tilespmem:$0x510] =	vst v8  }
0x200: {  	v49 =	vshll.u32 v42, $0x6;
	v47 =	vand.u32 $0x40, v46;
	[tilespmem:$0x520] =	vst v11  }
0x201: {  	v3 =	vshll.u32 v6, $0x6;
	v59 =	vand.u32 $0x40, v49;
	[tilespmem:$0x5E0] =	vst v47  }
0x202: {  	v1 =	vshll.u32 v9, $0x6;
	v14 =	vand.u32 $0x40, v3;
	[tilespmem:$0x5F0] =	vst v59  }
0x203: {  	v2 =	vshll.u32 v12, $0x6;
	v17 =	vand.u32 $0x40, v1;
	[tilespmem:$0x530] =	vst v14  }
0x204: {  	v20 =	vand.u32 $0x40, v2;
	v3 =	vshll.u32 v15, $0x6;
	[tilespmem:$0x540] =	vst v17  }
0x205: {  	v1 =	vshll.u32 v18, $0x6;
	[tilespmem:$0x550] =	vst v20;
	v23 =	vand.u32 $0x40, v3  }
0x206: {  	v2 =	vshll.u32 v21, $0x6;
	v26 =	vand.u32 $0x40, v1;
	[tilespmem:$0x560] =	vst v23  }
0x207: {  	v29 =	vand.u32 $0x40, v2;
	v3 =	vshll.u32 v24, $0x6;
	[tilespmem:$0x570] =	vst v26  }
0x208: {  	v1 =	vshll.u32 v27, $0x6;
	[tilespmem:$0x580] =	vst v29;
	v32 =	vand.u32 $0x40, v3  }
0x209: {  	v2 =	vshll.u32 v30, $0x6;
	v35 =	vand.u32 $0x40, v1;
	[tilespmem:$0x590] =	vst v32  }
0x20a: {  	v38 =	vand.u32 $0x40, v2;
	v3 =	vshll.u32 v33, $0x6;
	[tilespmem:$0x5A0] =	vst v35  }
0x20b: {  	v1 =	vshll.u32 v36, $0x6;
	[tilespmem:$0x5B0] =	vst v38;
	v41 =	vand.u32 $0x40, v3  }
0x20c: {  	p0 =	seq.s32 s8, $0x19;
	v44 =	vand.u32 $0x40, v1;
	[tilespmem:$0x5C0] =	vst v41  }
0x20d: {  	p1 =	seq.s32 @!p0 s8, $0x0;
	[tilespmem:$0x5D0] =	vst v44  }
0x20e: {  	[tilespmem:s21], [sflag:$0x4] =	stream.indirect.gather [hbm4b:s2+s13], $0x80, s20, s13, $0xb8;
	[tilespmem:$0x18600] =	vst v63  }
0x20f: {  	s7 =	sshll.u32 s8, $0x1;
	p1 =	por p0, !p1  }
0x210: {  	[tilespmem:s23], [sflag:$0x4] =	stream.indirect.gather [hbm4b:s2+s13], $0x80, s22, s13, $0xb8;
	[tilespmem:$0x18600] =	vst v63  }
.Ltmp0:
0x211: {  	s1 =	sadd.s32 @!p0 s7, s9;
	(pc) =	sbr.rel @!p1 .LBB2_3-.Ltmp0, $4  }
0x212: {  	s1 =	sshll.u32 @!p0 s1, $0x5;
	_ =	swait.ge [sflag:s24], $0x8000  }
0x213: {  	s1 =	sand.u32 @!p0 $0xFFFFFC0, s1;
	[sflag:s24] =	ssyncset.done $0x0  }
0x214: {  	s11 =	simm.s32 @!p0 $0x0;
	s1 =	sadd.s32 @!p0 s0, s1;
	[sflag:s24] =	ssyncadd.s32 $0xFFFF8000  }
0x215: {  	[tilespmem:s11], [sflag:$0x1] =	stream.linear.gather @!p0 [hbm4b:s1+s11], $0x100, $0x38;
	[tilespmem:$0x18600] =	vst v63  }
.Ltmp1:
0x216: {  	(pc) =	sbr.rel .LBB2_5-.Ltmp1, $4  }
0x217: {  	_ = 	snop  }
0x218: {  	_ =	swait.ge [sflag:s3], $0x4000  }
0x219: {  	[sflag:s3] =	ssyncset.done $0x0  }
0x21a: {  	p0 =	por $0x0, $0x0;
	[sflag:s3] =	ssyncadd.s32 $0xFFFFC000  }
.LBB2_3:
0x21b: {  	p0 =	por @!p0 $0x1, $0x1  }
.LBB2_5:
0x21c: {  	s11 =	sshllo.u32 s8, $0x1;
	s1 =	simm.s32 $0x0;
	s14 =	simm.s32 $0x400  }
.LBB2_6:
0x21d: {  	v49 =	vld [tilespmem:s14+$0x0];
	_ =	sdelay $0x1  }
0x21e: {  	v0 =	vmov s1;
	v2 =	vlaneseq.u32  }
0x21f: {  	v1 =	vor.u32 s1, v2;
	v0 =	vshll.u32 v0, $0x3  }
0x220: {  	v48 =	vshll.u32 v1, $0x7;
	v1 =	vand.u32 $0x7F, v1;
	v0 =	vand.u32 $0x400, v0  }
0x221: {  	v2 =	vadd.s32 v2, v49;
	v4 =	vadd.s32 v50, v49;
	v6 =	vadd.s32 v51, v49  }
0x222: {  	v43 =	vadd.s32 v52, v49;
	v7 =	vadd.s32 v53, v49;
	v9 =	vadd.s32 v54, v49  }
0x223: {  	v50 =	vadd.s32 v55, v49;
	v10 =	vadd.s32 v56, v49;
	v12 =	vadd.s32 v57, v49  }
0x224: {  	v18 =	vld [tilespmem:$0x1F810];
	v15 =	vadd.s32 v60, v49;
	v16 =	vadd.s32 v62, v49;
	v3 =	vand.u32 $0xFFFFFF80, v2  }
0x225: {  	v39 =	vld [tilespmem:$0x1F850];
	v2 =	vand.u32 $0x7F, v2;
	v5 =	vand.u32 $0xFFFFFF80, v4;
	v4 =	vand.u32 $0x7F, v4  }
0x226: {  	v60 =	vld [tilespmem:$0x1F830];
	v41 =	vand.u32 $0xFFFFFF80, v6;
	v42 =	vand.u32 $0x7F, v6;
	v44 =	vand.u32 $0xFFFFFF80, v43  }
0x227: {  	v62 =	vld [tilespmem:$0x1F840];
	v6 =	vand.u32 $0x7F, v43;
	v8 =	vand.u32 $0xFFFFFF80, v7;
	v7 =	vand.u32 $0x7F, v7  }
0x228: {  	v53 =	vand.u32 $0xFFFFFF80, v12;
	v54 =	vand.u32 $0x7F, v12;
	v12 =	vadd.s32 v58, v49;
	v58 =	vld [tilespmem:$0x1F820]  }
0x229: {  	v46 =	vand.u32 $0xFFFFFF80, v9;
	v47 =	vand.u32 $0x7F, v9;
	v51 =	vand.u32 $0xFFFFFF80, v50;
	v43 =	vld [tilespmem:$0x1F890]  }
0x22a: {  	v9 =	vand.u32 $0x7F, v50;
	v50 =	vor.u32 v0, v1;
	v1 =	vld [tilespmem:$0x1F930];
	v5 =	vadd.s32 v48, v5  }
0x22b: {  	v11 =	vand.u32 $0xFFFFFF80, v10;
	v40 =	vor.u32 v4, v5;
	v4 =	vadd.s32 v48, v41;
	v41 =	vld [tilespmem:$0x1F870]  }
0x22c: {  	v10 =	vand.u32 $0x7F, v10;
	v8 =	vadd.s32 v48, v8;
	v5 =	vadd.s32 v48, v44;
	v44 =	vld [tilespmem:$0x1F8A0]  }
0x22d: {  	v3 =	vadd.s32 v48, v3;
	v45 =	vor.u32 v7, v8;
	v7 =	vadd.s32 v48, v46;
	v46 =	vld [tilespmem:$0x1F8C0]  }
0x22e: {  	v11 =	vadd.s32 v48, v11;
	v55 =	vand.u32 $0xFFFFFF80, v12;
	v8 =	vadd.s32 v48, v51;
	v51 =	vld [tilespmem:$0x1F8E0]  }
0x22f: {  	v2 =	vor.u32 v2, v3;
	v52 =	vor.u32 v10, v11;
	v10 =	vadd.s32 v48, v53;
	v53 =	vld [tilespmem:$0x1F900]  }
0x230: {  	v11 =	vadd.s32 v48, v55;
	v55 =	vld [tilespmem:$0x1F920]  }
0x231: {  	v4 =	vor.u32 v42, v4;
	v42 =	vld [tilespmem:$0x1F880]  }
0x232: {  	v7 =	vor.u32 v47, v7;
	v47 =	vld [tilespmem:$0x1F8D0]  }
0x233: {  	v10 =	vor.u32 v54, v10;
	v54 =	vld [tilespmem:$0x1F910]  }
0x234: {  	v2 =	vld.idx.msk [tilespmem:v2+s15+$0x0], $0xffff  }
0x235: {  	v3 =	vld.idx.msk [tilespmem:v40+s15+$0x0], $0xffff  }
0x236: {  	v5 =	vor.u32 v6, v5;
	v6 =	vld.idx.msk [tilespmem:v45+s15+$0x0], $0xffff  }
0x237: {  	v8 =	vor.u32 v9, v8;
	v9 =	vld.idx.msk [tilespmem:v52+s15+$0x0], $0xffff  }
0x238: {  	v40 =	vld [tilespmem:$0x1F860]  }
0x239: {  	v45 =	vld [tilespmem:$0x1F8B0]  }
0x23a: {  	v52 =	vld [tilespmem:$0x1F8F0]  }
0x23b: {  	v25 =	vor.u32 v44, v50;
	v44 =	vld [tilespmem:$0x1F940]  }
0x23c: {  	v13 =	vadd.s32 v63, v49;
	v27 =	vor.u32 v46, v50;
	v46 =	vld [tilespmem:$0x1F960]  }
0x23d: {  	v14 =	vand.u32 $0xFFFFFF80, v13;
	v13 =	vand.u32 $0x7F, v13;
	v33 =	vor.u32 v53, v50;
	v53 =	vld [tilespmem:$0x1F9C0]  }
0x23e: {  	v12 =	vand.u32 $0x7F, v12;
	v14 =	vadd.s32 v48, v14;
	v35 =	vor.u32 v55, v50;
	v55 =	vld [tilespmem:$0x1F9E0]  }
0x23f: {  	v11 =	vor.u32 v12, v11;
	v12 =	vor.u32 v13, v14;
	v13 =	vand.u32 $0xFFFFFF80, v15;
	v4 =	vld.idx.msk [tilespmem:v4+s15+$0x0], $0xffff  }
0x240: {  	v14 =	vand.u32 $0x7F, v15;
	v15 =	vadd.s32 v61, v49;
	v13 =	vadd.s32 v48, v13;
	v5 =	vld.idx.msk [tilespmem:v5+s15+$0x0], $0xffff  }
0x241: {  	v34 =	vlaneseq.u32;
	v13 =	vor.u32 v14, v13;
	v14 =	vand.u32 $0xFFFFFF80, v15;
	v7 =	vld.idx.msk [tilespmem:v7+s15+$0x0], $0xffff  }
0x242: {  	v17 =	vand.u32 $0xFFFFFF80, v16;
	v15 =	vand.u32 $0x7F, v15;
	v14 =	vadd.s32 v48, v14;
	v8 =	vld.idx.msk [tilespmem:v8+s15+$0x0], $0xffff  }
0x243: {  	v16 =	vand.u32 $0x7F, v16;
	v17 =	vadd.s32 v48, v17;
	v14 =	vor.u32 v15, v14;
	v10 =	vld.idx.msk [tilespmem:v10+s15+$0x0], $0xffff  }
0x244: {  	v36 =	vor.u32 $0x10, v34;
	v18 =	vadd.s32 v18, v49;
	v15 =	vor.u32 v16, v17;
	v11 =	vld.idx.msk [tilespmem:v11+s15+$0x0], $0xffff  }
0x245: {  	v56 =	vand.u32 $0xFFFFFF80, v18;
	v57 =	vand.u32 $0x7F, v18;
	v18 =	vadd.s32 v58, v49;
	v12 =	vld.idx.msk [tilespmem:v12+s15+$0x0], $0xffff  }
0x246: {  	v19 =	vand.u32 $0xFFFFFF80, v18;
	v16 =	vadd.s32 v48, v56;
	v34 =	vor.u32 v54, v50;
	v54 =	vld [tilespmem:$0x1F9D0]  }
0x247: {  	v18 =	vand.u32 $0x7F, v18;
	v19 =	vadd.s32 v48, v19;
	v16 =	vor.u32 v57, v16;
	v13 =	vld.idx.msk [tilespmem:v13+s15+$0x0], $0xffff  }
0x248: {  	v61 =	vor.u32 v60, v50;
	v59 =	vor.u32 v18, v19;
	v14 =	vld.idx.msk [tilespmem:v14+s15+$0x0], $0xffff  }
0x249: {  	v63 =	vor.u32 v62, v50;
	v15 =	vld.idx.msk [tilespmem:v15+s15+$0x0], $0xffff  }
0x24a: {  	v20 =	vor.u32 v39, v50;
	v26 =	vor.u32 v45, v50;
	v45 =	vld [tilespmem:$0x1F950]  }
0x24b: {  	v21 =	vor.u32 v40, v50;
	v30 =	vor.u32 v52, v50;
	v52 =	vld [tilespmem:$0x1F9B0]  }
0x24c: {  	[tilespmem:$0x1F6C0] =	vst v36;
	v22 =	vor.u32 v41, v50;
	v16 =	vld.idx.msk [tilespmem:v16+s15+$0x0], $0xffff  }
0x24d: {  	v23 =	vor.u32 v42, v50;
	v17 =	vld.idx.msk [tilespmem:v59+s15+$0x0], $0xffff;
	[tilespmem:v61+s25+$0x0] =	vst.idx.msk $0xffff, v2  }
0x24e: {  	v24 =	vor.u32 v43, v50;
	v29 =	vor.u32 v51, v50;
	v51 =	vld [tilespmem:$0x1F9A0];
	[tilespmem:v63+s25+$0x0] =	vst.idx.msk $0xffff, v3  }
0x24f: {  	v28 =	vor.u32 v47, v50;
	v47 =	vld [tilespmem:$0x1F990];
	v31 =	vsel vm0, v44, v1;
	[tilespmem:v20+s25+$0x0] =	vst.idx.msk $0xffff, v4  }
0x250: {  	v0 =	vld [tilespmem:$0x1F970];
	v40 =	vsel vm0, v55, v54;
	v32 =	vsel vm0, v46, v45;
	[tilespmem:v21+s25+$0x0] =	vst.idx.msk $0xffff, v5  }
0x251: {  	v2 =	vld [tilespmem:$0x1F980];
	v39 =	vsel vm0, v53, v52;
	v37 =	vcombine.low v32, v31;
	[tilespmem:v22+s25+$0x0] =	vst.idx.msk $0xffff, v6  }
0x252: {  	v36 =	vadd.s32 v36, v49;
	v43 =	vcombine.low v40, v39;
	[tilespmem:v23+s25+$0x0] =	vst.idx.msk $0xffff, v7  }
0x253: {  	v56 =	vand.u32 $0xFFFFFF80, v36;
	v57 =	vand.u32 $0x7F, v36;
	v36 =	vsel vm0, v1, v46;
	[tilespmem:$0x1F6D0] =	vst v37  }
0x254: {  	v59 =	vadd.s32 v48, v56;
	v38 =	vsel vm0, v51, v47;
	v23 =	vsel vm0, v45, v44;
	[tilespmem:$0x1F6F0] =	vst v43  }
0x255: {  	v56 =	vld [tilespmem:$0x1FA00];
	v18 =	vor.u32 v57, v59;
	[tilespmem:v24+s25+$0x0] =	vst.idx.msk $0xffff, v8;
	v1 =	vcombine.low v36, v23  }
0x256: {  	v3 =	vld [tilespmem:$0x1F9F0];
	v58 =	vadd.s32 v37, v49;
	v37 =	vsel vm0, v2, v0;
	[tilespmem:v25+s25+$0x0] =	vst.idx.msk $0xffff, v9  }
0x257: {  	v57 =	vld [tilespmem:$0x1FA10];
	v44 =	vsel vm0, v52, v55;
	v43 =	vadd.s32 v43, v49;
	v41 =	vcombine.low v38, v37;
	[tilespmem:$0x1F710] =	vst v1  }
0x258: {  	v24 =	vsel vm0, v47, v2;
	v60 =	vand.u32 $0xFFFFFF80, v58;
	v61 =	vand.u32 $0x7F, v58;
	v58 =	vld [tilespmem:$0x1FCB0];
	[tilespmem:v26+s25+$0x0] =	vst.idx.msk $0xffff, v10  }
0x259: {  	v2 =	vld [tilespmem:$0x1FCD0];
	v25 =	vsel vm0, v54, v53;
	v62 =	vadd.s32 v48, v60;
	v46 =	vadd.s32 v1, v49;
	[tilespmem:$0x1F6E0] =	vst v41  }
0x25a: {  	v8 =	vld [tilespmem:$0x1FD40];
	v19 =	vor.u32 v61, v62;
	v63 =	vadd.s32 v41, v49;
	[tilespmem:v27+s25+$0x0] =	vst.idx.msk $0xffff, v11  }
0x25b: {  	v9 =	vld [tilespmem:$0x1FD50];
	v41 =	vsel vm0, v56, v3;
	v61 =	vand.u32 $0xFFFFFF80, v43;
	v20 =	vand.u32 $0xFFFFFF80, v63;
	[tilespmem:v28+s25+$0x0] =	vst.idx.msk $0xffff, v12  }
0x25c: {  	v1 =	vld [tilespmem:$0x1FCC0];
	v21 =	vand.u32 $0x7F, v63;
	v22 =	vadd.s32 v48, v61;
	v20 =	vadd.s32 v48, v20;
	[tilespmem:v29+s25+$0x0] =	vst.idx.msk $0xffff, v13  }
0x25d: {  	v10 =	vld [tilespmem:$0x1FD60];
	v62 =	vand.u32 $0x7F, v43;
	v42 =	vsel vm0, v58, v57;
	v20 =	vor.u32 v21, v20;
	[tilespmem:v30+s25+$0x0] =	vst.idx.msk $0xffff, v14  }
0x25e: {  	v11 =	vld [tilespmem:$0x1FD70];
	v21 =	vor.u32 v62, v22;
	v60 =	vcombine.low v42, v41;
	[tilespmem:v33+s25+$0x0] =	vst.idx.msk $0xffff, v15  }
0x25f: {  	v62 =	vsel vm0, v57, v56;
	v26 =	vsel vm0, v3, v58;
	v3 =	vld [tilespmem:$0x1FCE0];
	[tilespmem:v34+s25+$0x0] =	vst.idx.msk $0xffff, v16  }
0x260: {  	v56 =	vcombine.low v25, v44;
	v4 =	vcombine.low v26, v62;
	v62 =	vld [tilespmem:$0x1FA30];
	[tilespmem:$0x1F700] =	vst v60  }
0x261: {  	v63 =	vadd.s32 v60, v49;
	v60 =	vcombine.low v44, v25;
	[tilespmem:v35+s25+$0x0] =	vst.idx.msk $0xffff, v17;
	v44 =	vld [tilespmem:$0x1FA70]  }
0x262: {  	v17 =	vld.idx.msk [tilespmem:v18+s15+$0x0], $0xffff  }
0x263: {  	v47 =	vand.u32 $0xFFFFFF80, v46;
	v43 =	vand.u32 $0xFFFFFF80, v63;
	v19 =	vld.idx.msk [tilespmem:v19+s15+$0x0], $0xffff  }
0x264: {  	v45 =	vand.u32 $0x7F, v63;
	v7 =	vadd.s32 v48, v43;
	v43 =	vsel vm0, v0, v51;
	v20 =	vld.idx.msk [tilespmem:v20+s15+$0x0], $0xffff  }
0x265: {  	v51 =	vand.u32 $0x7F, v46;
	v27 =	vadd.s32 v60, v49;
	v21 =	vld.idx.msk [tilespmem:v21+s15+$0x0], $0xffff;
	v22 =	vor.u32 v45, v7  }
0x266: {  	v0 =	vcombine.low v43, v24;
	v7 =	vadd.s32 v48, v47;
	v55 =	vcombine.low v24, v43;
	v43 =	vld [tilespmem:$0x1FA60]  }
0x267: {  	[tilespmem:$0x1F740] =	vst v4;
	v6 =	vand.u32 $0xFFFFFF80, v27;
	v12 =	vand.u32 $0x7F, v27;
	v27 =	vadd.s32 v4, v49;
	v4 =	vld [tilespmem:$0x1FCF0]  }
0x268: {  	v53 =	vcombine.low v23, v36;
	v45 =	vor.u32 v51, v7;
	v51 =	vcombine.low v41, v42;
	v41 =	vld [tilespmem:$0x1FA40]  }
0x269: {  	v42 =	vld [tilespmem:$0x1FA50]  }
0x26a: {  	v37 =	vcombine.low v37, v38;
	[tilespmem:$0x1F790] =	vst v53;
	v7 =	vcombine.low v31, v32;
	v31 =	vadd.s32 v53, v49;
	v53 =	vld [tilespmem:$0x1FAD0]  }
0x26b: {  	v46 =	vcombine.low v39, v40;
	v26 =	vadd.s32 v48, v6;
	v32 =	vand.u32 $0xFFFFFF80, v27;
	v6 =	vld [tilespmem:$0x1FD20]  }
0x26c: {  	[tilespmem:$0x1F720] =	vst v0;
	v59 =	vadd.s32 v0, v49;
	v26 =	vor.u32 v12, v26;
	v12 =	vand.u32 $0x7F, v27;
	v0 =	vld [tilespmem:$0x1FD00]  }
0x26d: {  	v14 =	vadd.s32 v48, v32;
	v27 =	vadd.s32 v37, v49;
	[tilespmem:$0x1F780] =	vst v51;
	v30 =	vadd.s32 v51, v49;
	v51 =	vld [tilespmem:$0x1FAB0]  }
0x26e: {  	v54 =	vand.u32 $0xFFFFFF80, v31;
	v61 =	vand.u32 $0xFFFFFF80, v59;
	[tilespmem:$0x1F750] =	vst v7;
	v13 =	vadd.s32 v7, v49;
	v7 =	vld [tilespmem:$0x1FD30]  }
0x26f: {  	[tilespmem:$0x1F760] =	vst v37;
	v37 =	vor.u32 v44, v50;
	v47 =	vor.u32 v12, v14;
	v5 =	vadd.s32 v48, v61;
	v61 =	vld [tilespmem:$0x1FA20]  }
0x270: {  	v63 =	vand.u32 $0x7F, v59;
	v14 =	vand.u32 $0x7F, v27;
	v38 =	vand.u32 $0xFFFFFF80, v13;
	v22 =	vld.idx.msk [tilespmem:v22+s15+$0x0], $0xffff  }
0x271: {  	v13 =	vand.u32 $0x7F, v13;
	v28 =	vor.u32 v63, v5;
	v15 =	vadd.s32 v48, v38;
	v5 =	vld [tilespmem:$0x1FD10]  }
0x272: {  	v29 =	vor.u32 v13, v15;
	v13 =	vand.u32 $0xFFFFFF80, v27;
	v15 =	vadd.s32 v46, v49;
	v24 =	vld.idx.msk [tilespmem:v45+s15+$0x0], $0xffff  }
0x273: {  	v63 =	vor.u32 v62, v50;
	v45 =	vld [tilespmem:$0x1FA80];
	v52 =	vadd.s32 v48, v13;
	v13 =	vand.u32 $0xFFFFFF80, v15  }
0x274: {  	v35 =	vor.u32 v42, v50;
	v15 =	vand.u32 $0x7F, v15;
	v27 =	vadd.s32 v48, v13;
	v34 =	vld.idx.msk [tilespmem:v47+s15+$0x0], $0xffff  }
0x275: {  	v13 =	vlaneseq.u32;
	v18 =	vor.u32 v14, v52;
	v14 =	vand.u32 $0xFFFFFF80, v30;
	v47 =	vld [tilespmem:$0x1FAA0]  }
0x276: {  	v52 =	vld [tilespmem:$0x1FAC0];
	v23 =	vor.u32 v15, v27;
	v27 =	vand.u32 $0x7F, v30;
	v30 =	vadd.s32 v48, v14  }
0x277: {  	[tilespmem:$0x1F770] =	vst v46;
	v46 =	vld [tilespmem:$0x1FA90];
	v25 =	vor.u32 v27, v30;
	v27 =	vand.u32 $0x7F, v31;
	v30 =	vadd.s32 v48, v54  }
0x278: {  	v26 =	vld.idx.msk [tilespmem:v26+s15+$0x0], $0xffff;
	v31 =	vadd.s32 v56, v49;
	v27 =	vor.u32 v27, v30;
	v30 =	vadd.s32 v55, v49  }
0x279: {  	[tilespmem:$0x1F7B0] =	vst v56;
	v28 =	vld.idx.msk [tilespmem:v28+s15+$0x0], $0xffff;
	v58 =	vand.u32 $0xFFFFFF80, v31;
	v31 =	vand.u32 $0x7F, v31;
	v57 =	vand.u32 $0xFFFFFF80, v30  }
0x27a: {  	[tilespmem:$0x1F730] =	vst v60;
	v56 =	vld [tilespmem:$0x1FB00];
	v30 =	vand.u32 $0x7F, v30;
	v60 =	vadd.s32 v48, v58;
	v59 =	vadd.s32 v48, v57  }
0x27b: {  	[tilespmem:$0x1F7A0] =	vst v55;
	v54 =	vld [tilespmem:$0x1FAE0];
	v40 =	vor.u32 v47, v50;
	v42 =	vor.u32 v52, v50;
	v57 =	vor.u32 $0x20, v13  }
0x27c: {  	v29 =	vld.idx.msk [tilespmem:v29+s15+$0x0], $0xffff;
	v52 =	vsel vm0, v2, v1;
	v16 =	vor.u32 v30, v59;
	v30 =	vor.u32 v31, v60  }
0x27d: {  	v31 =	vor.u32 v61, v50;
	v36 =	vld.idx.msk [tilespmem:v23+s15+$0x0], $0xffff;
	v23 =	vor.u32 v43, v50;
	v43 =	vor.u32 v53, v50  }
0x27e: {  	v55 =	vld [tilespmem:$0x1FAF0];
	[tilespmem:$0x1F7C0] =	vst v57;
	v58 =	vadd.s32 v57, v49;
	v53 =	vsel vm0, v4, v3;
	v57 =	vsel vm0, v11, v10  }
0x27f: {  	v32 =	vld.idx.msk [tilespmem:v18+s15+$0x0], $0xffff;
	v47 =	vor.u32 v56, v50;
	v61 =	vcombine.low v53, v52;
	v56 =	vsel vm0, v9, v8  }
0x280: {  	v33 =	vor.u32 v41, v50;
	v41 =	vor.u32 v51, v50;
	v25 =	vld.idx.msk [tilespmem:v25+s15+$0x0], $0xffff;
	v12 =	vcombine.low v57, v56  }
0x281: {  	v51 =	vsel vm0, v5, v0;
	v38 =	vor.u32 v45, v50;
	v27 =	vld.idx.msk [tilespmem:v27+s15+$0x0], $0xffff;
	[tilespmem:$0x1F7D0] =	vst v61  }
0x282: {  	v39 =	vor.u32 v46, v50;
	v44 =	vor.u32 v54, v50;
	v60 =	vand.u32 $0xFFFFFF80, v58;
	[tilespmem:$0x1F7F0] =	vst v12;
	v45 =	vld.idx.msk [tilespmem:v16+s15+$0x0], $0xffff  }
0x283: {  	v46 =	vor.u32 v55, v50;
	v55 =	vsel vm0, v7, v6;
	v30 =	vld.idx.msk [tilespmem:v30+s15+$0x0], $0xffff;
	[tilespmem:v31+s25+$0x0] =	vst.idx.msk $0xffff, v17  }
0x284: {  	v54 =	vadd.s32 v48, v60;
	v60 =	vcombine.low v55, v51;
	[tilespmem:v63+s25+$0x0] =	vst.idx.msk $0xffff, v19  }
0x285: {  	v18 =	vld [tilespmem:$0x1FDB0];
	v62 =	vand.u32 $0x7F, v58;
	v63 =	vadd.s32 v61, v49;
	[tilespmem:v33+s25+$0x0] =	vst.idx.msk $0xffff, v20  }
0x286: {  	v59 =	vld [tilespmem:$0x1FB10];
	v33 =	vor.u32 v62, v54;
	v61 =	vand.u32 $0xFFFFFF80, v63;
	v62 =	vadd.s32 v60, v49;
	[tilespmem:v35+s25+$0x0] =	vst.idx.msk $0xffff, v21  }
0x287: {  	v20 =	vand.u32 $0x7F, v63;
	v21 =	vadd.s32 v48, v61;
	[tilespmem:v23+s25+$0x0] =	vst.idx.msk $0xffff, v22;
	v22 =	vadd.s32 v12, v49;
	v12 =	vld [tilespmem:$0x1FD80]  }
0x288: {  	v63 =	vand.u32 $0xFFFFFF80, v62;
	v58 =	vor.u32 v20, v21;
	v20 =	vand.u32 $0x7F, v62;
	v62 =	vld [tilespmem:$0x1FD90]  }
0x289: {  	v21 =	vadd.s32 v48, v63;
	v63 =	vld [tilespmem:$0x1FDA0]  }
0x28a: {  	v5 =	vsel vm0, v6, v5;
	v3 =	vsel vm0, v3, v2  }
0x28b: {  	v10 =	vsel vm0, v10, v9;
	v11 =	vsel vm0, v8, v11;
	v9 =	vld [tilespmem:$0x1FB30];
	v6 =	vsel vm0, v0, v7  }
0x28c: {  	v31 =	vor.u32 v59, v50;
	[tilespmem:v37+s25+$0x0] =	vst.idx.msk $0xffff, v24;
	v37 =	vor.u32 v20, v21;
	v21 =	vand.u32 $0xFFFFFF80, v22  }
0x28d: {  	v59 =	vsel vm0, v1, v4;
	[tilespmem:v38+s25+$0x0] =	vst.idx.msk $0xffff, v28;
	v23 =	vadd.s32 v48, v21  }
0x28e: {  	[tilespmem:v39+s25+$0x0] =	vst.idx.msk $0xffff, v26;
	v35 =	vsel vm0, v62, v12;
	v54 =	vsel vm0, v18, v63  }
0x28f: {  	v22 =	vand.u32 $0x7F, v22;
	v21 =	vcombine.low v59, v3;
	[tilespmem:v40+s25+$0x0] =	vst.idx.msk $0xffff, v34;
	v14 =	vcombine.low v54, v35  }
0x290: {  	v4 =	vor.u32 v22, v23;
	v39 =	vor.u32 v9, v50;
	[tilespmem:v41+s25+$0x0] =	vst.idx.msk $0xffff, v29  }
0x291: {  	v29 =	vsel vm0, v12, v18;
	[tilespmem:v42+s25+$0x0] =	vst.idx.msk $0xffff, v32;
	v24 =	vadd.s32 v14, v49  }
0x292: {  	[tilespmem:v43+s25+$0x0] =	vst.idx.msk $0xffff, v36;
	v22 =	vand.u32 $0xFFFFFF80, v24;
	v23 =	vand.u32 $0x7F, v24;
	v24 =	vadd.s32 v21, v49  }
0x293: {  	[tilespmem:v44+s25+$0x0] =	vst.idx.msk $0xffff, v25;
	v26 =	vadd.s32 v48, v22;
	v28 =	vand.u32 $0xFFFFFF80, v24;
	v22 =	vcombine.low v6, v5  }
0x294: {  	[tilespmem:v46+s25+$0x0] =	vst.idx.msk $0xffff, v27;
	v7 =	vor.u32 v23, v26;
	v23 =	vand.u32 $0x7F, v24;
	v24 =	vadd.s32 v48, v28  }
0x295: {  	v15 =	vld [tilespmem:$0x1FE70];
	v26 =	vadd.s32 v22, v49;
	v16 =	vor.u32 v23, v24;
	v23 =	vcombine.low v11, v10  }
0x296: {  	v8 =	vld [tilespmem:$0x1FB20];
	[tilespmem:v47+s25+$0x0] =	vst.idx.msk $0xffff, v45;
	v28 =	vsel vm0, v63, v62;
	v24 =	vand.u32 $0xFFFFFF80, v26;
	v26 =	vand.u32 $0x7F, v26  }
0x297: {  	v9 =	vld [tilespmem:$0x1FE10];
	v17 =	vadd.s32 v48, v24;
	v18 =	vadd.s32 v23, v49;
	v24 =	vcombine.low v29, v28  }
0x298: {  	v12 =	vld [tilespmem:$0x1FE30];
	[tilespmem:v31+s25+$0x0] =	vst.idx.msk $0xffff, v30;
	v36 =	vor.u32 v26, v17;
	v25 =	vand.u32 $0xFFFFFF80, v18;
	v26 =	vand.u32 $0x7F, v18  }
0x299: {  	v44 =	vld.idx.msk [tilespmem:v33+s15+$0x0], $0xffff;
	v28 =	vadd.s32 v48, v25;
	v29 =	vadd.s32 v24, v49;
	v25 =	vcombine.low v52, v53  }
0x29a: {  	v37 =	vld.idx.msk [tilespmem:v37+s15+$0x0], $0xffff;
	v42 =	vor.u32 v26, v28;
	v26 =	vand.u32 $0xFFFFFF80, v29;
	v27 =	vand.u32 $0x7F, v29  }
0x29b: {  	v38 =	vld.idx.msk [tilespmem:v4+s15+$0x0], $0xffff;
	v28 =	vadd.s32 v48, v26;
	v29 =	vadd.s32 v25, v49;
	v26 =	vcombine.low v51, v55  }
0x29c: {  	v18 =	vld [tilespmem:$0x1FB60];
	v19 =	vor.u32 v27, v28;
	v27 =	vand.u32 $0xFFFFFF80, v29;
	v28 =	vand.u32 $0x7F, v29  }
0x29d: {  	v46 =	vld.idx.msk [tilespmem:v7+s15+$0x0], $0xffff;
	v29 =	vadd.s32 v48, v27;
	v55 =	vadd.s32 v26, v49;
	v27 =	vcombine.low v56, v57  }
0x29e: {  	v51 =	vld.idx.msk [tilespmem:v16+s15+$0x0], $0xffff;
	v56 =	vor.u32 v28, v29;
	v28 =	vand.u32 $0xFFFFFF80, v55  }
0x29f: {  	v16 =	vld [tilespmem:$0x1FB50];
	v29 =	vand.u32 $0x7F, v55;
	v30 =	vadd.s32 v48, v28;
	v31 =	vadd.s32 v27, v49  }
0x2a0: {  	v40 =	vld.idx.msk [tilespmem:v36+s15+$0x0], $0xffff;
	v28 =	vcombine.low v35, v54;
	v57 =	vor.u32 v29, v30;
	v29 =	vand.u32 $0xFFFFFF80, v31  }
0x2a1: {  	v35 =	vld.idx.msk [tilespmem:v58+s15+$0x0], $0xffff;
	v30 =	vand.u32 $0x7F, v31;
	v31 =	vadd.s32 v48, v29  }
0x2a2: {  	v42 =	vld.idx.msk [tilespmem:v42+s15+$0x0], $0xffff;
	v58 =	vadd.s32 v28, v49;
	v29 =	vcombine.low v3, v59;
	v59 =	vor.u32 v30, v31  }
0x2a3: {  	v43 =	vld.idx.msk [tilespmem:v19+s15+$0x0], $0xffff;
	v30 =	vand.u32 $0xFFFFFF80, v58  }
0x2a4: {  	v31 =	vand.u32 $0x7F, v58;
	v62 =	vadd.s32 v48, v30;
	v45 =	vld.idx.msk [tilespmem:v56+s15+$0x0], $0xffff  }
0x2a5: {  	v34 =	vor.u32 v31, v62;
	v31 =	vcombine.low v10, v11;
	v10 =	vld [tilespmem:$0x1FB40]  }
0x2a6: {  	v63 =	vadd.s32 v29, v49;
	v52 =	vld.idx.msk [tilespmem:v57+s15+$0x0], $0xffff  }
0x2a7: {  	v30 =	vcombine.low v5, v6;
	v0 =	vand.u32 $0xFFFFFF80, v63;
	v4 =	vadd.s32 v31, v49;
	v54 =	vld.idx.msk [tilespmem:v59+s15+$0x0], $0xffff  }
0x2a8: {  	v1 =	vand.u32 $0x7F, v63;
	v5 =	vand.u32 $0xFFFFFF80, v4;
	v6 =	vand.u32 $0x7F, v4;
	v4 =	vld [tilespmem:$0x1FDD0]  }
0x2a9: {  	v32 =	vadd.s32 v48, v0;
	v2 =	vadd.s32 v30, v49;
	v7 =	vadd.s32 v48, v5;
	v5 =	vld [tilespmem:$0x1FDC0]  }
0x2aa: {  	v36 =	vor.u32 v1, v32;
	v3 =	vand.u32 $0xFFFFFF80, v2;
	v56 =	vld.idx.msk [tilespmem:v34+s15+$0x0], $0xffff  }
0x2ab: {  	v41 =	vand.u32 $0x7F, v2;
	v32 =	vadd.s32 v48, v3;
	v47 =	vor.u32 v6, v7;
	v6 =	vld [tilespmem:$0x1FDE0]  }
0x2ac: {  	v41 =	vor.u32 v41, v32;
	v32 =	vor.u32 $0x30, v13;
	v7 =	vld [tilespmem:$0x1FDF0]  }
0x2ad: {  	v55 =	vor.u32 v10, v50;
	v11 =	vadd.s32 v32, v49;
	v10 =	vld [tilespmem:$0x1FE00]  }
0x2ae: {  	v53 =	vor.u32 v8, v50;
	v17 =	vand.u32 $0xFFFFFF80, v11;
	v34 =	vand.u32 $0x7F, v11;
	v11 =	vld [tilespmem:$0x1FE20]  }
0x2af: {  	v20 =	vld.idx.msk [tilespmem:v36+s15+$0x0], $0xffff  }
0x2b0: {  	[tilespmem:$0x1F7E0] =	vst v60;
	v60 =	vadd.s32 v48, v17;
	v17 =	vld [tilespmem:$0x1FB70]  }
0x2b1: {  	v36 =	vor.u32 v16, v50;
	v61 =	vld.idx.msk [tilespmem:v41+s15+$0x0], $0xffff  }
0x2b2: {  	v57 =	vsel vm0, v4, v5;
	v41 =	vor.u32 v18, v50;
	v18 =	vld [tilespmem:$0x1FE40];
	v58 =	vsel vm0, v7, v6  }
0x2b3: {  	v47 =	vld.idx.msk [tilespmem:v47+s15+$0x0], $0xffff;
	v63 =	vsel vm0, v9, v10;
	[tilespmem:v53+s25+$0x0] =	vst.idx.msk $0xffff, v44;
	v53 =	vor.u32 v34, v60  }
0x2b4: {  	v34 =	vld [tilespmem:$0x1FE50];
	v33 =	vcombine.low v58, v57;
	v0 =	vsel vm0, v12, v11;
	[tilespmem:v39+s25+$0x0] =	vst.idx.msk $0xffff, v35  }
0x2b5: {  	v35 =	vld [tilespmem:$0x1FE60];
	v59 =	vcombine.low v0, v63;
	[tilespmem:v55+s25+$0x0] =	vst.idx.msk $0xffff, v37  }
0x2b6: {  	v19 =	vadd.s32 v33, v49;
	[tilespmem:v36+s25+$0x0] =	vst.idx.msk $0xffff, v38;
	v38 =	vld [tilespmem:$0x1FBA0]  }
0x2b7: {  	v3 =	vand.u32 $0xFFFFFF80, v19;
	v39 =	vand.u32 $0x7F, v19;
	v8 =	vadd.s32 v59, v49  }
0x2b8: {  	v44 =	vadd.s32 v48, v3;
	v16 =	vand.u32 $0xFFFFFF80, v8;
	v1 =	vand.u32 $0x7F, v8;
	v8 =	vld [tilespmem:$0x1FB80]  }
0x2b9: {  	v55 =	vor.u32 v39, v44;
	v39 =	vor.u32 v17, v50;
	v17 =	vld [tilespmem:$0x1FB90]  }
0x2ba: {  	v60 =	vsel vm0, v34, v18;
	v62 =	vsel vm0, v15, v35  }
0x2bb: {  	v4 =	vsel vm0, v6, v4;
	v13 =	vcombine.low v62, v60;
	v6 =	vor.u32 v38, v50;
	v38 =	vld [tilespmem:$0x1FBB0];
	_ =	sdelay $0x1  }
0x2bc: {  	v19 =	vadd.s32 v13, v49;
	v2 =	vor.u32 v8, v50  }
0x2bd: {  	[tilespmem:v41+s25+$0x0] =	vst.idx.msk $0xffff, v46;
	v37 =	vadd.s32 v48, v16;
	v16 =	vand.u32 $0xFFFFFF80, v19;
	v41 =	vor.u32 v17, v50  }
0x2be: {  	v36 =	vadd.s32 v48, v16;
	v16 =	vld [tilespmem:$0x1FE90]  }
0x2bf: {  	v5 =	vsel vm0, v5, v7;
	v19 =	vand.u32 $0x7F, v19;
	v17 =	vld [tilespmem:$0x1FEA0];
	v7 =	vor.u32 v38, v50  }
0x2c0: {  	[tilespmem:v39+s25+$0x0] =	vst.idx.msk $0xffff, v51;
	v3 =	vor.u32 v19, v36;
	v36 =	vld [tilespmem:$0x1FE80]  }
0x2c1: {  	v19 =	vld [tilespmem:$0x1FEB0];
	[tilespmem:v2+s25+$0x0] =	vst.idx.msk $0xffff, v40  }
0x2c2: {  	[tilespmem:v41+s25+$0x0] =	vst.idx.msk $0xffff, v42  }
0x2c3: {  	[tilespmem:v6+s25+$0x0] =	vst.idx.msk $0xffff, v43  }
0x2c4: {  	[tilespmem:v7+s25+$0x0] =	vst.idx.msk $0xffff, v45;
	v45 =	vld [tilespmem:$0x1FBC0]  }
0x2c5: {  	v10 =	vsel vm0, v10, v12  }
0x2c6: {  	v9 =	vsel vm0, v11, v9;
	v44 =	vsel vm0, v16, v36;
	v46 =	vsel vm0, v19, v17  }
0x2c7: {  	v1 =	vor.u32 v1, v37;
	v38 =	vcombine.low v5, v4;
	v37 =	vcombine.low v46, v44  }
0x2c8: {  	[tilespmem:$0x1F800] =	vst v14;
	v12 =	vld [tilespmem:$0x1FBF0];
	v14 =	vcombine.low v10, v9  }
0x2c9: {  	v51 =	vadd.s32 v38, v49;
	v8 =	vadd.s32 v37, v49;
	v42 =	vor.u32 v45, v50;
	v45 =	vld [tilespmem:$0x1FBE0]  }
0x2ca: {  	v39 =	vand.u32 $0xFFFFFF80, v51;
	v11 =	vand.u32 $0xFFFFFF80, v8;
	v2 =	vand.u32 $0x7F, v8  }
0x2cb: {  	v8 =	vadd.s32 v48, v11;
	v11 =	vand.u32 $0x7F, v51;
	v51 =	vadd.s32 v14, v49  }
0x2cc: {  	v43 =	vand.u32 $0xFFFFFF80, v51  }
0x2cd: {  	v2 =	vor.u32 v2, v8;
	v7 =	vand.u32 $0x7F, v51;
	v51 =	vld [tilespmem:$0x1FBD0];
	v8 =	vadd.s32 v48, v43  }
0x2ce: {  	v7 =	vor.u32 v7, v8;
	v8 =	vor.u32 v45, v50;
	v45 =	vor.u32 v12, v50;
	v12 =	vld [tilespmem:$0x1FC00];
	_ =	sdelay $0x1  }
0x2cf: {  	v39 =	vadd.s32 v48, v39  }
0x2d0: {  	v36 =	vsel vm0, v36, v19;
	v6 =	vor.u32 v11, v39  }
0x2d1: {  	v43 =	vor.u32 v51, v50;
	v51 =	vsel vm0, v35, v34;
	v35 =	vsel vm0, v17, v16  }
0x2d2: {  	v11 =	vsel vm0, v18, v15;
	v40 =	vcombine.low v36, v35;
	v36 =	vor.u32 v12, v50;
	v12 =	vld [tilespmem:$0x1FC10]  }
0x2d3: {  	v39 =	vcombine.low v11, v51;
	_ =	sdelay $0x1  }
0x2d4: {  	v18 =	vadd.s32 v39, v49  }
0x2d5: {  	v41 =	vcombine.low v57, v58;
	[tilespmem:v42+s25+$0x0] =	vst.idx.msk $0xffff, v52;
	v34 =	vand.u32 $0xFFFFFF80, v18  }
0x2d6: {  	v35 =	vand.u32 $0x7F, v18;
	v42 =	vadd.s32 v48, v34;
	[tilespmem:v43+s25+$0x0] =	vst.idx.msk $0xffff, v54;
	v58 =	vor.u32 v12, v50  }
0x2d7: {  	v57 =	vld [tilespmem:$0x1FF30];
	v52 =	vor.u32 v35, v42;
	v42 =	vcombine.low v63, v0;
	v12 =	vadd.s32 v40, v49  }
0x2d8: {  	v19 =	vld [tilespmem:$0x1FFA0];
	[tilespmem:v8+s25+$0x0] =	vst.idx.msk $0xffff, v56;
	v18 =	vand.u32 $0xFFFFFF80, v12;
	v34 =	vand.u32 $0x7F, v12;
	v12 =	vadd.s32 v41, v49  }
0x2d9: {  	v15 =	vld [tilespmem:$0x1FF90];
	[tilespmem:v45+s25+$0x0] =	vst.idx.msk $0xffff, v20;
	v35 =	vand.u32 $0xFFFFFF80, v12  }
0x2da: {  	v17 =	vld [tilespmem:$0x1FF80];
	[tilespmem:v36+s25+$0x0] =	vst.idx.msk $0xffff, v61;
	v36 =	vadd.s32 v42, v49;
	v12 =	vand.u32 $0x7F, v12;
	v8 =	vadd.s32 v48, v35  }
0x2db: {  	v16 =	vld [tilespmem:$0x1FF70];
	v8 =	vor.u32 v12, v8;
	v12 =	vand.u32 $0xFFFFFF80, v36;
	[tilespmem:v58+s25+$0x0] =	vst.idx.msk $0xffff, v47  }
0x2dc: {  	v45 =	vand.u32 $0x7F, v36;
	v12 =	vadd.s32 v48, v12;
	v53 =	vld.idx.msk [tilespmem:v53+s15+$0x0], $0xffff  }
0x2dd: {  	v12 =	vor.u32 v45, v12;
	v45 =	vcombine.low v4, v5;
	v4 =	vld.idx.msk [tilespmem:v55+s15+$0x0], $0xffff  }
0x2de: {  	v0 =	vadd.s32 v48, v18;
	v1 =	vld.idx.msk [tilespmem:v1+s15+$0x0], $0xffff  }
0x2df: {  	v43 =	vcombine.low v60, v62;
	v0 =	vor.u32 v34, v0;
	v3 =	vld.idx.msk [tilespmem:v3+s15+$0x0], $0xffff  }
0x2e0: {  	v44 =	vcombine.low v44, v46;
	v2 =	vld.idx.msk [tilespmem:v2+s15+$0x0], $0xffff  }
0x2e1: {  	v54 =	vadd.s32 v43, v49;
	v6 =	vld.idx.msk [tilespmem:v6+s15+$0x0], $0xffff  }
0x2e2: {  	v56 =	vand.u32 $0xFFFFFF80, v54;
	v18 =	vadd.s32 v44, v49;
	v7 =	vld.idx.msk [tilespmem:v7+s15+$0x0], $0xffff  }
0x2e3: {  	v46 =	vand.u32 $0x7F, v54;
	v34 =	vand.u32 $0xFFFFFF80, v18;
	v47 =	vcombine.low v51, v11;
	v11 =	vld.idx.msk [tilespmem:v52+s15+$0x0], $0xffff  }
0x2e4: {  	v35 =	vand.u32 $0x7F, v18;
	v5 =	vadd.s32 v48, v56;
	v36 =	vadd.s32 v45, v49;
	v0 =	vld.idx.msk [tilespmem:v0+s15+$0x0], $0xffff  }
0x2e5: {  	v5 =	vor.u32 v46, v5;
	v46 =	vcombine.low v9, v10;
	v56 =	vand.u32 $0xFFFFFF80, v36;
	v8 =	vld.idx.msk [tilespmem:v8+s15+$0x0], $0xffff  }
0x2e6: {  	v9 =	vadd.s32 v48, v34;
	v18 =	vand.u32 $0x7F, v36;
	v10 =	vadd.s32 v48, v56;
	v56 =	vld [tilespmem:$0x1FC20]  }
0x2e7: {  	v9 =	vor.u32 v35, v9;
	v34 =	vadd.s32 v46, v49;
	v10 =	vor.u32 v18, v10;
	v18 =	vld [tilespmem:$0x1FC30]  }
0x2e8: {  	v49 =	vadd.s32 v47, v49;
	v35 =	vand.u32 $0xFFFFFF80, v34;
	v51 =	vand.u32 $0x7F, v34;
	v34 =	vld [tilespmem:$0x1FC40]  }
0x2e9: {  	v36 =	vand.u32 $0xFFFFFF80, v49;
	v52 =	vadd.s32 v48, v35;
	v35 =	vld [tilespmem:$0x1FC50]  }
0x2ea: {  	v49 =	vand.u32 $0x7F, v49;
	v48 =	vadd.s32 v48, v36;
	v36 =	vld [tilespmem:$0x1FC60];
	v51 =	vor.u32 v51, v52  }
0x2eb: {  	v12 =	vld.idx.msk [tilespmem:v12+s15+$0x0], $0xffff;
	v48 =	vor.u32 v49, v48;
	v49 =	vor.u32 v56, v50  }
0x2ec: {  	v5 =	vld.idx.msk [tilespmem:v5+s15+$0x0], $0xffff;
	v52 =	vor.u32 v18, v50  }
0x2ed: {  	v9 =	vld.idx.msk [tilespmem:v9+s15+$0x0], $0xffff;
	v54 =	vor.u32 v34, v50  }
0x2ee: {  	v10 =	vld.idx.msk [tilespmem:v10+s15+$0x0], $0xffff;
	v55 =	vor.u32 v35, v50  }
0x2ef: {  	v56 =	vor.u32 v36, v50;
	v51 =	vld.idx.msk [tilespmem:v51+s15+$0x0], $0xffff  }
0x2f0: {  	v16 =	vor.u32 v16, v50;
	v48 =	vld.idx.msk [tilespmem:v48+s15+$0x0], $0xffff;
	[tilespmem:v49+s25+$0x0] =	vst.idx.msk $0xffff, v53  }
0x2f1: {  	v62 =	vld [tilespmem:$0x1FFF0];
	v17 =	vor.u32 v17, v50;
	[tilespmem:v52+s25+$0x0] =	vst.idx.msk $0xffff, v4  }
0x2f2: {  	v60 =	vld [tilespmem:$0x1FF60];
	v18 =	vor.u32 v15, v50;
	[tilespmem:v54+s25+$0x0] =	vst.idx.msk $0xffff, v1  }
0x2f3: {  	v35 =	vld [tilespmem:$0x1FC70];
	[tilespmem:v55+s25+$0x0] =	vst.idx.msk $0xffff, v3  }
0x2f4: {  	v36 =	vld [tilespmem:$0x1FFB0];
	[tilespmem:v56+s25+$0x0] =	vst.idx.msk $0xffff, v2  }
0x2f5: {  	[tilespmem:v16+s25+$0x0] =	vst.idx.msk $0xffff, v6;
	v16 =	vld [tilespmem:$0x1FC80]  }
0x2f6: {  	[tilespmem:v17+s25+$0x0] =	vst.idx.msk $0xffff, v7;
	v17 =	vld [tilespmem:$0x1FC90]  }
0x2f7: {  	v34 =	vor.u32 v19, v50;
	[tilespmem:v18+s25+$0x0] =	vst.idx.msk $0xffff, v11;
	v18 =	vld [tilespmem:$0x1FCA0]  }
0x2f8: {  	v19 =	vld [tilespmem:$0x1FFC0];
	v2 =	vor.u32 v35, v50  }
0x2f9: {  	v49 =	vor.u32 v36, v50;
	v35 =	vld [tilespmem:$0x1FFD0]  }
0x2fa: {  	v63 =	vld [tilespmem:$0x1FF50];
	v4 =	vor.u32 v16, v50  }
0x2fb: {  	v61 =	vld [tilespmem:$0x1FFE0];
	v1 =	vor.u32 v17, v50  }
0x2fc: {  	v58 =	vld [tilespmem:$0x1FF40];
	[tilespmem:v34+s25+$0x0] =	vst.idx.msk $0xffff, v0;
	v0 =	vor.u32 v18, v50  }
0x2fd: {  	v53 =	vld [tilespmem:$0x1FEF0];
	v34 =	vor.u32 v19, v50;
	[tilespmem:v2+s25+$0x0] =	vst.idx.msk $0xffff, v8  }
0x2fe: {  	p1 =	sne.s32 s1, $0xF0;
	v52 =	vld [tilespmem:$0x1FEE0];
	v36 =	vor.u32 v35, v50;
	[tilespmem:v49+s25+$0x0] =	vst.idx.msk $0xffff, v12  }
.Ltmp2:
0x2ff: {  	v54 =	vld [tilespmem:$0x1FF00];
	[tilespmem:v4+s25+$0x0] =	vst.idx.msk $0xffff, v5;
	(pc) =	sbr.rel @p1 .LBB2_6-.Ltmp2, $4  }
0x300: {  	v55 =	vld [tilespmem:$0x1FF10];
	[tilespmem:v1+s25+$0x0] =	vst.idx.msk $0xffff, v9  }
0x301: {  	v56 =	vld [tilespmem:$0x1FF20];
	[tilespmem:v0+s25+$0x0] =	vst.idx.msk $0xffff, v10  }
0x302: {  	v50 =	vld [tilespmem:$0x1FEC0];
	[tilespmem:v34+s25+$0x0] =	vst.idx.msk $0xffff, v51  }
0x303: {  	s14 =	sadd.s32 $0x10, s14;
	s1 =	sadd.s32 $0x10, s1;
	v51 =	vld [tilespmem:$0x1FED0];
	[tilespmem:v36+s25+$0x0] =	vst.idx.msk $0xffff, v48  }
0x304: {  	s1 =	sadd.s32 s6, s7;
	p1 =	sne.s32 s8, $0x19  }
.Ltmp3:
0x305: {  	s14 =	sshll.u32 s1, $0x8;
	(pc) =	sbr.rel @p1 .LBB2_9-.Ltmp3, $4  }
0x306: {  	s1 =	sshll.u32 s1, $0xB;
	s14 =	sand.u32 $0x3E00, s14  }
0x307: {  	s1 =	sand.u32 $0xFFE0000, s1;
	s14 =	sadd.s32 s4, s14  }
0x308: {  	[tilespmem:$0x1F6B0] =	vst v14;
	s1 =	sadd.s32 s1, s14  }
0x309: {  	[hbm4b:s1+s26] =	stream.strided.scatter [tilespmem:s25], [sflag:$0x5], $0x4000, s28, s26, $0x38;
	[tilespmem:$0x18600] =	vst v63  }
.Ltmp4:
0x30a: {  	(pc) =	sbr.rel .LBB2_10-.Ltmp4, $4  }
0x30b: {  	_ = 	snop  }
0x30c: {  	_ =	swait.ge [sflag:s29], $0x8000  }
0x30d: {  	[sflag:s29] =	ssyncset.done $0x0  }
0x30e: {  	v34 =	vmovc v59;
	v35 =	vmov v13;
	v36 =	vmov v37;
	v37 =	vmov v38;
	[sflag:s29] =	ssyncadd.s32 $0xFFFF8000  }
.LBB2_9:
0x30f: {  	_ =	swait.ge [sflag:s12], $0x100  }
0x310: {  	[sflag:s12] =	ssyncset.done $0x0  }
0x311: {  	[sflag:s12] =	ssyncadd.s32 $0xFFFFFF00  }
0x312: {  	v0 =	vld [tilespmem:$0x0]  }
0x313: {  	v1 =	vld [tilespmem:$0x10]  }
0x314: {  	v2 =	vld [tilespmem:$0x20]  }
0x315: {  	v16 =	vld [tilespmem:$0x30]  }
0x316: {  	v19 =	vld [tilespmem:$0x40]  }
0x317: {  	v36 =	vld [tilespmem:$0x50];
	v3 =	vshrl.u32 v0, $0x1  }
0x318: {  	v6 =	vld [tilespmem:$0x60];
	v17 =	vshrl.u32 v1, $0x1;
	[tilespmem:$0x200] =	vst v3  }
0x319: {  	v34 =	vshrl.u32 v2, $0x1;
	[tilespmem:$0x210] =	vst v17  }
0x31a: {  	v48 =	vshrl.u32 v16, $0x1;
	[tilespmem:$0x220] =	vst v34  }
0x31b: {  	v7 =	vshrl.u32 v19, $0x1;
	[tilespmem:$0x230] =	vst v48  }
0x31c: {  	v9 =	vld [tilespmem:$0x70];
	v10 =	vshrl.u32 v36, $0x1;
	[tilespmem:$0x240] =	vst v7  }
0x31d: {  	v12 =	vld [tilespmem:$0x80];
	v0 =	vshll.u32 v0, $0x6;
	v14 =	vshrl.u32 v6, $0x1;
	[tilespmem:$0x250] =	vst v10  }
0x31e: {  	v1 =	vshll.u32 v1, $0x6;
	v0 =	vand.u32 $0x40, v0;
	[tilespmem:$0x260] =	vst v14  }
0x31f: {  	v2 =	vshll.u32 v2, $0x6;
	v18 =	vand.u32 $0x40, v1;
	[tilespmem:$0x400] =	vst v0  }
0x320: {  	v35 =	vand.u32 $0x40, v2;
	[tilespmem:$0x410] =	vst v18  }
0x321: {  	v17 =	vshrl.u32 v9, $0x1;
	[tilespmem:$0x420] =	vst v35  }
0x322: {  	v3 =	vshll.u32 v16, $0x6;
	v34 =	vshrl.u32 v12, $0x1;
	[tilespmem:$0x270] =	vst v17  }
0x323: {  	v1 =	vshll.u32 v19, $0x6;
	v49 =	vand.u32 $0x40, v3;
	[tilespmem:$0x280] =	vst v34  }
0x324: {  	v2 =	vshll.u32 v36, $0x6;
	v16 =	vld [tilespmem:$0x90];
	v8 =	vand.u32 $0x40, v1;
	[tilespmem:$0x430] =	vst v49  }
0x325: {  	v19 =	vld [tilespmem:$0xA0];
	v11 =	vand.u32 $0x40, v2;
	v3 =	vshll.u32 v6, $0x6;
	[tilespmem:$0x440] =	vst v8  }
0x326: {  	v36 =	vld [tilespmem:$0xB0];
	v1 =	vshll.u32 v9, $0x6;
	[tilespmem:$0x450] =	vst v11;
	v15 =	vand.u32 $0x40, v3  }
0x327: {  	v2 =	vshll.u32 v12, $0x6;
	v18 =	vand.u32 $0x40, v1;
	[tilespmem:$0x460] =	vst v15  }
0x328: {  	v35 =	vand.u32 $0x40, v2;
	[tilespmem:$0x470] =	vst v18  }
0x329: {  	[tilespmem:$0x480] =	vst v35;
	v48 =	vshrl.u32 v16, $0x1  }
0x32a: {  	v6 =	vld [tilespmem:$0xC0];
	v7 =	vshrl.u32 v19, $0x1;
	[tilespmem:$0x290] =	vst v48  }
0x32b: {  	v9 =	vld [tilespmem:$0xD0];
	v3 =	vshll.u32 v16, $0x6;
	v10 =	vshrl.u32 v36, $0x1;
	[tilespmem:$0x2A0] =	vst v7  }
0x32c: {  	v12 =	vld [tilespmem:$0xE0];
	v1 =	vshll.u32 v19, $0x6;
	v49 =	vand.u32 $0x40, v3;
	[tilespmem:$0x2B0] =	vst v10  }
0x32d: {  	v2 =	vshll.u32 v36, $0x6;
	v8 =	vand.u32 $0x40, v1;
	[tilespmem:$0x490] =	vst v49  }
0x32e: {  	v11 =	vand.u32 $0x40, v2;
	[tilespmem:$0x4A0] =	vst v8  }
0x32f: {  	v14 =	vshrl.u32 v6, $0x1;
	[tilespmem:$0x4B0] =	vst v11  }
0x330: {  	v16 =	vld [tilespmem:$0xF0];
	v17 =	vshrl.u32 v9, $0x1;
	[tilespmem:$0x2C0] =	vst v14  }
0x331: {  	v3 =	vshll.u32 v6, $0x6;
	v19 =	vshrl.u32 v12, $0x1;
	[tilespmem:$0x2D0] =	vst v17  }
0x332: {  	v1 =	vshll.u32 v9, $0x6;
	v15 =	vand.u32 $0x40, v3;
	[tilespmem:$0x2E0] =	vst v19  }
0x333: {  	v34 =	vshll.u32 v12, $0x6;
	v18 =	vand.u32 $0x40, v1;
	[tilespmem:$0x4C0] =	vst v15  }
0x334: {  	v35 =	vand.u32 $0x40, v34;
	[tilespmem:$0x4D0] =	vst v18  }
0x335: {  	[tilespmem:$0x4E0] =	vst v35;
	v36 =	vshrl.u32 v16, $0x1;
	v48 =	vshll.u32 v16, $0x6  }
0x336: {  	[tilespmem:$0x2F0] =	vst v36;
	v49 =	vand.u32 $0x40, v48  }
0x337: {  	s1 =	simm.s32 $0x200;
	[tilespmem:$0x4F0] =	vst v49  }
0x338: {  	[tilespmem:s15], [sflag:$0x3] =	stream.indirect.gather [hbm4b:s2+s13], $0x80, s1, s13, $0xb8;
	[tilespmem:$0x18600] =	vst v63  }
0x339: {  	_ = 	snop  }
0x33a: {  	[tilespmem:s17], [sflag:$0x3] =	stream.indirect.gather [hbm4b:s2+s13], $0x80, s16, s13, $0xb8;
	[tilespmem:$0x18600] =	vst v63  }
.Ltmp5:
0x33b: {  	s14 =	sadd.s32 s7, s10;
	(pc) =	sbr.rel @p0 .LBB2_11-.Ltmp5, $4  }
0x33c: {  	s1 =	sshll.u32 s14, $0x5;
	_ =	swait.ge [sflag:s29], $0x8000  }
0x33d: {  	s1 =	sand.u32 $0xFFFFFE0, s1;
	[sflag:s29] =	ssyncset.done $0x0  }
0x33e: {  	s1 =	sadd.s32 s0, s1;
	[sflag:s29] =	ssyncadd.s32 $0xFFFF8000  }
0x33f: {  	v34 =	vmovc v59;
	v35 =	vmov v13;
	v36 =	vmov v37;
	v37 =	vmov v38;
	[tilespmem:s18], [sflag:$0x2] =	stream.linear.gather [hbm4b:s1+s5], $0x100, $0x38;
	[tilespmem:$0x18600] =	vst v63  }
.LBB2_10:
0x340: {  	_ =	swait.ge [sflag:s30], $0x4000  }
0x341: {  	[sflag:s30] =	ssyncset.done $0x0  }
0x342: {  	[sflag:s30] =	ssyncadd.s32 $0xFFFFC000  }
.LBB2_11:
0x343: {  	v0 =	vld [tilespmem:$0x1F820];
	_ =	sdelay $0x2  }
0x344: {  	v20 =	vmovc v21;
	v21 =	vmov v22;
	v22 =	vmov v23;
	v23 =	vmov v24  }
0x345: {  	v24 =	vmovc v25;
	v25 =	vmovc v26;
	v26 =	vmov v27;
	v27 =	vmov v28;
	v28 =	vmov v29  }
0x346: {  	s1 =	simm.s32 $0x0;
	s7 =	simm.s32 $0x500;
	v29 =	vmovc v30;
	v30 =	vmovc v31;
	v31 =	vmov v32;
	v32 =	vmov v33;
	v38 =	vld [tilespmem:$0x1F6B0];
	v33 =	vmov v0  }
.LBB2_12:
0x347: {  	v49 =	vld [tilespmem:s7+$0x0];
	_ =	sdelay $0x2  }
0x348: {  	v1 =	vlaneseq.u32  }
0x349: {  	v0 =	vor.u32 s1, v1  }
0x34a: {  	v48 =	vshll.u32 v0, $0x7;
	v1 =	vadd.s32 v1, v49  }
0x34b: {  	v4 =	vadd.s32 v50, v49;
	v5 =	vadd.s32 v51, v49;
	v7 =	vadd.s32 v52, v49  }
0x34c: {  	v51 =	vadd.s32 v53, v49;
	v8 =	vadd.s32 v54, v49;
	v10 =	vadd.s32 v55, v49  }
0x34d: {  	v55 =	vadd.s32 v56, v49;
	v11 =	vadd.s32 v57, v49;
	v57 =	vadd.s32 v58, v49  }
0x34e: {  	v63 =	vadd.s32 v63, v49;
	v15 =	vadd.s32 v33, v49;
	v3 =	vand.u32 $0xFFFFFF80, v1  }
0x34f: {  	v1 =	vand.u32 $0x7F, v1;
	v16 =	vand.u32 $0xFFFFFF80, v4;
	v4 =	vand.u32 $0x7F, v4  }
0x350: {  	v6 =	vand.u32 $0xFFFFFF80, v5;
	v5 =	vand.u32 $0x7F, v5;
	v17 =	vand.u32 $0xFFFFFF80, v7  }
0x351: {  	v50 =	vand.u32 $0x7F, v7;
	v52 =	vand.u32 $0xFFFFFF80, v51;
	v7 =	vand.u32 $0x7F, v51  }
0x352: {  	v9 =	vand.u32 $0xFFFFFF80, v8;
	v8 =	vand.u32 $0x7F, v8;
	v53 =	vand.u32 $0xFFFFFF80, v10  }
0x353: {  	v54 =	vand.u32 $0x7F, v10;
	v56 =	vand.u32 $0xFFFFFF80, v55;
	v10 =	vand.u32 $0x7F, v55  }
0x354: {  	v12 =	vand.u32 $0xFFFFFF80, v11;
	v11 =	vand.u32 $0x7F, v11;
	v58 =	vand.u32 $0xFFFFFF80, v57  }
0x355: {  	v13 =	vld [tilespmem:$0x1F810];
	v59 =	vand.u32 $0x7F, v57;
	v57 =	vadd.s32 v61, v49;
	v3 =	vadd.s32 v48, v3  }
0x356: {  	v6 =	vadd.s32 v48, v6;
	v9 =	vadd.s32 v48, v9;
	v12 =	vadd.s32 v48, v12  }
0x357: {  	v1 =	vor.u32 v1, v3;
	v3 =	vadd.s32 v48, v16;
	v16 =	vand.u32 $0xFFFFFF80, v63  }
0x358: {  	v3 =	vor.u32 v4, v3;
	v4 =	vor.u32 v5, v6;
	v5 =	vadd.s32 v48, v17  }
0x359: {  	v6 =	vadd.s32 v48, v52;
	v17 =	vadd.s32 v60, v49;
	v60 =	vadd.s32 v62, v49  }
0x35a: {  	v62 =	vadd.s32 v13, v49;
	v5 =	vor.u32 v50, v5;
	v6 =	vor.u32 v7, v6  }
0x35b: {  	v7 =	vor.u32 v8, v9;
	v8 =	vadd.s32 v48, v53;
	v9 =	vadd.s32 v48, v56  }
0x35c: {  	v50 =	vand.u32 $0x7F, v63;
	v61 =	vand.u32 $0xFFFFFF80, v60;
	v53 =	vand.u32 $0x7F, v60;
	v60 =	vld [tilespmem:$0x1F880]  }
0x35d: {  	v56 =	vand.u32 $0xFFFFFF80, v17;
	v63 =	vand.u32 $0xFFFFFF80, v62;
	v13 =	vand.u32 $0x7F, v62;
	v62 =	vld [tilespmem:$0x1F8A0]  }
0x35e: {  	v9 =	vor.u32 v10, v9;
	v10 =	vor.u32 v11, v12;
	v52 =	vadd.s32 v48, v56;
	v56 =	vld [tilespmem:$0x1F840]  }
0x35f: {  	v11 =	vadd.s32 v48, v58;
	v12 =	vadd.s32 v48, v16;
	v14 =	vadd.s32 v48, v63;
	v63 =	vld [tilespmem:$0x1F8B0]  }
0x360: {  	v58 =	vand.u32 $0xFFFFFF80, v57;
	v11 =	vor.u32 v59, v11;
	v59 =	vand.u32 $0x7F, v57;
	v57 =	vld [tilespmem:$0x1F850]  }
0x361: {  	v16 =	vand.u32 $0xFFFFFF80, v15;
	v12 =	vor.u32 v50, v12;
	v50 =	vadd.s32 v48, v58;
	v58 =	vld [tilespmem:$0x1F860]  }
0x362: {  	v55 =	vadd.s32 v48, v16;
	v16 =	vld [tilespmem:$0x1F8C0]  }
0x363: {  	v8 =	vor.u32 v54, v8;
	v54 =	vor.u32 v13, v14;
	v14 =	vld [tilespmem:$0x1F8E0]  }
0x364: {  	v51 =	vand.u32 $0x7F, v17;
	v1 =	vld.idx.msk [tilespmem:v1+s21+$0x0], $0xffff  }
0x365: {  	v51 =	vor.u32 v51, v52;
	v52 =	vor.u32 v59, v50;
	v59 =	vld [tilespmem:$0x1F870]  }
0x366: {  	v2 =	vmov s1;
	v50 =	vadd.s32 v48, v61;
	v61 =	vld [tilespmem:$0x1F890]  }
0x367: {  	v2 =	vshll.u32 v2, $0x3;
	v3 =	vld.idx.msk [tilespmem:v3+s21+$0x0], $0xffff  }
0x368: {  	v0 =	vand.u32 $0x7F, v0;
	v2 =	vand.u32 $0x400, v2;
	v17 =	vand.u32 $0x7F, v15;
	v4 =	vld.idx.msk [tilespmem:v4+s21+$0x0], $0xffff  }
0x369: {  	v53 =	vor.u32 v53, v50;
	v50 =	vor.u32 v2, v0;
	v2 =	vor.u32 v17, v55;
	v55 =	vld [tilespmem:$0x1F830]  }
0x36a: {  	v17 =	vld [tilespmem:$0x1F8D0]  }
0x36b: {  	v5 =	vld.idx.msk [tilespmem:v5+s21+$0x0], $0xffff  }
0x36c: {  	v6 =	vld.idx.msk [tilespmem:v6+s21+$0x0], $0xffff  }
0x36d: {  	v7 =	vld.idx.msk [tilespmem:v7+s21+$0x0], $0xffff  }
0x36e: {  	v8 =	vld.idx.msk [tilespmem:v8+s21+$0x0], $0xffff  }
0x36f: {  	v9 =	vld.idx.msk [tilespmem:v9+s21+$0x0], $0xffff  }
0x370: {  	v0 =	vld.idx.msk [tilespmem:v12+s21+$0x0], $0xffff;
	v12 =	vor.u32 v55, v50  }
0x371: {  	v10 =	vld.idx.msk [tilespmem:v10+s21+$0x0], $0xffff;
	v55 =	vor.u32 v56, v50;
	v56 =	vor.u32 v57, v50;
	v57 =	vor.u32 v58, v50  }
0x372: {  	v11 =	vld.idx.msk [tilespmem:v11+s21+$0x0], $0xffff;
	v58 =	vor.u32 v59, v50;
	v59 =	vor.u32 v60, v50;
	v60 =	vor.u32 v61, v50  }
0x373: {  	v61 =	vor.u32 v62, v50;
	v62 =	vor.u32 v63, v50;
	v63 =	vor.u32 v16, v50;
	v16 =	vld [tilespmem:$0x1F6C0]  }
0x374: {  	v51 =	vld.idx.msk [tilespmem:v51+s21+$0x0], $0xffff  }
0x375: {  	v54 =	vld.idx.msk [tilespmem:v54+s21+$0x0], $0xffff  }
0x376: {  	v52 =	vld.idx.msk [tilespmem:v52+s21+$0x0], $0xffff  }
0x377: {  	v53 =	vld.idx.msk [tilespmem:v53+s21+$0x0], $0xffff  }
0x378: {  	v2 =	vld.idx.msk [tilespmem:v2+s21+$0x0], $0xffff;
	v16 =	vadd.s32 v16, v49  }
0x379: {  	[tilespmem:v12+s31+$0x0] =	vst.idx.msk $0xffff, v1;
	v19 =	vand.u32 $0xFFFFFF80, v16;
	v1 =	vand.u32 $0x7F, v16;
	v16 =	vld [tilespmem:$0x1F6D0]  }
0x37a: {  	[tilespmem:v55+s31+$0x0] =	vst.idx.msk $0xffff, v3;
	v55 =	vld [tilespmem:$0x1F920]  }
0x37b: {  	v18 =	vld [tilespmem:$0x1F910];
	[tilespmem:v56+s31+$0x0] =	vst.idx.msk $0xffff, v4  }
0x37c: {  	v15 =	vld [tilespmem:$0x1F8F0];
	[tilespmem:v57+s31+$0x0] =	vst.idx.msk $0xffff, v5  }
0x37d: {  	v13 =	vor.u32 v17, v50;
	v17 =	vld [tilespmem:$0x1F900];
	[tilespmem:v58+s31+$0x0] =	vst.idx.msk $0xffff, v6  }
0x37e: {  	v14 =	vor.u32 v14, v50;
	v57 =	vld [tilespmem:$0x1F6F0];
	[tilespmem:v59+s31+$0x0] =	vst.idx.msk $0xffff, v7;
	v16 =	vadd.s32 v16, v49  }
0x37f: {  	v12 =	vadd.s32 v48, v19;
	v3 =	vor.u32 v55, v50;
	[tilespmem:v60+s31+$0x0] =	vst.idx.msk $0xffff, v8;
	v60 =	vld [tilespmem:$0x1F710];
	v55 =	vand.u32 $0xFFFFFF80, v16  }
0x380: {  	v1 =	vor.u32 v1, v12;
	[tilespmem:v61+s31+$0x0] =	vst.idx.msk $0xffff, v9;
	v12 =	vadd.s32 v48, v55;
	v55 =	vld [tilespmem:$0x1F6E0]  }
0x381: {  	v15 =	vor.u32 v15, v50;
	[tilespmem:v62+s31+$0x0] =	vst.idx.msk $0xffff, v10;
	v62 =	vld [tilespmem:$0x1F720]  }
0x382: {  	v18 =	vor.u32 v18, v50;
	v17 =	vor.u32 v17, v50;
	v56 =	vand.u32 $0x7F, v16  }
0x383: {  	v4 =	vor.u32 v56, v12;
	v12 =	vadd.s32 v57, v49;
	v57 =	vld [tilespmem:$0x1F700];
	[tilespmem:v63+s31+$0x0] =	vst.idx.msk $0xffff, v11  }
0x384: {  	[tilespmem:v13+s31+$0x0] =	vst.idx.msk $0xffff, v0;
	v9 =	vadd.s32 v60, v49  }
0x385: {  	v19 =	vld [tilespmem:$0x1FA50];
	v58 =	vand.u32 $0xFFFFFF80, v12;
	[tilespmem:v14+s31+$0x0] =	vst.idx.msk $0xffff, v51;
	v61 =	vand.u32 $0xFFFFFF80, v9;
	v9 =	vand.u32 $0x7F, v9  }
0x386: {  	v60 =	vld [tilespmem:$0x1F750];
	[tilespmem:v15+s31+$0x0] =	vst.idx.msk $0xffff, v52;
	v16 =	vadd.s32 v55, v49;
	v55 =	vand.u32 $0x7F, v12;
	v10 =	vadd.s32 v62, v49  }
0x387: {  	v52 =	vld [tilespmem:$0x1F770];
	v8 =	vadd.s32 v48, v61;
	[tilespmem:v17+s31+$0x0] =	vst.idx.msk $0xffff, v53;
	v56 =	vand.u32 $0xFFFFFF80, v16;
	v6 =	vand.u32 $0x7F, v16  }
0x388: {  	v16 =	vadd.s32 v57, v49;
	v12 =	vand.u32 $0xFFFFFF80, v10;
	v13 =	vand.u32 $0x7F, v10;
	[tilespmem:v18+s31+$0x0] =	vst.idx.msk $0xffff, v54;
	v54 =	vld [tilespmem:$0x1F780]  }
0x389: {  	v8 =	vor.u32 v9, v8;
	v18 =	vld [tilespmem:$0x1FA40];
	v5 =	vadd.s32 v48, v56;
	v56 =	vadd.s32 v48, v58  }
0x38a: {  	v58 =	vand.u32 $0xFFFFFF80, v16;
	v5 =	vor.u32 v6, v5;
	v6 =	vor.u32 v55, v56;
	v55 =	vld [tilespmem:$0x1F730]  }
0x38b: {  	v59 =	vand.u32 $0x7F, v16;
	v16 =	vadd.s32 v48, v12;
	v7 =	vadd.s32 v48, v58;
	v58 =	vld [tilespmem:$0x1F740]  }
0x38c: {  	[tilespmem:v3+s31+$0x0] =	vst.idx.msk $0xffff, v2;
	v0 =	vor.u32 v13, v16;
	v16 =	vld [tilespmem:$0x1F760]  }
0x38d: {  	v1 =	vld.idx.msk [tilespmem:v1+s21+$0x0], $0xffff  }
0x38e: {  	v12 =	vadd.s32 v60, v49;
	v4 =	vld.idx.msk [tilespmem:v4+s21+$0x0], $0xffff  }
0x38f: {  	v60 =	vld [tilespmem:$0x1F7A0];
	v61 =	vand.u32 $0xFFFFFF80, v12  }
0x390: {  	v62 =	vand.u32 $0x7F, v12;
	v63 =	vadd.s32 v48, v61;
	v8 =	vld.idx.msk [tilespmem:v8+s21+$0x0], $0xffff  }
0x391: {  	v7 =	vor.u32 v59, v7;
	v2 =	vor.u32 v62, v63;
	v62 =	vld [tilespmem:$0x1F7B0]  }
0x392: {  	v13 =	vadd.s32 v54, v49;
	v54 =	vld [tilespmem:$0x1FA30]  }
0x393: {  	v5 =	vld.idx.msk [tilespmem:v5+s21+$0x0], $0xffff  }
0x394: {  	v11 =	vadd.s32 v55, v49;
	v12 =	vadd.s32 v16, v49;
	v6 =	vld.idx.msk [tilespmem:v6+s21+$0x0], $0xffff;
	v55 =	vand.u32 $0xFFFFFF80, v13  }
0x395: {  	v13 =	vand.u32 $0x7F, v13;
	v0 =	vld.idx.msk [tilespmem:v0+s21+$0x0], $0xffff;
	v56 =	vand.u32 $0xFFFFFF80, v11;
	v57 =	vand.u32 $0x7F, v11  }
0x396: {  	v11 =	vadd.s32 v58, v49;
	v17 =	vand.u32 $0xFFFFFF80, v12;
	v51 =	vand.u32 $0x7F, v12;
	v7 =	vld.idx.msk [tilespmem:v7+s21+$0x0], $0xffff  }
0x397: {  	v12 =	vadd.s32 v52, v49;
	v14 =	vadd.s32 v48, v55;
	v55 =	vld [tilespmem:$0x1FA60];
	v9 =	vadd.s32 v48, v56  }
0x398: {  	v59 =	vand.u32 $0xFFFFFF80, v11;
	v11 =	vand.u32 $0x7F, v11;
	v3 =	vadd.s32 v48, v17;
	v56 =	vld [tilespmem:$0x1F790]  }
0x399: {  	v53 =	vand.u32 $0xFFFFFF80, v12;
	v9 =	vor.u32 v57, v9;
	v10 =	vadd.s32 v48, v59;
	v2 =	vld.idx.msk [tilespmem:v2+s21+$0x0], $0xffff  }
0x39a: {  	v3 =	vor.u32 v51, v3;
	v57 =	vor.u32 v13, v14;
	v16 =	vadd.s32 v62, v49;
	v62 =	vld [tilespmem:$0x1FAD0]  }
0x39b: {  	v10 =	vor.u32 v11, v10;
	v11 =	vadd.s32 v48, v53;
	v63 =	vand.u32 $0xFFFFFF80, v16;
	v53 =	vld [tilespmem:$0x1FA20]  }
0x39c: {  	v52 =	vadd.s32 v48, v63;
	v63 =	vld [tilespmem:$0x1FAE0]  }
0x39d: {  	v15 =	vadd.s32 v56, v49;
	v56 =	vld [tilespmem:$0x1FA70]  }
0x39e: {  	v9 =	vld.idx.msk [tilespmem:v9+s21+$0x0], $0xffff  }
0x39f: {  	v12 =	vand.u32 $0x7F, v12;
	v3 =	vld.idx.msk [tilespmem:v3+s21+$0x0], $0xffff  }
0x3a0: {  	v11 =	vor.u32 v12, v11;
	v12 =	vld.idx.msk [tilespmem:v57+s21+$0x0], $0xffff  }
0x3a1: {  	v58 =	vand.u32 $0xFFFFFF80, v15;
	v59 =	vand.u32 $0x7F, v15;
	v15 =	vadd.s32 v60, v49;
	v60 =	vld [tilespmem:$0x1FAB0]  }
0x3a2: {  	v57 =	vld [tilespmem:$0x1FA80]  }
0x3a3: {  	v13 =	vadd.s32 v48, v58;
	v61 =	vand.u32 $0xFFFFFF80, v15;
	v10 =	vld.idx.msk [tilespmem:v10+s21+$0x0], $0xffff  }
0x3a4: {  	v15 =	vand.u32 $0x7F, v15;
	v58 =	vld [tilespmem:$0x1FA90];
	v13 =	vor.u32 v59, v13;
	v14 =	vadd.s32 v48, v61  }
0x3a5: {  	v51 =	vand.u32 $0x7F, v16;
	v16 =	vor.u32 v53, v50;
	v59 =	vld [tilespmem:$0x1FAA0];
	v14 =	vor.u32 v15, v14  }
0x3a6: {  	v15 =	vor.u32 v51, v52;
	v52 =	vor.u32 v56, v50;
	v56 =	vor.u32 v60, v50;
	v60 =	vld [tilespmem:$0x1F7C0]  }
0x3a7: {  	v17 =	vor.u32 v54, v50;
	v11 =	vld.idx.msk [tilespmem:v11+s21+$0x0], $0xffff  }
0x3a8: {  	v18 =	vor.u32 v18, v50;
	v61 =	vld [tilespmem:$0x1FAC0]  }
0x3a9: {  	v19 =	vor.u32 v19, v50;
	v13 =	vld.idx.msk [tilespmem:v13+s21+$0x0], $0xffff  }
0x3aa: {  	v51 =	vor.u32 v55, v50;
	v53 =	vor.u32 v57, v50;
	v14 =	vld.idx.msk [tilespmem:v14+s21+$0x0], $0xffff  }
0x3ab: {  	v55 =	vor.u32 v59, v50;
	v15 =	vld.idx.msk [tilespmem:v15+s21+$0x0], $0xffff;
	[tilespmem:v16+s31+$0x0] =	vst.idx.msk $0xffff, v1;
	v60 =	vadd.s32 v60, v49  }
0x3ac: {  	v59 =	vor.u32 v63, v50;
	[tilespmem:v17+s31+$0x0] =	vst.idx.msk $0xffff, v4;
	v63 =	vand.u32 $0xFFFFFF80, v60;
	v1 =	vand.u32 $0x7F, v60;
	v60 =	vld [tilespmem:$0x1F7D0]  }
0x3ad: {  	v54 =	vor.u32 v58, v50;
	v57 =	vor.u32 v61, v50;
	v61 =	vld [tilespmem:$0x1FAF0];
	[tilespmem:v18+s31+$0x0] =	vst.idx.msk $0xffff, v5  }
0x3ae: {  	[tilespmem:v19+s31+$0x0] =	vst.idx.msk $0xffff, v6  }
0x3af: {  	[tilespmem:v51+s31+$0x0] =	vst.idx.msk $0xffff, v7  }
0x3b0: {  	v58 =	vor.u32 v62, v50;
	v62 =	vld [tilespmem:$0x1FB00];
	[tilespmem:v52+s31+$0x0] =	vst.idx.msk $0xffff, v8  }
0x3b1: {  	v17 =	vld [tilespmem:$0x1FB10];
	[tilespmem:v53+s31+$0x0] =	vst.idx.msk $0xffff, v0;
	v60 =	vadd.s32 v60, v49  }
0x3b2: {  	v61 =	vor.u32 v61, v50;
	v16 =	vadd.s32 v48, v63;
	[tilespmem:v54+s31+$0x0] =	vst.idx.msk $0xffff, v9;
	v63 =	vand.u32 $0xFFFFFF80, v60  }
0x3b3: {  	v1 =	vor.u32 v1, v16;
	[tilespmem:v55+s31+$0x0] =	vst.idx.msk $0xffff, v10;
	v16 =	vadd.s32 v48, v63;
	v63 =	vld [tilespmem:$0x1F7E0]  }
0x3b4: {  	v52 =	vld [tilespmem:$0x1F800];
	[tilespmem:v56+s31+$0x0] =	vst.idx.msk $0xffff, v2  }
0x3b5: {  	v62 =	vor.u32 v62, v50;
	[tilespmem:v57+s31+$0x0] =	vst.idx.msk $0xffff, v3  }
0x3b6: {  	v4 =	vor.u32 v17, v50;
	v60 =	vand.u32 $0x7F, v60;
	[tilespmem:v58+s31+$0x0] =	vst.idx.msk $0xffff, v11;
	v58 =	vadd.s32 v24, v49  }
0x3b7: {  	v56 =	vadd.s32 v23, v49;
	v5 =	vor.u32 v60, v16;
	[tilespmem:v59+s31+$0x0] =	vst.idx.msk $0xffff, v12;
	v59 =	vand.u32 $0xFFFFFF80, v58  }
0x3b8: {  	[tilespmem:v61+s31+$0x0] =	vst.idx.msk $0xffff, v13;
	v61 =	vadd.s32 v48, v59;
	v17 =	vadd.s32 v63, v49;
	v63 =	vld [tilespmem:$0x1F7F0]  }
0x3b9: {  	v60 =	vand.u32 $0xFFFFFF80, v17;
	v7 =	vand.u32 $0x7F, v17;
	v17 =	vadd.s32 v52, v49  }
0x3ba: {  	v6 =	vadd.s32 v48, v60;
	v53 =	vand.u32 $0xFFFFFF80, v17;
	v54 =	vand.u32 $0x7F, v17  }
0x3bb: {  	v0 =	vor.u32 v7, v6;
	v7 =	vadd.s32 v48, v53;
	v53 =	vadd.s32 v22, v49  }
0x3bc: {  	v59 =	vadd.s32 v29, v49;
	v7 =	vor.u32 v54, v7;
	v54 =	vand.u32 $0xFFFFFF80, v53  }
0x3bd: {  	[tilespmem:v62+s31+$0x0] =	vst.idx.msk $0xffff, v14;
	v55 =	vand.u32 $0x7F, v53;
	v53 =	vadd.s32 v27, v49;
	v16 =	vadd.s32 v63, v49  }
0x3be: {  	[tilespmem:v4+s31+$0x0] =	vst.idx.msk $0xffff, v15;
	v15 =	vand.u32 $0x7F, v59;
	v13 =	vand.u32 $0x7F, v53;
	v60 =	vand.u32 $0xFFFFFF80, v16  }
0x3bf: {  	v18 =	vld [tilespmem:$0x1FB40];
	v63 =	vand.u32 $0x7F, v16;
	v16 =	vadd.s32 v21, v49;
	v51 =	vadd.s32 v48, v60  }
0x3c0: {  	v19 =	vld [tilespmem:$0x1FB50];
	v60 =	vadd.s32 v20, v49;
	v52 =	vand.u32 $0x7F, v16;
	v6 =	vor.u32 v63, v51  }
0x3c1: {  	v1 =	vld.idx.msk [tilespmem:v1+s21+$0x0], $0xffff;
	v63 =	vand.u32 $0xFFFFFF80, v60;
	v17 =	vand.u32 $0x7F, v60;
	v51 =	vand.u32 $0xFFFFFF80, v16  }
0x3c2: {  	v5 =	vld.idx.msk [tilespmem:v5+s21+$0x0], $0xffff;
	v60 =	vand.u32 $0x7F, v58;
	v8 =	vadd.s32 v48, v63;
	v9 =	vadd.s32 v48, v51  }
0x3c3: {  	v0 =	vld.idx.msk [tilespmem:v0+s21+$0x0], $0xffff;
	v63 =	vadd.s32 v25, v49;
	v4 =	vor.u32 v60, v61;
	v51 =	vadd.s32 v26, v49  }
0x3c4: {  	v7 =	vld.idx.msk [tilespmem:v7+s21+$0x0], $0xffff;
	v60 =	vand.u32 $0xFFFFFF80, v59;
	v61 =	vadd.s32 v30, v49;
	v2 =	vor.u32 v17, v8  }
0x3c5: {  	v59 =	vld [tilespmem:$0x1FBA0];
	v3 =	vor.u32 v52, v9;
	v8 =	vadd.s32 v48, v54;
	v16 =	vand.u32 $0xFFFFFF80, v63  }
0x3c6: {  	v17 =	vand.u32 $0x7F, v63;
	v52 =	vand.u32 $0xFFFFFF80, v51;
	v54 =	vand.u32 $0xFFFFFF80, v53;
	v53 =	vld [tilespmem:$0x1FB20]  }
0x3c7: {  	v12 =	vand.u32 $0x7F, v51;
	v63 =	vand.u32 $0xFFFFFF80, v61;
	v51 =	vand.u32 $0x7F, v61;
	v61 =	vld [tilespmem:$0x1FBC0]  }
0x3c8: {  	v57 =	vand.u32 $0xFFFFFF80, v56;
	v8 =	vor.u32 v55, v8;
	v14 =	vadd.s32 v48, v54;
	v54 =	vld [tilespmem:$0x1FB30]  }
0x3c9: {  	v11 =	vadd.s32 v48, v52;
	v55 =	vadd.s32 v28, v49;
	v52 =	vadd.s32 v48, v63;
	v63 =	vld [tilespmem:$0x1FBD0]  }
0x3ca: {  	v9 =	vadd.s32 v48, v57;
	v57 =	vand.u32 $0xFFFFFF80, v55;
	v58 =	vand.u32 $0x7F, v55;
	v55 =	vld [tilespmem:$0x1FB60]  }
0x3cb: {  	v10 =	vand.u32 $0x7F, v56;
	v56 =	vor.u32 v13, v14;
	v14 =	vadd.s32 v48, v60;
	v60 =	vld [tilespmem:$0x1FBB0]  }
0x3cc: {  	v6 =	vld.idx.msk [tilespmem:v6+s21+$0x0], $0xffff  }
0x3cd: {  	v13 =	vadd.s32 v48, v57;
	v57 =	vld [tilespmem:$0x1FB80]  }
0x3ce: {  	v9 =	vor.u32 v10, v9;
	v10 =	vadd.s32 v48, v16;
	v4 =	vld.idx.msk [tilespmem:v4+s21+$0x0], $0xffff  }
0x3cf: {  	v10 =	vor.u32 v17, v10;
	v13 =	vor.u32 v58, v13;
	v58 =	vld [tilespmem:$0x1FB90]  }
0x3d0: {  	v11 =	vor.u32 v12, v11;
	v2 =	vld.idx.msk [tilespmem:v2+s21+$0x0], $0xffff  }
0x3d1: {  	v3 =	vld.idx.msk [tilespmem:v3+s21+$0x0], $0xffff  }
0x3d2: {  	v8 =	vld.idx.msk [tilespmem:v8+s21+$0x0], $0xffff  }
0x3d3: {  	v14 =	vor.u32 v15, v14;
	v9 =	vld.idx.msk [tilespmem:v9+s21+$0x0], $0xffff  }
0x3d4: {  	v15 =	vor.u32 v51, v52;
	v10 =	vld.idx.msk [tilespmem:v10+s21+$0x0], $0xffff  }
0x3d5: {  	v11 =	vld.idx.msk [tilespmem:v11+s21+$0x0], $0xffff  }
0x3d6: {  	v16 =	vor.u32 v53, v50;
	v12 =	vld.idx.msk [tilespmem:v56+s21+$0x0], $0xffff  }
0x3d7: {  	v56 =	vld [tilespmem:$0x1FB70]  }
0x3d8: {  	v14 =	vld.idx.msk [tilespmem:v14+s21+$0x0], $0xffff  }
0x3d9: {  	v15 =	vld.idx.msk [tilespmem:v15+s21+$0x0], $0xffff  }
0x3da: {  	v18 =	vor.u32 v18, v50;
	v19 =	vor.u32 v19, v50;
	v13 =	vld.idx.msk [tilespmem:v13+s21+$0x0], $0xffff  }
0x3db: {  	v17 =	vor.u32 v54, v50;
	v51 =	vor.u32 v55, v50;
	[tilespmem:v16+s31+$0x0] =	vst.idx.msk $0xffff, v1;
	v16 =	vld [tilespmem:$0x1FBE0]  }
0x3dc: {  	v55 =	vor.u32 v59, v50;
	v59 =	vor.u32 v63, v50;
	v53 =	vor.u32 v57, v50  }
0x3dd: {  	v63 =	vld [tilespmem:$0x1FBF0];
	v57 =	vadd.s32 v31, v49;
	v54 =	vor.u32 v58, v50;
	v58 =	vor.u32 v61, v50  }
0x3de: {  	v52 =	vor.u32 v56, v50;
	v56 =	vor.u32 v60, v50;
	v60 =	vand.u32 $0xFFFFFF80, v57  }
0x3df: {  	v61 =	vadd.s32 v32, v49;
	v57 =	vand.u32 $0x7F, v57;
	v60 =	vadd.s32 v48, v60  }
0x3e0: {  	[tilespmem:v17+s31+$0x0] =	vst.idx.msk $0xffff, v5;
	v1 =	vor.u32 v16, v50;
	v16 =	vor.u32 v57, v60;
	v57 =	vand.u32 $0xFFFFFF80, v61  }
0x3e1: {  	[tilespmem:v18+s31+$0x0] =	vst.idx.msk $0xffff, v0;
	v17 =	vadd.s32 v48, v57;
	v57 =	vadd.s32 v34, v49  }
0x3e2: {  	v5 =	vand.u32 $0x7F, v61;
	v0 =	vor.u32 v63, v50;
	[tilespmem:v19+s31+$0x0] =	vst.idx.msk $0xffff, v6;
	v63 =	vand.u32 $0xFFFFFF80, v57  }
0x3e3: {  	[tilespmem:v51+s31+$0x0] =	vst.idx.msk $0xffff, v7;
	v5 =	vor.u32 v5, v17;
	v17 =	vadd.s32 v48, v63;
	v63 =	vld [tilespmem:$0x1FC00]  }
0x3e4: {  	[tilespmem:v52+s31+$0x0] =	vst.idx.msk $0xffff, v2  }
0x3e5: {  	[tilespmem:v53+s31+$0x0] =	vst.idx.msk $0xffff, v3  }
0x3e6: {  	[tilespmem:v54+s31+$0x0] =	vst.idx.msk $0xffff, v8  }
0x3e7: {  	v18 =	vadd.s32 v35, v49;
	[tilespmem:v55+s31+$0x0] =	vst.idx.msk $0xffff, v9  }
0x3e8: {  	v6 =	vand.u32 $0x7F, v57;
	[tilespmem:v56+s31+$0x0] =	vst.idx.msk $0xffff, v4;
	v7 =	vor.u32 v63, v50;
	v63 =	vand.u32 $0xFFFFFF80, v18  }
0x3e9: {  	v6 =	vor.u32 v6, v17;
	[tilespmem:v58+s31+$0x0] =	vst.idx.msk $0xffff, v10;
	v17 =	vadd.s32 v48, v63;
	v63 =	vld [tilespmem:$0x1FC10]  }
0x3ea: {  	[tilespmem:v59+s31+$0x0] =	vst.idx.msk $0xffff, v11  }
0x3eb: {  	v2 =	vand.u32 $0x7F, v18;
	v18 =	vadd.s32 v36, v49;
	[tilespmem:v1+s31+$0x0] =	vst.idx.msk $0xffff, v12  }
0x3ec: {  	v2 =	vor.u32 v2, v17;
	v17 =	vand.u32 $0xFFFFFF80, v18;
	[tilespmem:v0+s31+$0x0] =	vst.idx.msk $0xffff, v13;
	v13 =	vadd.s32 v41, v49  }
0x3ed: {  	v17 =	vadd.s32 v48, v17;
	[tilespmem:v7+s31+$0x0] =	vst.idx.msk $0xffff, v14;
	v14 =	vand.u32 $0xFFFFFF80, v13  }
0x3ee: {  	v3 =	vor.u32 v63, v50;
	v63 =	vand.u32 $0x7F, v18;
	v18 =	vadd.s32 v37, v49  }
0x3ef: {  	v8 =	vor.u32 v63, v17;
	v9 =	vand.u32 $0xFFFFFF80, v18;
	v63 =	vadd.s32 v38, v49  }
0x3f0: {  	v4 =	vand.u32 $0x7F, v18;
	v9 =	vadd.s32 v48, v9;
	v18 =	vand.u32 $0xFFFFFF80, v63  }
0x3f1: {  	v10 =	vand.u32 $0x7F, v63;
	v17 =	vadd.s32 v48, v18;
	v18 =	vadd.s32 v39, v49  }
0x3f2: {  	v4 =	vor.u32 v4, v9;
	v9 =	vor.u32 v10, v17;
	v59 =	vand.u32 $0xFFFFFF80, v18  }
0x3f3: {  	v17 =	vand.u32 $0x7F, v18;
	v10 =	vadd.s32 v48, v59;
	v59 =	vadd.s32 v40, v49  }
0x3f4: {  	[tilespmem:v3+s31+$0x0] =	vst.idx.msk $0xffff, v15;
	v3 =	vand.u32 $0x7F, v13;
	v0 =	vor.u32 v17, v10;
	v12 =	vand.u32 $0xFFFFFF80, v59  }
0x3f5: {  	v19 =	vld [tilespmem:$0x1FC50];
	v7 =	vand.u32 $0x7F, v59;
	v17 =	vadd.s32 v48, v14;
	v59 =	vadd.s32 v42, v49  }
0x3f6: {  	v18 =	vld [tilespmem:$0x1FC40];
	v1 =	vadd.s32 v48, v12;
	v3 =	vor.u32 v3, v17;
	v15 =	vand.u32 $0xFFFFFF80, v59  }
0x3f7: {  	v12 =	vld.idx.msk [tilespmem:v16+s21+$0x0], $0xffff;
	v16 =	vand.u32 $0x7F, v59;
	v17 =	vadd.s32 v43, v49;
	v1 =	vor.u32 v7, v1  }
0x3f8: {  	v5 =	vld.idx.msk [tilespmem:v5+s21+$0x0], $0xffff;
	v7 =	vadd.s32 v48, v15;
	v59 =	vand.u32 $0xFFFFFF80, v17;
	v11 =	vand.u32 $0x7F, v17  }
0x3f9: {  	v6 =	vld.idx.msk [tilespmem:v6+s21+$0x0], $0xffff;
	v7 =	vor.u32 v16, v7;
	v16 =	vadd.s32 v44, v49;
	v10 =	vadd.s32 v48, v59  }
0x3fa: {  	v2 =	vld.idx.msk [tilespmem:v2+s21+$0x0], $0xffff;
	v59 =	vadd.s32 v45, v49;
	v17 =	vand.u32 $0xFFFFFF80, v16;
	v13 =	vand.u32 $0x7F, v16  }
0x3fb: {  	v8 =	vld.idx.msk [tilespmem:v8+s21+$0x0], $0xffff;
	v10 =	vor.u32 v11, v10;
	v14 =	vadd.s32 v48, v17;
	v17 =	vand.u32 $0xFFFFFF80, v59  }
0x3fc: {  	v4 =	vld.idx.msk [tilespmem:v4+s21+$0x0], $0xffff;
	v59 =	vand.u32 $0x7F, v59;
	v11 =	vor.u32 v13, v14;
	v13 =	vadd.s32 v48, v17  }
0x3fd: {  	v15 =	vadd.s32 v46, v49;
	v9 =	vld.idx.msk [tilespmem:v9+s21+$0x0], $0xffff;
	v13 =	vor.u32 v59, v13;
	v59 =	vadd.s32 v47, v49  }
0x3fe: {  	v0 =	vld.idx.msk [tilespmem:v0+s21+$0x0], $0xffff;
	v14 =	vand.u32 $0xFFFFFF80, v15;
	v15 =	vand.u32 $0x7F, v15;
	v17 =	vand.u32 $0xFFFFFF80, v59  }
0x3ff: {  	v3 =	vld.idx.msk [tilespmem:v3+s21+$0x0], $0xffff;
	v14 =	vadd.s32 v48, v14;
	v59 =	vand.u32 $0x7F, v59;
	v48 =	vadd.s32 v48, v17  }
0x400: {  	v14 =	vor.u32 v15, v14;
	v15 =	vor.u32 v59, v48;
	v59 =	vld [tilespmem:$0x1FC20]  }
0x401: {  	v48 =	vld [tilespmem:$0x1FC30]  }
0x402: {  	v1 =	vld.idx.msk [tilespmem:v1+s21+$0x0], $0xffff  }
0x403: {  	v7 =	vld.idx.msk [tilespmem:v7+s21+$0x0], $0xffff  }
0x404: {  	v10 =	vld.idx.msk [tilespmem:v10+s21+$0x0], $0xffff  }
0x405: {  	v16 =	vor.u32 v59, v50;
	v59 =	vld [tilespmem:$0x1FC60]  }
0x406: {  	v11 =	vld.idx.msk [tilespmem:v11+s21+$0x0], $0xffff;
	v17 =	vor.u32 v48, v50  }
0x407: {  	v18 =	vor.u32 v18, v50;
	v13 =	vld.idx.msk [tilespmem:v13+s21+$0x0], $0xffff  }
0x408: {  	v19 =	vor.u32 v19, v50;
	v14 =	vld.idx.msk [tilespmem:v14+s21+$0x0], $0xffff  }
0x409: {  	v15 =	vld.idx.msk [tilespmem:v15+s21+$0x0], $0xffff  }
0x40a: {  	v48 =	vor.u32 v59, v50;
	[tilespmem:v16+s31+$0x0] =	vst.idx.msk $0xffff, v12;
	v59 =	vld [tilespmem:$0x1FF70]  }
0x40b: {  	[tilespmem:v17+s31+$0x0] =	vst.idx.msk $0xffff, v5;
	v5 =	vld [tilespmem:$0x1FF80]  }
0x40c: {  	[tilespmem:v18+s31+$0x0] =	vst.idx.msk $0xffff, v6;
	v18 =	vld [tilespmem:$0x1FF90]  }
0x40d: {  	[tilespmem:v19+s31+$0x0] =	vst.idx.msk $0xffff, v2;
	v19 =	vld [tilespmem:$0x1FFA0];
	_ =	sdelay $0x1  }
0x40e: {  	v49 =	vld [tilespmem:$0x1FFB0];
	v12 =	vor.u32 v59, v50  }
0x40f: {  	v62 =	vld [tilespmem:$0x1FFF0];
	v5 =	vor.u32 v5, v50  }
0x410: {  	v51 =	vld [tilespmem:$0x1FED0];
	v59 =	vor.u32 v18, v50  }
0x411: {  	v17 =	vld [tilespmem:$0x1FC70];
	v16 =	vor.u32 v19, v50  }
0x412: {  	v60 =	vld [tilespmem:$0x1FF60];
	[tilespmem:v48+s31+$0x0] =	vst.idx.msk $0xffff, v8  }
0x413: {  	v48 =	vor.u32 v49, v50;
	v49 =	vld [tilespmem:$0x1FC80];
	[tilespmem:v12+s31+$0x0] =	vst.idx.msk $0xffff, v4  }
0x414: {  	[tilespmem:v5+s31+$0x0] =	vst.idx.msk $0xffff, v9;
	v9 =	vld [tilespmem:$0x1FC90]  }
0x415: {  	v12 =	vld [tilespmem:$0x1FCA0];
	[tilespmem:v59+s31+$0x0] =	vst.idx.msk $0xffff, v0  }
0x416: {  	v8 =	vor.u32 v17, v50;
	[tilespmem:v16+s31+$0x0] =	vst.idx.msk $0xffff, v1;
	v16 =	vld [tilespmem:$0x1FFC0]  }
0x417: {  	v59 =	vld [tilespmem:$0x1FFD0]  }
0x418: {  	v61 =	vld [tilespmem:$0x1FFE0];
	v5 =	vor.u32 v49, v50  }
0x419: {  	v57 =	vld [tilespmem:$0x1FF30];
	v0 =	vor.u32 v9, v50  }
0x41a: {  	v52 =	vld [tilespmem:$0x1FEE0];
	v1 =	vor.u32 v12, v50  }
0x41b: {  	v53 =	vld [tilespmem:$0x1FEF0];
	[tilespmem:v8+s31+$0x0] =	vst.idx.msk $0xffff, v3;
	v17 =	vor.u32 v16, v50  }
0x41c: {  	p0 =	sne.s32 s1, $0xF0;
	v54 =	vld [tilespmem:$0x1FF00];
	[tilespmem:v48+s31+$0x0] =	vst.idx.msk $0xffff, v7;
	v59 =	vor.u32 v59, v50  }
.Ltmp6:
0x41d: {  	v55 =	vld [tilespmem:$0x1FF10];
	[tilespmem:v5+s31+$0x0] =	vst.idx.msk $0xffff, v10;
	(pc) =	sbr.rel @p0 .LBB2_12-.Ltmp6, $4  }
0x41e: {  	v56 =	vld [tilespmem:$0x1FF20];
	[tilespmem:v0+s31+$0x0] =	vst.idx.msk $0xffff, v11  }
0x41f: {  	v58 =	vld [tilespmem:$0x1FF40];
	[tilespmem:v1+s31+$0x0] =	vst.idx.msk $0xffff, v13  }
0x420: {  	v63 =	vld [tilespmem:$0x1FF50];
	[tilespmem:v17+s31+$0x0] =	vst.idx.msk $0xffff, v14  }
0x421: {  	s7 =	sadd.s32 $0x10, s7;
	s1 =	sadd.s32 $0x10, s1;
	v50 =	vld [tilespmem:$0x1FEC0];
	[tilespmem:v59+s31+$0x0] =	vst.idx.msk $0xffff, v15  }
0x422: {  	s8 =	sadd.s32 $0x1, s8  }
0x423: {  	s1 =	sadd.s32 s6, s11;
	p0 =	sne.s32 s8, $0x1A  }
.Ltmp7:
0x424: {  	s7 =	sshll.u32 s1, $0x8;
	(pc) =	sbr.rel @p0 .LBB2_2-.Ltmp7, $4  }
0x425: {  	s1 =	sshll.u32 s1, $0xB;
	s7 =	sand.u32 $0x3F00, s7  }
0x426: {  	s1 =	sand.u32 $0xFFE0000, s1;
	s7 =	sadd.s32 s4, s7  }
0x427: {  	s1 =	sadd.s32 s1, s7  }
0x428: {  	[hbm4b:s1+s26] =	stream.strided.scatter [tilespmem:s31], [sflag:$0x6], $0x4000, s28, s26, $0x38;
	[tilespmem:$0x18600] =	vst v63  }
0x429: {  	_ =	swait.ge [sflag:s3], $0x4000  }
0x42a: {  	[sflag:s3] =	ssyncset.done $0x0  }
0x42b: {  	[sflag:s3] =	ssyncadd.s32 $0xFFFFC000  }
0x42c: {  	_ =	swait.ge [sflag:s30], $0x4000  }
0x42d: {  	s7 =	rddreg [dreg:$0x7]  }
0x42e: {  	s1 =	rddreg [dreg:$0x6];
	s7 =	sadd.s32 $0x1, s7  }
0x42f: {  	p0 =	sne.s32 s7, s1  }
.Ltmp8:
0x430: {  	_ = 	snop;
	(pc) =	sbr.rel @p0 .LBB2_1-.Ltmp8, $3  }
0x431: {  	_ =	sdelay $0x1  }
0x432: {  	[sflag:s30] =	ssyncset.done $0x0  }
0x433: {  	[sflag:s30] =	ssyncadd.s32 $0xFFFFC000  }
0x434: {  	_ =	sfence.sel $0x180000  }
0x435: {  	[bflag:$0x0] =	sbarrier.arrive $0xFFFF  }
0x436: {  	_ =	strace $0x90000047  }
0x437: {  	s0 =	stileid.u32;
	[bflag:$0x2] =	sbarrier.arrive $0xFFFF  }
0x438: {  	p0 =	sne.s32 s0, $0x0;
	s0 =	rddreg [dreg:$0x3]  }
0x439: {  	s0 =	sadd.s32 @!p0 $0x100000, s0  }
0x43a: {  	[sflag:s0] =	ssyncadd.tile.s32 @!p0 $0x1;
	_ =	shalt  }
.Lfunc_end2:
_tile_overlayer_lowered:
.L_overlay_start_2:
0x43b: {  	(tag) =	ssettag $0x2  }
0x43c: {  	s0 =	rddreg [dreg:$0x0];
	s2 =	stileid.u32  }
0x43d: {  	s1 =	rddreg [dreg:$0x1];
	p0 =	sne.s32 s2, $0x0  }
0x43e: {  	s3 =	rddreg [dreg:$0x2];
	[bflag:$0x3] =	sbarrier.arrive $0xFFFF;
	s2 =	simm.s32 @!p0 $0x1C07  }
0x43f: {  	[timem:s3], [sflag:s2] =	dma.local @!p0 [hbm:s0], s1  }
0x440: {  	s0 =	simm.s32 @!p0 $0x7  }
0x441: {  	_ =	swait.ge @!p0 [sflag:s0], s1  }
0x442: {  	s1 =	ssub.s32 @!p0 $0x0, s1;
	[sflag:s0] =	ssyncset.done @!p0 $0x0  }
0x443: {  	[sflag:s0] =	ssyncadd.s32 @!p0 s1  }
0x444: {  	[bflag:$0x3] =	sbarrier.arrive $0xFFFF  }
0x445: {  	_ =	shalt  }

</sc_bundles>
